<compile_context>
chip_gen: v7x
topology: tpu7x:2x2x1
jax: 0.10.2.dev20260603
libtpu: 0.0.44.dev20260713+nightly
codegen_flags: <defaults>
</compile_context>

<pallas_src>
import functools

import jax
import jax.numpy as jnp
from jax import lax
from jax.experimental import pallas as pl
from jax.experimental.pallas import tpu as pltpu
from jax.experimental.pallas import tpu_sc as plsc

BSZ, KCLS, HH, WW = 2, 117, 128, 128
HWF = HH * WW
NTGT = 64
MAXO = 128
CHM = 80
ALPHA_ = 0.25
SCHUNK = HWF // NTGT
NPER = 4
WCH = NPER * SCHUNK


def _softplus(x):
    return jnp.maximum(x, 0.0) + jnp.log1p(jnp.exp(-jnp.abs(x)))


def _tc_body(ids_ref, *refs):
    cmap_refs = refs[:NPER]
    (toff_ref, sub_ref, obj_ref, hr_ref, hm_ref, thm_ref,
     src_out, acc_out, srcs_scr, logit_scr, smatt_scr, oot_scr,
     acc_v) = refs[NPER:]
    b = pl.program_id(0)
    u = pl.program_id(1)

    @pl.when((b == 0) & (u == 0))
    def _init_acc():
        acc_v[...] = jnp.zeros((8, WCH), jnp.float32)

    @pl.when(u == 0)
    def _init_rows():
        srcs_scr[0:1, :] = jnp.zeros((1, 128), jnp.int32)
        logit_scr[0:1, :] = jnp.zeros((1, 128), jnp.float32)
        oot_scr[:, 0, 0:SCHUNK] = sub_ref[0, 0].T
        oot_scr[:, 1, 0:SCHUNK] = sub_ref[0, 1].T
        oot_scr[:, 2, 0:SCHUNK] = obj_ref[0, 0].T
        oot_scr[:, 3, 0:SCHUNK] = obj_ref[0, 1].T
        for h in range(1, NPER):
            oot_scr[:, :, h * SCHUNK:(h + 1) * SCHUNK] = (
                oot_scr[:, :, 0:SCHUNK])

    x = hr_ref[0]
    ex = jnp.exp(-jnp.abs(x))
    rx = 1.0 / (1.0 + ex)
    px = jnp.where(x >= 0, rx, 1.0 - rx)
    f0 = ((1.0 - ALPHA_) * px * px
          * (jnp.maximum(x, 0.0) + jnp.log1p(ex)))

    y = hm_ref[0]
    ey = jnp.exp(-jnp.abs(y))
    ry = 1.0 / (1.0 + ey)
    sy = jnp.where(y >= 0, ry, 1.0 - ry)
    pr = jnp.clip(sy, 1e-4, 1.0 - 1e-4)
    spy = jnp.log1p(ey)
    lcl = -9.210340371976182
    lch = -1.0000500033334732e-04
    logp = jnp.clip(jnp.minimum(y, 0.0) - spy, lcl, lch)
    log1mp = jnp.clip(-jnp.maximum(y, 0.0) - spy, lcl, lch)
    gt = thm_ref[0]
    pos = (gt == 1.0).astype(jnp.float32)
    neg = (gt < 1.0).astype(jnp.float32)
    onemg = 1.0 - gt
    negw = (onemg * onemg) * (onemg * onemg)
    posl = logp * (1.0 - pr) * (1.0 - pr) * pos
    negl = log1mp * pr * pr * negw * neg

    acc_v[0:1, :] = (acc_v[0:1, :] + jnp.sum(f0, axis=0, keepdims=True))
    acc_v[1:2, :] = (acc_v[1:2, :] + jnp.sum(posl, axis=0, keepdims=True))
    acc_v[2:3, :] = (acc_v[2:3, :] + jnp.sum(negl, axis=0, keepdims=True))
    acc_v[3:4, :] = (acc_v[3:4, :] + jnp.sum(pos, axis=0, keepdims=True))

    diff = jnp.abs(toff_ref[0] - oot_scr[...])
    diff2 = diff.reshape(4 * NTGT, WCH)
    rr = lax.broadcasted_iota(jnp.int32, (NTGT, 4 * NTGT), 1)
    nn2 = lax.broadcasted_iota(jnp.int32, (NTGT, 4 * NTGT), 0)
    sel = ((rr >> 2) == nn2).astype(jnp.float32)
    co2 = lax.dot_general(sel, diff2, (((1,), (0,)), ((), ())),
                          preferred_element_type=jnp.float32)

    ns = lax.broadcasted_iota(jnp.int32, (NTGT, SCHUNK), 0)
    ss = lax.broadcasted_iota(jnp.int32, (NTGT, SCHUNK), 1)
    pm = ss * NTGT + ns
    lane = lax.broadcasted_iota(jnp.int32, (1, 128), 1)

    for half, cm_ref in enumerate(cmap_refs):
        t = NPER * u + half
        cm = cm_ref[0, 0]
        cmT = cm.T
        ec = jnp.exp(-jnp.abs(cmT))
        rc = 1.0 / (1.0 + ec)
        prb = jnp.where(cmT >= 0, rc, 1.0 - rc)
        spc = jnp.log1p(ec)
        posc = (ALPHA_ * (1.0 - prb) * (1.0 - prb)
                * (jnp.maximum(-cmT, 0.0) + spc))
        negc = (1.0 - ALPHA_) * prb * prb * (jnp.maximum(cmT, 0.0) + spc)
        cc = posc - negc

        col = 0.1 * co2[:, half * SCHUNK:(half + 1) * SCHUNK] + cc
        mn = jnp.min(col)
        idx = jnp.min(jnp.where(col == mn, pm, jnp.int32(1 << 30)))
        logit = jnp.sum(jnp.where(pm == idx, cmT, 0.0))

        srcs_scr[0:1, :] = jnp.where(lane == t, idx, srcs_scr[0:1, :])
        logit_scr[0:1, :] = jnp.where(lane == t, logit, logit_scr[0:1, :])
        smatt_scr[pl.ds(t, 1), :] = jnp.full((1, 128), idx, jnp.int32)

    @pl.when(u == NTGT // NPER - 1)
    def _finish_batch():
        srow = srcs_scr[0:1, :]
        lrow = logit_scr[0:1, :]
        smat = jnp.broadcast_to(srow, (128, 128))
        smat_t = smatt_scr[...]
        ii = lax.broadcasted_iota(jnp.int32, (128, 128), 0)
        jj = lax.broadcasted_iota(jnp.int32, (128, 128), 1)
        later = ((smat == smat_t) & (ii > jj) & (ii < NTGT)).astype(jnp.int32)
        dead = jnp.max(later, axis=0, keepdims=True)
        keep = (dead == 0) & (lane < NTGT)
        sg = jax.nn.sigmoid(lrow)
        sp_p = _softplus(lrow)
        sp_n = sp_p - lrow
        corr = (ALPHA_ * (1.0 - sg) * (1.0 - sg) * sp_n
                - (1.0 - ALPHA_) * sg * sg * sp_p)
        acc_v[4:5, 0:128] = (acc_v[4:5, 0:128]
                             + jnp.where(keep, corr, 0.0))
        src_out[0] = jnp.where(lane < NTGT, srow, 0)

    @pl.when((b == BSZ - 1) & (u == NTGT // NPER - 1))
    def _emit_acc():
        s0 = jnp.sum(acc_v[0:1, :]) + jnp.sum(acc_v[4:5, :])
        s1 = jnp.sum(acc_v[1:2, :])
        s2 = jnp.sum(acc_v[2:3, :])
        s3 = jnp.sum(acc_v[3:4, :])
        v = (jnp.where(lane == 0, s0, 0.0)
             + jnp.where(lane == 1, s1, 0.0)
             + jnp.where(lane == 2, s2, 0.0)
             + jnp.where(lane == 3, s3, 0.0))
        acc_out[...] = v


def _run_tc(tgt_ids, hmrel4, toff, sub4, obj4, hmrel3, hm3, thm3):
    grid = (BSZ, NTGT // NPER)

    def _cmap_spec(h):
        return pl.BlockSpec(
            (1, 1, SCHUNK, NTGT),
            lambda b, u, ids, _h=h: (b, ids[b, NPER * u + _h], 0, 0))

    return pl.pallas_call(
        _tc_body,
        grid_spec=pltpu.PrefetchScalarGridSpec(
            num_scalar_prefetch=1,
            grid=grid,
            in_specs=[
                *[_cmap_spec(h) for h in range(NPER)],
                pl.BlockSpec((1, NTGT, 4, WCH),
                             lambda b, u, ids: (b, 0, 0, u)),
                pl.BlockSpec((1, 2, SCHUNK, NTGT),
                             lambda b, u, ids: (b, 0, 0, 0)),
                pl.BlockSpec((1, 2, SCHUNK, NTGT),
                             lambda b, u, ids: (b, 0, 0, 0)),
                pl.BlockSpec((1, KCLS, WCH), lambda b, u, ids: (b, 0, u)),
                pl.BlockSpec((1, CHM, WCH), lambda b, u, ids: (b, 0, u)),
                pl.BlockSpec((1, CHM, WCH), lambda b, u, ids: (b, 0, u)),
            ],
            out_specs=[
                pl.BlockSpec((1, 1, 128), lambda b, u, ids: (b, 0, 0)),
                pl.BlockSpec((1, 128), lambda b, u, ids: (0, 0)),
            ],
            scratch_shapes=[
                pltpu.VMEM((8, 128), jnp.int32),
                pltpu.VMEM((8, 128), jnp.float32),
                pltpu.VMEM((128, 128), jnp.int32),
                pltpu.VMEM((NTGT, 4, WCH), jnp.float32),
                pltpu.VMEM((8, WCH), jnp.float32),
            ],
        ),
        out_shape=[
            jax.ShapeDtypeStruct((BSZ, 1, 128), jnp.int32),
            jax.ShapeDtypeStruct((1, 128), jnp.float32),
        ],
    )(tgt_ids, *([hmrel4] * NPER), toff, sub4, obj4, hmrel3, hm3, thm3)


def _sc_gather_l1(tab_a, tab_b, idx_a, idx_b, tgt_a, tgt_b, msk):
    n = idx_a.shape[0] * idx_a.shape[1]
    mesh = plsc.VectorSubcoreMesh(core_axis_name="c", subcore_axis_name="s")

    @functools.partial(
        pl.kernel, mesh=mesh,
        out_type=jax.ShapeDtypeStruct((8, 16), jnp.float32),
        scratch_types=[
            pltpu.VMEM(idx_a.shape, jnp.int32),
            pltpu.VMEM(idx_a.shape, jnp.int32),
            pltpu.VMEM((n,), jnp.float32),
            pltpu.VMEM((n,), jnp.float32),
            pltpu.VMEM((n,), jnp.float32),
            pltpu.VMEM((n,), jnp.float32),
            pltpu.VMEM((n,), jnp.float32),
            pltpu.VMEM((8, 16), jnp.float32),
            pltpu.SemaphoreType.DMA,
        ],
    )
    def sck(ta_hbm, tb_hbm, ia_hbm, ib_hbm, tga_hbm, tgb_hbm, m_hbm, out_hbm,
            ia_v, ib_v, ga_v, gb_v, tga_v, tgb_v, m_v, o_v, sem):
        wid = lax.axis_index("s") * 2 + lax.axis_index("c")

        @pl.when(wid == 0)
        def _():
            pltpu.sync_copy(ia_hbm, ia_v)
            pltpu.sync_copy(ib_hbm, ib_v)
            pltpu.sync_copy(tga_hbm, tga_v)
            pltpu.sync_copy(tgb_hbm, tgb_v)
            pltpu.sync_copy(m_hbm, m_v)
            nrows = idx_a.shape[0]
            cps = []
            for r in range(nrows):
                cps.append(pltpu.async_copy(
                    ta_hbm.at[ia_v.at[r]], ga_v.at[pl.ds(r * 128, 128)], sem))
                cps.append(pltpu.async_copy(
                    tb_hbm.at[ib_v.at[r]], gb_v.at[pl.ds(r * 128, 128)], sem))
            for cp in cps:
                cp.wait()
            za = jnp.zeros((16,), jnp.float32)
            zb = jnp.zeros((16,), jnp.float32)
            zm = jnp.zeros((16,), jnp.float32)
            zd = jnp.zeros((16,), jnp.float32)
            for i in range(n // 16):
                sl = pl.ds(i * 16, 16)
                mv = m_v[sl]
                ga = ga_v[sl]
                gb = gb_v[sl]
                za = za + jnp.abs(ga * mv - tga_v[sl] * mv)
                zb = zb + jnp.abs(gb * mv - tgb_v[sl] * mv)
                zm = zm + mv
                zd = zd + jnp.abs(ga - gb)
            o_v[0] = za
            o_v[1] = zb
            o_v[2] = zm
            o_v[3] = zd
            zz = jnp.zeros((16,), jnp.float32)
            for r in range(4, 8):
                o_v[r] = zz
            pltpu.sync_copy(o_v, out_hbm)

    return sck(tab_a, tab_b, idx_a, idx_b, tgt_a, tgt_b, msk)


def _sc_offset_l1(sub_t, obj_t, tgt_t, idx_so, idx_t1, idx_t2):
    n = idx_so.shape[0] * idx_so.shape[1]
    mesh = plsc.VectorSubcoreMesh(core_axis_name="c", subcore_axis_name="s")

    @functools.partial(
        pl.kernel, mesh=mesh,
        out_type=jax.ShapeDtypeStruct((8, 16), jnp.float32),
        scratch_types=[
            pltpu.VMEM(idx_so.shape, jnp.int32),
            pltpu.VMEM(idx_so.shape, jnp.int32),
            pltpu.VMEM(idx_so.shape, jnp.int32),
            pltpu.VMEM((n,), jnp.float32),
            pltpu.VMEM((n,), jnp.float32),
            pltpu.VMEM((n,), jnp.float32),
            pltpu.VMEM((n,), jnp.float32),
            pltpu.VMEM((8, 16), jnp.float32),
            pltpu.SemaphoreType.DMA,
        ],
    )
    def sck(sub_hbm, obj_hbm, tgt_hbm, iso_hbm, it1_hbm, it2_hbm, out_hbm,
            iso_v, it1_v, it2_v, gs_v, go_v, g1_v, g2_v, o_v, sem):
        wid = lax.axis_index("s") * 2 + lax.axis_index("c")

        @pl.when(wid == 0)
        def _():
            pltpu.sync_copy(iso_hbm, iso_v)
            pltpu.sync_copy(it1_hbm, it1_v)
            pltpu.sync_copy(it2_hbm, it2_v)
            cps = []
            for r in range(idx_so.shape[0]):
                dst = pl.ds(r * 128, 128)
                cps.append(pltpu.async_copy(sub_hbm.at[iso_v.at[r]],
                                            gs_v.at[dst], sem))
                cps.append(pltpu.async_copy(obj_hbm.at[iso_v.at[r]],
                                            go_v.at[dst], sem))
                cps.append(pltpu.async_copy(tgt_hbm.at[it1_v.at[r]],
                                            g1_v.at[dst], sem))
                cps.append(pltpu.async_copy(tgt_hbm.at[it2_v.at[r]],
                                            g2_v.at[dst], sem))
            for cp in cps:
                cp.wait()
            zz = jnp.zeros((16,), jnp.float32)
            zd = zz
            for i in range(n // 16):
                sl = pl.ds(i * 16, 16)
                zd = (zd + jnp.abs(gs_v[sl] - g1_v[sl])
                      + jnp.abs(go_v[sl] - g2_v[sl]))
            o_v[0] = zd
            for r in range(1, 8):
                o_v[r] = zz
            pltpu.sync_copy(o_v, out_hbm)

    return sck(sub_t, obj_t, tgt_t, idx_so, idx_t1, idx_t2)


def kernel(out_hm_rel, out_sub_offset, out_obj_offset, out_hm, out_wh,
           out_reg, tgt_hm_rel, tgt_offset, tgt_offset_mask, tgt_hm,
           tgt_reg_mask, tgt_ind, tgt_wh, tgt_reg):
    f32 = jnp.float32
    tgt_ids = tgt_hm_rel.astype(jnp.int32)
    hmrel4 = out_hm_rel.reshape(BSZ, KCLS, SCHUNK, NTGT)
    hmrel3 = out_hm_rel.reshape(BSZ, KCLS, HWF)
    toff = tgt_offset.reshape(BSZ, NTGT, 4, HWF)
    sub4 = out_sub_offset.reshape(BSZ, 2, SCHUNK, NTGT)
    obj4 = out_obj_offset.reshape(BSZ, 2, SCHUNK, NTGT)
    hm3 = out_hm.reshape(BSZ, CHM, HWF)
    thm3 = tgt_hm.reshape(BSZ, CHM, HWF)

    ind = tgt_ind.astype(jnp.int32)
    bb = jnp.arange(BSZ, dtype=jnp.int32)[:, None, None]
    cc2 = jnp.arange(2, dtype=jnp.int32)[None, None, :]
    idx_wr = ((bb * 2 + cc2) * HWF + ind[:, :, None]).reshape(4, 128)
    tw = tgt_wh.astype(f32).reshape(-1)
    tr = tgt_reg.astype(f32).reshape(-1)
    mexp = jnp.broadcast_to(tgt_reg_mask[:, :, None].astype(f32),
                            (BSZ, MAXO, 2)).reshape(-1)
    sums1 = _sc_gather_l1(out_wh.reshape(-1), out_reg.reshape(-1),
                          idx_wr, idx_wr, tw, tr, mexp)

    src_arr, acc = _run_tc(tgt_ids, hmrel4, toff, sub4, obj4, hmrel3, hm3,
                           thm3)
    f0sum = acc[0, 0]
    posl = acc[0, 1]
    negl = acc[0, 2]
    npos = acc[0, 3]
    hm_rel_loss = f0sum
    hm_loss = jnp.where(npos > 0, -(posl + negl) / jnp.maximum(npos, 1.0),
                        -negl)

    src2 = src_arr[:, 0, :NTGT]
    mm = jnp.arange(NTGT, dtype=jnp.int32)[None, :, None]
    bb2 = jnp.arange(BSZ, dtype=jnp.int32)[:, None, None]
    idx_so = ((bb2 * 2 + cc2) * HWF + src2[:, :, None]).reshape(2, 128)
    idx_t1 = (((bb2 * NTGT + mm) * 4 + cc2) * HWF
              + src2[:, :, None]).reshape(2, 128)
    idx_t2 = (((bb2 * NTGT + mm) * 4 + cc2 + 2) * HWF
              + src2[:, :, None]).reshape(2, 128)

    wh_sum = jnp.sum(sums1[0])
    reg_sum = jnp.sum(sums1[1])
    msum = jnp.sum(sums1[2])
    wh_loss = wh_sum / (msum + 1e-4)
    off_loss = reg_sum / (msum + 1e-4)

    sums_off = _sc_offset_l1(out_sub_offset.reshape(-1),
                             out_obj_offset.reshape(-1),
                             tgt_offset.reshape(-1),
                             idx_so, idx_t1, idx_t2)
    offset_loss = jnp.sum(sums_off[0]) / float(BSZ * NTGT)

    loss = (1.0 * (hm_loss + hm_rel_loss)
            + 0.1 * (wh_loss + offset_loss)
            + 1.0 * off_loss)
    return (loss, hm_loss, wh_loss, off_loss, hm_rel_loss, offset_loss)

# --- scband reference (transcript-rebuilt; emitter-appended) ---
"""Pipeline reference for scband-set-loss-51634096833088 (READ-ONLY COPY).

The authoritative reference and input builder live on the scoring server;
editing this copy changes nothing except your own understanding.
"""

import jax, jax.numpy as jnp
import numpy as np

BS, K, H, W = 2, 117, 128, 128
NT = 64
MAX_OBJS = 128
C_HM = 80
NUM_STACKS = 1
HM_WEIGHT = 1.0
WH_WEIGHT = 0.1
OFF_WEIGHT = 1.0
ALPHA = 0.25
GAMMA = 2.0


def clamped_sigmoid(x):
    return jnp.clip(jax.nn.sigmoid(x), 1e-4, 1.0 - 1e-4)


def sigmoid_focal_loss_sum(logits, targets, alpha=ALPHA, gamma=GAMMA):
    p = jax.nn.sigmoid(logits)
    ce = jnp.maximum(logits, 0.0) - logits * targets + jnp.log1p(jnp.exp(-jnp.abs(logits)))
    p_t = p * targets + (1.0 - p) * (1.0 - targets)
    loss = ce * (1.0 - p_t) ** gamma
    a_t = alpha * targets + (1.0 - alpha) * (1.0 - targets)
    return jnp.sum(loss * a_t)


def centernet_focal(pred, gt):
    pos = (gt == 1.0).astype(pred.dtype)
    neg = (gt < 1.0).astype(pred.dtype)
    neg_w = (1.0 - gt) ** 4
    pos_loss = jnp.sum(jnp.log(pred) * (1.0 - pred) ** 2 * pos)
    neg_loss = jnp.sum(jnp.log(1.0 - pred) * pred ** 2 * neg_w * neg)
    num_pos = pos.sum()
    return jnp.where(num_pos > 0, -(pos_loss + neg_loss) / jnp.maximum(num_pos, 1.0), -neg_loss)


def reg_l1(output, mask, ind, target):
    bs, c, h, w = output.shape
    feat = output.transpose(0, 2, 3, 1).reshape(bs, h * w, c)
    idx = jnp.broadcast_to(ind[:, :, None], (bs, ind.shape[1], c))
    pred = jnp.take_along_axis(feat, idx, axis=1)
    m = jnp.broadcast_to(mask[:, :, None], pred.shape).astype(pred.dtype)
    loss = jnp.sum(jnp.abs(pred * m - target * m))
    return loss / (m.sum() + 1e-4)


def matcher(out_hm_rel, out_sub, out_obj, tgt_hm_rel, tgt_offset, tgt_mask):
    bs, k, h, w = out_hm_rel.shape
    prob = jax.nn.sigmoid(out_hm_rel.transpose(0, 2, 3, 1).reshape(bs, h * w, k))
    out_off = jnp.concatenate([out_sub, out_obj], axis=1).transpose(0, 2, 3, 1).reshape(bs, h * w, 4)
    tgt_off = tgt_offset.transpose(0, 3, 4, 1, 2).reshape(bs, -1, h * w, 4)
    indices = []
    for i in range(bs):
        index = jnp.nonzero(tgt_mask[i], size=tgt_mask.shape[1])[0]
        tgt_ids = tgt_hm_rel[i][index]
        op = prob[i]
        oo = out_off[i]
        to = tgt_off[i][index]
        neg_c = (1.0 - ALPHA) * op ** GAMMA * (-jnp.log(1.0 - op + 1e-8))
        pos_c = ALPHA * (1.0 - op) ** GAMMA * (-jnp.log(op + 1e-8))
        cost_class = pos_c[:, tgt_ids] - neg_c[:, tgt_ids]
        cost_offset = jnp.abs(to - oo[None]).sum(-1).T
        Cm = 0.1 * cost_offset + 1.0 * cost_class
        src = jnp.argmin(Cm, axis=0)
        tgt = jnp.arange(src.shape[0])
        indices.append((src, tgt))
    return indices


def loss_cls_fn(out_hm_rel, out_hm, tgt_hm_rel, tgt_hm, indices):
    bs, k, h, w = out_hm_rel.shape
    src_logits = out_hm_rel.transpose(0, 2, 3, 1).reshape(bs, h * w, k)
    batch_idx = jnp.concatenate([jnp.full(src.shape, i, dtype=jnp.int32) for i, (src, _) in enumerate(indices)])
    src_idx = jnp.concatenate([src for src, _ in indices])
    tco = jnp.concatenate([t[J] for t, (_, J) in zip(tgt_hm_rel, indices)])
    target_classes = jnp.full((bs, h * w), 117, dtype=jnp.int32)
    target_classes = target_classes.at[batch_idx, src_idx].set(tco.astype(jnp.int32))
    src_logits = src_logits.reshape(bs * h * w, k)
    target_classes = target_classes.reshape(bs * h * w)
    labels = ((target_classes[:, None] != 117) & (jnp.arange(k)[None, :] == target_classes[:, None])).astype(src_logits.dtype)
    hm_rel_loss = sigmoid_focal_loss_sum(src_logits, labels) / NUM_STACKS
    hm_loss = centernet_focal(clamped_sigmoid(out_hm), tgt_hm) / NUM_STACKS
    return hm_loss, hm_rel_loss


def loss_reg_fn(out_sub, out_obj, out_wh, out_reg, tgt_offset, tgt_reg_mask, tgt_ind, tgt_wh, tgt_reg, indices):
    bs, n, four, h, w = tgt_offset.shape
    batch_idx = jnp.concatenate([jnp.full(src.shape, i, dtype=jnp.int32) for i, (src, _) in enumerate(indices)])
    src_idx = jnp.concatenate([src for src, _ in indices])
    src_offset = jnp.concatenate([out_sub, out_obj], axis=1).transpose(0, 2, 3, 1).reshape(bs, h * w, 4)[batch_idx, src_idx]
    tgt_o = jnp.concatenate([t.reshape(n, 4, h * w)[i, :, j] for t, (j, i) in zip(tgt_offset, indices)], axis=0)
    offset_loss = jnp.sum(jnp.abs(src_offset - tgt_o)) / max(float(src_offset.shape[0]), 1.0) / NUM_STACKS
    wh_loss = reg_l1(out_wh, tgt_reg_mask, tgt_ind, tgt_wh) / NUM_STACKS
    off_loss = reg_l1(out_reg, tgt_reg_mask, tgt_ind, tgt_reg) / NUM_STACKS
    return wh_loss, offset_loss, off_loss


def setup_inputs(seed: int = 0):
    key = jax.random.key(seed)
    ks = jax.random.split(key, 12)
    return {
        'out_hm_rel': jax.random.normal(ks[0], (BS, K, H, W), jnp.float32),
        'out_sub_offset': jax.random.normal(ks[1], (BS, 2, H, W), jnp.float32),
        'out_obj_offset': jax.random.normal(ks[2], (BS, 2, H, W), jnp.float32),
        'out_hm': jax.random.normal(ks[3], (BS, C_HM, H, W), jnp.float32),
        'out_wh': jax.random.normal(ks[4], (BS, 2, H, W), jnp.float32),
        'out_reg': jax.random.normal(ks[5], (BS, 2, H, W), jnp.float32),
        'tgt_hm_rel': jax.random.randint(ks[6], (BS, NT), 0, K),
        'tgt_offset': jax.random.normal(ks[7], (BS, NT, 4, H, W), jnp.float32),
        'tgt_offset_mask': jnp.ones((BS, NT), jnp.float32),
        'tgt_hm': jax.random.uniform(ks[8], (BS, C_HM, H, W), jnp.float32),
        'tgt_reg_mask': jnp.ones((BS, MAX_OBJS), jnp.float32),
        'tgt_ind': jax.random.randint(ks[9], (BS, MAX_OBJS), 0, H * W),
        'tgt_wh': jax.random.uniform(ks[10], (BS, MAX_OBJS, 2), jnp.float32),
        'tgt_reg': jax.random.uniform(ks[11], (BS, MAX_OBJS, 2), jnp.float32),
    }


def reference(out_hm_rel, out_sub_offset, out_obj_offset, out_hm, out_wh, out_reg, tgt_hm_rel, tgt_offset, tgt_offset_mask, tgt_hm, tgt_reg_mask, tgt_ind, tgt_wh, tgt_reg):
    indices = matcher(out_hm_rel, out_sub_offset, out_obj_offset, tgt_hm_rel, tgt_offset, tgt_offset_mask)
    hm_loss, hm_rel_loss = loss_cls_fn(out_hm_rel, out_hm, tgt_hm_rel, tgt_hm, indices)
    wh_loss, offset_loss, off_loss = loss_reg_fn(out_sub_offset, out_obj_offset, out_wh, out_reg, tgt_offset, tgt_reg_mask, tgt_ind, tgt_wh, tgt_reg, indices)
    loss = HM_WEIGHT * (hm_loss + hm_rel_loss) + WH_WEIGHT * (wh_loss + offset_loss) + OFF_WEIGHT * off_loss
    return (loss, hm_loss, wh_loss, off_loss, hm_rel_loss, offset_loss)

if __name__ == "__main__":
    import jax
    _d = setup_inputs()
    print(jax.jit(kernel)(*tuple(_d.values())))

</pallas_src>

<mosaic_0001>
#map = affine_map<(d0, d1) -> (0)>
#map1 = affine_map<(d0, d1) -> (0, 0)>
module attributes {stable_mosaic.version = 14 : i64} {
  func.func @sck(%arg0: i32, %arg1: i32, %arg2: memref<65536xf32, #tpu.memory_space<hbm>>, %arg3: memref<65536xf32, #tpu.memory_space<hbm>>, %arg4: memref<8388608xf32, #tpu.memory_space<hbm>>, %arg5: memref<2x128xi32, #tpu.memory_space<hbm>>, %arg6: memref<2x128xi32, #tpu.memory_space<hbm>>, %arg7: memref<2x128xi32, #tpu.memory_space<hbm>>, %arg8: memref<8x16xf32, #tpu.memory_space<hbm>>, %arg9: memref<2x128xi32, #tpu.memory_space<vmem>>, %arg10: memref<2x128xi32, #tpu.memory_space<vmem>>, %arg11: memref<2x128xi32, #tpu.memory_space<vmem>>, %arg12: memref<256xf32, #tpu.memory_space<vmem>>, %arg13: memref<256xf32, #tpu.memory_space<vmem>>, %arg14: memref<256xf32, #tpu.memory_space<vmem>>, %arg15: memref<256xf32, #tpu.memory_space<vmem>>, %arg16: memref<8x16xf32, #tpu.memory_space<vmem>>, %arg17: memref<!tpu.dma_semaphore, #tpu.memory_space<semaphore_mem>>) attributes {dimension_semantics = [#tpu.dimension_semantics<core_parallel>, #tpu.dimension_semantics<subcore_parallel>], iteration_bounds = array<i64: 2, 16>, scalar_prefetch = 0 : i64, scratch_operands = 9 : i64, tpu.core_type = #tpu.core_type<sc_vector_subcore>, window_params = [{transform_indices = #map}, {transform_indices = #map}, {transform_indices = #map}, {transform_indices = #map1}, {transform_indices = #map1}, {transform_indices = #map1}, {transform_indices = #map1}]} {
    %mul3A = arith.constant 2 : i32
    %mul3A_0 = arith.muli %arg1, %mul3A : i32
    %add3A = arith.addi %mul3A_0, %arg0 : i32
    %eq3A = arith.constant 0 : i32
    %eq3A_1 = arith.cmpi eq, %add3A, %eq3A : i32
    %convert_element_type3A = arith.extui %eq3A_1 : i1 to i32
    %cond3A = arith.constant 0 : i32
    %cond3A_2 = arith.cmpi ne, %convert_element_type3A, %cond3A : i32
    scf.if %cond3A_2 {
      "tpu.region"() ({
        %run_scoped3A = tpu.sem_alloc : memref<!tpu.dma_semaphore, #tpu.memory_space<semaphore_mem>>
        tpu.enqueue_dma source(%arg5 : memref<2x128xi32, #tpu.memory_space<hbm>>) target(%arg9 : memref<2x128xi32, #tpu.memory_space<vmem>>) target_semaphore(%run_scoped3A : memref<!tpu.dma_semaphore, #tpu.memory_space<semaphore_mem>>)
        tpu.wait_dma2 semaphore(%run_scoped3A : memref<!tpu.dma_semaphore, #tpu.memory_space<semaphore_mem>>) src(%arg5 : memref<2x128xi32, #tpu.memory_space<hbm>>) dst(%arg9 : memref<2x128xi32, #tpu.memory_space<vmem>>)
        tpu.yield
      }) : () -> ()
      "tpu.region"() ({
        %run_scoped3A = tpu.sem_alloc : memref<!tpu.dma_semaphore, #tpu.memory_space<semaphore_mem>>
        tpu.enqueue_dma source(%arg6 : memref<2x128xi32, #tpu.memory_space<hbm>>) target(%arg10 : memref<2x128xi32, #tpu.memory_space<vmem>>) target_semaphore(%run_scoped3A : memref<!tpu.dma_semaphore, #tpu.memory_space<semaphore_mem>>)
        tpu.wait_dma2 semaphore(%run_scoped3A : memref<!tpu.dma_semaphore, #tpu.memory_space<semaphore_mem>>) src(%arg6 : memref<2x128xi32, #tpu.memory_space<hbm>>) dst(%arg10 : memref<2x128xi32, #tpu.memory_space<vmem>>)
        tpu.yield
      }) : () -> ()
      "tpu.region"() ({
        %run_scoped3A = tpu.sem_alloc : memref<!tpu.dma_semaphore, #tpu.memory_space<semaphore_mem>>
        tpu.enqueue_dma source(%arg7 : memref<2x128xi32, #tpu.memory_space<hbm>>) target(%arg11 : memref<2x128xi32, #tpu.memory_space<vmem>>) target_semaphore(%run_scoped3A : memref<!tpu.dma_semaphore, #tpu.memory_space<semaphore_mem>>)
        tpu.wait_dma2 semaphore(%run_scoped3A : memref<!tpu.dma_semaphore, #tpu.memory_space<semaphore_mem>>) src(%arg7 : memref<2x128xi32, #tpu.memory_space<hbm>>) dst(%arg11 : memref<2x128xi32, #tpu.memory_space<vmem>>)
        tpu.yield
      }) : () -> ()
      %dma_start3A = arith.constant 0 : i32
      %dma_start3A_3 = arith.constant 0 : i32
      %dma_start3A_4 = tpu.memref_slice %arg12[%dma_start3A_3] : memref<256xf32, #tpu.memory_space<vmem>> -> memref<128xf32, #tpu.memory_space<vmem>>
      %dma_start3A_5 = arith.constant 0 : i32
      %dma_start3A_6 = tpu.memref_slice %arg9[%dma_start3A, %dma_start3A_5] : memref<2x128xi32, #tpu.memory_space<vmem>> -> memref<1x128xi32, #tpu.memory_space<vmem>>
      %dma_start3A_7 = tpu.memref_squeeze %dma_start3A_6 : memref<1x128xi32, #tpu.memory_space<vmem>> -> memref<128xi32, #tpu.memory_space<vmem>>
      %dma_start3A_8 = arith.constant 0 : i32
      %dma_start3A_9 = tpu.memref_slice %arg2[%dma_start3A_8] : memref<65536xf32, #tpu.memory_space<hbm>> -> memref<65536xf32, #tpu.memory_space<hbm>>
      tpu.enqueue_indirect_dma source(%dma_start3A_9 : memref<65536xf32, #tpu.memory_space<hbm>>) target(%dma_start3A_4 : memref<128xf32, #tpu.memory_space<vmem>>) offsets(%dma_start3A_7 : memref<128xi32, #tpu.memory_space<vmem>>) semaphore(%arg17 : memref<!tpu.dma_semaphore, #tpu.memory_space<semaphore_mem>>)
      %dma_start3A_10 = arith.constant 0 : i32
      %dma_start3A_11 = arith.constant 0 : i32
      %dma_start3A_12 = tpu.memref_slice %arg13[%dma_start3A_11] : memref<256xf32, #tpu.memory_space<vmem>> -> memref<128xf32, #tpu.memory_space<vmem>>
      %dma_start3A_13 = arith.constant 0 : i32
      %dma_start3A_14 = tpu.memref_slice %arg9[%dma_start3A_10, %dma_start3A_13] : memref<2x128xi32, #tpu.memory_space<vmem>> -> memref<1x128xi32, #tpu.memory_space<vmem>>
      %dma_start3A_15 = tpu.memref_squeeze %dma_start3A_14 : memref<1x128xi32, #tpu.memory_space<vmem>> -> memref<128xi32, #tpu.memory_space<vmem>>
      %dma_start3A_16 = arith.constant 0 : i32
      %dma_start3A_17 = tpu.memref_slice %arg3[%dma_start3A_16] : memref<65536xf32, #tpu.memory_space<hbm>> -> memref<65536xf32, #tpu.memory_space<hbm>>
      tpu.enqueue_indirect_dma source(%dma_start3A_17 : memref<65536xf32, #tpu.memory_space<hbm>>) target(%dma_start3A_12 : memref<128xf32, #tpu.memory_space<vmem>>) offsets(%dma_start3A_15 : memref<128xi32, #tpu.memory_space<vmem>>) semaphore(%arg17 : memref<!tpu.dma_semaphore, #tpu.memory_space<semaphore_mem>>)
      %dma_start3A_18 = arith.constant 0 : i32
      %dma_start3A_19 = arith.constant 0 : i32
      %dma_start3A_20 = tpu.memref_slice %arg14[%dma_start3A_19] : memref<256xf32, #tpu.memory_space<vmem>> -> memref<128xf32, #tpu.memory_space<vmem>>
      %dma_start3A_21 = arith.constant 0 : i32
      %dma_start3A_22 = tpu.memref_slice %arg10[%dma_start3A_18, %dma_start3A_21] : memref<2x128xi32, #tpu.memory_space<vmem>> -> memref<1x128xi32, #tpu.memory_space<vmem>>
      %dma_start3A_23 = tpu.memref_squeeze %dma_start3A_22 : memref<1x128xi32, #tpu.memory_space<vmem>> -> memref<128xi32, #tpu.memory_space<vmem>>
      %dma_start3A_24 = arith.constant 0 : i32
      %dma_start3A_25 = tpu.memref_slice %arg4[%dma_start3A_24] : memref<8388608xf32, #tpu.memory_space<hbm>> -> memref<8388608xf32, #tpu.memory_space<hbm>>
      tpu.enqueue_indirect_dma source(%dma_start3A_25 : memref<8388608xf32, #tpu.memory_space<hbm>>) target(%dma_start3A_20 : memref<128xf32, #tpu.memory_space<vmem>>) offsets(%dma_start3A_23 : memref<128xi32, #tpu.memory_space<vmem>>) semaphore(%arg17 : memref<!tpu.dma_semaphore, #tpu.memory_space<semaphore_mem>>)
      %dma_start3A_26 = arith.constant 0 : i32
      %dma_start3A_27 = arith.constant 0 : i32
      %dma_start3A_28 = tpu.memref_slice %arg15[%dma_start3A_27] : memref<256xf32, #tpu.memory_space<vmem>> -> memref<128xf32, #tpu.memory_space<vmem>>
      %dma_start3A_29 = arith.constant 0 : i32
      %dma_start3A_30 = tpu.memref_slice %arg11[%dma_start3A_26, %dma_start3A_29] : memref<2x128xi32, #tpu.memory_space<vmem>> -> memref<1x128xi32, #tpu.memory_space<vmem>>
      %dma_start3A_31 = tpu.memref_squeeze %dma_start3A_30 : memref<1x128xi32, #tpu.memory_space<vmem>> -> memref<128xi32, #tpu.memory_space<vmem>>
      %dma_start3A_32 = arith.constant 0 : i32
      %dma_start3A_33 = tpu.memref_slice %arg4[%dma_start3A_32] : memref<8388608xf32, #tpu.memory_space<hbm>> -> memref<8388608xf32, #tpu.memory_space<hbm>>
      tpu.enqueue_indirect_dma source(%dma_start3A_33 : memref<8388608xf32, #tpu.memory_space<hbm>>) target(%dma_start3A_28 : memref<128xf32, #tpu.memory_space<vmem>>) offsets(%dma_start3A_31 : memref<128xi32, #tpu.memory_space<vmem>>) semaphore(%arg17 : memref<!tpu.dma_semaphore, #tpu.memory_space<semaphore_mem>>)
      %dma_start3A_34 = arith.constant 1 : i32
      %dma_start3A_35 = arith.constant 128 : i32
      %dma_start3A_36 = tpu.memref_slice %arg12[%dma_start3A_35] : memref<256xf32, #tpu.memory_space<vmem>> -> memref<128xf32, #tpu.memory_space<vmem>>
      %dma_start3A_37 = arith.constant 0 : i32
      %dma_start3A_38 = tpu.memref_slice %arg9[%dma_start3A_34, %dma_start3A_37] : memref<2x128xi32, #tpu.memory_space<vmem>> -> memref<1x128xi32, #tpu.memory_space<vmem>>
      %dma_start3A_39 = tpu.memref_squeeze %dma_start3A_38 : memref<1x128xi32, #tpu.memory_space<vmem>> -> memref<128xi32, #tpu.memory_space<vmem>>
      %dma_start3A_40 = arith.constant 0 : i32
      %dma_start3A_41 = tpu.memref_slice %arg2[%dma_start3A_40] : memref<65536xf32, #tpu.memory_space<hbm>> -> memref<65536xf32, #tpu.memory_space<hbm>>
      tpu.enqueue_indirect_dma source(%dma_start3A_41 : memref<65536xf32, #tpu.memory_space<hbm>>) target(%dma_start3A_36 : memref<128xf32, #tpu.memory_space<vmem>>) offsets(%dma_start3A_39 : memref<128xi32, #tpu.memory_space<vmem>>) semaphore(%arg17 : memref<!tpu.dma_semaphore, #tpu.memory_space<semaphore_mem>>)
      %dma_start3A_42 = arith.constant 1 : i32
      %dma_start3A_43 = arith.constant 128 : i32
      %dma_start3A_44 = tpu.memref_slice %arg13[%dma_start3A_43] : memref<256xf32, #tpu.memory_space<vmem>> -> memref<128xf32, #tpu.memory_space<vmem>>
      %dma_start3A_45 = arith.constant 0 : i32
      %dma_start3A_46 = tpu.memref_slice %arg9[%dma_start3A_42, %dma_start3A_45] : memref<2x128xi32, #tpu.memory_space<vmem>> -> memref<1x128xi32, #tpu.memory_space<vmem>>
      %dma_start3A_47 = tpu.memref_squeeze %dma_start3A_46 : memref<1x128xi32, #tpu.memory_space<vmem>> -> memref<128xi32, #tpu.memory_space<vmem>>
      %dma_start3A_48 = arith.constant 0 : i32
      %dma_start3A_49 = tpu.memref_slice %arg3[%dma_start3A_48] : memref<65536xf32, #tpu.memory_space<hbm>> -> memref<65536xf32, #tpu.memory_space<hbm>>
      tpu.enqueue_indirect_dma source(%dma_start3A_49 : memref<65536xf32, #tpu.memory_space<hbm>>) target(%dma_start3A_44 : memref<128xf32, #tpu.memory_space<vmem>>) offsets(%dma_start3A_47 : memref<128xi32, #tpu.memory_space<vmem>>) semaphore(%arg17 : memref<!tpu.dma_semaphore, #tpu.memory_space<semaphore_mem>>)
      %dma_start3A_50 = arith.constant 1 : i32
      %dma_start3A_51 = arith.constant 128 : i32
      %dma_start3A_52 = tpu.memref_slice %arg14[%dma_start3A_51] : memref<256xf32, #tpu.memory_space<vmem>> -> memref<128xf32, #tpu.memory_space<vmem>>
      %dma_start3A_53 = arith.constant 0 : i32
      %dma_start3A_54 = tpu.memref_slice %arg10[%dma_start3A_50, %dma_start3A_53] : memref<2x128xi32, #tpu.memory_space<vmem>> -> memref<1x128xi32, #tpu.memory_space<vmem>>
      %dma_start3A_55 = tpu.memref_squeeze %dma_start3A_54 : memref<1x128xi32, #tpu.memory_space<vmem>> -> memref<128xi32, #tpu.memory_space<vmem>>
      %dma_start3A_56 = arith.constant 0 : i32
      %dma_start3A_57 = tpu.memref_slice %arg4[%dma_start3A_56] : memref<8388608xf32, #tpu.memory_space<hbm>> -> memref<8388608xf32, #tpu.memory_space<hbm>>
      tpu.enqueue_indirect_dma source(%dma_start3A_57 : memref<8388608xf32, #tpu.memory_space<hbm>>) target(%dma_start3A_52 : memref<128xf32, #tpu.memory_space<vmem>>) offsets(%dma_start3A_55 : memref<128xi32, #tpu.memory_space<vmem>>) semaphore(%arg17 : memref<!tpu.dma_semaphore, #tpu.memory_space<semaphore_mem>>)
      %dma_start3A_58 = arith.constant 1 : i32
      %dma_start3A_59 = arith.constant 128 : i32
      %dma_start3A_60 = tpu.memref_slice %arg15[%dma_start3A_59] : memref<256xf32, #tpu.memory_space<vmem>> -> memref<128xf32, #tpu.memory_space<vmem>>
      %dma_start3A_61 = arith.constant 0 : i32
      %dma_start3A_62 = tpu.memref_slice %arg11[%dma_start3A_58, %dma_start3A_61] : memref<2x128xi32, #tpu.memory_space<vmem>> -> memref<1x128xi32, #tpu.memory_space<vmem>>
      %dma_start3A_63 = tpu.memref_squeeze %dma_start3A_62 : memref<1x128xi32, #tpu.memory_space<vmem>> -> memref<128xi32, #tpu.memory_space<vmem>>
      %dma_start3A_64 = arith.constant 0 : i32
      %dma_start3A_65 = tpu.memref_slice %arg4[%dma_start3A_64] : memref<8388608xf32, #tpu.memory_space<hbm>> -> memref<8388608xf32, #tpu.memory_space<hbm>>
      tpu.enqueue_indirect_dma source(%dma_start3A_65 : memref<8388608xf32, #tpu.memory_space<hbm>>) target(%dma_start3A_60 : memref<128xf32, #tpu.memory_space<vmem>>) offsets(%dma_start3A_63 : memref<128xi32, #tpu.memory_space<vmem>>) semaphore(%arg17 : memref<!tpu.dma_semaphore, #tpu.memory_space<semaphore_mem>>)
      %dma_wait3A = arith.constant 0 : i32
      %dma_wait3A_66 = arith.constant 0 : i32
      %dma_wait3A_67 = tpu.memref_slice %arg12[%dma_wait3A_66] : memref<256xf32, #tpu.memory_space<vmem>> -> memref<128xf32, #tpu.memory_space<vmem>>
      %dma_wait3A_68 = arith.constant 0 : i32
      %dma_wait3A_69 = tpu.memref_slice %arg9[%dma_wait3A, %dma_wait3A_68] : memref<2x128xi32, #tpu.memory_space<vmem>> -> memref<1x128xi32, #tpu.memory_space<vmem>>
      %dma_wait3A_70 = tpu.memref_squeeze %dma_wait3A_69 : memref<1x128xi32, #tpu.memory_space<vmem>> -> memref<128xi32, #tpu.memory_space<vmem>>
      %dma_wait3A_71 = arith.constant 0 : i32
      %dma_wait3A_72 = tpu.memref_slice %arg2[%dma_wait3A_71] : memref<65536xf32, #tpu.memory_space<hbm>> -> memref<65536xf32, #tpu.memory_space<hbm>>
      tpu.wait_indirect_dma semaphore(%arg17 : memref<!tpu.dma_semaphore, #tpu.memory_space<semaphore_mem>>) src(%dma_wait3A_72 : memref<65536xf32, #tpu.memory_space<hbm>>) dst(%dma_wait3A_67 : memref<128xf32, #tpu.memory_space<vmem>>)
      %dma_wait3A_73 = arith.constant 0 : i32
      %dma_wait3A_74 = arith.constant 0 : i32
      %dma_wait3A_75 = tpu.memref_slice %arg13[%dma_wait3A_74] : memref<256xf32, #tpu.memory_space<vmem>> -> memref<128xf32, #tpu.memory_space<vmem>>
      %dma_wait3A_76 = arith.constant 0 : i32
      %dma_wait3A_77 = tpu.memref_slice %arg9[%dma_wait3A_73, %dma_wait3A_76] : memref<2x128xi32, #tpu.memory_space<vmem>> -> memref<1x128xi32, #tpu.memory_space<vmem>>
      %dma_wait3A_78 = tpu.memref_squeeze %dma_wait3A_77 : memref<1x128xi32, #tpu.memory_space<vmem>> -> memref<128xi32, #tpu.memory_space<vmem>>
      %dma_wait3A_79 = arith.constant 0 : i32
      %dma_wait3A_80 = tpu.memref_slice %arg3[%dma_wait3A_79] : memref<65536xf32, #tpu.memory_space<hbm>> -> memref<65536xf32, #tpu.memory_space<hbm>>
      tpu.wait_indirect_dma semaphore(%arg17 : memref<!tpu.dma_semaphore, #tpu.memory_space<semaphore_mem>>) src(%dma_wait3A_80 : memref<65536xf32, #tpu.memory_space<hbm>>) dst(%dma_wait3A_75 : memref<128xf32, #tpu.memory_space<vmem>>)
      %dma_wait3A_81 = arith.constant 0 : i32
      %dma_wait3A_82 = arith.constant 0 : i32
      %dma_wait3A_83 = tpu.memref_slice %arg14[%dma_wait3A_82] : memref<256xf32, #tpu.memory_space<vmem>> -> memref<128xf32, #tpu.memory_space<vmem>>
      %dma_wait3A_84 = arith.constant 0 : i32
      %dma_wait3A_85 = tpu.memref_slice %arg10[%dma_wait3A_81, %dma_wait3A_84] : memref<2x128xi32, #tpu.memory_space<vmem>> -> memref<1x128xi32, #tpu.memory_space<vmem>>
      %dma_wait3A_86 = tpu.memref_squeeze %dma_wait3A_85 : memref<1x128xi32, #tpu.memory_space<vmem>> -> memref<128xi32, #tpu.memory_space<vmem>>
      %dma_wait3A_87 = arith.constant 0 : i32
      %dma_wait3A_88 = tpu.memref_slice %arg4[%dma_wait3A_87] : memref<8388608xf32, #tpu.memory_space<hbm>> -> memref<8388608xf32, #tpu.memory_space<hbm>>
      tpu.wait_indirect_dma semaphore(%arg17 : memref<!tpu.dma_semaphore, #tpu.memory_space<semaphore_mem>>) src(%dma_wait3A_88 : memref<8388608xf32, #tpu.memory_space<hbm>>) dst(%dma_wait3A_83 : memref<128xf32, #tpu.memory_space<vmem>>)
      %dma_wait3A_89 = arith.constant 0 : i32
      %dma_wait3A_90 = arith.constant 0 : i32
      %dma_wait3A_91 = tpu.memref_slice %arg15[%dma_wait3A_90] : memref<256xf32, #tpu.memory_space<vmem>> -> memref<128xf32, #tpu.memory_space<vmem>>
      %dma_wait3A_92 = arith.constant 0 : i32
      %dma_wait3A_93 = tpu.memref_slice %arg11[%dma_wait3A_89, %dma_wait3A_92] : memref<2x128xi32, #tpu.memory_space<vmem>> -> memref<1x128xi32, #tpu.memory_space<vmem>>
      %dma_wait3A_94 = tpu.memref_squeeze %dma_wait3A_93 : memref<1x128xi32, #tpu.memory_space<vmem>> -> memref<128xi32, #tpu.memory_space<vmem>>
      %dma_wait3A_95 = arith.constant 0 : i32
      %dma_wait3A_96 = tpu.memref_slice %arg4[%dma_wait3A_95] : memref<8388608xf32, #tpu.memory_space<hbm>> -> memref<8388608xf32, #tpu.memory_space<hbm>>
      tpu.wait_indirect_dma semaphore(%arg17 : memref<!tpu.dma_semaphore, #tpu.memory_space<semaphore_mem>>) src(%dma_wait3A_96 : memref<8388608xf32, #tpu.memory_space<hbm>>) dst(%dma_wait3A_91 : memref<128xf32, #tpu.memory_space<vmem>>)
      %dma_wait3A_97 = arith.constant 1 : i32
      %dma_wait3A_98 = arith.constant 128 : i32
      %dma_wait3A_99 = tpu.memref_slice %arg12[%dma_wait3A_98] : memref<256xf32, #tpu.memory_space<vmem>> -> memref<128xf32, #tpu.memory_space<vmem>>
      %dma_wait3A_100 = arith.constant 0 : i32
      %dma_wait3A_101 = tpu.memref_slice %arg9[%dma_wait3A_97, %dma_wait3A_100] : memref<2x128xi32, #tpu.memory_space<vmem>> -> memref<1x128xi32, #tpu.memory_space<vmem>>
      %dma_wait3A_102 = tpu.memref_squeeze %dma_wait3A_101 : memref<1x128xi32, #tpu.memory_space<vmem>> -> memref<128xi32, #tpu.memory_space<vmem>>
      %dma_wait3A_103 = arith.constant 0 : i32
      %dma_wait3A_104 = tpu.memref_slice %arg2[%dma_wait3A_103] : memref<65536xf32, #tpu.memory_space<hbm>> -> memref<65536xf32, #tpu.memory_space<hbm>>
      tpu.wait_indirect_dma semaphore(%arg17 : memref<!tpu.dma_semaphore, #tpu.memory_space<semaphore_mem>>) src(%dma_wait3A_104 : memref<65536xf32, #tpu.memory_space<hbm>>) dst(%dma_wait3A_99 : memref<128xf32, #tpu.memory_space<vmem>>)
      %dma_wait3A_105 = arith.constant 1 : i32
      %dma_wait3A_106 = arith.constant 128 : i32
      %dma_wait3A_107 = tpu.memref_slice %arg13[%dma_wait3A_106] : memref<256xf32, #tpu.memory_space<vmem>> -> memref<128xf32, #tpu.memory_space<vmem>>
      %dma_wait3A_108 = arith.constant 0 : i32
      %dma_wait3A_109 = tpu.memref_slice %arg9[%dma_wait3A_105, %dma_wait3A_108] : memref<2x128xi32, #tpu.memory_space<vmem>> -> memref<1x128xi32, #tpu.memory_space<vmem>>
      %dma_wait3A_110 = tpu.memref_squeeze %dma_wait3A_109 : memref<1x128xi32, #tpu.memory_space<vmem>> -> memref<128xi32, #tpu.memory_space<vmem>>
      %dma_wait3A_111 = arith.constant 0 : i32
      %dma_wait3A_112 = tpu.memref_slice %arg3[%dma_wait3A_111] : memref<65536xf32, #tpu.memory_space<hbm>> -> memref<65536xf32, #tpu.memory_space<hbm>>
      tpu.wait_indirect_dma semaphore(%arg17 : memref<!tpu.dma_semaphore, #tpu.memory_space<semaphore_mem>>) src(%dma_wait3A_112 : memref<65536xf32, #tpu.memory_space<hbm>>) dst(%dma_wait3A_107 : memref<128xf32, #tpu.memory_space<vmem>>)
      %dma_wait3A_113 = arith.constant 1 : i32
      %dma_wait3A_114 = arith.constant 128 : i32
      %dma_wait3A_115 = tpu.memref_slice %arg14[%dma_wait3A_114] : memref<256xf32, #tpu.memory_space<vmem>> -> memref<128xf32, #tpu.memory_space<vmem>>
      %dma_wait3A_116 = arith.constant 0 : i32
      %dma_wait3A_117 = tpu.memref_slice %arg10[%dma_wait3A_113, %dma_wait3A_116] : memref<2x128xi32, #tpu.memory_space<vmem>> -> memref<1x128xi32, #tpu.memory_space<vmem>>
      %dma_wait3A_118 = tpu.memref_squeeze %dma_wait3A_117 : memref<1x128xi32, #tpu.memory_space<vmem>> -> memref<128xi32, #tpu.memory_space<vmem>>
      %dma_wait3A_119 = arith.constant 0 : i32
      %dma_wait3A_120 = tpu.memref_slice %arg4[%dma_wait3A_119] : memref<8388608xf32, #tpu.memory_space<hbm>> -> memref<8388608xf32, #tpu.memory_space<hbm>>
      tpu.wait_indirect_dma semaphore(%arg17 : memref<!tpu.dma_semaphore, #tpu.memory_space<semaphore_mem>>) src(%dma_wait3A_120 : memref<8388608xf32, #tpu.memory_space<hbm>>) dst(%dma_wait3A_115 : memref<128xf32, #tpu.memory_space<vmem>>)
      %dma_wait3A_121 = arith.constant 1 : i32
      %dma_wait3A_122 = arith.constant 128 : i32
      %dma_wait3A_123 = tpu.memref_slice %arg15[%dma_wait3A_122] : memref<256xf32, #tpu.memory_space<vmem>> -> memref<128xf32, #tpu.memory_space<vmem>>
      %dma_wait3A_124 = arith.constant 0 : i32
      %dma_wait3A_125 = tpu.memref_slice %arg11[%dma_wait3A_121, %dma_wait3A_124] : memref<2x128xi32, #tpu.memory_space<vmem>> -> memref<1x128xi32, #tpu.memory_space<vmem>>
      %dma_wait3A_126 = tpu.memref_squeeze %dma_wait3A_125 : memref<1x128xi32, #tpu.memory_space<vmem>> -> memref<128xi32, #tpu.memory_space<vmem>>
      %dma_wait3A_127 = arith.constant 0 : i32
      %dma_wait3A_128 = tpu.memref_slice %arg4[%dma_wait3A_127] : memref<8388608xf32, #tpu.memory_space<hbm>> -> memref<8388608xf32, #tpu.memory_space<hbm>>
      tpu.wait_indirect_dma semaphore(%arg17 : memref<!tpu.dma_semaphore, #tpu.memory_space<semaphore_mem>>) src(%dma_wait3A_128 : memref<8388608xf32, #tpu.memory_space<hbm>>) dst(%dma_wait3A_123 : memref<128xf32, #tpu.memory_space<vmem>>)
      %broadcast_in_dim3A = arith.constant 0.000000e+00 : f32
      %broadcast_in_dim3A_129 = vector.broadcast %broadcast_in_dim3A : f32 to vector<16xf32>
      %get3A = arith.constant 0 : index
      %get3A_130 = tpu.vector_load %arg12[%get3A] {strides = array<i32>} : memref<256xf32, #tpu.memory_space<vmem>>, vector<16xf32>,
      %get3A_131 = vector.shape_cast %get3A_130 : vector<16xf32> to vector<16xf32>
      %get3A_132 = arith.constant 0 : index
      %get3A_133 = tpu.vector_load %arg14[%get3A_132] {strides = array<i32>} : memref<256xf32, #tpu.memory_space<vmem>>, vector<16xf32>,
      %get3A_134 = vector.shape_cast %get3A_133 : vector<16xf32> to vector<16xf32>
      %sub3A = arith.subf %get3A_131, %get3A_134 : vector<16xf32>
      %abs3A = math.absf %sub3A : vector<16xf32>
      %add3A_135 = arith.addf %broadcast_in_dim3A_129, %abs3A : vector<16xf32>
      %get3A_136 = arith.constant 0 : index
      %get3A_137 = tpu.vector_load %arg13[%get3A_136] {strides = array<i32>} : memref<256xf32, #tpu.memory_space<vmem>>, vector<16xf32>,
      %get3A_138 = vector.shape_cast %get3A_137 : vector<16xf32> to vector<16xf32>
      %get3A_139 = arith.constant 0 : index
      %get3A_140 = tpu.vector_load %arg15[%get3A_139] {strides = array<i32>} : memref<256xf32, #tpu.memory_space<vmem>>, vector<16xf32>,
      %get3A_141 = vector.shape_cast %get3A_140 : vector<16xf32> to vector<16xf32>
      %sub3A_142 = arith.subf %get3A_138, %get3A_141 : vector<16xf32>
      %abs3A_143 = math.absf %sub3A_142 : vector<16xf32>
      %add3A_144 = arith.addf %add3A_135, %abs3A_143 : vector<16xf32>
      %get3A_145 = arith.constant 16 : index
      %get3A_146 = tpu.vector_load %arg12[%get3A_145] {strides = array<i32>} : memref<256xf32, #tpu.memory_space<vmem>>, vector<16xf32>,
      %get3A_147 = vector.shape_cast %get3A_146 : vector<16xf32> to vector<16xf32>
      %get3A_148 = arith.constant 16 : index
      %get3A_149 = tpu.vector_load %arg14[%get3A_148] {strides = array<i32>} : memref<256xf32, #tpu.memory_space<vmem>>, vector<16xf32>,
      %get3A_150 = vector.shape_cast %get3A_149 : vector<16xf32> to vector<16xf32>
      %sub3A_151 = arith.subf %get3A_147, %get3A_150 : vector<16xf32>
      %abs3A_152 = math.absf %sub3A_151 : vector<16xf32>
      %add3A_153 = arith.addf %add3A_144, %abs3A_152 : vector<16xf32>
      %get3A_154 = arith.constant 16 : index
      %get3A_155 = tpu.vector_load %arg13[%get3A_154] {strides = array<i32>} : memref<256xf32, #tpu.memory_space<vmem>>, vector<16xf32>,
      %get3A_156 = vector.shape_cast %get3A_155 : vector<16xf32> to vector<16xf32>
      %get3A_157 = arith.constant 16 : index
      %get3A_158 = tpu.vector_load %arg15[%get3A_157] {strides = array<i32>} : memref<256xf32, #tpu.memory_space<vmem>>, vector<16xf32>,
      %get3A_159 = vector.shape_cast %get3A_158 : vector<16xf32> to vector<16xf32>
      %sub3A_160 = arith.subf %get3A_156, %get3A_159 : vector<16xf32>
      %abs3A_161 = math.absf %sub3A_160 : vector<16xf32>
      %add3A_162 = arith.addf %add3A_153, %abs3A_161 : vector<16xf32>
      %get3A_163 = arith.constant 32 : index
      %get3A_164 = tpu.vector_load %arg12[%get3A_163] {strides = array<i32>} : memref<256xf32, #tpu.memory_space<vmem>>, vector<16xf32>,
      %get3A_165 = vector.shape_cast %get3A_164 : vector<16xf32> to vector<16xf32>
      %get3A_166 = arith.constant 32 : index
      %get3A_167 = tpu.vector_load %arg14[%get3A_166] {strides = array<i32>} : memref<256xf32, #tpu.memory_space<vmem>>, vector<16xf32>,
      %get3A_168 = vector.shape_cast %get3A_167 : vector<16xf32> to vector<16xf32>
      %sub3A_169 = arith.subf %get3A_165, %get3A_168 : vector<16xf32>
      %abs3A_170 = math.absf %sub3A_169 : vector<16xf32>
      %add3A_171 = arith.addf %add3A_162, %abs3A_170 : vector<16xf32>
      %get3A_172 = arith.constant 32 : index
      %get3A_173 = tpu.vector_load %arg13[%get3A_172] {strides = array<i32>} : memref<256xf32, #tpu.memory_space<vmem>>, vector<16xf32>,
      %get3A_174 = vector.shape_cast %get3A_173 : vector<16xf32> to vector<16xf32>
      %get3A_175 = arith.constant 32 : index
      %get3A_176 = tpu.vector_load %arg15[%get3A_175] {strides = array<i32>} : memref<256xf32, #tpu.memory_space<vmem>>, vector<16xf32>,
      %get3A_177 = vector.shape_cast %get3A_176 : vector<16xf32> to vector<16xf32>
      %sub3A_178 = arith.subf %get3A_174, %get3A_177 : vector<16xf32>
      %abs3A_179 = math.absf %sub3A_178 : vector<16xf32>
      %add3A_180 = arith.addf %add3A_171, %abs3A_179 : vector<16xf32>
      %get3A_181 = arith.constant 48 : index
      %get3A_182 = tpu.vector_load %arg12[%get3A_181] {strides = array<i32>} : memref<256xf32, #tpu.memory_space<vmem>>, vector<16xf32>,
      %get3A_183 = vector.shape_cast %get3A_182 : vector<16xf32> to vector<16xf32>
      %get3A_184 = arith.constant 48 : index
      %get3A_185 = tpu.vector_load %arg14[%get3A_184] {strides = array<i32>} : memref<256xf32, #tpu.memory_space<vmem>>, vector<16xf32>,
      %get3A_186 = vector.shape_cast %get3A_185 : vector<16xf32> to vector<16xf32>
      %sub3A_187 = arith.subf %get3A_183, %get3A_186 : vector<16xf32>
      %abs3A_188 = math.absf %sub3A_187 : vector<16xf32>
      %add3A_189 = arith.addf %add3A_180, %abs3A_188 : vector<16xf32>
      %get3A_190 = arith.constant 48 : index
      %get3A_191 = tpu.vector_load %arg13[%get3A_190] {strides = array<i32>} : memref<256xf32, #tpu.memory_space<vmem>>, vector<16xf32>,
      %get3A_192 = vector.shape_cast %get3A_191 : vector<16xf32> to vector<16xf32>
      %get3A_193 = arith.constant 48 : index
      %get3A_194 = tpu.vector_load %arg15[%get3A_193] {strides = array<i32>} : memref<256xf32, #tpu.memory_space<vmem>>, vector<16xf32>,
      %get3A_195 = vector.shape_cast %get3A_194 : vector<16xf32> to vector<16xf32>
      %sub3A_196 = arith.subf %get3A_192, %get3A_195 : vector<16xf32>
      %abs3A_197 = math.absf %sub3A_196 : vector<16xf32>
      %add3A_198 = arith.addf %add3A_189, %abs3A_197 : vector<16xf32>
      %get3A_199 = arith.constant 64 : index
      %get3A_200 = tpu.vector_load %arg12[%get3A_199] {strides = array<i32>} : memref<256xf32, #tpu.memory_space<vmem>>, vector<16xf32>,
      %get3A_201 = vector.shape_cast %get3A_200 : vector<16xf32> to vector<16xf32>
      %get3A_202 = arith.constant 64 : index
      %get3A_203 = tpu.vector_load %arg14[%get3A_202] {strides = array<i32>} : memref<256xf32, #tpu.memory_space<vmem>>, vector<16xf32>,
      %get3A_204 = vector.shape_cast %get3A_203 : vector<16xf32> to vector<16xf32>
      %sub3A_205 = arith.subf %get3A_201, %get3A_204 : vector<16xf32>
      %abs3A_206 = math.absf %sub3A_205 : vector<16xf32>
      %add3A_207 = arith.addf %add3A_198, %abs3A_206 : vector<16xf32>
      %get3A_208 = arith.constant 64 : index
      %get3A_209 = tpu.vector_load %arg13[%get3A_208] {strides = array<i32>} : memref<256xf32, #tpu.memory_space<vmem>>, vector<16xf32>,
      %get3A_210 = vector.shape_cast %get3A_209 : vector<16xf32> to vector<16xf32>
      %get3A_211 = arith.constant 64 : index
      %get3A_212 = tpu.vector_load %arg15[%get3A_211] {strides = array<i32>} : memref<256xf32, #tpu.memory_space<vmem>>, vector<16xf32>,
      %get3A_213 = vector.shape_cast %get3A_212 : vector<16xf32> to vector<16xf32>
      %sub3A_214 = arith.subf %get3A_210, %get3A_213 : vector<16xf32>
      %abs3A_215 = math.absf %sub3A_214 : vector<16xf32>
      %add3A_216 = arith.addf %add3A_207, %abs3A_215 : vector<16xf32>
      %get3A_217 = arith.constant 80 : index
      %get3A_218 = tpu.vector_load %arg12[%get3A_217] {strides = array<i32>} : memref<256xf32, #tpu.memory_space<vmem>>, vector<16xf32>,
      %get3A_219 = vector.shape_cast %get3A_218 : vector<16xf32> to vector<16xf32>
      %get3A_220 = arith.constant 80 : index
      %get3A_221 = tpu.vector_load %arg14[%get3A_220] {strides = array<i32>} : memref<256xf32, #tpu.memory_space<vmem>>, vector<16xf32>,
      %get3A_222 = vector.shape_cast %get3A_221 : vector<16xf32> to vector<16xf32>
      %sub3A_223 = arith.subf %get3A_219, %get3A_222 : vector<16xf32>
      %abs3A_224 = math.absf %sub3A_223 : vector<16xf32>
      %add3A_225 = arith.addf %add3A_216, %abs3A_224 : vector<16xf32>
      %get3A_226 = arith.constant 80 : index
      %get3A_227 = tpu.vector_load %arg13[%get3A_226] {strides = array<i32>} : memref<256xf32, #tpu.memory_space<vmem>>, vector<16xf32>,
      %get3A_228 = vector.shape_cast %get3A_227 : vector<16xf32> to vector<16xf32>
      %get3A_229 = arith.constant 80 : index
      %get3A_230 = tpu.vector_load %arg15[%get3A_229] {strides = array<i32>} : memref<256xf32, #tpu.memory_space<vmem>>, vector<16xf32>,
      %get3A_231 = vector.shape_cast %get3A_230 : vector<16xf32> to vector<16xf32>
      %sub3A_232 = arith.subf %get3A_228, %get3A_231 : vector<16xf32>
      %abs3A_233 = math.absf %sub3A_232 : vector<16xf32>
      %add3A_234 = arith.addf %add3A_225, %abs3A_233 : vector<16xf32>
      %get3A_235 = arith.constant 96 : index
      %get3A_236 = tpu.vector_load %arg12[%get3A_235] {strides = array<i32>} : memref<256xf32, #tpu.memory_space<vmem>>, vector<16xf32>,
      %get3A_237 = vector.shape_cast %get3A_236 : vector<16xf32> to vector<16xf32>
      %get3A_238 = arith.constant 96 : index
      %get3A_239 = tpu.vector_load %arg14[%get3A_238] {strides = array<i32>} : memref<256xf32, #tpu.memory_space<vmem>>, vector<16xf32>,
      %get3A_240 = vector.shape_cast %get3A_239 : vector<16xf32> to vector<16xf32>
      %sub3A_241 = arith.subf %get3A_237, %get3A_240 : vector<16xf32>
      %abs3A_242 = math.absf %sub3A_241 : vector<16xf32>
      %add3A_243 = arith.addf %add3A_234, %abs3A_242 : vector<16xf32>
      %get3A_244 = arith.constant 96 : index
      %get3A_245 = tpu.vector_load %arg13[%get3A_244] {strides = array<i32>} : memref<256xf32, #tpu.memory_space<vmem>>, vector<16xf32>,
      %get3A_246 = vector.shape_cast %get3A_245 : vector<16xf32> to vector<16xf32>
      %get3A_247 = arith.constant 96 : index
      %get3A_248 = tpu.vector_load %arg15[%get3A_247] {strides = array<i32>} : memref<256xf32, #tpu.memory_space<vmem>>, vector<16xf32>,
      %get3A_249 = vector.shape_cast %get3A_248 : vector<16xf32> to vector<16xf32>
      %sub3A_250 = arith.subf %get3A_246, %get3A_249 : vector<16xf32>
      %abs3A_251 = math.absf %sub3A_250 : vector<16xf32>
      %add3A_252 = arith.addf %add3A_243, %abs3A_251 : vector<16xf32>
      %get3A_253 = arith.constant 112 : index
      %get3A_254 = tpu.vector_load %arg12[%get3A_253] {strides = array<i32>} : memref<256xf32, #tpu.memory_space<vmem>>, vector<16xf32>,
      %get3A_255 = vector.shape_cast %get3A_254 : vector<16xf32> to vector<16xf32>
      %get3A_256 = arith.constant 112 : index
      %get3A_257 = tpu.vector_load %arg14[%get3A_256] {strides = array<i32>} : memref<256xf32, #tpu.memory_space<vmem>>, vector<16xf32>,
      %get3A_258 = vector.shape_cast %get3A_257 : vector<16xf32> to vector<16xf32>
      %sub3A_259 = arith.subf %get3A_255, %get3A_258 : vector<16xf32>
      %abs3A_260 = math.absf %sub3A_259 : vector<16xf32>
      %add3A_261 = arith.addf %add3A_252, %abs3A_260 : vector<16xf32>
      %get3A_262 = arith.constant 112 : index
      %get3A_263 = tpu.vector_load %arg13[%get3A_262] {strides = array<i32>} : memref<256xf32, #tpu.memory_space<vmem>>, vector<16xf32>,
      %get3A_264 = vector.shape_cast %get3A_263 : vector<16xf32> to vector<16xf32>
      %get3A_265 = arith.constant 112 : index
      %get3A_266 = tpu.vector_load %arg15[%get3A_265] {strides = array<i32>} : memref<256xf32, #tpu.memory_space<vmem>>, vector<16xf32>,
      %get3A_267 = vector.shape_cast %get3A_266 : vector<16xf32> to vector<16xf32>
      %sub3A_268 = arith.subf %get3A_264, %get3A_267 : vector<16xf32>
      %abs3A_269 = math.absf %sub3A_268 : vector<16xf32>
      %add3A_270 = arith.addf %add3A_261, %abs3A_269 : vector<16xf32>
      %get3A_271 = arith.constant 128 : index
      %get3A_272 = tpu.vector_load %arg12[%get3A_271] {strides = array<i32>} : memref<256xf32, #tpu.memory_space<vmem>>, vector<16xf32>,
      %get3A_273 = vector.shape_cast %get3A_272 : vector<16xf32> to vector<16xf32>
      %get3A_274 = arith.constant 128 : index
      %get3A_275 = tpu.vector_load %arg14[%get3A_274] {strides = array<i32>} : memref<256xf32, #tpu.memory_space<vmem>>, vector<16xf32>,
      %get3A_276 = vector.shape_cast %get3A_275 : vector<16xf32> to vector<16xf32>
      %sub3A_277 = arith.subf %get3A_273, %get3A_276 : vector<16xf32>
      %abs3A_278 = math.absf %sub3A_277 : vector<16xf32>
      %add3A_279 = arith.addf %add3A_270, %abs3A_278 : vector<16xf32>
      %get3A_280 = arith.constant 128 : index
      %get3A_281 = tpu.vector_load %arg13[%get3A_280] {strides = array<i32>} : memref<256xf32, #tpu.memory_space<vmem>>, vector<16xf32>,
      %get3A_282 = vector.shape_cast %get3A_281 : vector<16xf32> to vector<16xf32>
      %get3A_283 = arith.constant 128 : index
      %get3A_284 = tpu.vector_load %arg15[%get3A_283] {strides = array<i32>} : memref<256xf32, #tpu.memory_space<vmem>>, vector<16xf32>,
      %get3A_285 = vector.shape_cast %get3A_284 : vector<16xf32> to vector<16xf32>
      %sub3A_286 = arith.subf %get3A_282, %get3A_285 : vector<16xf32>
      %abs3A_287 = math.absf %sub3A_286 : vector<16xf32>
      %add3A_288 = arith.addf %add3A_279, %abs3A_287 : vector<16xf32>
      %get3A_289 = arith.constant 144 : index
      %get3A_290 = tpu.vector_load %arg12[%get3A_289] {strides = array<i32>} : memref<256xf32, #tpu.memory_space<vmem>>, vector<16xf32>,
      %get3A_291 = vector.shape_cast %get3A_290 : vector<16xf32> to vector<16xf32>
      %get3A_292 = arith.constant 144 : index
      %get3A_293 = tpu.vector_load %arg14[%get3A_292] {strides = array<i32>} : memref<256xf32, #tpu.memory_space<vmem>>, vector<16xf32>,
      %get3A_294 = vector.shape_cast %get3A_293 : vector<16xf32> to vector<16xf32>
      %sub3A_295 = arith.subf %get3A_291, %get3A_294 : vector<16xf32>
      %abs3A_296 = math.absf %sub3A_295 : vector<16xf32>
      %add3A_297 = arith.addf %add3A_288, %abs3A_296 : vector<16xf32>
      %get3A_298 = arith.constant 144 : index
      %get3A_299 = tpu.vector_load %arg13[%get3A_298] {strides = array<i32>} : memref<256xf32, #tpu.memory_space<vmem>>, vector<16xf32>,
      %get3A_300 = vector.shape_cast %get3A_299 : vector<16xf32> to vector<16xf32>
      %get3A_301 = arith.constant 144 : index
      %get3A_302 = tpu.vector_load %arg15[%get3A_301] {strides = array<i32>} : memref<256xf32, #tpu.memory_space<vmem>>, vector<16xf32>,
      %get3A_303 = vector.shape_cast %get3A_302 : vector<16xf32> to vector<16xf32>
      %sub3A_304 = arith.subf %get3A_300, %get3A_303 : vector<16xf32>
      %abs3A_305 = math.absf %sub3A_304 : vector<16xf32>
      %add3A_306 = arith.addf %add3A_297, %abs3A_305 : vector<16xf32>
      %get3A_307 = arith.constant 160 : index
      %get3A_308 = tpu.vector_load %arg12[%get3A_307] {strides = array<i32>} : memref<256xf32, #tpu.memory_space<vmem>>, vector<16xf32>,
      %get3A_309 = vector.shape_cast %get3A_308 : vector<16xf32> to vector<16xf32>
      %get3A_310 = arith.constant 160 : index
      %get3A_311 = tpu.vector_load %arg14[%get3A_310] {strides = array<i32>} : memref<256xf32, #tpu.memory_space<vmem>>, vector<16xf32>,
      %get3A_312 = vector.shape_cast %get3A_311 : vector<16xf32> to vector<16xf32>
      %sub3A_313 = arith.subf %get3A_309, %get3A_312 : vector<16xf32>
      %abs3A_314 = math.absf %sub3A_313 : vector<16xf32>
      %add3A_315 = arith.addf %add3A_306, %abs3A_314 : vector<16xf32>
      %get3A_316 = arith.constant 160 : index
      %get3A_317 = tpu.vector_load %arg13[%get3A_316] {strides = array<i32>} : memref<256xf32, #tpu.memory_space<vmem>>, vector<16xf32>,
      %get3A_318 = vector.shape_cast %get3A_317 : vector<16xf32> to vector<16xf32>
      %get3A_319 = arith.constant 160 : index
      %get3A_320 = tpu.vector_load %arg15[%get3A_319] {strides = array<i32>} : memref<256xf32, #tpu.memory_space<vmem>>, vector<16xf32>,
      %get3A_321 = vector.shape_cast %get3A_320 : vector<16xf32> to vector<16xf32>
      %sub3A_322 = arith.subf %get3A_318, %get3A_321 : vector<16xf32>
      %abs3A_323 = math.absf %sub3A_322 : vector<16xf32>
      %add3A_324 = arith.addf %add3A_315, %abs3A_323 : vector<16xf32>
      %get3A_325 = arith.constant 176 : index
      %get3A_326 = tpu.vector_load %arg12[%get3A_325] {strides = array<i32>} : memref<256xf32, #tpu.memory_space<vmem>>, vector<16xf32>,
      %get3A_327 = vector.shape_cast %get3A_326 : vector<16xf32> to vector<16xf32>
      %get3A_328 = arith.constant 176 : index
      %get3A_329 = tpu.vector_load %arg14[%get3A_328] {strides = array<i32>} : memref<256xf32, #tpu.memory_space<vmem>>, vector<16xf32>,
      %get3A_330 = vector.shape_cast %get3A_329 : vector<16xf32> to vector<16xf32>
      %sub3A_331 = arith.subf %get3A_327, %get3A_330 : vector<16xf32>
      %abs3A_332 = math.absf %sub3A_331 : vector<16xf32>
      %add3A_333 = arith.addf %add3A_324, %abs3A_332 : vector<16xf32>
      %get3A_334 = arith.constant 176 : index
      %get3A_335 = tpu.vector_load %arg13[%get3A_334] {strides = array<i32>} : memref<256xf32, #tpu.memory_space<vmem>>, vector<16xf32>,
      %get3A_336 = vector.shape_cast %get3A_335 : vector<16xf32> to vector<16xf32>
      %get3A_337 = arith.constant 176 : index
      %get3A_338 = tpu.vector_load %arg15[%get3A_337] {strides = array<i32>} : memref<256xf32, #tpu.memory_space<vmem>>, vector<16xf32>,
      %get3A_339 = vector.shape_cast %get3A_338 : vector<16xf32> to vector<16xf32>
      %sub3A_340 = arith.subf %get3A_336, %get3A_339 : vector<16xf32>
      %abs3A_341 = math.absf %sub3A_340 : vector<16xf32>
      %add3A_342 = arith.addf %add3A_333, %abs3A_341 : vector<16xf32>
      %get3A_343 = arith.constant 192 : index
      %get3A_344 = tpu.vector_load %arg12[%get3A_343] {strides = array<i32>} : memref<256xf32, #tpu.memory_space<vmem>>, vector<16xf32>,
      %get3A_345 = vector.shape_cast %get3A_344 : vector<16xf32> to vector<16xf32>
      %get3A_346 = arith.constant 192 : index
      %get3A_347 = tpu.vector_load %arg14[%get3A_346] {strides = array<i32>} : memref<256xf32, #tpu.memory_space<vmem>>, vector<16xf32>,
      %get3A_348 = vector.shape_cast %get3A_347 : vector<16xf32> to vector<16xf32>
      %sub3A_349 = arith.subf %get3A_345, %get3A_348 : vector<16xf32>
      %abs3A_350 = math.absf %sub3A_349 : vector<16xf32>
      %add3A_351 = arith.addf %add3A_342, %abs3A_350 : vector<16xf32>
      %get3A_352 = arith.constant 192 : index
      %get3A_353 = tpu.vector_load %arg13[%get3A_352] {strides = array<i32>} : memref<256xf32, #tpu.memory_space<vmem>>, vector<16xf32>,
      %get3A_354 = vector.shape_cast %get3A_353 : vector<16xf32> to vector<16xf32>
      %get3A_355 = arith.constant 192 : index
      %get3A_356 = tpu.vector_load %arg15[%get3A_355] {strides = array<i32>} : memref<256xf32, #tpu.memory_space<vmem>>, vector<16xf32>,
      %get3A_357 = vector.shape_cast %get3A_356 : vector<16xf32> to vector<16xf32>
      %sub3A_358 = arith.subf %get3A_354, %get3A_357 : vector<16xf32>
      %abs3A_359 = math.absf %sub3A_358 : vector<16xf32>
      %add3A_360 = arith.addf %add3A_351, %abs3A_359 : vector<16xf32>
      %get3A_361 = arith.constant 208 : index
      %get3A_362 = tpu.vector_load %arg12[%get3A_361] {strides = array<i32>} : memref<256xf32, #tpu.memory_space<vmem>>, vector<16xf32>,
      %get3A_363 = vector.shape_cast %get3A_362 : vector<16xf32> to vector<16xf32>
      %get3A_364 = arith.constant 208 : index
      %get3A_365 = tpu.vector_load %arg14[%get3A_364] {strides = array<i32>} : memref<256xf32, #tpu.memory_space<vmem>>, vector<16xf32>,
      %get3A_366 = vector.shape_cast %get3A_365 : vector<16xf32> to vector<16xf32>
      %sub3A_367 = arith.subf %get3A_363, %get3A_366 : vector<16xf32>
      %abs3A_368 = math.absf %sub3A_367 : vector<16xf32>
      %add3A_369 = arith.addf %add3A_360, %abs3A_368 : vector<16xf32>
      %get3A_370 = arith.constant 208 : index
      %get3A_371 = tpu.vector_load %arg13[%get3A_370] {strides = array<i32>} : memref<256xf32, #tpu.memory_space<vmem>>, vector<16xf32>,
      %get3A_372 = vector.shape_cast %get3A_371 : vector<16xf32> to vector<16xf32>
      %get3A_373 = arith.constant 208 : index
      %get3A_374 = tpu.vector_load %arg15[%get3A_373] {strides = array<i32>} : memref<256xf32, #tpu.memory_space<vmem>>, vector<16xf32>,
      %get3A_375 = vector.shape_cast %get3A_374 : vector<16xf32> to vector<16xf32>
      %sub3A_376 = arith.subf %get3A_372, %get3A_375 : vector<16xf32>
      %abs3A_377 = math.absf %sub3A_376 : vector<16xf32>
      %add3A_378 = arith.addf %add3A_369, %abs3A_377 : vector<16xf32>
      %get3A_379 = arith.constant 224 : index
      %get3A_380 = tpu.vector_load %arg12[%get3A_379] {strides = array<i32>} : memref<256xf32, #tpu.memory_space<vmem>>, vector<16xf32>,
      %get3A_381 = vector.shape_cast %get3A_380 : vector<16xf32> to vector<16xf32>
      %get3A_382 = arith.constant 224 : index
      %get3A_383 = tpu.vector_load %arg14[%get3A_382] {strides = array<i32>} : memref<256xf32, #tpu.memory_space<vmem>>, vector<16xf32>,
      %get3A_384 = vector.shape_cast %get3A_383 : vector<16xf32> to vector<16xf32>
      %sub3A_385 = arith.subf %get3A_381, %get3A_384 : vector<16xf32>
      %abs3A_386 = math.absf %sub3A_385 : vector<16xf32>
      %add3A_387 = arith.addf %add3A_378, %abs3A_386 : vector<16xf32>
      %get3A_388 = arith.constant 224 : index
      %get3A_389 = tpu.vector_load %arg13[%get3A_388] {strides = array<i32>} : memref<256xf32, #tpu.memory_space<vmem>>, vector<16xf32>,
      %get3A_390 = vector.shape_cast %get3A_389 : vector<16xf32> to vector<16xf32>
      %get3A_391 = arith.constant 224 : index
      %get3A_392 = tpu.vector_load %arg15[%get3A_391] {strides = array<i32>} : memref<256xf32, #tpu.memory_space<vmem>>, vector<16xf32>,
      %get3A_393 = vector.shape_cast %get3A_392 : vector<16xf32> to vector<16xf32>
      %sub3A_394 = arith.subf %get3A_390, %get3A_393 : vector<16xf32>
      %abs3A_395 = math.absf %sub3A_394 : vector<16xf32>
      %add3A_396 = arith.addf %add3A_387, %abs3A_395 : vector<16xf32>
      %get3A_397 = arith.constant 240 : index
      %get3A_398 = tpu.vector_load %arg12[%get3A_397] {strides = array<i32>} : memref<256xf32, #tpu.memory_space<vmem>>, vector<16xf32>,
      %get3A_399 = vector.shape_cast %get3A_398 : vector<16xf32> to vector<16xf32>
      %get3A_400 = arith.constant 240 : index
      %get3A_401 = tpu.vector_load %arg14[%get3A_400] {strides = array<i32>} : memref<256xf32, #tpu.memory_space<vmem>>, vector<16xf32>,
      %get3A_402 = vector.shape_cast %get3A_401 : vector<16xf32> to vector<16xf32>
      %sub3A_403 = arith.subf %get3A_399, %get3A_402 : vector<16xf32>
      %abs3A_404 = math.absf %sub3A_403 : vector<16xf32>
      %add3A_405 = arith.addf %add3A_396, %abs3A_404 : vector<16xf32>
      %get3A_406 = arith.constant 240 : index
      %get3A_407 = tpu.vector_load %arg13[%get3A_406] {strides = array<i32>} : memref<256xf32, #tpu.memory_space<vmem>>, vector<16xf32>,
      %get3A_408 = vector.shape_cast %get3A_407 : vector<16xf32> to vector<16xf32>
      %get3A_409 = arith.constant 240 : index
      %get3A_410 = tpu.vector_load %arg15[%get3A_409] {strides = array<i32>} : memref<256xf32, #tpu.memory_space<vmem>>, vector<16xf32>,
      %get3A_411 = vector.shape_cast %get3A_410 : vector<16xf32> to vector<16xf32>
      %sub3A_412 = arith.subf %get3A_408, %get3A_411 : vector<16xf32>
      %abs3A_413 = math.absf %sub3A_412 : vector<16xf32>
      %add3A_414 = arith.addf %add3A_405, %abs3A_413 : vector<16xf32>
      %swap3A = arith.constant 0 : i32
      %swap3A_415 = arith.index_cast %swap3A : i32 to index
      %swap3A_416 = arith.constant 0 : index
      %swap3A_417 = tpu.vector_load %arg16[%swap3A_415, %swap3A_416] {strides = array<i32>} : memref<8x16xf32, #tpu.memory_space<vmem>>, vector<1x16xf32>,
      %swap3A_418 = vector.shape_cast %swap3A_417 : vector<1x16xf32> to vector<16xf32>
      %swap3A_419 = vector.shape_cast %add3A_414 : vector<16xf32> to vector<1x16xf32>
      tpu.vector_store %arg16[%swap3A_415, %swap3A_416], %swap3A_419 {strides = array<i32>} : memref<8x16xf32, #tpu.memory_space<vmem>>, vector<1x16xf32>,
      %swap3A_420 = arith.constant 1 : i32
      %swap3A_421 = arith.index_cast %swap3A_420 : i32 to index
      %swap3A_422 = arith.constant 0 : index
      %swap3A_423 = tpu.vector_load %arg16[%swap3A_421, %swap3A_422] {strides = array<i32>} : memref<8x16xf32, #tpu.memory_space<vmem>>, vector<1x16xf32>,
      %swap3A_424 = vector.shape_cast %swap3A_423 : vector<1x16xf32> to vector<16xf32>
      %swap3A_425 = vector.shape_cast %broadcast_in_dim3A_129 : vector<16xf32> to vector<1x16xf32>
      tpu.vector_store %arg16[%swap3A_421, %swap3A_422], %swap3A_425 {strides = array<i32>} : memref<8x16xf32, #tpu.memory_space<vmem>>, vector<1x16xf32>,
      %swap3A_426 = arith.constant 2 : i32
      %swap3A_427 = arith.index_cast %swap3A_426 : i32 to index
      %swap3A_428 = arith.constant 0 : index
      %swap3A_429 = tpu.vector_load %arg16[%swap3A_427, %swap3A_428] {strides = array<i32>} : memref<8x16xf32, #tpu.memory_space<vmem>>, vector<1x16xf32>,
      %swap3A_430 = vector.shape_cast %swap3A_429 : vector<1x16xf32> to vector<16xf32>
      %swap3A_431 = vector.shape_cast %broadcast_in_dim3A_129 : vector<16xf32> to vector<1x16xf32>
      tpu.vector_store %arg16[%swap3A_427, %swap3A_428], %swap3A_431 {strides = array<i32>} : memref<8x16xf32, #tpu.memory_space<vmem>>, vector<1x16xf32>,
      %swap3A_432 = arith.constant 3 : i32
      %swap3A_433 = arith.index_cast %swap3A_432 : i32 to index
      %swap3A_434 = arith.constant 0 : index
      %swap3A_435 = tpu.vector_load %arg16[%swap3A_433, %swap3A_434] {strides = array<i32>} : memref<8x16xf32, #tpu.memory_space<vmem>>, vector<1x16xf32>,
      %swap3A_436 = vector.shape_cast %swap3A_435 : vector<1x16xf32> to vector<16xf32>
      %swap3A_437 = vector.shape_cast %broadcast_in_dim3A_129 : vector<16xf32> to vector<1x16xf32>
      tpu.vector_store %arg16[%swap3A_433, %swap3A_434], %swap3A_437 {strides = array<i32>} : memref<8x16xf32, #tpu.memory_space<vmem>>, vector<1x16xf32>,
      %swap3A_438 = arith.constant 4 : i32
      %swap3A_439 = arith.index_cast %swap3A_438 : i32 to index
      %swap3A_440 = arith.constant 0 : index
      %swap3A_441 = tpu.vector_load %arg16[%swap3A_439, %swap3A_440] {strides = array<i32>} : memref<8x16xf32, #tpu.memory_space<vmem>>, vector<1x16xf32>,
      %swap3A_442 = vector.shape_cast %swap3A_441 : vector<1x16xf32> to vector<16xf32>
      %swap3A_443 = vector.shape_cast %broadcast_in_dim3A_129 : vector<16xf32> to vector<1x16xf32>
      tpu.vector_store %arg16[%swap3A_439, %swap3A_440], %swap3A_443 {strides = array<i32>} : memref<8x16xf32, #tpu.memory_space<vmem>>, vector<1x16xf32>,
      %swap3A_444 = arith.constant 5 : i32
      %swap3A_445 = arith.index_cast %swap3A_444 : i32 to index
      %swap3A_446 = arith.constant 0 : index
      %swap3A_447 = tpu.vector_load %arg16[%swap3A_445, %swap3A_446] {strides = array<i32>} : memref<8x16xf32, #tpu.memory_space<vmem>>, vector<1x16xf32>,
      %swap3A_448 = vector.shape_cast %swap3A_447 : vector<1x16xf32> to vector<16xf32>
      %swap3A_449 = vector.shape_cast %broadcast_in_dim3A_129 : vector<16xf32> to vector<1x16xf32>
      tpu.vector_store %arg16[%swap3A_445, %swap3A_446], %swap3A_449 {strides = array<i32>} : memref<8x16xf32, #tpu.memory_space<vmem>>, vector<1x16xf32>,
      %swap3A_450 = arith.constant 6 : i32
      %swap3A_451 = arith.index_cast %swap3A_450 : i32 to index
      %swap3A_452 = arith.constant 0 : index
      %swap3A_453 = tpu.vector_load %arg16[%swap3A_451, %swap3A_452] {strides = array<i32>} : memref<8x16xf32, #tpu.memory_space<vmem>>, vector<1x16xf32>,
      %swap3A_454 = vector.shape_cast %swap3A_453 : vector<1x16xf32> to vector<16xf32>
      %swap3A_455 = vector.shape_cast %broadcast_in_dim3A_129 : vector<16xf32> to vector<1x16xf32>
      tpu.vector_store %arg16[%swap3A_451, %swap3A_452], %swap3A_455 {strides = array<i32>} : memref<8x16xf32, #tpu.memory_space<vmem>>, vector<1x16xf32>,
      %swap3A_456 = arith.constant 7 : i32
      %swap3A_457 = arith.index_cast %swap3A_456 : i32 to index
      %swap3A_458 = arith.constant 0 : index
      %swap3A_459 = tpu.vector_load %arg16[%swap3A_457, %swap3A_458] {strides = array<i32>} : memref<8x16xf32, #tpu.memory_space<vmem>>, vector<1x16xf32>,
      %swap3A_460 = vector.shape_cast %swap3A_459 : vector<1x16xf32> to vector<16xf32>
      %swap3A_461 = vector.shape_cast %broadcast_in_dim3A_129 : vector<16xf32> to vector<1x16xf32>
      tpu.vector_store %arg16[%swap3A_457, %swap3A_458], %swap3A_461 {strides = array<i32>} : memref<8x16xf32, #tpu.memory_space<vmem>>, vector<1x16xf32>,
      "tpu.region"() ({
        %run_scoped3A = tpu.sem_alloc : memref<!tpu.dma_semaphore, #tpu.memory_space<semaphore_mem>>
        tpu.enqueue_dma source(%arg16 : memref<8x16xf32, #tpu.memory_space<vmem>>) target(%arg8 : memref<8x16xf32, #tpu.memory_space<hbm>>) target_semaphore(%run_scoped3A : memref<!tpu.dma_semaphore, #tpu.memory_space<semaphore_mem>>)
        tpu.wait_dma2 semaphore(%run_scoped3A : memref<!tpu.dma_semaphore, #tpu.memory_space<semaphore_mem>>) src(%arg16 : memref<8x16xf32, #tpu.memory_space<vmem>>) dst(%arg8 : memref<8x16xf32, #tpu.memory_space<hbm>>)
        tpu.yield
      }) : () -> ()
    } else {
    }
    return
  }
}

#map = affine_map<(d0, d1) -> (0)>
#map1 = affine_map<(d0, d1) -> (0, 0)>
module attributes {stable_mosaic.version = 14 : i64} {
  func.func @sck(%arg0: i32, %arg1: i32, %arg2: memref<65536xf32, #tpu.memory_space<hbm>>, %arg3: memref<65536xf32, #tpu.memory_space<hbm>>, %arg4: memref<4x128xi32, #tpu.memory_space<hbm>>, %arg5: memref<4x128xi32, #tpu.memory_space<hbm>>, %arg6: memref<512xf32, #tpu.memory_space<hbm>>, %arg7: memref<512xf32, #tpu.memory_space<hbm>>, %arg8: memref<512xf32, #tpu.memory_space<hbm>>, %arg9: memref<8x16xf32, #tpu.memory_space<hbm>>, %arg10: memref<4x128xi32, #tpu.memory_space<vmem>>, %arg11: memref<4x128xi32, #tpu.memory_space<vmem>>, %arg12: memref<512xf32, #tpu.memory_space<vmem>>, %arg13: memref<512xf32, #tpu.memory_space<vmem>>, %arg14: memref<512xf32, #tpu.memory_space<vmem>>, %arg15: memref<512xf32, #tpu.memory_space<vmem>>, %arg16: memref<512xf32, #tpu.memory_space<vmem>>, %arg17: memref<8x16xf32, #tpu.memory_space<vmem>>, %arg18: memref<!tpu.dma_semaphore, #tpu.memory_space<semaphore_mem>>) attributes {dimension_semantics = [#tpu.dimension_semantics<core_parallel>, #tpu.dimension_semantics<subcore_parallel>], iteration_bounds = array<i64: 2, 16>, scalar_prefetch = 0 : i64, scratch_operands = 9 : i64, tpu.core_type = #tpu.core_type<sc_vector_subcore>, window_params = [{transform_indices = #map}, {transform_indices = #map}, {transform_indices = #map1}, {transform_indices = #map1}, {transform_indices = #map}, {transform_indices = #map}, {transform_indices = #map}, {transform_indices = #map1}]} {
    %mul3A = arith.constant 2 : i32
    %mul3A_0 = arith.muli %arg1, %mul3A : i32
    %add3A = arith.addi %mul3A_0, %arg0 : i32
    %eq3A = arith.constant 0 : i32
    %eq3A_1 = arith.cmpi eq, %add3A, %eq3A : i32
    %convert_element_type3A = arith.extui %eq3A_1 : i1 to i32
    %cond3A = arith.constant 0 : i32
    %cond3A_2 = arith.cmpi ne, %convert_element_type3A, %cond3A : i32
    scf.if %cond3A_2 {
      "tpu.region"() ({
        %run_scoped3A = tpu.sem_alloc : memref<!tpu.dma_semaphore, #tpu.memory_space<semaphore_mem>>
        tpu.enqueue_dma source(%arg4 : memref<4x128xi32, #tpu.memory_space<hbm>>) target(%arg10 : memref<4x128xi32, #tpu.memory_space<vmem>>) target_semaphore(%run_scoped3A : memref<!tpu.dma_semaphore, #tpu.memory_space<semaphore_mem>>)
        tpu.wait_dma2 semaphore(%run_scoped3A : memref<!tpu.dma_semaphore, #tpu.memory_space<semaphore_mem>>) src(%arg4 : memref<4x128xi32, #tpu.memory_space<hbm>>) dst(%arg10 : memref<4x128xi32, #tpu.memory_space<vmem>>)
        tpu.yield
      }) : () -> ()
      "tpu.region"() ({
        %run_scoped3A = tpu.sem_alloc : memref<!tpu.dma_semaphore, #tpu.memory_space<semaphore_mem>>
        tpu.enqueue_dma source(%arg5 : memref<4x128xi32, #tpu.memory_space<hbm>>) target(%arg11 : memref<4x128xi32, #tpu.memory_space<vmem>>) target_semaphore(%run_scoped3A : memref<!tpu.dma_semaphore, #tpu.memory_space<semaphore_mem>>)
        tpu.wait_dma2 semaphore(%run_scoped3A : memref<!tpu.dma_semaphore, #tpu.memory_space<semaphore_mem>>) src(%arg5 : memref<4x128xi32, #tpu.memory_space<hbm>>) dst(%arg11 : memref<4x128xi32, #tpu.memory_space<vmem>>)
        tpu.yield
      }) : () -> ()
      "tpu.region"() ({
        %run_scoped3A = tpu.sem_alloc : memref<!tpu.dma_semaphore, #tpu.memory_space<semaphore_mem>>
        tpu.enqueue_dma source(%arg6 : memref<512xf32, #tpu.memory_space<hbm>>) target(%arg14 : memref<512xf32, #tpu.memory_space<vmem>>) target_semaphore(%run_scoped3A : memref<!tpu.dma_semaphore, #tpu.memory_space<semaphore_mem>>)
        tpu.wait_dma2 semaphore(%run_scoped3A : memref<!tpu.dma_semaphore, #tpu.memory_space<semaphore_mem>>) src(%arg6 : memref<512xf32, #tpu.memory_space<hbm>>) dst(%arg14 : memref<512xf32, #tpu.memory_space<vmem>>)
        tpu.yield
      }) : () -> ()
      "tpu.region"() ({
        %run_scoped3A = tpu.sem_alloc : memref<!tpu.dma_semaphore, #tpu.memory_space<semaphore_mem>>
        tpu.enqueue_dma source(%arg7 : memref<512xf32, #tpu.memory_space<hbm>>) target(%arg15 : memref<512xf32, #tpu.memory_space<vmem>>) target_semaphore(%run_scoped3A : memref<!tpu.dma_semaphore, #tpu.memory_space<semaphore_mem>>)
        tpu.wait_dma2 semaphore(%run_scoped3A : memref<!tpu.dma_semaphore, #tpu.memory_space<semaphore_mem>>) src(%arg7 : memref<512xf32, #tpu.memory_space<hbm>>) dst(%arg15 : memref<512xf32, #tpu.memory_space<vmem>>)
        tpu.yield
      }) : () -> ()
      "tpu.region"() ({
        %run_scoped3A = tpu.sem_alloc : memref<!tpu.dma_semaphore, #tpu.memory_space<semaphore_mem>>
        tpu.enqueue_dma source(%arg8 : memref<512xf32, #tpu.memory_space<hbm>>) target(%arg16 : memref<512xf32, #tpu.memory_space<vmem>>) target_semaphore(%run_scoped3A : memref<!tpu.dma_semaphore, #tpu.memory_space<semaphore_mem>>)
        tpu.wait_dma2 semaphore(%run_scoped3A : memref<!tpu.dma_semaphore, #tpu.memory_space<semaphore_mem>>) src(%arg8 : memref<512xf32, #tpu.memory_space<hbm>>) dst(%arg16 : memref<512xf32, #tpu.memory_space<vmem>>)
        tpu.yield
      }) : () -> ()
      %dma_start3A = arith.constant 0 : i32
      %dma_start3A_3 = arith.constant 0 : i32
      %dma_start3A_4 = tpu.memref_slice %arg12[%dma_start3A_3] : memref<512xf32, #tpu.memory_space<vmem>> -> memref<128xf32, #tpu.memory_space<vmem>>
      %dma_start3A_5 = arith.constant 0 : i32
      %dma_start3A_6 = tpu.memref_slice %arg10[%dma_start3A, %dma_start3A_5] : memref<4x128xi32, #tpu.memory_space<vmem>> -> memref<1x128xi32, #tpu.memory_space<vmem>>
      %dma_start3A_7 = tpu.memref_squeeze %dma_start3A_6 : memref<1x128xi32, #tpu.memory_space<vmem>> -> memref<128xi32, #tpu.memory_space<vmem>>
      %dma_start3A_8 = arith.constant 0 : i32
      %dma_start3A_9 = tpu.memref_slice %arg2[%dma_start3A_8] : memref<65536xf32, #tpu.memory_space<hbm>> -> memref<65536xf32, #tpu.memory_space<hbm>>
      tpu.enqueue_indirect_dma source(%dma_start3A_9 : memref<65536xf32, #tpu.memory_space<hbm>>) target(%dma_start3A_4 : memref<128xf32, #tpu.memory_space<vmem>>) offsets(%dma_start3A_7 : memref<128xi32, #tpu.memory_space<vmem>>) semaphore(%arg18 : memref<!tpu.dma_semaphore, #tpu.memory_space<semaphore_mem>>)
      %dma_start3A_10 = arith.constant 0 : i32
      %dma_start3A_11 = arith.constant 0 : i32
      %dma_start3A_12 = tpu.memref_slice %arg13[%dma_start3A_11] : memref<512xf32, #tpu.memory_space<vmem>> -> memref<128xf32, #tpu.memory_space<vmem>>
      %dma_start3A_13 = arith.constant 0 : i32
      %dma_start3A_14 = tpu.memref_slice %arg11[%dma_start3A_10, %dma_start3A_13] : memref<4x128xi32, #tpu.memory_space<vmem>> -> memref<1x128xi32, #tpu.memory_space<vmem>>
      %dma_start3A_15 = tpu.memref_squeeze %dma_start3A_14 : memref<1x128xi32, #tpu.memory_space<vmem>> -> memref<128xi32, #tpu.memory_space<vmem>>
      %dma_start3A_16 = arith.constant 0 : i32
      %dma_start3A_17 = tpu.memref_slice %arg3[%dma_start3A_16] : memref<65536xf32, #tpu.memory_space<hbm>> -> memref<65536xf32, #tpu.memory_space<hbm>>
      tpu.enqueue_indirect_dma source(%dma_start3A_17 : memref<65536xf32, #tpu.memory_space<hbm>>) target(%dma_start3A_12 : memref<128xf32, #tpu.memory_space<vmem>>) offsets(%dma_start3A_15 : memref<128xi32, #tpu.memory_space<vmem>>) semaphore(%arg18 : memref<!tpu.dma_semaphore, #tpu.memory_space<semaphore_mem>>)
      %dma_start3A_18 = arith.constant 1 : i32
      %dma_start3A_19 = arith.constant 128 : i32
      %dma_start3A_20 = tpu.memref_slice %arg12[%dma_start3A_19] : memref<512xf32, #tpu.memory_space<vmem>> -> memref<128xf32, #tpu.memory_space<vmem>>
      %dma_start3A_21 = arith.constant 0 : i32
      %dma_start3A_22 = tpu.memref_slice %arg10[%dma_start3A_18, %dma_start3A_21] : memref<4x128xi32, #tpu.memory_space<vmem>> -> memref<1x128xi32, #tpu.memory_space<vmem>>
      %dma_start3A_23 = tpu.memref_squeeze %dma_start3A_22 : memref<1x128xi32, #tpu.memory_space<vmem>> -> memref<128xi32, #tpu.memory_space<vmem>>
      %dma_start3A_24 = arith.constant 0 : i32
      %dma_start3A_25 = tpu.memref_slice %arg2[%dma_start3A_24] : memref<65536xf32, #tpu.memory_space<hbm>> -> memref<65536xf32, #tpu.memory_space<hbm>>
      tpu.enqueue_indirect_dma source(%dma_start3A_25 : memref<65536xf32, #tpu.memory_space<hbm>>) target(%dma_start3A_20 : memref<128xf32, #tpu.memory_space<vmem>>) offsets(%dma_start3A_23 : memref<128xi32, #tpu.memory_space<vmem>>) semaphore(%arg18 : memref<!tpu.dma_semaphore, #tpu.memory_space<semaphore_mem>>)
      %dma_start3A_26 = arith.constant 1 : i32
      %dma_start3A_27 = arith.constant 128 : i32
      %dma_start3A_28 = tpu.memref_slice %arg13[%dma_start3A_27] : memref<512xf32, #tpu.memory_space<vmem>> -> memref<128xf32, #tpu.memory_space<vmem>>
      %dma_start3A_29 = arith.constant 0 : i32
      %dma_start3A_30 = tpu.memref_slice %arg11[%dma_start3A_26, %dma_start3A_29] : memref<4x128xi32, #tpu.memory_space<vmem>> -> memref<1x128xi32, #tpu.memory_space<vmem>>
      %dma_start3A_31 = tpu.memref_squeeze %dma_start3A_30 : memref<1x128xi32, #tpu.memory_space<vmem>> -> memref<128xi32, #tpu.memory_space<vmem>>
      %dma_start3A_32 = arith.constant 0 : i32
      %dma_start3A_33 = tpu.memref_slice %arg3[%dma_start3A_32] : memref<65536xf32, #tpu.memory_space<hbm>> -> memref<65536xf32, #tpu.memory_space<hbm>>
      tpu.enqueue_indirect_dma source(%dma_start3A_33 : memref<65536xf32, #tpu.memory_space<hbm>>) target(%dma_start3A_28 : memref<128xf32, #tpu.memory_space<vmem>>) offsets(%dma_start3A_31 : memref<128xi32, #tpu.memory_space<vmem>>) semaphore(%arg18 : memref<!tpu.dma_semaphore, #tpu.memory_space<semaphore_mem>>)
      %dma_start3A_34 = arith.constant 2 : i32
      %dma_start3A_35 = arith.constant 256 : i32
      %dma_start3A_36 = tpu.memref_slice %arg12[%dma_start3A_35] : memref<512xf32, #tpu.memory_space<vmem>> -> memref<128xf32, #tpu.memory_space<vmem>>
      %dma_start3A_37 = arith.constant 0 : i32
      %dma_start3A_38 = tpu.memref_slice %arg10[%dma_start3A_34, %dma_start3A_37] : memref<4x128xi32, #tpu.memory_space<vmem>> -> memref<1x128xi32, #tpu.memory_space<vmem>>
      %dma_start3A_39 = tpu.memref_squeeze %dma_start3A_38 : memref<1x128xi32, #tpu.memory_space<vmem>> -> memref<128xi32, #tpu.memory_space<vmem>>
      %dma_start3A_40 = arith.constant 0 : i32
      %dma_start3A_41 = tpu.memref_slice %arg2[%dma_start3A_40] : memref<65536xf32, #tpu.memory_space<hbm>> -> memref<65536xf32, #tpu.memory_space<hbm>>
      tpu.enqueue_indirect_dma source(%dma_start3A_41 : memref<65536xf32, #tpu.memory_space<hbm>>) target(%dma_start3A_36 : memref<128xf32, #tpu.memory_space<vmem>>) offsets(%dma_start3A_39 : memref<128xi32, #tpu.memory_space<vmem>>) semaphore(%arg18 : memref<!tpu.dma_semaphore, #tpu.memory_space<semaphore_mem>>)
      %dma_start3A_42 = arith.constant 2 : i32
      %dma_start3A_43 = arith.constant 256 : i32
      %dma_start3A_44 = tpu.memref_slice %arg13[%dma_start3A_43] : memref<512xf32, #tpu.memory_space<vmem>> -> memref<128xf32, #tpu.memory_space<vmem>>
      %dma_start3A_45 = arith.constant 0 : i32
      %dma_start3A_46 = tpu.memref_slice %arg11[%dma_start3A_42, %dma_start3A_45] : memref<4x128xi32, #tpu.memory_space<vmem>> -> memref<1x128xi32, #tpu.memory_space<vmem>>
      %dma_start3A_47 = tpu.memref_squeeze %dma_start3A_46 : memref<1x128xi32, #tpu.memory_space<vmem>> -> memref<128xi32, #tpu.memory_space<vmem>>
      %dma_start3A_48 = arith.constant 0 : i32
      %dma_start3A_49 = tpu.memref_slice %arg3[%dma_start3A_48] : memref<65536xf32, #tpu.memory_space<hbm>> -> memref<65536xf32, #tpu.memory_space<hbm>>
      tpu.enqueue_indirect_dma source(%dma_start3A_49 : memref<65536xf32, #tpu.memory_space<hbm>>) target(%dma_start3A_44 : memref<128xf32, #tpu.memory_space<vmem>>) offsets(%dma_start3A_47 : memref<128xi32, #tpu.memory_space<vmem>>) semaphore(%arg18 : memref<!tpu.dma_semaphore, #tpu.memory_space<semaphore_mem>>)
      %dma_start3A_50 = arith.constant 3 : i32
      %dma_start3A_51 = arith.constant 384 : i32
      %dma_start3A_52 = tpu.memref_slice %arg12[%dma_start3A_51] : memref<512xf32, #tpu.memory_space<vmem>> -> memref<128xf32, #tpu.memory_space<vmem>>
      %dma_start3A_53 = arith.constant 0 : i32
      %dma_start3A_54 = tpu.memref_slice %arg10[%dma_start3A_50, %dma_start3A_53] : memref<4x128xi32, #tpu.memory_space<vmem>> -> memref<1x128xi32, #tpu.memory_space<vmem>>
      %dma_start3A_55 = tpu.memref_squeeze %dma_start3A_54 : memref<1x128xi32, #tpu.memory_space<vmem>> -> memref<128xi32, #tpu.memory_space<vmem>>
      %dma_start3A_56 = arith.constant 0 : i32
      %dma_start3A_57 = tpu.memref_slice %arg2[%dma_start3A_56] : memref<65536xf32, #tpu.memory_space<hbm>> -> memref<65536xf32, #tpu.memory_space<hbm>>
      tpu.enqueue_indirect_dma source(%dma_start3A_57 : memref<65536xf32, #tpu.memory_space<hbm>>) target(%dma_start3A_52 : memref<128xf32, #tpu.memory_space<vmem>>) offsets(%dma_start3A_55 : memref<128xi32, #tpu.memory_space<vmem>>) semaphore(%arg18 : memref<!tpu.dma_semaphore, #tpu.memory_space<semaphore_mem>>)
      %dma_start3A_58 = arith.constant 3 : i32
      %dma_start3A_59 = arith.constant 384 : i32
      %dma_start3A_60 = tpu.memref_slice %arg13[%dma_start3A_59] : memref<512xf32, #tpu.memory_space<vmem>> -> memref<128xf32, #tpu.memory_space<vmem>>
      %dma_start3A_61 = arith.constant 0 : i32
      %dma_start3A_62 = tpu.memref_slice %arg11[%dma_start3A_58, %dma_start3A_61] : memref<4x128xi32, #tpu.memory_space<vmem>> -> memref<1x128xi32, #tpu.memory_space<vmem>>
      %dma_start3A_63 = tpu.memref_squeeze %dma_start3A_62 : memref<1x128xi32, #tpu.memory_space<vmem>> -> memref<128xi32, #tpu.memory_space<vmem>>
      %dma_start3A_64 = arith.constant 0 : i32
      %dma_start3A_65 = tpu.memref_slice %arg3[%dma_start3A_64] : memref<65536xf32, #tpu.memory_space<hbm>> -> memref<65536xf32, #tpu.memory_space<hbm>>
      tpu.enqueue_indirect_dma source(%dma_start3A_65 : memref<65536xf32, #tpu.memory_space<hbm>>) target(%dma_start3A_60 : memref<128xf32, #tpu.memory_space<vmem>>) offsets(%dma_start3A_63 : memref<128xi32, #tpu.memory_space<vmem>>) semaphore(%arg18 : memref<!tpu.dma_semaphore, #tpu.memory_space<semaphore_mem>>)
      %dma_wait3A = arith.constant 0 : i32
      %dma_wait3A_66 = arith.constant 0 : i32
      %dma_wait3A_67 = tpu.memref_slice %arg12[%dma_wait3A_66] : memref<512xf32, #tpu.memory_space<vmem>> -> memref<128xf32, #tpu.memory_space<vmem>>
      %dma_wait3A_68 = arith.constant 0 : i32
      %dma_wait3A_69 = tpu.memref_slice %arg10[%dma_wait3A, %dma_wait3A_68] : memref<4x128xi32, #tpu.memory_space<vmem>> -> memref<1x128xi32, #tpu.memory_space<vmem>>
      %dma_wait3A_70 = tpu.memref_squeeze %dma_wait3A_69 : memref<1x128xi32, #tpu.memory_space<vmem>> -> memref<128xi32, #tpu.memory_space<vmem>>
      %dma_wait3A_71 = arith.constant 0 : i32
      %dma_wait3A_72 = tpu.memref_slice %arg2[%dma_wait3A_71] : memref<65536xf32, #tpu.memory_space<hbm>> -> memref<65536xf32, #tpu.memory_space<hbm>>
      tpu.wait_indirect_dma semaphore(%arg18 : memref<!tpu.dma_semaphore, #tpu.memory_space<semaphore_mem>>) src(%dma_wait3A_72 : memref<65536xf32, #tpu.memory_space<hbm>>) dst(%dma_wait3A_67 : memref<128xf32, #tpu.memory_space<vmem>>)
      %dma_wait3A_73 = arith.constant 0 : i32
      %dma_wait3A_74 = arith.constant 0 : i32
      %dma_wait3A_75 = tpu.memref_slice %arg13[%dma_wait3A_74] : memref<512xf32, #tpu.memory_space<vmem>> -> memref<128xf32, #tpu.memory_space<vmem>>
      %dma_wait3A_76 = arith.constant 0 : i32
      %dma_wait3A_77 = tpu.memref_slice %arg11[%dma_wait3A_73, %dma_wait3A_76] : memref<4x128xi32, #tpu.memory_space<vmem>> -> memref<1x128xi32, #tpu.memory_space<vmem>>
      %dma_wait3A_78 = tpu.memref_squeeze %dma_wait3A_77 : memref<1x128xi32, #tpu.memory_space<vmem>> -> memref<128xi32, #tpu.memory_space<vmem>>
      %dma_wait3A_79 = arith.constant 0 : i32
      %dma_wait3A_80 = tpu.memref_slice %arg3[%dma_wait3A_79] : memref<65536xf32, #tpu.memory_space<hbm>> -> memref<65536xf32, #tpu.memory_space<hbm>>
      tpu.wait_indirect_dma semaphore(%arg18 : memref<!tpu.dma_semaphore, #tpu.memory_space<semaphore_mem>>) src(%dma_wait3A_80 : memref<65536xf32, #tpu.memory_space<hbm>>) dst(%dma_wait3A_75 : memref<128xf32, #tpu.memory_space<vmem>>)
      %dma_wait3A_81 = arith.constant 1 : i32
      %dma_wait3A_82 = arith.constant 128 : i32
      %dma_wait3A_83 = tpu.memref_slice %arg12[%dma_wait3A_82] : memref<512xf32, #tpu.memory_space<vmem>> -> memref<128xf32, #tpu.memory_space<vmem>>
      %dma_wait3A_84 = arith.constant 0 : i32
      %dma_wait3A_85 = tpu.memref_slice %arg10[%dma_wait3A_81, %dma_wait3A_84] : memref<4x128xi32, #tpu.memory_space<vmem>> -> memref<1x128xi32, #tpu.memory_space<vmem>>
      %dma_wait3A_86 = tpu.memref_squeeze %dma_wait3A_85 : memref<1x128xi32, #tpu.memory_space<vmem>> -> memref<128xi32, #tpu.memory_space<vmem>>
      %dma_wait3A_87 = arith.constant 0 : i32
      %dma_wait3A_88 = tpu.memref_slice %arg2[%dma_wait3A_87] : memref<65536xf32, #tpu.memory_space<hbm>> -> memref<65536xf32, #tpu.memory_space<hbm>>
      tpu.wait_indirect_dma semaphore(%arg18 : memref<!tpu.dma_semaphore, #tpu.memory_space<semaphore_mem>>) src(%dma_wait3A_88 : memref<65536xf32, #tpu.memory_space<hbm>>) dst(%dma_wait3A_83 : memref<128xf32, #tpu.memory_space<vmem>>)
      %dma_wait3A_89 = arith.constant 1 : i32
      %dma_wait3A_90 = arith.constant 128 : i32
      %dma_wait3A_91 = tpu.memref_slice %arg13[%dma_wait3A_90] : memref<512xf32, #tpu.memory_space<vmem>> -> memref<128xf32, #tpu.memory_space<vmem>>
      %dma_wait3A_92 = arith.constant 0 : i32
      %dma_wait3A_93 = tpu.memref_slice %arg11[%dma_wait3A_89, %dma_wait3A_92] : memref<4x128xi32, #tpu.memory_space<vmem>> -> memref<1x128xi32, #tpu.memory_space<vmem>>
      %dma_wait3A_94 = tpu.memref_squeeze %dma_wait3A_93 : memref<1x128xi32, #tpu.memory_space<vmem>> -> memref<128xi32, #tpu.memory_space<vmem>>
      %dma_wait3A_95 = arith.constant 0 : i32
      %dma_wait3A_96 = tpu.memref_slice %arg3[%dma_wait3A_95] : memref<65536xf32, #tpu.memory_space<hbm>> -> memref<65536xf32, #tpu.memory_space<hbm>>
      tpu.wait_indirect_dma semaphore(%arg18 : memref<!tpu.dma_semaphore, #tpu.memory_space<semaphore_mem>>) src(%dma_wait3A_96 : memref<65536xf32, #tpu.memory_space<hbm>>) dst(%dma_wait3A_91 : memref<128xf32, #tpu.memory_space<vmem>>)
      %dma_wait3A_97 = arith.constant 2 : i32
      %dma_wait3A_98 = arith.constant 256 : i32
      %dma_wait3A_99 = tpu.memref_slice %arg12[%dma_wait3A_98] : memref<512xf32, #tpu.memory_space<vmem>> -> memref<128xf32, #tpu.memory_space<vmem>>
      %dma_wait3A_100 = arith.constant 0 : i32
      %dma_wait3A_101 = tpu.memref_slice %arg10[%dma_wait3A_97, %dma_wait3A_100] : memref<4x128xi32, #tpu.memory_space<vmem>> -> memref<1x128xi32, #tpu.memory_space<vmem>>
      %dma_wait3A_102 = tpu.memref_squeeze %dma_wait3A_101 : memref<1x128xi32, #tpu.memory_space<vmem>> -> memref<128xi32, #tpu.memory_space<vmem>>
      %dma_wait3A_103 = arith.constant 0 : i32
      %dma_wait3A_104 = tpu.memref_slice %arg2[%dma_wait3A_103] : memref<65536xf32, #tpu.memory_space<hbm>> -> memref<65536xf32, #tpu.memory_space<hbm>>
      tpu.wait_indirect_dma semaphore(%arg18 : memref<!tpu.dma_semaphore, #tpu.memory_space<semaphore_mem>>) src(%dma_wait3A_104 : memref<65536xf32, #tpu.memory_space<hbm>>) dst(%dma_wait3A_99 : memref<128xf32, #tpu.memory_space<vmem>>)
      %dma_wait3A_105 = arith.constant 2 : i32
      %dma_wait3A_106 = arith.constant 256 : i32
      %dma_wait3A_107 = tpu.memref_slice %arg13[%dma_wait3A_106] : memref<512xf32, #tpu.memory_space<vmem>> -> memref<128xf32, #tpu.memory_space<vmem>>
      %dma_wait3A_108 = arith.constant 0 : i32
      %dma_wait3A_109 = tpu.memref_slice %arg11[%dma_wait3A_105, %dma_wait3A_108] : memref<4x128xi32, #tpu.memory_space<vmem>> -> memref<1x128xi32, #tpu.memory_space<vmem>>
      %dma_wait3A_110 = tpu.memref_squeeze %dma_wait3A_109 : memref<1x128xi32, #tpu.memory_space<vmem>> -> memref<128xi32, #tpu.memory_space<vmem>>
      %dma_wait3A_111 = arith.constant 0 : i32
      %dma_wait3A_112 = tpu.memref_slice %arg3[%dma_wait3A_111] : memref<65536xf32, #tpu.memory_space<hbm>> -> memref<65536xf32, #tpu.memory_space<hbm>>
      tpu.wait_indirect_dma semaphore(%arg18 : memref<!tpu.dma_semaphore, #tpu.memory_space<semaphore_mem>>) src(%dma_wait3A_112 : memref<65536xf32, #tpu.memory_space<hbm>>) dst(%dma_wait3A_107 : memref<128xf32, #tpu.memory_space<vmem>>)
      %dma_wait3A_113 = arith.constant 3 : i32
      %dma_wait3A_114 = arith.constant 384 : i32
      %dma_wait3A_115 = tpu.memref_slice %arg12[%dma_wait3A_114] : memref<512xf32, #tpu.memory_space<vmem>> -> memref<128xf32, #tpu.memory_space<vmem>>
      %dma_wait3A_116 = arith.constant 0 : i32
      %dma_wait3A_117 = tpu.memref_slice %arg10[%dma_wait3A_113, %dma_wait3A_116] : memref<4x128xi32, #tpu.memory_space<vmem>> -> memref<1x128xi32, #tpu.memory_space<vmem>>
      %dma_wait3A_118 = tpu.memref_squeeze %dma_wait3A_117 : memref<1x128xi32, #tpu.memory_space<vmem>> -> memref<128xi32, #tpu.memory_space<vmem>>
      %dma_wait3A_119 = arith.constant 0 : i32
      %dma_wait3A_120 = tpu.memref_slice %arg2[%dma_wait3A_119] : memref<65536xf32, #tpu.memory_space<hbm>> -> memref<65536xf32, #tpu.memory_space<hbm>>
      tpu.wait_indirect_dma semaphore(%arg18 : memref<!tpu.dma_semaphore, #tpu.memory_space<semaphore_mem>>) src(%dma_wait3A_120 : memref<65536xf32, #tpu.memory_space<hbm>>) dst(%dma_wait3A_115 : memref<128xf32, #tpu.memory_space<vmem>>)
      %dma_wait3A_121 = arith.constant 3 : i32
      %dma_wait3A_122 = arith.constant 384 : i32
      %dma_wait3A_123 = tpu.memref_slice %arg13[%dma_wait3A_122] : memref<512xf32, #tpu.memory_space<vmem>> -> memref<128xf32, #tpu.memory_space<vmem>>
      %dma_wait3A_124 = arith.constant 0 : i32
      %dma_wait3A_125 = tpu.memref_slice %arg11[%dma_wait3A_121, %dma_wait3A_124] : memref<4x128xi32, #tpu.memory_space<vmem>> -> memref<1x128xi32, #tpu.memory_space<vmem>>
      %dma_wait3A_126 = tpu.memref_squeeze %dma_wait3A_125 : memref<1x128xi32, #tpu.memory_space<vmem>> -> memref<128xi32, #tpu.memory_space<vmem>>
      %dma_wait3A_127 = arith.constant 0 : i32
      %dma_wait3A_128 = tpu.memref_slice %arg3[%dma_wait3A_127] : memref<65536xf32, #tpu.memory_space<hbm>> -> memref<65536xf32, #tpu.memory_space<hbm>>
      tpu.wait_indirect_dma semaphore(%arg18 : memref<!tpu.dma_semaphore, #tpu.memory_space<semaphore_mem>>) src(%dma_wait3A_128 : memref<65536xf32, #tpu.memory_space<hbm>>) dst(%dma_wait3A_123 : memref<128xf32, #tpu.memory_space<vmem>>)
      %broadcast_in_dim3A = arith.constant 0.000000e+00 : f32
      %broadcast_in_dim3A_129 = vector.broadcast %broadcast_in_dim3A : f32 to vector<16xf32>
      %broadcast_in_dim3A_130 = arith.constant 0.000000e+00 : f32
      %broadcast_in_dim3A_131 = vector.broadcast %broadcast_in_dim3A_130 : f32 to vector<16xf32>
      %broadcast_in_dim3A_132 = arith.constant 0.000000e+00 : f32
      %broadcast_in_dim3A_133 = vector.broadcast %broadcast_in_dim3A_132 : f32 to vector<16xf32>
      %broadcast_in_dim3A_134 = arith.constant 0.000000e+00 : f32
      %broadcast_in_dim3A_135 = vector.broadcast %broadcast_in_dim3A_134 : f32 to vector<16xf32>
      %get3A = arith.constant 0 : index
      %get3A_136 = tpu.vector_load %arg16[%get3A] {strides = array<i32>} : memref<512xf32, #tpu.memory_space<vmem>>, vector<16xf32>,
      %get3A_137 = vector.shape_cast %get3A_136 : vector<16xf32> to vector<16xf32>
      %get3A_138 = arith.constant 0 : index
      %get3A_139 = tpu.vector_load %arg12[%get3A_138] {strides = array<i32>} : memref<512xf32, #tpu.memory_space<vmem>>, vector<16xf32>,
      %get3A_140 = vector.shape_cast %get3A_139 : vector<16xf32> to vector<16xf32>
      %get3A_141 = arith.constant 0 : index
      %get3A_142 = tpu.vector_load %arg13[%get3A_141] {strides = array<i32>} : memref<512xf32, #tpu.memory_space<vmem>>, vector<16xf32>,
      %get3A_143 = vector.shape_cast %get3A_142 : vector<16xf32> to vector<16xf32>
      %mul3A_144 = arith.mulf %get3A_140, %get3A_137 : vector<16xf32>
      %get3A_145 = arith.constant 0 : index
      %get3A_146 = tpu.vector_load %arg14[%get3A_145] {strides = array<i32>} : memref<512xf32, #tpu.memory_space<vmem>>, vector<16xf32>,
      %get3A_147 = vector.shape_cast %get3A_146 : vector<16xf32> to vector<16xf32>
      %mul3A_148 = arith.mulf %get3A_147, %get3A_137 : vector<16xf32>
      %sub3A = arith.subf %mul3A_144, %mul3A_148 : vector<16xf32>
      %abs3A = math.absf %sub3A : vector<16xf32>
      %add3A_149 = arith.addf %broadcast_in_dim3A_129, %abs3A : vector<16xf32>
      %mul3A_150 = arith.mulf %get3A_143, %get3A_137 : vector<16xf32>
      %get3A_151 = arith.constant 0 : index
      %get3A_152 = tpu.vector_load %arg15[%get3A_151] {strides = array<i32>} : memref<512xf32, #tpu.memory_space<vmem>>, vector<16xf32>,
      %get3A_153 = vector.shape_cast %get3A_152 : vector<16xf32> to vector<16xf32>
      %mul3A_154 = arith.mulf %get3A_153, %get3A_137 : vector<16xf32>
      %sub3A_155 = arith.subf %mul3A_150, %mul3A_154 : vector<16xf32>
      %abs3A_156 = math.absf %sub3A_155 : vector<16xf32>
      %add3A_157 = arith.addf %broadcast_in_dim3A_131, %abs3A_156 : vector<16xf32>
      %add3A_158 = arith.addf %broadcast_in_dim3A_133, %get3A_137 : vector<16xf32>
      %sub3A_159 = arith.subf %get3A_140, %get3A_143 : vector<16xf32>
      %abs3A_160 = math.absf %sub3A_159 : vector<16xf32>
      %add3A_161 = arith.addf %broadcast_in_dim3A_135, %abs3A_160 : vector<16xf32>
      %get3A_162 = arith.constant 16 : index
      %get3A_163 = tpu.vector_load %arg16[%get3A_162] {strides = array<i32>} : memref<512xf32, #tpu.memory_space<vmem>>, vector<16xf32>,
      %get3A_164 = vector.shape_cast %get3A_163 : vector<16xf32> to vector<16xf32>
      %get3A_165 = arith.constant 16 : index
      %get3A_166 = tpu.vector_load %arg12[%get3A_165] {strides = array<i32>} : memref<512xf32, #tpu.memory_space<vmem>>, vector<16xf32>,
      %get3A_167 = vector.shape_cast %get3A_166 : vector<16xf32> to vector<16xf32>
      %get3A_168 = arith.constant 16 : index
      %get3A_169 = tpu.vector_load %arg13[%get3A_168] {strides = array<i32>} : memref<512xf32, #tpu.memory_space<vmem>>, vector<16xf32>,
      %get3A_170 = vector.shape_cast %get3A_169 : vector<16xf32> to vector<16xf32>
      %mul3A_171 = arith.mulf %get3A_167, %get3A_164 : vector<16xf32>
      %get3A_172 = arith.constant 16 : index
      %get3A_173 = tpu.vector_load %arg14[%get3A_172] {strides = array<i32>} : memref<512xf32, #tpu.memory_space<vmem>>, vector<16xf32>,
      %get3A_174 = vector.shape_cast %get3A_173 : vector<16xf32> to vector<16xf32>
      %mul3A_175 = arith.mulf %get3A_174, %get3A_164 : vector<16xf32>
      %sub3A_176 = arith.subf %mul3A_171, %mul3A_175 : vector<16xf32>
      %abs3A_177 = math.absf %sub3A_176 : vector<16xf32>
      %add3A_178 = arith.addf %add3A_149, %abs3A_177 : vector<16xf32>
      %mul3A_179 = arith.mulf %get3A_170, %get3A_164 : vector<16xf32>
      %get3A_180 = arith.constant 16 : index
      %get3A_181 = tpu.vector_load %arg15[%get3A_180] {strides = array<i32>} : memref<512xf32, #tpu.memory_space<vmem>>, vector<16xf32>,
      %get3A_182 = vector.shape_cast %get3A_181 : vector<16xf32> to vector<16xf32>
      %mul3A_183 = arith.mulf %get3A_182, %get3A_164 : vector<16xf32>
      %sub3A_184 = arith.subf %mul3A_179, %mul3A_183 : vector<16xf32>
      %abs3A_185 = math.absf %sub3A_184 : vector<16xf32>
      %add3A_186 = arith.addf %add3A_157, %abs3A_185 : vector<16xf32>
      %add3A_187 = arith.addf %add3A_158, %get3A_164 : vector<16xf32>
      %sub3A_188 = arith.subf %get3A_167, %get3A_170 : vector<16xf32>
      %abs3A_189 = math.absf %sub3A_188 : vector<16xf32>
      %add3A_190 = arith.addf %add3A_161, %abs3A_189 : vector<16xf32>
      %get3A_191 = arith.constant 32 : index
      %get3A_192 = tpu.vector_load %arg16[%get3A_191] {strides = array<i32>} : memref<512xf32, #tpu.memory_space<vmem>>, vector<16xf32>,
      %get3A_193 = vector.shape_cast %get3A_192 : vector<16xf32> to vector<16xf32>
      %get3A_194 = arith.constant 32 : index
      %get3A_195 = tpu.vector_load %arg12[%get3A_194] {strides = array<i32>} : memref<512xf32, #tpu.memory_space<vmem>>, vector<16xf32>,
      %get3A_196 = vector.shape_cast %get3A_195 : vector<16xf32> to vector<16xf32>
      %get3A_197 = arith.constant 32 : index
      %get3A_198 = tpu.vector_load %arg13[%get3A_197] {strides = array<i32>} : memref<512xf32, #tpu.memory_space<vmem>>, vector<16xf32>,
      %get3A_199 = vector.shape_cast %get3A_198 : vector<16xf32> to vector<16xf32>
      %mul3A_200 = arith.mulf %get3A_196, %get3A_193 : vector<16xf32>
      %get3A_201 = arith.constant 32 : index
      %get3A_202 = tpu.vector_load %arg14[%get3A_201] {strides = array<i32>} : memref<512xf32, #tpu.memory_space<vmem>>, vector<16xf32>,
      %get3A_203 = vector.shape_cast %get3A_202 : vector<16xf32> to vector<16xf32>
      %mul3A_204 = arith.mulf %get3A_203, %get3A_193 : vector<16xf32>
      %sub3A_205 = arith.subf %mul3A_200, %mul3A_204 : vector<16xf32>
      %abs3A_206 = math.absf %sub3A_205 : vector<16xf32>
      %add3A_207 = arith.addf %add3A_178, %abs3A_206 : vector<16xf32>
      %mul3A_208 = arith.mulf %get3A_199, %get3A_193 : vector<16xf32>
      %get3A_209 = arith.constant 32 : index
      %get3A_210 = tpu.vector_load %arg15[%get3A_209] {strides = array<i32>} : memref<512xf32, #tpu.memory_space<vmem>>, vector<16xf32>,
      %get3A_211 = vector.shape_cast %get3A_210 : vector<16xf32> to vector<16xf32>
      %mul3A_212 = arith.mulf %get3A_211, %get3A_193 : vector<16xf32>
      %sub3A_213 = arith.subf %mul3A_208, %mul3A_212 : vector<16xf32>
      %abs3A_214 = math.absf %sub3A_213 : vector<16xf32>
      %add3A_215 = arith.addf %add3A_186, %abs3A_214 : vector<16xf32>
      %add3A_216 = arith.addf %add3A_187, %get3A_193 : vector<16xf32>
      %sub3A_217 = arith.subf %get3A_196, %get3A_199 : vector<16xf32>
      %abs3A_218 = math.absf %sub3A_217 : vector<16xf32>
      %add3A_219 = arith.addf %add3A_190, %abs3A_218 : vector<16xf32>
      %get3A_220 = arith.constant 48 : index
      %get3A_221 = tpu.vector_load %arg16[%get3A_220] {strides = array<i32>} : memref<512xf32, #tpu.memory_space<vmem>>, vector<16xf32>,
      %get3A_222 = vector.shape_cast %get3A_221 : vector<16xf32> to vector<16xf32>
      %get3A_223 = arith.constant 48 : index
      %get3A_224 = tpu.vector_load %arg12[%get3A_223] {strides = array<i32>} : memref<512xf32, #tpu.memory_space<vmem>>, vector<16xf32>,
      %get3A_225 = vector.shape_cast %get3A_224 : vector<16xf32> to vector<16xf32>
      %get3A_226 = arith.constant 48 : index
      %get3A_227 = tpu.vector_load %arg13[%get3A_226] {strides = array<i32>} : memref<512xf32, #tpu.memory_space<vmem>>, vector<16xf32>,
      %get3A_228 = vector.shape_cast %get3A_227 : vector<16xf32> to vector<16xf32>
      %mul3A_229 = arith.mulf %get3A_225, %get3A_222 : vector<16xf32>
      %get3A_230 = arith.constant 48 : index
      %get3A_231 = tpu.vector_load %arg14[%get3A_230] {strides = array<i32>} : memref<512xf32, #tpu.memory_space<vmem>>, vector<16xf32>,
      %get3A_232 = vector.shape_cast %get3A_231 : vector<16xf32> to vector<16xf32>
      %mul3A_233 = arith.mulf %get3A_232, %get3A_222 : vector<16xf32>
      %sub3A_234 = arith.subf %mul3A_229, %mul3A_233 : vector<16xf32>
      %abs3A_235 = math.absf %sub3A_234 : vector<16xf32>
      %add3A_236 = arith.addf %add3A_207, %abs3A_235 : vector<16xf32>
      %mul3A_237 = arith.mulf %get3A_228, %get3A_222 : vector<16xf32>
      %get3A_238 = arith.constant 48 : index
      %get3A_239 = tpu.vector_load %arg15[%get3A_238] {strides = array<i32>} : memref<512xf32, #tpu.memory_space<vmem>>, vector<16xf32>,
      %get3A_240 = vector.shape_cast %get3A_239 : vector<16xf32> to vector<16xf32>
      %mul3A_241 = arith.mulf %get3A_240, %get3A_222 : vector<16xf32>
      %sub3A_242 = arith.subf %mul3A_237, %mul3A_241 : vector<16xf32>
      %abs3A_243 = math.absf %sub3A_242 : vector<16xf32>
      %add3A_244 = arith.addf %add3A_215, %abs3A_243 : vector<16xf32>
      %add3A_245 = arith.addf %add3A_216, %get3A_222 : vector<16xf32>
      %sub3A_246 = arith.subf %get3A_225, %get3A_228 : vector<16xf32>
      %abs3A_247 = math.absf %sub3A_246 : vector<16xf32>
      %add3A_248 = arith.addf %add3A_219, %abs3A_247 : vector<16xf32>
      %get3A_249 = arith.constant 64 : index
      %get3A_250 = tpu.vector_load %arg16[%get3A_249] {strides = array<i32>} : memref<512xf32, #tpu.memory_space<vmem>>, vector<16xf32>,
      %get3A_251 = vector.shape_cast %get3A_250 : vector<16xf32> to vector<16xf32>
      %get3A_252 = arith.constant 64 : index
      %get3A_253 = tpu.vector_load %arg12[%get3A_252] {strides = array<i32>} : memref<512xf32, #tpu.memory_space<vmem>>, vector<16xf32>,
      %get3A_254 = vector.shape_cast %get3A_253 : vector<16xf32> to vector<16xf32>
      %get3A_255 = arith.constant 64 : index
      %get3A_256 = tpu.vector_load %arg13[%get3A_255] {strides = array<i32>} : memref<512xf32, #tpu.memory_space<vmem>>, vector<16xf32>,
      %get3A_257 = vector.shape_cast %get3A_256 : vector<16xf32> to vector<16xf32>
      %mul3A_258 = arith.mulf %get3A_254, %get3A_251 : vector<16xf32>
      %get3A_259 = arith.constant 64 : index
      %get3A_260 = tpu.vector_load %arg14[%get3A_259] {strides = array<i32>} : memref<512xf32, #tpu.memory_space<vmem>>, vector<16xf32>,
      %get3A_261 = vector.shape_cast %get3A_260 : vector<16xf32> to vector<16xf32>
      %mul3A_262 = arith.mulf %get3A_261, %get3A_251 : vector<16xf32>
      %sub3A_263 = arith.subf %mul3A_258, %mul3A_262 : vector<16xf32>
      %abs3A_264 = math.absf %sub3A_263 : vector<16xf32>
      %add3A_265 = arith.addf %add3A_236, %abs3A_264 : vector<16xf32>
      %mul3A_266 = arith.mulf %get3A_257, %get3A_251 : vector<16xf32>
      %get3A_267 = arith.constant 64 : index
      %get3A_268 = tpu.vector_load %arg15[%get3A_267] {strides = array<i32>} : memref<512xf32, #tpu.memory_space<vmem>>, vector<16xf32>,
      %get3A_269 = vector.shape_cast %get3A_268 : vector<16xf32> to vector<16xf32>
      %mul3A_270 = arith.mulf %get3A_269, %get3A_251 : vector<16xf32>
      %sub3A_271 = arith.subf %mul3A_266, %mul3A_270 : vector<16xf32>
      %abs3A_272 = math.absf %sub3A_271 : vector<16xf32>
      %add3A_273 = arith.addf %add3A_244, %abs3A_272 : vector<16xf32>
      %add3A_274 = arith.addf %add3A_245, %get3A_251 : vector<16xf32>
      %sub3A_275 = arith.subf %get3A_254, %get3A_257 : vector<16xf32>
      %abs3A_276 = math.absf %sub3A_275 : vector<16xf32>
      %add3A_277 = arith.addf %add3A_248, %abs3A_276 : vector<16xf32>
      %get3A_278 = arith.constant 80 : index
      %get3A_279 = tpu.vector_load %arg16[%get3A_278] {strides = array<i32>} : memref<512xf32, #tpu.memory_space<vmem>>, vector<16xf32>,
      %get3A_280 = vector.shape_cast %get3A_279 : vector<16xf32> to vector<16xf32>
      %get3A_281 = arith.constant 80 : index
      %get3A_282 = tpu.vector_load %arg12[%get3A_281] {strides = array<i32>} : memref<512xf32, #tpu.memory_space<vmem>>, vector<16xf32>,
      %get3A_283 = vector.shape_cast %get3A_282 : vector<16xf32> to vector<16xf32>
      %get3A_284 = arith.constant 80 : index
      %get3A_285 = tpu.vector_load %arg13[%get3A_284] {strides = array<i32>} : memref<512xf32, #tpu.memory_space<vmem>>, vector<16xf32>,
      %get3A_286 = vector.shape_cast %get3A_285 : vector<16xf32> to vector<16xf32>
      %mul3A_287 = arith.mulf %get3A_283, %get3A_280 : vector<16xf32>
      %get3A_288 = arith.constant 80 : index
      %get3A_289 = tpu.vector_load %arg14[%get3A_288] {strides = array<i32>} : memref<512xf32, #tpu.memory_space<vmem>>, vector<16xf32>,
      %get3A_290 = vector.shape_cast %get3A_289 : vector<16xf32> to vector<16xf32>
      %mul3A_291 = arith.mulf %get3A_290, %get3A_280 : vector<16xf32>
      %sub3A_292 = arith.subf %mul3A_287, %mul3A_291 : vector<16xf32>
      %abs3A_293 = math.absf %sub3A_292 : vector<16xf32>
      %add3A_294 = arith.addf %add3A_265, %abs3A_293 : vector<16xf32>
      %mul3A_295 = arith.mulf %get3A_286, %get3A_280 : vector<16xf32>
      %get3A_296 = arith.constant 80 : index
      %get3A_297 = tpu.vector_load %arg15[%get3A_296] {strides = array<i32>} : memref<512xf32, #tpu.memory_space<vmem>>, vector<16xf32>,
      %get3A_298 = vector.shape_cast %get3A_297 : vector<16xf32> to vector<16xf32>
      %mul3A_299 = arith.mulf %get3A_298, %get3A_280 : vector<16xf32>
      %sub3A_300 = arith.subf %mul3A_295, %mul3A_299 : vector<16xf32>
      %abs3A_301 = math.absf %sub3A_300 : vector<16xf32>
      %add3A_302 = arith.addf %add3A_273, %abs3A_301 : vector<16xf32>
      %add3A_303 = arith.addf %add3A_274, %get3A_280 : vector<16xf32>
      %sub3A_304 = arith.subf %get3A_283, %get3A_286 : vector<16xf32>
      %abs3A_305 = math.absf %sub3A_304 : vector<16xf32>
      %add3A_306 = arith.addf %add3A_277, %abs3A_305 : vector<16xf32>
      %get3A_307 = arith.constant 96 : index
      %get3A_308 = tpu.vector_load %arg16[%get3A_307] {strides = array<i32>} : memref<512xf32, #tpu.memory_space<vmem>>, vector<16xf32>,
      %get3A_309 = vector.shape_cast %get3A_308 : vector<16xf32> to vector<16xf32>
      %get3A_310 = arith.constant 96 : index
      %get3A_311 = tpu.vector_load %arg12[%get3A_310] {strides = array<i32>} : memref<512xf32, #tpu.memory_space<vmem>>, vector<16xf32>,
      %get3A_312 = vector.shape_cast %get3A_311 : vector<16xf32> to vector<16xf32>
      %get3A_313 = arith.constant 96 : index
      %get3A_314 = tpu.vector_load %arg13[%get3A_313] {strides = array<i32>} : memref<512xf32, #tpu.memory_space<vmem>>, vector<16xf32>,
      %get3A_315 = vector.shape_cast %get3A_314 : vector<16xf32> to vector<16xf32>
      %mul3A_316 = arith.mulf %get3A_312, %get3A_309 : vector<16xf32>
      %get3A_317 = arith.constant 96 : index
      %get3A_318 = tpu.vector_load %arg14[%get3A_317] {strides = array<i32>} : memref<512xf32, #tpu.memory_space<vmem>>, vector<16xf32>,
      %get3A_319 = vector.shape_cast %get3A_318 : vector<16xf32> to vector<16xf32>
      %mul3A_320 = arith.mulf %get3A_319, %get3A_309 : vector<16xf32>
      %sub3A_321 = arith.subf %mul3A_316, %mul3A_320 : vector<16xf32>
      %abs3A_322 = math.absf %sub3A_321 : vector<16xf32>
      %add3A_323 = arith.addf %add3A_294, %abs3A_322 : vector<16xf32>
      %mul3A_324 = arith.mulf %get3A_315, %get3A_309 : vector<16xf32>
      %get3A_325 = arith.constant 96 : index
      %get3A_326 = tpu.vector_load %arg15[%get3A_325] {strides = array<i32>} : memref<512xf32, #tpu.memory_space<vmem>>, vector<16xf32>,
      %get3A_327 = vector.shape_cast %get3A_326 : vector<16xf32> to vector<16xf32>
      %mul3A_328 = arith.mulf %get3A_327, %get3A_309 : vector<16xf32>
      %sub3A_329 = arith.subf %mul3A_324, %mul3A_328 : vector<16xf32>
      %abs3A_330 = math.absf %sub3A_329 : vector<16xf32>
      %add3A_331 = arith.addf %add3A_302, %abs3A_330 : vector<16xf32>
      %add3A_332 = arith.addf %add3A_303, %get3A_309 : vector<16xf32>
      %sub3A_333 = arith.subf %get3A_312, %get3A_315 : vector<16xf32>
      %abs3A_334 = math.absf %sub3A_333 : vector<16xf32>
      %add3A_335 = arith.addf %add3A_306, %abs3A_334 : vector<16xf32>
      %get3A_336 = arith.constant 112 : index
      %get3A_337 = tpu.vector_load %arg16[%get3A_336] {strides = array<i32>} : memref<512xf32, #tpu.memory_space<vmem>>, vector<16xf32>,
      %get3A_338 = vector.shape_cast %get3A_337 : vector<16xf32> to vector<16xf32>
      %get3A_339 = arith.constant 112 : index
      %get3A_340 = tpu.vector_load %arg12[%get3A_339] {strides = array<i32>} : memref<512xf32, #tpu.memory_space<vmem>>, vector<16xf32>,
      %get3A_341 = vector.shape_cast %get3A_340 : vector<16xf32> to vector<16xf32>
      %get3A_342 = arith.constant 112 : index
      %get3A_343 = tpu.vector_load %arg13[%get3A_342] {strides = array<i32>} : memref<512xf32, #tpu.memory_space<vmem>>, vector<16xf32>,
      %get3A_344 = vector.shape_cast %get3A_343 : vector<16xf32> to vector<16xf32>
      %mul3A_345 = arith.mulf %get3A_341, %get3A_338 : vector<16xf32>
      %get3A_346 = arith.constant 112 : index
      %get3A_347 = tpu.vector_load %arg14[%get3A_346] {strides = array<i32>} : memref<512xf32, #tpu.memory_space<vmem>>, vector<16xf32>,
      %get3A_348 = vector.shape_cast %get3A_347 : vector<16xf32> to vector<16xf32>
      %mul3A_349 = arith.mulf %get3A_348, %get3A_338 : vector<16xf32>
      %sub3A_350 = arith.subf %mul3A_345, %mul3A_349 : vector<16xf32>
      %abs3A_351 = math.absf %sub3A_350 : vector<16xf32>
      %add3A_352 = arith.addf %add3A_323, %abs3A_351 : vector<16xf32>
      %mul3A_353 = arith.mulf %get3A_344, %get3A_338 : vector<16xf32>
      %get3A_354 = arith.constant 112 : index
      %get3A_355 = tpu.vector_load %arg15[%get3A_354] {strides = array<i32>} : memref<512xf32, #tpu.memory_space<vmem>>, vector<16xf32>,
      %get3A_356 = vector.shape_cast %get3A_355 : vector<16xf32> to vector<16xf32>
      %mul3A_357 = arith.mulf %get3A_356, %get3A_338 : vector<16xf32>
      %sub3A_358 = arith.subf %mul3A_353, %mul3A_357 : vector<16xf32>
      %abs3A_359 = math.absf %sub3A_358 : vector<16xf32>
      %add3A_360 = arith.addf %add3A_331, %abs3A_359 : vector<16xf32>
      %add3A_361 = arith.addf %add3A_332, %get3A_338 : vector<16xf32>
      %sub3A_362 = arith.subf %get3A_341, %get3A_344 : vector<16xf32>
      %abs3A_363 = math.absf %sub3A_362 : vector<16xf32>
      %add3A_364 = arith.addf %add3A_335, %abs3A_363 : vector<16xf32>
      %get3A_365 = arith.constant 128 : index
      %get3A_366 = tpu.vector_load %arg16[%get3A_365] {strides = array<i32>} : memref<512xf32, #tpu.memory_space<vmem>>, vector<16xf32>,
      %get3A_367 = vector.shape_cast %get3A_366 : vector<16xf32> to vector<16xf32>
      %get3A_368 = arith.constant 128 : index
      %get3A_369 = tpu.vector_load %arg12[%get3A_368] {strides = array<i32>} : memref<512xf32, #tpu.memory_space<vmem>>, vector<16xf32>,
      %get3A_370 = vector.shape_cast %get3A_369 : vector<16xf32> to vector<16xf32>
      %get3A_371 = arith.constant 128 : index
      %get3A_372 = tpu.vector_load %arg13[%get3A_371] {strides = array<i32>} : memref<512xf32, #tpu.memory_space<vmem>>, vector<16xf32>,
      %get3A_373 = vector.shape_cast %get3A_372 : vector<16xf32> to vector<16xf32>
      %mul3A_374 = arith.mulf %get3A_370, %get3A_367 : vector<16xf32>
      %get3A_375 = arith.constant 128 : index
      %get3A_376 = tpu.vector_load %arg14[%get3A_375] {strides = array<i32>} : memref<512xf32, #tpu.memory_space<vmem>>, vector<16xf32>,
      %get3A_377 = vector.shape_cast %get3A_376 : vector<16xf32> to vector<16xf32>
      %mul3A_378 = arith.mulf %get3A_377, %get3A_367 : vector<16xf32>
      %sub3A_379 = arith.subf %mul3A_374, %mul3A_378 : vector<16xf32>
      %abs3A_380 = math.absf %sub3A_379 : vector<16xf32>
      %add3A_381 = arith.addf %add3A_352, %abs3A_380 : vector<16xf32>
      %mul3A_382 = arith.mulf %get3A_373, %get3A_367 : vector<16xf32>
      %get3A_383 = arith.constant 128 : index
      %get3A_384 = tpu.vector_load %arg15[%get3A_383] {strides = array<i32>} : memref<512xf32, #tpu.memory_space<vmem>>, vector<16xf32>,
      %get3A_385 = vector.shape_cast %get3A_384 : vector<16xf32> to vector<16xf32>
      %mul3A_386 = arith.mulf %get3A_385, %get3A_367 : vector<16xf32>
      %sub3A_387 = arith.subf %mul3A_382, %mul3A_386 : vector<16xf32>
      %abs3A_388 = math.absf %sub3A_387 : vector<16xf32>
      %add3A_389 = arith.addf %add3A_360, %abs3A_388 : vector<16xf32>
      %add3A_390 = arith.addf %add3A_361, %get3A_367 : vector<16xf32>
      %sub3A_391 = arith.subf %get3A_370, %get3A_373 : vector<16xf32>
      %abs3A_392 = math.absf %sub3A_391 : vector<16xf32>
      %add3A_393 = arith.addf %add3A_364, %abs3A_392 : vector<16xf32>
      %get3A_394 = arith.constant 144 : index
      %get3A_395 = tpu.vector_load %arg16[%get3A_394] {strides = array<i32>} : memref<512xf32, #tpu.memory_space<vmem>>, vector<16xf32>,
      %get3A_396 = vector.shape_cast %get3A_395 : vector<16xf32> to vector<16xf32>
      %get3A_397 = arith.constant 144 : index
      %get3A_398 = tpu.vector_load %arg12[%get3A_397] {strides = array<i32>} : memref<512xf32, #tpu.memory_space<vmem>>, vector<16xf32>,
      %get3A_399 = vector.shape_cast %get3A_398 : vector<16xf32> to vector<16xf32>
      %get3A_400 = arith.constant 144 : index
      %get3A_401 = tpu.vector_load %arg13[%get3A_400] {strides = array<i32>} : memref<512xf32, #tpu.memory_space<vmem>>, vector<16xf32>,
      %get3A_402 = vector.shape_cast %get3A_401 : vector<16xf32> to vector<16xf32>
      %mul3A_403 = arith.mulf %get3A_399, %get3A_396 : vector<16xf32>
      %get3A_404 = arith.constant 144 : index
      %get3A_405 = tpu.vector_load %arg14[%get3A_404] {strides = array<i32>} : memref<512xf32, #tpu.memory_space<vmem>>, vector<16xf32>,
      %get3A_406 = vector.shape_cast %get3A_405 : vector<16xf32> to vector<16xf32>
      %mul3A_407 = arith.mulf %get3A_406, %get3A_396 : vector<16xf32>
      %sub3A_408 = arith.subf %mul3A_403, %mul3A_407 : vector<16xf32>
      %abs3A_409 = math.absf %sub3A_408 : vector<16xf32>
      %add3A_410 = arith.addf %add3A_381, %abs3A_409 : vector<16xf32>
      %mul3A_411 = arith.mulf %get3A_402, %get3A_396 : vector<16xf32>
      %get3A_412 = arith.constant 144 : index
      %get3A_413 = tpu.vector_load %arg15[%get3A_412] {strides = array<i32>} : memref<512xf32, #tpu.memory_space<vmem>>, vector<16xf32>,
      %get3A_414 = vector.shape_cast %get3A_413 : vector<16xf32> to vector<16xf32>
      %mul3A_415 = arith.mulf %get3A_414, %get3A_396 : vector<16xf32>
      %sub3A_416 = arith.subf %mul3A_411, %mul3A_415 : vector<16xf32>
      %abs3A_417 = math.absf %sub3A_416 : vector<16xf32>
      %add3A_418 = arith.addf %add3A_389, %abs3A_417 : vector<16xf32>
      %add3A_419 = arith.addf %add3A_390, %get3A_396 : vector<16xf32>
      %sub3A_420 = arith.subf %get3A_399, %get3A_402 : vector<16xf32>
      %abs3A_421 = math.absf %sub3A_420 : vector<16xf32>
      %add3A_422 = arith.addf %add3A_393, %abs3A_421 : vector<16xf32>
      %get3A_423 = arith.constant 160 : index
      %get3A_424 = tpu.vector_load %arg16[%get3A_423] {strides = array<i32>} : memref<512xf32, #tpu.memory_space<vmem>>, vector<16xf32>,
      %get3A_425 = vector.shape_cast %get3A_424 : vector<16xf32> to vector<16xf32>
      %get3A_426 = arith.constant 160 : index
      %get3A_427 = tpu.vector_load %arg12[%get3A_426] {strides = array<i32>} : memref<512xf32, #tpu.memory_space<vmem>>, vector<16xf32>,
      %get3A_428 = vector.shape_cast %get3A_427 : vector<16xf32> to vector<16xf32>
      %get3A_429 = arith.constant 160 : index
      %get3A_430 = tpu.vector_load %arg13[%get3A_429] {strides = array<i32>} : memref<512xf32, #tpu.memory_space<vmem>>, vector<16xf32>,
      %get3A_431 = vector.shape_cast %get3A_430 : vector<16xf32> to vector<16xf32>
      %mul3A_432 = arith.mulf %get3A_428, %get3A_425 : vector<16xf32>
      %get3A_433 = arith.constant 160 : index
      %get3A_434 = tpu.vector_load %arg14[%get3A_433] {strides = array<i32>} : memref<512xf32, #tpu.memory_space<vmem>>, vector<16xf32>,
      %get3A_435 = vector.shape_cast %get3A_434 : vector<16xf32> to vector<16xf32>
      %mul3A_436 = arith.mulf %get3A_435, %get3A_425 : vector<16xf32>
      %sub3A_437 = arith.subf %mul3A_432, %mul3A_436 : vector<16xf32>
      %abs3A_438 = math.absf %sub3A_437 : vector<16xf32>
      %add3A_439 = arith.addf %add3A_410, %abs3A_438 : vector<16xf32>
      %mul3A_440 = arith.mulf %get3A_431, %get3A_425 : vector<16xf32>
      %get3A_441 = arith.constant 160 : index
      %get3A_442 = tpu.vector_load %arg15[%get3A_441] {strides = array<i32>} : memref<512xf32, #tpu.memory_space<vmem>>, vector<16xf32>,
      %get3A_443 = vector.shape_cast %get3A_442 : vector<16xf32> to vector<16xf32>
      %mul3A_444 = arith.mulf %get3A_443, %get3A_425 : vector<16xf32>
      %sub3A_445 = arith.subf %mul3A_440, %mul3A_444 : vector<16xf32>
      %abs3A_446 = math.absf %sub3A_445 : vector<16xf32>
      %add3A_447 = arith.addf %add3A_418, %abs3A_446 : vector<16xf32>
      %add3A_448 = arith.addf %add3A_419, %get3A_425 : vector<16xf32>
      %sub3A_449 = arith.subf %get3A_428, %get3A_431 : vector<16xf32>
      %abs3A_450 = math.absf %sub3A_449 : vector<16xf32>
      %add3A_451 = arith.addf %add3A_422, %abs3A_450 : vector<16xf32>
      %get3A_452 = arith.constant 176 : index
      %get3A_453 = tpu.vector_load %arg16[%get3A_452] {strides = array<i32>} : memref<512xf32, #tpu.memory_space<vmem>>, vector<16xf32>,
      %get3A_454 = vector.shape_cast %get3A_453 : vector<16xf32> to vector<16xf32>
      %get3A_455 = arith.constant 176 : index
      %get3A_456 = tpu.vector_load %arg12[%get3A_455] {strides = array<i32>} : memref<512xf32, #tpu.memory_space<vmem>>, vector<16xf32>,
      %get3A_457 = vector.shape_cast %get3A_456 : vector<16xf32> to vector<16xf32>
      %get3A_458 = arith.constant 176 : index
      %get3A_459 = tpu.vector_load %arg13[%get3A_458] {strides = array<i32>} : memref<512xf32, #tpu.memory_space<vmem>>, vector<16xf32>,
      %get3A_460 = vector.shape_cast %get3A_459 : vector<16xf32> to vector<16xf32>
      %mul3A_461 = arith.mulf %get3A_457, %get3A_454 : vector<16xf32>
      %get3A_462 = arith.constant 176 : index
      %get3A_463 = tpu.vector_load %arg14[%get3A_462] {strides = array<i32>} : memref<512xf32, #tpu.memory_space<vmem>>, vector<16xf32>,
      %get3A_464 = vector.shape_cast %get3A_463 : vector<16xf32> to vector<16xf32>
      %mul3A_465 = arith.mulf %get3A_464, %get3A_454 : vector<16xf32>
      %sub3A_466 = arith.subf %mul3A_461, %mul3A_465 : vector<16xf32>
      %abs3A_467 = math.absf %sub3A_466 : vector<16xf32>
      %add3A_468 = arith.addf %add3A_439, %abs3A_467 : vector<16xf32>
      %mul3A_469 = arith.mulf %get3A_460, %get3A_454 : vector<16xf32>
      %get3A_470 = arith.constant 176 : index
      %get3A_471 = tpu.vector_load %arg15[%get3A_470] {strides = array<i32>} : memref<512xf32, #tpu.memory_space<vmem>>, vector<16xf32>,
      %get3A_472 = vector.shape_cast %get3A_471 : vector<16xf32> to vector<16xf32>
      %mul3A_473 = arith.mulf %get3A_472, %get3A_454 : vector<16xf32>
      %sub3A_474 = arith.subf %mul3A_469, %mul3A_473 : vector<16xf32>
      %abs3A_475 = math.absf %sub3A_474 : vector<16xf32>
      %add3A_476 = arith.addf %add3A_447, %abs3A_475 : vector<16xf32>
      %add3A_477 = arith.addf %add3A_448, %get3A_454 : vector<16xf32>
      %sub3A_478 = arith.subf %get3A_457, %get3A_460 : vector<16xf32>
      %abs3A_479 = math.absf %sub3A_478 : vector<16xf32>
      %add3A_480 = arith.addf %add3A_451, %abs3A_479 : vector<16xf32>
      %get3A_481 = arith.constant 192 : index
      %get3A_482 = tpu.vector_load %arg16[%get3A_481] {strides = array<i32>} : memref<512xf32, #tpu.memory_space<vmem>>, vector<16xf32>,
      %get3A_483 = vector.shape_cast %get3A_482 : vector<16xf32> to vector<16xf32>
      %get3A_484 = arith.constant 192 : index
      %get3A_485 = tpu.vector_load %arg12[%get3A_484] {strides = array<i32>} : memref<512xf32, #tpu.memory_space<vmem>>, vector<16xf32>,
      %get3A_486 = vector.shape_cast %get3A_485 : vector<16xf32> to vector<16xf32>
      %get3A_487 = arith.constant 192 : index
      %get3A_488 = tpu.vector_load %arg13[%get3A_487] {strides = array<i32>} : memref<512xf32, #tpu.memory_space<vmem>>, vector<16xf32>,
      %get3A_489 = vector.shape_cast %get3A_488 : vector<16xf32> to vector<16xf32>
      %mul3A_490 = arith.mulf %get3A_486, %get3A_483 : vector<16xf32>
      %get3A_491 = arith.constant 192 : index
      %get3A_492 = tpu.vector_load %arg14[%get3A_491] {strides = array<i32>} : memref<512xf32, #tpu.memory_space<vmem>>, vector<16xf32>,
      %get3A_493 = vector.shape_cast %get3A_492 : vector<16xf32> to vector<16xf32>
      %mul3A_494 = arith.mulf %get3A_493, %get3A_483 : vector<16xf32>
      %sub3A_495 = arith.subf %mul3A_490, %mul3A_494 : vector<16xf32>
      %abs3A_496 = math.absf %sub3A_495 : vector<16xf32>
      %add3A_497 = arith.addf %add3A_468, %abs3A_496 : vector<16xf32>
      %mul3A_498 = arith.mulf %get3A_489, %get3A_483 : vector<16xf32>
      %get3A_499 = arith.constant 192 : index
      %get3A_500 = tpu.vector_load %arg15[%get3A_499] {strides = array<i32>} : memref<512xf32, #tpu.memory_space<vmem>>, vector<16xf32>,
      %get3A_501 = vector.shape_cast %get3A_500 : vector<16xf32> to vector<16xf32>
      %mul3A_502 = arith.mulf %get3A_501, %get3A_483 : vector<16xf32>
      %sub3A_503 = arith.subf %mul3A_498, %mul3A_502 : vector<16xf32>
      %abs3A_504 = math.absf %sub3A_503 : vector<16xf32>
      %add3A_505 = arith.addf %add3A_476, %abs3A_504 : vector<16xf32>
      %add3A_506 = arith.addf %add3A_477, %get3A_483 : vector<16xf32>
      %sub3A_507 = arith.subf %get3A_486, %get3A_489 : vector<16xf32>
      %abs3A_508 = math.absf %sub3A_507 : vector<16xf32>
      %add3A_509 = arith.addf %add3A_480, %abs3A_508 : vector<16xf32>
      %get3A_510 = arith.constant 208 : index
      %get3A_511 = tpu.vector_load %arg16[%get3A_510] {strides = array<i32>} : memref<512xf32, #tpu.memory_space<vmem>>, vector<16xf32>,
      %get3A_512 = vector.shape_cast %get3A_511 : vector<16xf32> to vector<16xf32>
      %get3A_513 = arith.constant 208 : index
      %get3A_514 = tpu.vector_load %arg12[%get3A_513] {strides = array<i32>} : memref<512xf32, #tpu.memory_space<vmem>>, vector<16xf32>,
      %get3A_515 = vector.shape_cast %get3A_514 : vector<16xf32> to vector<16xf32>
      %get3A_516 = arith.constant 208 : index
      %get3A_517 = tpu.vector_load %arg13[%get3A_516] {strides = array<i32>} : memref<512xf32, #tpu.memory_space<vmem>>, vector<16xf32>,
      %get3A_518 = vector.shape_cast %get3A_517 : vector<16xf32> to vector<16xf32>
      %mul3A_519 = arith.mulf %get3A_515, %get3A_512 : vector<16xf32>
      %get3A_520 = arith.constant 208 : index
      %get3A_521 = tpu.vector_load %arg14[%get3A_520] {strides = array<i32>} : memref<512xf32, #tpu.memory_space<vmem>>, vector<16xf32>,
      %get3A_522 = vector.shape_cast %get3A_521 : vector<16xf32> to vector<16xf32>
      %mul3A_523 = arith.mulf %get3A_522, %get3A_512 : vector<16xf32>
      %sub3A_524 = arith.subf %mul3A_519, %mul3A_523 : vector<16xf32>
      %abs3A_525 = math.absf %sub3A_524 : vector<16xf32>
      %add3A_526 = arith.addf %add3A_497, %abs3A_525 : vector<16xf32>
      %mul3A_527 = arith.mulf %get3A_518, %get3A_512 : vector<16xf32>
      %get3A_528 = arith.constant 208 : index
      %get3A_529 = tpu.vector_load %arg15[%get3A_528] {strides = array<i32>} : memref<512xf32, #tpu.memory_space<vmem>>, vector<16xf32>,
      %get3A_530 = vector.shape_cast %get3A_529 : vector<16xf32> to vector<16xf32>
      %mul3A_531 = arith.mulf %get3A_530, %get3A_512 : vector<16xf32>
      %sub3A_532 = arith.subf %mul3A_527, %mul3A_531 : vector<16xf32>
      %abs3A_533 = math.absf %sub3A_532 : vector<16xf32>
      %add3A_534 = arith.addf %add3A_505, %abs3A_533 : vector<16xf32>
      %add3A_535 = arith.addf %add3A_506, %get3A_512 : vector<16xf32>
      %sub3A_536 = arith.subf %get3A_515, %get3A_518 : vector<16xf32>
      %abs3A_537 = math.absf %sub3A_536 : vector<16xf32>
      %add3A_538 = arith.addf %add3A_509, %abs3A_537 : vector<16xf32>
      %get3A_539 = arith.constant 224 : index
      %get3A_540 = tpu.vector_load %arg16[%get3A_539] {strides = array<i32>} : memref<512xf32, #tpu.memory_space<vmem>>, vector<16xf32>,
      %get3A_541 = vector.shape_cast %get3A_540 : vector<16xf32> to vector<16xf32>
      %get3A_542 = arith.constant 224 : index
      %get3A_543 = tpu.vector_load %arg12[%get3A_542] {strides = array<i32>} : memref<512xf32, #tpu.memory_space<vmem>>, vector<16xf32>,
      %get3A_544 = vector.shape_cast %get3A_543 : vector<16xf32> to vector<16xf32>
      %get3A_545 = arith.constant 224 : index
      %get3A_546 = tpu.vector_load %arg13[%get3A_545] {strides = array<i32>} : memref<512xf32, #tpu.memory_space<vmem>>, vector<16xf32>,
      %get3A_547 = vector.shape_cast %get3A_546 : vector<16xf32> to vector<16xf32>
      %mul3A_548 = arith.mulf %get3A_544, %get3A_541 : vector<16xf32>
      %get3A_549 = arith.constant 224 : index
      %get3A_550 = tpu.vector_load %arg14[%get3A_549] {strides = array<i32>} : memref<512xf32, #tpu.memory_space<vmem>>, vector<16xf32>,
      %get3A_551 = vector.shape_cast %get3A_550 : vector<16xf32> to vector<16xf32>
      %mul3A_552 = arith.mulf %get3A_551, %get3A_541 : vector<16xf32>
      %sub3A_553 = arith.subf %mul3A_548, %mul3A_552 : vector<16xf32>
      %abs3A_554 = math.absf %sub3A_553 : vector<16xf32>
      %add3A_555 = arith.addf %add3A_526, %abs3A_554 : vector<16xf32>
      %mul3A_556 = arith.mulf %get3A_547, %get3A_541 : vector<16xf32>
      %get3A_557 = arith.constant 224 : index
      %get3A_558 = tpu.vector_load %arg15[%get3A_557] {strides = array<i32>} : memref<512xf32, #tpu.memory_space<vmem>>, vector<16xf32>,
      %get3A_559 = vector.shape_cast %get3A_558 : vector<16xf32> to vector<16xf32>
      %mul3A_560 = arith.mulf %get3A_559, %get3A_541 : vector<16xf32>
      %sub3A_561 = arith.subf %mul3A_556, %mul3A_560 : vector<16xf32>
      %abs3A_562 = math.absf %sub3A_561 : vector<16xf32>
      %add3A_563 = arith.addf %add3A_534, %abs3A_562 : vector<16xf32>
      %add3A_564 = arith.addf %add3A_535, %get3A_541 : vector<16xf32>
      %sub3A_565 = arith.subf %get3A_544, %get3A_547 : vector<16xf32>
      %abs3A_566 = math.absf %sub3A_565 : vector<16xf32>
      %add3A_567 = arith.addf %add3A_538, %abs3A_566 : vector<16xf32>
      %get3A_568 = arith.constant 240 : index
      %get3A_569 = tpu.vector_load %arg16[%get3A_568] {strides = array<i32>} : memref<512xf32, #tpu.memory_space<vmem>>, vector<16xf32>,
      %get3A_570 = vector.shape_cast %get3A_569 : vector<16xf32> to vector<16xf32>
      %get3A_571 = arith.constant 240 : index
      %get3A_572 = tpu.vector_load %arg12[%get3A_571] {strides = array<i32>} : memref<512xf32, #tpu.memory_space<vmem>>, vector<16xf32>,
      %get3A_573 = vector.shape_cast %get3A_572 : vector<16xf32> to vector<16xf32>
      %get3A_574 = arith.constant 240 : index
      %get3A_575 = tpu.vector_load %arg13[%get3A_574] {strides = array<i32>} : memref<512xf32, #tpu.memory_space<vmem>>, vector<16xf32>,
      %get3A_576 = vector.shape_cast %get3A_575 : vector<16xf32> to vector<16xf32>
      %mul3A_577 = arith.mulf %get3A_573, %get3A_570 : vector<16xf32>
      %get3A_578 = arith.constant 240 : index
      %get3A_579 = tpu.vector_load %arg14[%get3A_578] {strides = array<i32>} : memref<512xf32, #tpu.memory_space<vmem>>, vector<16xf32>,
      %get3A_580 = vector.shape_cast %get3A_579 : vector<16xf32> to vector<16xf32>
      %mul3A_581 = arith.mulf %get3A_580, %get3A_570 : vector<16xf32>
      %sub3A_582 = arith.subf %mul3A_577, %mul3A_581 : vector<16xf32>
      %abs3A_583 = math.absf %sub3A_582 : vector<16xf32>
      %add3A_584 = arith.addf %add3A_555, %abs3A_583 : vector<16xf32>
      %mul3A_585 = arith.mulf %get3A_576, %get3A_570 : vector<16xf32>
      %get3A_586 = arith.constant 240 : index
      %get3A_587 = tpu.vector_load %arg15[%get3A_586] {strides = array<i32>} : memref<512xf32, #tpu.memory_space<vmem>>, vector<16xf32>,
      %get3A_588 = vector.shape_cast %get3A_587 : vector<16xf32> to vector<16xf32>
      %mul3A_589 = arith.mulf %get3A_588, %get3A_570 : vector<16xf32>
      %sub3A_590 = arith.subf %mul3A_585, %mul3A_589 : vector<16xf32>
      %abs3A_591 = math.absf %sub3A_590 : vector<16xf32>
      %add3A_592 = arith.addf %add3A_563, %abs3A_591 : vector<16xf32>
      %add3A_593 = arith.addf %add3A_564, %get3A_570 : vector<16xf32>
      %sub3A_594 = arith.subf %get3A_573, %get3A_576 : vector<16xf32>
      %abs3A_595 = math.absf %sub3A_594 : vector<16xf32>
      %add3A_596 = arith.addf %add3A_567, %abs3A_595 : vector<16xf32>
      %get3A_597 = arith.constant 256 : index
      %get3A_598 = tpu.vector_load %arg16[%get3A_597] {strides = array<i32>} : memref<512xf32, #tpu.memory_space<vmem>>, vector<16xf32>,
      %get3A_599 = vector.shape_cast %get3A_598 : vector<16xf32> to vector<16xf32>
      %get3A_600 = arith.constant 256 : index
      %get3A_601 = tpu.vector_load %arg12[%get3A_600] {strides = array<i32>} : memref<512xf32, #tpu.memory_space<vmem>>, vector<16xf32>,
      %get3A_602 = vector.shape_cast %get3A_601 : vector<16xf32> to vector<16xf32>
      %get3A_603 = arith.constant 256 : index
      %get3A_604 = tpu.vector_load %arg13[%get3A_603] {strides = array<i32>} : memref<512xf32, #tpu.memory_space<vmem>>, vector<16xf32>,
      %get3A_605 = vector.shape_cast %get3A_604 : vector<16xf32> to vector<16xf32>
      %mul3A_606 = arith.mulf %get3A_602, %get3A_599 : vector<16xf32>
      %get3A_607 = arith.constant 256 : index
      %get3A_608 = tpu.vector_load %arg14[%get3A_607] {strides = array<i32>} : memref<512xf32, #tpu.memory_space<vmem>>, vector<16xf32>,
      %get3A_609 = vector.shape_cast %get3A_608 : vector<16xf32> to vector<16xf32>
      %mul3A_610 = arith.mulf %get3A_609, %get3A_599 : vector<16xf32>
      %sub3A_611 = arith.subf %mul3A_606, %mul3A_610 : vector<16xf32>
      %abs3A_612 = math.absf %sub3A_611 : vector<16xf32>
      %add3A_613 = arith.addf %add3A_584, %abs3A_612 : vector<16xf32>
      %mul3A_614 = arith.mulf %get3A_605, %get3A_599 : vector<16xf32>
      %get3A_615 = arith.constant 256 : index
      %get3A_616 = tpu.vector_load %arg15[%get3A_615] {strides = array<i32>} : memref<512xf32, #tpu.memory_space<vmem>>, vector<16xf32>,
      %get3A_617 = vector.shape_cast %get3A_616 : vector<16xf32> to vector<16xf32>
      %mul3A_618 = arith.mulf %get3A_617, %get3A_599 : vector<16xf32>
      %sub3A_619 = arith.subf %mul3A_614, %mul3A_618 : vector<16xf32>
      %abs3A_620 = math.absf %sub3A_619 : vector<16xf32>
      %add3A_621 = arith.addf %add3A_592, %abs3A_620 : vector<16xf32>
      %add3A_622 = arith.addf %add3A_593, %get3A_599 : vector<16xf32>
      %sub3A_623 = arith.subf %get3A_602, %get3A_605 : vector<16xf32>
      %abs3A_624 = math.absf %sub3A_623 : vector<16xf32>
      %add3A_625 = arith.addf %add3A_596, %abs3A_624 : vector<16xf32>
      %get3A_626 = arith.constant 272 : index
      %get3A_627 = tpu.vector_load %arg16[%get3A_626] {strides = array<i32>} : memref<512xf32, #tpu.memory_space<vmem>>, vector<16xf32>,
      %get3A_628 = vector.shape_cast %get3A_627 : vector<16xf32> to vector<16xf32>
      %get3A_629 = arith.constant 272 : index
      %get3A_630 = tpu.vector_load %arg12[%get3A_629] {strides = array<i32>} : memref<512xf32, #tpu.memory_space<vmem>>, vector<16xf32>,
      %get3A_631 = vector.shape_cast %get3A_630 : vector<16xf32> to vector<16xf32>
      %get3A_632 = arith.constant 272 : index
      %get3A_633 = tpu.vector_load %arg13[%get3A_632] {strides = array<i32>} : memref<512xf32, #tpu.memory_space<vmem>>, vector<16xf32>,
      %get3A_634 = vector.shape_cast %get3A_633 : vector<16xf32> to vector<16xf32>
      %mul3A_635 = arith.mulf %get3A_631, %get3A_628 : vector<16xf32>
      %get3A_636 = arith.constant 272 : index
      %get3A_637 = tpu.vector_load %arg14[%get3A_636] {strides = array<i32>} : memref<512xf32, #tpu.memory_space<vmem>>, vector<16xf32>,
      %get3A_638 = vector.shape_cast %get3A_637 : vector<16xf32> to vector<16xf32>
      %mul3A_639 = arith.mulf %get3A_638, %get3A_628 : vector<16xf32>
      %sub3A_640 = arith.subf %mul3A_635, %mul3A_639 : vector<16xf32>
      %abs3A_641 = math.absf %sub3A_640 : vector<16xf32>
      %add3A_642 = arith.addf %add3A_613, %abs3A_641 : vector<16xf32>
      %mul3A_643 = arith.mulf %get3A_634, %get3A_628 : vector<16xf32>
      %get3A_644 = arith.constant 272 : index
      %get3A_645 = tpu.vector_load %arg15[%get3A_644] {strides = array<i32>} : memref<512xf32, #tpu.memory_space<vmem>>, vector<16xf32>,
      %get3A_646 = vector.shape_cast %get3A_645 : vector<16xf32> to vector<16xf32>
      %mul3A_647 = arith.mulf %get3A_646, %get3A_628 : vector<16xf32>
      %sub3A_648 = arith.subf %mul3A_643, %mul3A_647 : vector<16xf32>
      %abs3A_649 = math.absf %sub3A_648 : vector<16xf32>
      %add3A_650 = arith.addf %add3A_621, %abs3A_649 : vector<16xf32>
      %add3A_651 = arith.addf %add3A_622, %get3A_628 : vector<16xf32>
      %sub3A_652 = arith.subf %get3A_631, %get3A_634 : vector<16xf32>
      %abs3A_653 = math.absf %sub3A_652 : vector<16xf32>
      %add3A_654 = arith.addf %add3A_625, %abs3A_653 : vector<16xf32>
      %get3A_655 = arith.constant 288 : index
      %get3A_656 = tpu.vector_load %arg16[%get3A_655] {strides = array<i32>} : memref<512xf32, #tpu.memory_space<vmem>>, vector<16xf32>,
      %get3A_657 = vector.shape_cast %get3A_656 : vector<16xf32> to vector<16xf32>
      %get3A_658 = arith.constant 288 : index
      %get3A_659 = tpu.vector_load %arg12[%get3A_658] {strides = array<i32>} : memref<512xf32, #tpu.memory_space<vmem>>, vector<16xf32>,
      %get3A_660 = vector.shape_cast %get3A_659 : vector<16xf32> to vector<16xf32>
      %get3A_661 = arith.constant 288 : index
      %get3A_662 = tpu.vector_load %arg13[%get3A_661] {strides = array<i32>} : memref<512xf32, #tpu.memory_space<vmem>>, vector<16xf32>,
      %get3A_663 = vector.shape_cast %get3A_662 : vector<16xf32> to vector<16xf32>
      %mul3A_664 = arith.mulf %get3A_660, %get3A_657 : vector<16xf32>
      %get3A_665 = arith.constant 288 : index
      %get3A_666 = tpu.vector_load %arg14[%get3A_665] {strides = array<i32>} : memref<512xf32, #tpu.memory_space<vmem>>, vector<16xf32>,
      %get3A_667 = vector.shape_cast %get3A_666 : vector<16xf32> to vector<16xf32>
      %mul3A_668 = arith.mulf %get3A_667, %get3A_657 : vector<16xf32>
      %sub3A_669 = arith.subf %mul3A_664, %mul3A_668 : vector<16xf32>
      %abs3A_670 = math.absf %sub3A_669 : vector<16xf32>
      %add3A_671 = arith.addf %add3A_642, %abs3A_670 : vector<16xf32>
      %mul3A_672 = arith.mulf %get3A_663, %get3A_657 : vector<16xf32>
      %get3A_673 = arith.constant 288 : index
      %get3A_674 = tpu.vector_load %arg15[%get3A_673] {strides = array<i32>} : memref<512xf32, #tpu.memory_space<vmem>>, vector<16xf32>,
      %get3A_675 = vector.shape_cast %get3A_674 : vector<16xf32> to vector<16xf32>
      %mul3A_676 = arith.mulf %get3A_675, %get3A_657 : vector<16xf32>
      %sub3A_677 = arith.subf %mul3A_672, %mul3A_676 : vector<16xf32>
      %abs3A_678 = math.absf %sub3A_677 : vector<16xf32>
      %add3A_679 = arith.addf %add3A_650, %abs3A_678 : vector<16xf32>
      %add3A_680 = arith.addf %add3A_651, %get3A_657 : vector<16xf32>
      %sub3A_681 = arith.subf %get3A_660, %get3A_663 : vector<16xf32>
      %abs3A_682 = math.absf %sub3A_681 : vector<16xf32>
      %add3A_683 = arith.addf %add3A_654, %abs3A_682 : vector<16xf32>
      %get3A_684 = arith.constant 304 : index
      %get3A_685 = tpu.vector_load %arg16[%get3A_684] {strides = array<i32>} : memref<512xf32, #tpu.memory_space<vmem>>, vector<16xf32>,
      %get3A_686 = vector.shape_cast %get3A_685 : vector<16xf32> to vector<16xf32>
      %get3A_687 = arith.constant 304 : index
      %get3A_688 = tpu.vector_load %arg12[%get3A_687] {strides = array<i32>} : memref<512xf32, #tpu.memory_space<vmem>>, vector<16xf32>,
      %get3A_689 = vector.shape_cast %get3A_688 : vector<16xf32> to vector<16xf32>
      %get3A_690 = arith.constant 304 : index
      %get3A_691 = tpu.vector_load %arg13[%get3A_690] {strides = array<i32>} : memref<512xf32, #tpu.memory_space<vmem>>, vector<16xf32>,
      %get3A_692 = vector.shape_cast %get3A_691 : vector<16xf32> to vector<16xf32>
      %mul3A_693 = arith.mulf %get3A_689, %get3A_686 : vector<16xf32>
      %get3A_694 = arith.constant 304 : index
      %get3A_695 = tpu.vector_load %arg14[%get3A_694] {strides = array<i32>} : memref<512xf32, #tpu.memory_space<vmem>>, vector<16xf32>,
      %get3A_696 = vector.shape_cast %get3A_695 : vector<16xf32> to vector<16xf32>
      %mul3A_697 = arith.mulf %get3A_696, %get3A_686 : vector<16xf32>
      %sub3A_698 = arith.subf %mul3A_693, %mul3A_697 : vector<16xf32>
      %abs3A_699 = math.absf %sub3A_698 : vector<16xf32>
      %add3A_700 = arith.addf %add3A_671, %abs3A_699 : vector<16xf32>
      %mul3A_701 = arith.mulf %get3A_692, %get3A_686 : vector<16xf32>
      %get3A_702 = arith.constant 304 : index
      %get3A_703 = tpu.vector_load %arg15[%get3A_702] {strides = array<i32>} : memref<512xf32, #tpu.memory_space<vmem>>, vector<16xf32>,
      %get3A_704 = vector.shape_cast %get3A_703 : vector<16xf32> to vector<16xf32>
      %mul3A_705 = arith.mulf %get3A_704, %get3A_686 : vector<16xf32>
      %sub3A_706 = arith.subf %mul3A_701, %mul3A_705 : vector<16xf32>
      %abs3A_707 = math.absf %sub3A_706 : vector<16xf32>
      %add3A_708 = arith.addf %add3A_679, %abs3A_707 : vector<16xf32>
      %add3A_709 = arith.addf %add3A_680, %get3A_686 : vector<16xf32>
      %sub3A_710 = arith.subf %get3A_689, %get3A_692 : vector<16xf32>
      %abs3A_711 = math.absf %sub3A_710 : vector<16xf32>
      %add3A_712 = arith.addf %add3A_683, %abs3A_711 : vector<16xf32>
      %get3A_713 = arith.constant 320 : index
      %get3A_714 = tpu.vector_load %arg16[%get3A_713] {strides = array<i32>} : memref<512xf32, #tpu.memory_space<vmem>>, vector<16xf32>,
      %get3A_715 = vector.shape_cast %get3A_714 : vector<16xf32> to vector<16xf32>
      %get3A_716 = arith.constant 320 : index
      %get3A_717 = tpu.vector_load %arg12[%get3A_716] {strides = array<i32>} : memref<512xf32, #tpu.memory_space<vmem>>, vector<16xf32>,
      %get3A_718 = vector.shape_cast %get3A_717 : vector<16xf32> to vector<16xf32>
      %get3A_719 = arith.constant 320 : index
      %get3A_720 = tpu.vector_load %arg13[%get3A_719] {strides = array<i32>} : memref<512xf32, #tpu.memory_space<vmem>>, vector<16xf32>,
      %get3A_721 = vector.shape_cast %get3A_720 : vector<16xf32> to vector<16xf32>
      %mul3A_722 = arith.mulf %get3A_718, %get3A_715 : vector<16xf32>
      %get3A_723 = arith.constant 320 : index
      %get3A_724 = tpu.vector_load %arg14[%get3A_723] {strides = array<i32>} : memref<512xf32, #tpu.memory_space<vmem>>, vector<16xf32>,
      %get3A_725 = vector.shape_cast %get3A_724 : vector<16xf32> to vector<16xf32>
      %mul3A_726 = arith.mulf %get3A_725, %get3A_715 : vector<16xf32>
      %sub3A_727 = arith.subf %mul3A_722, %mul3A_726 : vector<16xf32>
      %abs3A_728 = math.absf %sub3A_727 : vector<16xf32>
      %add3A_729 = arith.addf %add3A_700, %abs3A_728 : vector<16xf32>
      %mul3A_730 = arith.mulf %get3A_721, %get3A_715 : vector<16xf32>
      %get3A_731 = arith.constant 320 : index
      %get3A_732 = tpu.vector_load %arg15[%get3A_731] {strides = array<i32>} : memref<512xf32, #tpu.memory_space<vmem>>, vector<16xf32>,
      %get3A_733 = vector.shape_cast %get3A_732 : vector<16xf32> to vector<16xf32>
      %mul3A_734 = arith.mulf %get3A_733, %get3A_715 : vector<16xf32>
      %sub3A_735 = arith.subf %mul3A_730, %mul3A_734 : vector<16xf32>
      %abs3A_736 = math.absf %sub3A_735 : vector<16xf32>
      %add3A_737 = arith.addf %add3A_708, %abs3A_736 : vector<16xf32>
      %add3A_738 = arith.addf %add3A_709, %get3A_715 : vector<16xf32>
      %sub3A_739 = arith.subf %get3A_718, %get3A_721 : vector<16xf32>
      %abs3A_740 = math.absf %sub3A_739 : vector<16xf32>
      %add3A_741 = arith.addf %add3A_712, %abs3A_740 : vector<16xf32>
      %get3A_742 = arith.constant 336 : index
      %get3A_743 = tpu.vector_load %arg16[%get3A_742] {strides = array<i32>} : memref<512xf32, #tpu.memory_space<vmem>>, vector<16xf32>,
      %get3A_744 = vector.shape_cast %get3A_743 : vector<16xf32> to vector<16xf32>
      %get3A_745 = arith.constant 336 : index
      %get3A_746 = tpu.vector_load %arg12[%get3A_745] {strides = array<i32>} : memref<512xf32, #tpu.memory_space<vmem>>, vector<16xf32>,
      %get3A_747 = vector.shape_cast %get3A_746 : vector<16xf32> to vector<16xf32>
      %get3A_748 = arith.constant 336 : index
      %get3A_749 = tpu.vector_load %arg13[%get3A_748] {strides = array<i32>} : memref<512xf32, #tpu.memory_space<vmem>>, vector<16xf32>,
      %get3A_750 = vector.shape_cast %get3A_749 : vector<16xf32> to vector<16xf32>
      %mul3A_751 = arith.mulf %get3A_747, %get3A_744 : vector<16xf32>
      %get3A_752 = arith.constant 336 : index
      %get3A_753 = tpu.vector_load %arg14[%get3A_752] {strides = array<i32>} : memref<512xf32, #tpu.memory_space<vmem>>, vector<16xf32>,
      %get3A_754 = vector.shape_cast %get3A_753 : vector<16xf32> to vector<16xf32>
      %mul3A_755 = arith.mulf %get3A_754, %get3A_744 : vector<16xf32>
      %sub3A_756 = arith.subf %mul3A_751, %mul3A_755 : vector<16xf32>
      %abs3A_757 = math.absf %sub3A_756 : vector<16xf32>
      %add3A_758 = arith.addf %add3A_729, %abs3A_757 : vector<16xf32>
      %mul3A_759 = arith.mulf %get3A_750, %get3A_744 : vector<16xf32>
      %get3A_760 = arith.constant 336 : index
      %get3A_761 = tpu.vector_load %arg15[%get3A_760] {strides = array<i32>} : memref<512xf32, #tpu.memory_space<vmem>>, vector<16xf32>,
      %get3A_762 = vector.shape_cast %get3A_761 : vector<16xf32> to vector<16xf32>
      %mul3A_763 = arith.mulf %get3A_762, %get3A_744 : vector<16xf32>
      %sub3A_764 = arith.subf %mul3A_759, %mul3A_763 : vector<16xf32>
      %abs3A_765 = math.absf %sub3A_764 : vector<16xf32>
      %add3A_766 = arith.addf %add3A_737, %abs3A_765 : vector<16xf32>
      %add3A_767 = arith.addf %add3A_738, %get3A_744 : vector<16xf32>
      %sub3A_768 = arith.subf %get3A_747, %get3A_750 : vector<16xf32>
      %abs3A_769 = math.absf %sub3A_768 : vector<16xf32>
      %add3A_770 = arith.addf %add3A_741, %abs3A_769 : vector<16xf32>
      %get3A_771 = arith.constant 352 : index
      %get3A_772 = tpu.vector_load %arg16[%get3A_771] {strides = array<i32>} : memref<512xf32, #tpu.memory_space<vmem>>, vector<16xf32>,
      %get3A_773 = vector.shape_cast %get3A_772 : vector<16xf32> to vector<16xf32>
      %get3A_774 = arith.constant 352 : index
      %get3A_775 = tpu.vector_load %arg12[%get3A_774] {strides = array<i32>} : memref<512xf32, #tpu.memory_space<vmem>>, vector<16xf32>,
      %get3A_776 = vector.shape_cast %get3A_775 : vector<16xf32> to vector<16xf32>
      %get3A_777 = arith.constant 352 : index
      %get3A_778 = tpu.vector_load %arg13[%get3A_777] {strides = array<i32>} : memref<512xf32, #tpu.memory_space<vmem>>, vector<16xf32>,
      %get3A_779 = vector.shape_cast %get3A_778 : vector<16xf32> to vector<16xf32>
      %mul3A_780 = arith.mulf %get3A_776, %get3A_773 : vector<16xf32>
      %get3A_781 = arith.constant 352 : index
      %get3A_782 = tpu.vector_load %arg14[%get3A_781] {strides = array<i32>} : memref<512xf32, #tpu.memory_space<vmem>>, vector<16xf32>,
      %get3A_783 = vector.shape_cast %get3A_782 : vector<16xf32> to vector<16xf32>
      %mul3A_784 = arith.mulf %get3A_783, %get3A_773 : vector<16xf32>
      %sub3A_785 = arith.subf %mul3A_780, %mul3A_784 : vector<16xf32>
      %abs3A_786 = math.absf %sub3A_785 : vector<16xf32>
      %add3A_787 = arith.addf %add3A_758, %abs3A_786 : vector<16xf32>
      %mul3A_788 = arith.mulf %get3A_779, %get3A_773 : vector<16xf32>
      %get3A_789 = arith.constant 352 : index
      %get3A_790 = tpu.vector_load %arg15[%get3A_789] {strides = array<i32>} : memref<512xf32, #tpu.memory_space<vmem>>, vector<16xf32>,
      %get3A_791 = vector.shape_cast %get3A_790 : vector<16xf32> to vector<16xf32>
      %mul3A_792 = arith.mulf %get3A_791, %get3A_773 : vector<16xf32>
      %sub3A_793 = arith.subf %mul3A_788, %mul3A_792 : vector<16xf32>
      %abs3A_794 = math.absf %sub3A_793 : vector<16xf32>
      %add3A_795 = arith.addf %add3A_766, %abs3A_794 : vector<16xf32>
      %add3A_796 = arith.addf %add3A_767, %get3A_773 : vector<16xf32>
      %sub3A_797 = arith.subf %get3A_776, %get3A_779 : vector<16xf32>
      %abs3A_798 = math.absf %sub3A_797 : vector<16xf32>
      %add3A_799 = arith.addf %add3A_770, %abs3A_798 : vector<16xf32>
      %get3A_800 = arith.constant 368 : index
      %get3A_801 = tpu.vector_load %arg16[%get3A_800] {strides = array<i32>} : memref<512xf32, #tpu.memory_space<vmem>>, vector<16xf32>,
      %get3A_802 = vector.shape_cast %get3A_801 : vector<16xf32> to vector<16xf32>
      %get3A_803 = arith.constant 368 : index
      %get3A_804 = tpu.vector_load %arg12[%get3A_803] {strides = array<i32>} : memref<512xf32, #tpu.memory_space<vmem>>, vector<16xf32>,
      %get3A_805 = vector.shape_cast %get3A_804 : vector<16xf32> to vector<16xf32>
      %get3A_806 = arith.constant 368 : index
      %get3A_807 = tpu.vector_load %arg13[%get3A_806] {strides = array<i32>} : memref<512xf32, #tpu.memory_space<vmem>>, vector<16xf32>,
      %get3A_808 = vector.shape_cast %get3A_807 : vector<16xf32> to vector<16xf32>
      %mul3A_809 = arith.mulf %get3A_805, %get3A_802 : vector<16xf32>
      %get3A_810 = arith.constant 368 : index
      %get3A_811 = tpu.vector_load %arg14[%get3A_810] {strides = array<i32>} : memref<512xf32, #tpu.memory_space<vmem>>, vector<16xf32>,
      %get3A_812 = vector.shape_cast %get3A_811 : vector<16xf32> to vector<16xf32>
      %mul3A_813 = arith.mulf %get3A_812, %get3A_802 : vector<16xf32>
      %sub3A_814 = arith.subf %mul3A_809, %mul3A_813 : vector<16xf32>
      %abs3A_815 = math.absf %sub3A_814 : vector<16xf32>
      %add3A_816 = arith.addf %add3A_787, %abs3A_815 : vector<16xf32>
      %mul3A_817 = arith.mulf %get3A_808, %get3A_802 : vector<16xf32>
      %get3A_818 = arith.constant 368 : index
      %get3A_819 = tpu.vector_load %arg15[%get3A_818] {strides = array<i32>} : memref<512xf32, #tpu.memory_space<vmem>>, vector<16xf32>,
      %get3A_820 = vector.shape_cast %get3A_819 : vector<16xf32> to vector<16xf32>
      %mul3A_821 = arith.mulf %get3A_820, %get3A_802 : vector<16xf32>
      %sub3A_822 = arith.subf %mul3A_817, %mul3A_821 : vector<16xf32>
      %abs3A_823 = math.absf %sub3A_822 : vector<16xf32>
      %add3A_824 = arith.addf %add3A_795, %abs3A_823 : vector<16xf32>
      %add3A_825 = arith.addf %add3A_796, %get3A_802 : vector<16xf32>
      %sub3A_826 = arith.subf %get3A_805, %get3A_808 : vector<16xf32>
      %abs3A_827 = math.absf %sub3A_826 : vector<16xf32>
      %add3A_828 = arith.addf %add3A_799, %abs3A_827 : vector<16xf32>
      %get3A_829 = arith.constant 384 : index
      %get3A_830 = tpu.vector_load %arg16[%get3A_829] {strides = array<i32>} : memref<512xf32, #tpu.memory_space<vmem>>, vector<16xf32>,
      %get3A_831 = vector.shape_cast %get3A_830 : vector<16xf32> to vector<16xf32>
      %get3A_832 = arith.constant 384 : index
      %get3A_833 = tpu.vector_load %arg12[%get3A_832] {strides = array<i32>} : memref<512xf32, #tpu.memory_space<vmem>>, vector<16xf32>,
      %get3A_834 = vector.shape_cast %get3A_833 : vector<16xf32> to vector<16xf32>
      %get3A_835 = arith.constant 384 : index
      %get3A_836 = tpu.vector_load %arg13[%get3A_835] {strides = array<i32>} : memref<512xf32, #tpu.memory_space<vmem>>, vector<16xf32>,
      %get3A_837 = vector.shape_cast %get3A_836 : vector<16xf32> to vector<16xf32>
      %mul3A_838 = arith.mulf %get3A_834, %get3A_831 : vector<16xf32>
      %get3A_839 = arith.constant 384 : index
      %get3A_840 = tpu.vector_load %arg14[%get3A_839] {strides = array<i32>} : memref<512xf32, #tpu.memory_space<vmem>>, vector<16xf32>,
      %get3A_841 = vector.shape_cast %get3A_840 : vector<16xf32> to vector<16xf32>
      %mul3A_842 = arith.mulf %get3A_841, %get3A_831 : vector<16xf32>
      %sub3A_843 = arith.subf %mul3A_838, %mul3A_842 : vector<16xf32>
      %abs3A_844 = math.absf %sub3A_843 : vector<16xf32>
      %add3A_845 = arith.addf %add3A_816, %abs3A_844 : vector<16xf32>
      %mul3A_846 = arith.mulf %get3A_837, %get3A_831 : vector<16xf32>
      %get3A_847 = arith.constant 384 : index
      %get3A_848 = tpu.vector_load %arg15[%get3A_847] {strides = array<i32>} : memref<512xf32, #tpu.memory_space<vmem>>, vector<16xf32>,
      %get3A_849 = vector.shape_cast %get3A_848 : vector<16xf32> to vector<16xf32>
      %mul3A_850 = arith.mulf %get3A_849, %get3A_831 : vector<16xf32>
      %sub3A_851 = arith.subf %mul3A_846, %mul3A_850 : vector<16xf32>
      %abs3A_852 = math.absf %sub3A_851 : vector<16xf32>
      %add3A_853 = arith.addf %add3A_824, %abs3A_852 : vector<16xf32>
      %add3A_854 = arith.addf %add3A_825, %get3A_831 : vector<16xf32>
      %sub3A_855 = arith.subf %get3A_834, %get3A_837 : vector<16xf32>
      %abs3A_856 = math.absf %sub3A_855 : vector<16xf32>
      %add3A_857 = arith.addf %add3A_828, %abs3A_856 : vector<16xf32>
      %get3A_858 = arith.constant 400 : index
      %get3A_859 = tpu.vector_load %arg16[%get3A_858] {strides = array<i32>} : memref<512xf32, #tpu.memory_space<vmem>>, vector<16xf32>,
      %get3A_860 = vector.shape_cast %get3A_859 : vector<16xf32> to vector<16xf32>
      %get3A_861 = arith.constant 400 : index
      %get3A_862 = tpu.vector_load %arg12[%get3A_861] {strides = array<i32>} : memref<512xf32, #tpu.memory_space<vmem>>, vector<16xf32>,
      %get3A_863 = vector.shape_cast %get3A_862 : vector<16xf32> to vector<16xf32>
      %get3A_864 = arith.constant 400 : index
      %get3A_865 = tpu.vector_load %arg13[%get3A_864] {strides = array<i32>} : memref<512xf32, #tpu.memory_space<vmem>>, vector<16xf32>,
      %get3A_866 = vector.shape_cast %get3A_865 : vector<16xf32> to vector<16xf32>
      %mul3A_867 = arith.mulf %get3A_863, %get3A_860 : vector<16xf32>
      %get3A_868 = arith.constant 400 : index
      %get3A_869 = tpu.vector_load %arg14[%get3A_868] {strides = array<i32>} : memref<512xf32, #tpu.memory_space<vmem>>, vector<16xf32>,
      %get3A_870 = vector.shape_cast %get3A_869 : vector<16xf32> to vector<16xf32>
      %mul3A_871 = arith.mulf %get3A_870, %get3A_860 : vector<16xf32>
      %sub3A_872 = arith.subf %mul3A_867, %mul3A_871 : vector<16xf32>
      %abs3A_873 = math.absf %sub3A_872 : vector<16xf32>
      %add3A_874 = arith.addf %add3A_845, %abs3A_873 : vector<16xf32>
      %mul3A_875 = arith.mulf %get3A_866, %get3A_860 : vector<16xf32>
      %get3A_876 = arith.constant 400 : index
      %get3A_877 = tpu.vector_load %arg15[%get3A_876] {strides = array<i32>} : memref<512xf32, #tpu.memory_space<vmem>>, vector<16xf32>,
      %get3A_878 = vector.shape_cast %get3A_877 : vector<16xf32> to vector<16xf32>
      %mul3A_879 = arith.mulf %get3A_878, %get3A_860 : vector<16xf32>
      %sub3A_880 = arith.subf %mul3A_875, %mul3A_879 : vector<16xf32>
      %abs3A_881 = math.absf %sub3A_880 : vector<16xf32>
      %add3A_882 = arith.addf %add3A_853, %abs3A_881 : vector<16xf32>
      %add3A_883 = arith.addf %add3A_854, %get3A_860 : vector<16xf32>
      %sub3A_884 = arith.subf %get3A_863, %get3A_866 : vector<16xf32>
      %abs3A_885 = math.absf %sub3A_884 : vector<16xf32>
      %add3A_886 = arith.addf %add3A_857, %abs3A_885 : vector<16xf32>
      %get3A_887 = arith.constant 416 : index
      %get3A_888 = tpu.vector_load %arg16[%get3A_887] {strides = array<i32>} : memref<512xf32, #tpu.memory_space<vmem>>, vector<16xf32>,
      %get3A_889 = vector.shape_cast %get3A_888 : vector<16xf32> to vector<16xf32>
      %get3A_890 = arith.constant 416 : index
      %get3A_891 = tpu.vector_load %arg12[%get3A_890] {strides = array<i32>} : memref<512xf32, #tpu.memory_space<vmem>>, vector<16xf32>,
      %get3A_892 = vector.shape_cast %get3A_891 : vector<16xf32> to vector<16xf32>
      %get3A_893 = arith.constant 416 : index
      %get3A_894 = tpu.vector_load %arg13[%get3A_893] {strides = array<i32>} : memref<512xf32, #tpu.memory_space<vmem>>, vector<16xf32>,
      %get3A_895 = vector.shape_cast %get3A_894 : vector<16xf32> to vector<16xf32>
      %mul3A_896 = arith.mulf %get3A_892, %get3A_889 : vector<16xf32>
      %get3A_897 = arith.constant 416 : index
      %get3A_898 = tpu.vector_load %arg14[%get3A_897] {strides = array<i32>} : memref<512xf32, #tpu.memory_space<vmem>>, vector<16xf32>,
      %get3A_899 = vector.shape_cast %get3A_898 : vector<16xf32> to vector<16xf32>
      %mul3A_900 = arith.mulf %get3A_899, %get3A_889 : vector<16xf32>
      %sub3A_901 = arith.subf %mul3A_896, %mul3A_900 : vector<16xf32>
      %abs3A_902 = math.absf %sub3A_901 : vector<16xf32>
      %add3A_903 = arith.addf %add3A_874, %abs3A_902 : vector<16xf32>
      %mul3A_904 = arith.mulf %get3A_895, %get3A_889 : vector<16xf32>
      %get3A_905 = arith.constant 416 : index
      %get3A_906 = tpu.vector_load %arg15[%get3A_905] {strides = array<i32>} : memref<512xf32, #tpu.memory_space<vmem>>, vector<16xf32>,
      %get3A_907 = vector.shape_cast %get3A_906 : vector<16xf32> to vector<16xf32>
      %mul3A_908 = arith.mulf %get3A_907, %get3A_889 : vector<16xf32>
      %sub3A_909 = arith.subf %mul3A_904, %mul3A_908 : vector<16xf32>
      %abs3A_910 = math.absf %sub3A_909 : vector<16xf32>
      %add3A_911 = arith.addf %add3A_882, %abs3A_910 : vector<16xf32>
      %add3A_912 = arith.addf %add3A_883, %get3A_889 : vector<16xf32>
      %sub3A_913 = arith.subf %get3A_892, %get3A_895 : vector<16xf32>
      %abs3A_914 = math.absf %sub3A_913 : vector<16xf32>
      %add3A_915 = arith.addf %add3A_886, %abs3A_914 : vector<16xf32>
      %get3A_916 = arith.constant 432 : index
      %get3A_917 = tpu.vector_load %arg16[%get3A_916] {strides = array<i32>} : memref<512xf32, #tpu.memory_space<vmem>>, vector<16xf32>,
      %get3A_918 = vector.shape_cast %get3A_917 : vector<16xf32> to vector<16xf32>
      %get3A_919 = arith.constant 432 : index
      %get3A_920 = tpu.vector_load %arg12[%get3A_919] {strides = array<i32>} : memref<512xf32, #tpu.memory_space<vmem>>, vector<16xf32>,
      %get3A_921 = vector.shape_cast %get3A_920 : vector<16xf32> to vector<16xf32>
      %get3A_922 = arith.constant 432 : index
      %get3A_923 = tpu.vector_load %arg13[%get3A_922] {strides = array<i32>} : memref<512xf32, #tpu.memory_space<vmem>>, vector<16xf32>,
      %get3A_924 = vector.shape_cast %get3A_923 : vector<16xf32> to vector<16xf32>
      %mul3A_925 = arith.mulf %get3A_921, %get3A_918 : vector<16xf32>
      %get3A_926 = arith.constant 432 : index
      %get3A_927 = tpu.vector_load %arg14[%get3A_926] {strides = array<i32>} : memref<512xf32, #tpu.memory_space<vmem>>, vector<16xf32>,
      %get3A_928 = vector.shape_cast %get3A_927 : vector<16xf32> to vector<16xf32>
      %mul3A_929 = arith.mulf %get3A_928, %get3A_918 : vector<16xf32>
      %sub3A_930 = arith.subf %mul3A_925, %mul3A_929 : vector<16xf32>
      %abs3A_931 = math.absf %sub3A_930 : vector<16xf32>
      %add3A_932 = arith.addf %add3A_903, %abs3A_931 : vector<16xf32>
      %mul3A_933 = arith.mulf %get3A_924, %get3A_918 : vector<16xf32>
      %get3A_934 = arith.constant 432 : index
      %get3A_935 = tpu.vector_load %arg15[%get3A_934] {strides = array<i32>} : memref<512xf32, #tpu.memory_space<vmem>>, vector<16xf32>,
      %get3A_936 = vector.shape_cast %get3A_935 : vector<16xf32> to vector<16xf32>
      %mul3A_937 = arith.mulf %get3A_936, %get3A_918 : vector<16xf32>
      %sub3A_938 = arith.subf %mul3A_933, %mul3A_937 : vector<16xf32>
      %abs3A_939 = math.absf %sub3A_938 : vector<16xf32>
      %add3A_940 = arith.addf %add3A_911, %abs3A_939 : vector<16xf32>
      %add3A_941 = arith.addf %add3A_912, %get3A_918 : vector<16xf32>
      %sub3A_942 = arith.subf %get3A_921, %get3A_924 : vector<16xf32>
      %abs3A_943 = math.absf %sub3A_942 : vector<16xf32>
      %add3A_944 = arith.addf %add3A_915, %abs3A_943 : vector<16xf32>
      %get3A_945 = arith.constant 448 : index
      %get3A_946 = tpu.vector_load %arg16[%get3A_945] {strides = array<i32>} : memref<512xf32, #tpu.memory_space<vmem>>, vector<16xf32>,
      %get3A_947 = vector.shape_cast %get3A_946 : vector<16xf32> to vector<16xf32>
      %get3A_948 = arith.constant 448 : index
      %get3A_949 = tpu.vector_load %arg12[%get3A_948] {strides = array<i32>} : memref<512xf32, #tpu.memory_space<vmem>>, vector<16xf32>,
      %get3A_950 = vector.shape_cast %get3A_949 : vector<16xf32> to vector<16xf32>
      %get3A_951 = arith.constant 448 : index
      %get3A_952 = tpu.vector_load %arg13[%get3A_951] {strides = array<i32>} : memref<512xf32, #tpu.memory_space<vmem>>, vector<16xf32>,
      %get3A_953 = vector.shape_cast %get3A_952 : vector<16xf32> to vector<16xf32>
      %mul3A_954 = arith.mulf %get3A_950, %get3A_947 : vector<16xf32>
      %get3A_955 = arith.constant 448 : index
      %get3A_956 = tpu.vector_load %arg14[%get3A_955] {strides = array<i32>} : memref<512xf32, #tpu.memory_space<vmem>>, vector<16xf32>,
      %get3A_957 = vector.shape_cast %get3A_956 : vector<16xf32> to vector<16xf32>
      %mul3A_958 = arith.mulf %get3A_957, %get3A_947 : vector<16xf32>
      %sub3A_959 = arith.subf %mul3A_954, %mul3A_958 : vector<16xf32>
      %abs3A_960 = math.absf %sub3A_959 : vector<16xf32>
      %add3A_961 = arith.addf %add3A_932, %abs3A_960 : vector<16xf32>
      %mul3A_962 = arith.mulf %get3A_953, %get3A_947 : vector<16xf32>
      %get3A_963 = arith.constant 448 : index
      %get3A_964 = tpu.vector_load %arg15[%get3A_963] {strides = array<i32>} : memref<512xf32, #tpu.memory_space<vmem>>, vector<16xf32>,
      %get3A_965 = vector.shape_cast %get3A_964 : vector<16xf32> to vector<16xf32>
      %mul3A_966 = arith.mulf %get3A_965, %get3A_947 : vector<16xf32>
      %sub3A_967 = arith.subf %mul3A_962, %mul3A_966 : vector<16xf32>
      %abs3A_968 = math.absf %sub3A_967 : vector<16xf32>
      %add3A_969 = arith.addf %add3A_940, %abs3A_968 : vector<16xf32>
      %add3A_970 = arith.addf %add3A_941, %get3A_947 : vector<16xf32>
      %sub3A_971 = arith.subf %get3A_950, %get3A_953 : vector<16xf32>
      %abs3A_972 = math.absf %sub3A_971 : vector<16xf32>
      %add3A_973 = arith.addf %add3A_944, %abs3A_972 : vector<16xf32>
      %get3A_974 = arith.constant 464 : index
      %get3A_975 = tpu.vector_load %arg16[%get3A_974] {strides = array<i32>} : memref<512xf32, #tpu.memory_space<vmem>>, vector<16xf32>,
      %get3A_976 = vector.shape_cast %get3A_975 : vector<16xf32> to vector<16xf32>
      %get3A_977 = arith.constant 464 : index
      %get3A_978 = tpu.vector_load %arg12[%get3A_977] {strides = array<i32>} : memref<512xf32, #tpu.memory_space<vmem>>, vector<16xf32>,
      %get3A_979 = vector.shape_cast %get3A_978 : vector<16xf32> to vector<16xf32>
      %get3A_980 = arith.constant 464 : index
      %get3A_981 = tpu.vector_load %arg13[%get3A_980] {strides = array<i32>} : memref<512xf32, #tpu.memory_space<vmem>>, vector<16xf32>,
      %get3A_982 = vector.shape_cast %get3A_981 : vector<16xf32> to vector<16xf32>
      %mul3A_983 = arith.mulf %get3A_979, %get3A_976 : vector<16xf32>
      %get3A_984 = arith.constant 464 : index
      %get3A_985 = tpu.vector_load %arg14[%get3A_984] {strides = array<i32>} : memref<512xf32, #tpu.memory_space<vmem>>, vector<16xf32>,
      %get3A_986 = vector.shape_cast %get3A_985 : vector<16xf32> to vector<16xf32>
      %mul3A_987 = arith.mulf %get3A_986, %get3A_976 : vector<16xf32>
      %sub3A_988 = arith.subf %mul3A_983, %mul3A_987 : vector<16xf32>
      %abs3A_989 = math.absf %sub3A_988 : vector<16xf32>
      %add3A_990 = arith.addf %add3A_961, %abs3A_989 : vector<16xf32>
      %mul3A_991 = arith.mulf %get3A_982, %get3A_976 : vector<16xf32>
      %get3A_992 = arith.constant 464 : index
      %get3A_993 = tpu.vector_load %arg15[%get3A_992] {strides = array<i32>} : memref<512xf32, #tpu.memory_space<vmem>>, vector<16xf32>,
      %get3A_994 = vector.shape_cast %get3A_993 : vector<16xf32> to vector<16xf32>
      %mul3A_995 = arith.mulf %get3A_994, %get3A_976 : vector<16xf32>
      %sub3A_996 = arith.subf %mul3A_991, %mul3A_995 : vector<16xf32>
      %abs3A_997 = math.absf %sub3A_996 : vector<16xf32>
      %add3A_998 = arith.addf %add3A_969, %abs3A_997 : vector<16xf32>
      %add3A_999 = arith.addf %add3A_970, %get3A_976 : vector<16xf32>
      %sub3A_1000 = arith.subf %get3A_979, %get3A_982 : vector<16xf32>
      %abs3A_1001 = math.absf %sub3A_1000 : vector<16xf32>
      %add3A_1002 = arith.addf %add3A_973, %abs3A_1001 : vector<16xf32>
      %get3A_1003 = arith.constant 480 : index
      %get3A_1004 = tpu.vector_load %arg16[%get3A_1003] {strides = array<i32>} : memref<512xf32, #tpu.memory_space<vmem>>, vector<16xf32>,
      %get3A_1005 = vector.shape_cast %get3A_1004 : vector<16xf32> to vector<16xf32>
      %get3A_1006 = arith.constant 480 : index
      %get3A_1007 = tpu.vector_load %arg12[%get3A_1006] {strides = array<i32>} : memref<512xf32, #tpu.memory_space<vmem>>, vector<16xf32>,
      %get3A_1008 = vector.shape_cast %get3A_1007 : vector<16xf32> to vector<16xf32>
      %get3A_1009 = arith.constant 480 : index
      %get3A_1010 = tpu.vector_load %arg13[%get3A_1009] {strides = array<i32>} : memref<512xf32, #tpu.memory_space<vmem>>, vector<16xf32>,
      %get3A_1011 = vector.shape_cast %get3A_1010 : vector<16xf32> to vector<16xf32>
      %mul3A_1012 = arith.mulf %get3A_1008, %get3A_1005 : vector<16xf32>
      %get3A_1013 = arith.constant 480 : index
      %get3A_1014 = tpu.vector_load %arg14[%get3A_1013] {strides = array<i32>} : memref<512xf32, #tpu.memory_space<vmem>>, vector<16xf32>,
      %get3A_1015 = vector.shape_cast %get3A_1014 : vector<16xf32> to vector<16xf32>
      %mul3A_1016 = arith.mulf %get3A_1015, %get3A_1005 : vector<16xf32>
      %sub3A_1017 = arith.subf %mul3A_1012, %mul3A_1016 : vector<16xf32>
      %abs3A_1018 = math.absf %sub3A_1017 : vector<16xf32>
      %add3A_1019 = arith.addf %add3A_990, %abs3A_1018 : vector<16xf32>
      %mul3A_1020 = arith.mulf %get3A_1011, %get3A_1005 : vector<16xf32>
      %get3A_1021 = arith.constant 480 : index
      %get3A_1022 = tpu.vector_load %arg15[%get3A_1021] {strides = array<i32>} : memref<512xf32, #tpu.memory_space<vmem>>, vector<16xf32>,
      %get3A_1023 = vector.shape_cast %get3A_1022 : vector<16xf32> to vector<16xf32>
      %mul3A_1024 = arith.mulf %get3A_1023, %get3A_1005 : vector<16xf32>
      %sub3A_1025 = arith.subf %mul3A_1020, %mul3A_1024 : vector<16xf32>
      %abs3A_1026 = math.absf %sub3A_1025 : vector<16xf32>
      %add3A_1027 = arith.addf %add3A_998, %abs3A_1026 : vector<16xf32>
      %add3A_1028 = arith.addf %add3A_999, %get3A_1005 : vector<16xf32>
      %sub3A_1029 = arith.subf %get3A_1008, %get3A_1011 : vector<16xf32>
      %abs3A_1030 = math.absf %sub3A_1029 : vector<16xf32>
      %add3A_1031 = arith.addf %add3A_1002, %abs3A_1030 : vector<16xf32>
      %get3A_1032 = arith.constant 496 : index
      %get3A_1033 = tpu.vector_load %arg16[%get3A_1032] {strides = array<i32>} : memref<512xf32, #tpu.memory_space<vmem>>, vector<16xf32>,
      %get3A_1034 = vector.shape_cast %get3A_1033 : vector<16xf32> to vector<16xf32>
      %get3A_1035 = arith.constant 496 : index
      %get3A_1036 = tpu.vector_load %arg12[%get3A_1035] {strides = array<i32>} : memref<512xf32, #tpu.memory_space<vmem>>, vector<16xf32>,
      %get3A_1037 = vector.shape_cast %get3A_1036 : vector<16xf32> to vector<16xf32>
      %get3A_1038 = arith.constant 496 : index
      %get3A_1039 = tpu.vector_load %arg13[%get3A_1038] {strides = array<i32>} : memref<512xf32, #tpu.memory_space<vmem>>, vector<16xf32>,
      %get3A_1040 = vector.shape_cast %get3A_1039 : vector<16xf32> to vector<16xf32>
      %mul3A_1041 = arith.mulf %get3A_1037, %get3A_1034 : vector<16xf32>
      %get3A_1042 = arith.constant 496 : index
      %get3A_1043 = tpu.vector_load %arg14[%get3A_1042] {strides = array<i32>} : memref<512xf32, #tpu.memory_space<vmem>>, vector<16xf32>,
      %get3A_1044 = vector.shape_cast %get3A_1043 : vector<16xf32> to vector<16xf32>
      %mul3A_1045 = arith.mulf %get3A_1044, %get3A_1034 : vector<16xf32>
      %sub3A_1046 = arith.subf %mul3A_1041, %mul3A_1045 : vector<16xf32>
      %abs3A_1047 = math.absf %sub3A_1046 : vector<16xf32>
      %add3A_1048 = arith.addf %add3A_1019, %abs3A_1047 : vector<16xf32>
      %mul3A_1049 = arith.mulf %get3A_1040, %get3A_1034 : vector<16xf32>
      %get3A_1050 = arith.constant 496 : index
      %get3A_1051 = tpu.vector_load %arg15[%get3A_1050] {strides = array<i32>} : memref<512xf32, #tpu.memory_space<vmem>>, vector<16xf32>,
      %get3A_1052 = vector.shape_cast %get3A_1051 : vector<16xf32> to vector<16xf32>
      %mul3A_1053 = arith.mulf %get3A_1052, %get3A_1034 : vector<16xf32>
      %sub3A_1054 = arith.subf %mul3A_1049, %mul3A_1053 : vector<16xf32>
      %abs3A_1055 = math.absf %sub3A_1054 : vector<16xf32>
      %add3A_1056 = arith.addf %add3A_1027, %abs3A_1055 : vector<16xf32>
      %add3A_1057 = arith.addf %add3A_1028, %get3A_1034 : vector<16xf32>
      %sub3A_1058 = arith.subf %get3A_1037, %get3A_1040 : vector<16xf32>
      %abs3A_1059 = math.absf %sub3A_1058 : vector<16xf32>
      %add3A_1060 = arith.addf %add3A_1031, %abs3A_1059 : vector<16xf32>
      %swap3A = arith.constant 0 : i32
      %swap3A_1061 = arith.index_cast %swap3A : i32 to index
      %swap3A_1062 = arith.constant 0 : index
      %swap3A_1063 = tpu.vector_load %arg17[%swap3A_1061, %swap3A_1062] {strides = array<i32>} : memref<8x16xf32, #tpu.memory_space<vmem>>, vector<1x16xf32>,
      %swap3A_1064 = vector.shape_cast %swap3A_1063 : vector<1x16xf32> to vector<16xf32>
      %swap3A_1065 = vector.shape_cast %add3A_1048 : vector<16xf32> to vector<1x16xf32>
      tpu.vector_store %arg17[%swap3A_1061, %swap3A_1062], %swap3A_1065 {strides = array<i32>} : memref<8x16xf32, #tpu.memory_space<vmem>>, vector<1x16xf32>,
      %swap3A_1066 = arith.constant 1 : i32
      %swap3A_1067 = arith.index_cast %swap3A_1066 : i32 to index
      %swap3A_1068 = arith.constant 0 : index
      %swap3A_1069 = tpu.vector_load %arg17[%swap3A_1067, %swap3A_1068] {strides = array<i32>} : memref<8x16xf32, #tpu.memory_space<vmem>>, vector<1x16xf32>,
      %swap3A_1070 = vector.shape_cast %swap3A_1069 : vector<1x16xf32> to vector<16xf32>
      %swap3A_1071 = vector.shape_cast %add3A_1056 : vector<16xf32> to vector<1x16xf32>
      tpu.vector_store %arg17[%swap3A_1067, %swap3A_1068], %swap3A_1071 {strides = array<i32>} : memref<8x16xf32, #tpu.memory_space<vmem>>, vector<1x16xf32>,
      %swap3A_1072 = arith.constant 2 : i32
      %swap3A_1073 = arith.index_cast %swap3A_1072 : i32 to index
      %swap3A_1074 = arith.constant 0 : index
      %swap3A_1075 = tpu.vector_load %arg17[%swap3A_1073, %swap3A_1074] {strides = array<i32>} : memref<8x16xf32, #tpu.memory_space<vmem>>, vector<1x16xf32>,
      %swap3A_1076 = vector.shape_cast %swap3A_1075 : vector<1x16xf32> to vector<16xf32>
      %swap3A_1077 = vector.shape_cast %add3A_1057 : vector<16xf32> to vector<1x16xf32>
      tpu.vector_store %arg17[%swap3A_1073, %swap3A_1074], %swap3A_1077 {strides = array<i32>} : memref<8x16xf32, #tpu.memory_space<vmem>>, vector<1x16xf32>,
      %swap3A_1078 = arith.constant 3 : i32
      %swap3A_1079 = arith.index_cast %swap3A_1078 : i32 to index
      %swap3A_1080 = arith.constant 0 : index
      %swap3A_1081 = tpu.vector_load %arg17[%swap3A_1079, %swap3A_1080] {strides = array<i32>} : memref<8x16xf32, #tpu.memory_space<vmem>>, vector<1x16xf32>,
      %swap3A_1082 = vector.shape_cast %swap3A_1081 : vector<1x16xf32> to vector<16xf32>
      %swap3A_1083 = vector.shape_cast %add3A_1060 : vector<16xf32> to vector<1x16xf32>
      tpu.vector_store %arg17[%swap3A_1079, %swap3A_1080], %swap3A_1083 {strides = array<i32>} : memref<8x16xf32, #tpu.memory_space<vmem>>, vector<1x16xf32>,
      %broadcast_in_dim3A_1084 = arith.constant 0.000000e+00 : f32
      %broadcast_in_dim3A_1085 = vector.broadcast %broadcast_in_dim3A_1084 : f32 to vector<16xf32>
      %swap3A_1086 = arith.constant 4 : i32
      %swap3A_1087 = arith.index_cast %swap3A_1086 : i32 to index
      %swap3A_1088 = arith.constant 0 : index
      %swap3A_1089 = tpu.vector_load %arg17[%swap3A_1087, %swap3A_1088] {strides = array<i32>} : memref<8x16xf32, #tpu.memory_space<vmem>>, vector<1x16xf32>,
      %swap3A_1090 = vector.shape_cast %swap3A_1089 : vector<1x16xf32> to vector<16xf32>
      %swap3A_1091 = vector.shape_cast %broadcast_in_dim3A_1085 : vector<16xf32> to vector<1x16xf32>
      tpu.vector_store %arg17[%swap3A_1087, %swap3A_1088], %swap3A_1091 {strides = array<i32>} : memref<8x16xf32, #tpu.memory_space<vmem>>, vector<1x16xf32>,
      %swap3A_1092 = arith.constant 5 : i32
      %swap3A_1093 = arith.index_cast %swap3A_1092 : i32 to index
      %swap3A_1094 = arith.constant 0 : index
      %swap3A_1095 = tpu.vector_load %arg17[%swap3A_1093, %swap3A_1094] {strides = array<i32>} : memref<8x16xf32, #tpu.memory_space<vmem>>, vector<1x16xf32>,
      %swap3A_1096 = vector.shape_cast %swap3A_1095 : vector<1x16xf32> to vector<16xf32>
      %swap3A_1097 = vector.shape_cast %broadcast_in_dim3A_1085 : vector<16xf32> to vector<1x16xf32>
      tpu.vector_store %arg17[%swap3A_1093, %swap3A_1094], %swap3A_1097 {strides = array<i32>} : memref<8x16xf32, #tpu.memory_space<vmem>>, vector<1x16xf32>,
      %swap3A_1098 = arith.constant 6 : i32
      %swap3A_1099 = arith.index_cast %swap3A_1098 : i32 to index
      %swap3A_1100 = arith.constant 0 : index
      %swap3A_1101 = tpu.vector_load %arg17[%swap3A_1099, %swap3A_1100] {strides = array<i32>} : memref<8x16xf32, #tpu.memory_space<vmem>>, vector<1x16xf32>,
      %swap3A_1102 = vector.shape_cast %swap3A_1101 : vector<1x16xf32> to vector<16xf32>
      %swap3A_1103 = vector.shape_cast %broadcast_in_dim3A_1085 : vector<16xf32> to vector<1x16xf32>
      tpu.vector_store %arg17[%swap3A_1099, %swap3A_1100], %swap3A_1103 {strides = array<i32>} : memref<8x16xf32, #tpu.memory_space<vmem>>, vector<1x16xf32>,
      %swap3A_1104 = arith.constant 7 : i32
      %swap3A_1105 = arith.index_cast %swap3A_1104 : i32 to index
      %swap3A_1106 = arith.constant 0 : index
      %swap3A_1107 = tpu.vector_load %arg17[%swap3A_1105, %swap3A_1106] {strides = array<i32>} : memref<8x16xf32, #tpu.memory_space<vmem>>, vector<1x16xf32>,
      %swap3A_1108 = vector.shape_cast %swap3A_1107 : vector<1x16xf32> to vector<16xf32>
      %swap3A_1109 = vector.shape_cast %broadcast_in_dim3A_1085 : vector<16xf32> to vector<1x16xf32>
      tpu.vector_store %arg17[%swap3A_1105, %swap3A_1106], %swap3A_1109 {strides = array<i32>} : memref<8x16xf32, #tpu.memory_space<vmem>>, vector<1x16xf32>,
      "tpu.region"() ({
        %run_scoped3A = tpu.sem_alloc : memref<!tpu.dma_semaphore, #tpu.memory_space<semaphore_mem>>
        tpu.enqueue_dma source(%arg17 : memref<8x16xf32, #tpu.memory_space<vmem>>) target(%arg9 : memref<8x16xf32, #tpu.memory_space<hbm>>) target_semaphore(%run_scoped3A : memref<!tpu.dma_semaphore, #tpu.memory_space<semaphore_mem>>)
        tpu.wait_dma2 semaphore(%run_scoped3A : memref<!tpu.dma_semaphore, #tpu.memory_space<semaphore_mem>>) src(%arg17 : memref<8x16xf32, #tpu.memory_space<vmem>>) dst(%arg9 : memref<8x16xf32, #tpu.memory_space<hbm>>)
        tpu.yield
      }) : () -> ()
    } else {
    }
    return
  }
}

module attributes {stable_mosaic.version = 14 : i64} {
  func.func @_tc_body(%arg0: i32, %arg1: i32, %arg2: memref<2x64xi32, #tpu.memory_space<smem>>, %arg3: memref<1x1x256x64xf32, #tpu.memory_space<vmem>>, %arg4: memref<1x1x256x64xf32, #tpu.memory_space<vmem>>, %arg5: memref<1x1x256x64xf32, #tpu.memory_space<vmem>>, %arg6: memref<1x1x256x64xf32, #tpu.memory_space<vmem>>, %arg7: memref<1x64x4x1024xf32, #tpu.memory_space<vmem>>, %arg8: memref<1x2x256x64xf32, #tpu.memory_space<vmem>>, %arg9: memref<1x2x256x64xf32, #tpu.memory_space<vmem>>, %arg10: memref<1x117x1024xf32, #tpu.memory_space<vmem>>, %arg11: memref<1x80x1024xf32, #tpu.memory_space<vmem>>, %arg12: memref<1x80x1024xf32, #tpu.memory_space<vmem>>, %arg13: memref<1x1x128xi32, #tpu.memory_space<vmem>>, %arg14: memref<1x128xf32, #tpu.memory_space<vmem>>, %arg15: memref<8x128xi32, #tpu.memory_space<vmem>>, %arg16: memref<8x128xf32, #tpu.memory_space<vmem>>, %arg17: memref<128x128xi32, #tpu.memory_space<vmem>>, %arg18: memref<64x4x1024xf32, #tpu.memory_space<vmem>>, %arg19: memref<8x1024xf32, #tpu.memory_space<vmem>>) attributes {dimension_semantics = [#tpu.dimension_semantics<arbitrary>, #tpu.dimension_semantics<arbitrary>], iteration_bounds = array<i64: 2, 16>, scalar_prefetch = 1 : i64, scratch_operands = 5 : i64, tpu.core_type = #tpu.core_type<tc>, window_params = [{transform_indices = @transform_0, window_bounds = array<i64: 1, 1, 256, 64>}, {transform_indices = @transform_1, window_bounds = array<i64: 1, 1, 256, 64>}, {transform_indices = @transform_2, window_bounds = array<i64: 1, 1, 256, 64>}, {transform_indices = @transform_3, window_bounds = array<i64: 1, 1, 256, 64>}, {transform_indices = @transform_4, window_bounds = array<i64: 1, 64, 4, 1024>}, {transform_indices = @transform_5, window_bounds = array<i64: 1, 2, 256, 64>}, {transform_indices = @transform_6, window_bounds = array<i64: 1, 2, 256, 64>}, {transform_indices = @transform_7, window_bounds = array<i64: 1, 117, 1024>}, {transform_indices = @transform_8, window_bounds = array<i64: 1, 80, 1024>}, {transform_indices = @transform_9, window_bounds = array<i64: 1, 80, 1024>}, {transform_indices = @transform_10, window_bounds = array<i64: 1, 1, 128>}, {pipeline_mode = #tpu.pipeline_mode<synchronous>, transform_indices = @transform_11, window_bounds = array<i64: 1, 128>}]} {
    %eq3A = arith.constant 0 : i32
    %eq3A_0 = arith.cmpi eq, %arg0, %eq3A : i32
    %eq3A_1 = arith.constant 0 : i32
    %eq3A_2 = arith.cmpi eq, %arg1, %eq3A_1 : i32
    %and3A = arith.andi %eq3A_0, %eq3A_2 : i1
    %convert_element_type3A = arith.extui %and3A : i1 to i32
    %cond3A = arith.constant 0 : i32
    %cond3A_3 = arith.cmpi ne, %convert_element_type3A, %cond3A : i32
    scf.if %cond3A_3 {
      %broadcast_in_dim3A_635 = arith.constant 0.000000e+00 : f32
      %broadcast_in_dim3A_636 = vector.broadcast %broadcast_in_dim3A_635 : f32 to vector<8x1024xf32>
      %swap3A_637 = arith.constant 0 : index
      %swap3A_638 = arith.constant 0 : index
      %swap3A_639 = vector.load %arg19[%swap3A_637, %swap3A_638] : memref<8x1024xf32, #tpu.memory_space<vmem>>, vector<8x1024xf32>
      tpu.vector_store %arg19[%swap3A_637, %swap3A_638], %broadcast_in_dim3A_636 {strides = array<i32>} : memref<8x1024xf32, #tpu.memory_space<vmem>>, vector<8x1024xf32>,
    } else {
    }
    %eq3A_4 = arith.constant 0 : i32
    %eq3A_5 = arith.cmpi eq, %arg1, %eq3A_4 : i32
    %convert_element_type3A_6 = arith.extui %eq3A_5 : i1 to i32
    %cond3A_7 = arith.constant 0 : i32
    %cond3A_8 = arith.cmpi ne, %convert_element_type3A_6, %cond3A_7 : i32
    scf.if %cond3A_8 {
      %broadcast_in_dim3A_635 = arith.constant 0 : i32
      %broadcast_in_dim3A_636 = vector.broadcast %broadcast_in_dim3A_635 : i32 to vector<1x128xi32>
      %swap3A_637 = arith.constant 0 : index
      %swap3A_638 = arith.constant 0 : index
      %swap3A_639 = vector.load %arg15[%swap3A_637, %swap3A_638] : memref<8x128xi32, #tpu.memory_space<vmem>>, vector<1x128xi32>
      tpu.vector_store %arg15[%swap3A_637, %swap3A_638], %broadcast_in_dim3A_636 {strides = array<i32>} : memref<8x128xi32, #tpu.memory_space<vmem>>, vector<1x128xi32>,
      %broadcast_in_dim3A_640 = arith.constant 0.000000e+00 : f32
      %broadcast_in_dim3A_641 = vector.broadcast %broadcast_in_dim3A_640 : f32 to vector<1x128xf32>
      %swap3A_642 = arith.constant 0 : index
      %swap3A_643 = arith.constant 0 : index
      %swap3A_644 = vector.load %arg16[%swap3A_642, %swap3A_643] : memref<8x128xf32, #tpu.memory_space<vmem>>, vector<1x128xf32>
      tpu.vector_store %arg16[%swap3A_642, %swap3A_643], %broadcast_in_dim3A_641 {strides = array<i32>} : memref<8x128xf32, #tpu.memory_space<vmem>>, vector<1x128xf32>,
      %get3A_645 = arith.constant 0 : index
      %get3A_646 = arith.constant 0 : index
      %get3A_647 = arith.constant 0 : index
      %get3A_648 = arith.constant 0 : index
      %get3A_649 = vector.load %arg8[%get3A_645, %get3A_646, %get3A_647, %get3A_648] : memref<1x2x256x64xf32, #tpu.memory_space<vmem>>, vector<1x1x256x64xf32>
      %get3A_650 = vector.shape_cast %get3A_649 : vector<1x1x256x64xf32> to vector<256x64xf32>
      %transpose3A_651 = tpu.transpose %get3A_650, [1, 0] : vector<256x64xf32> -> vector<64x256xf32>
      %swap3A_652 = arith.constant 0 : index
      %swap3A_653 = arith.constant 0 : index
      %swap3A_654 = arith.constant 0 : index
      %swap3A_655 = vector.load %arg18[%swap3A_652, %swap3A_653, %swap3A_654] : memref<64x4x1024xf32, #tpu.memory_space<vmem>>, vector<64x1x256xf32>
      %swap3A_656 = vector.shape_cast %swap3A_655 : vector<64x1x256xf32> to vector<64x256xf32>
      %swap3A_657 = vector.shape_cast %transpose3A_651 : vector<64x256xf32> to vector<64x1x256xf32>
      tpu.vector_store %arg18[%swap3A_652, %swap3A_653, %swap3A_654], %swap3A_657 {strides = array<i32>} : memref<64x4x1024xf32, #tpu.memory_space<vmem>>, vector<64x1x256xf32>,
      %get3A_658 = arith.constant 0 : index
      %get3A_659 = arith.constant 1 : index
      %get3A_660 = arith.constant 0 : index
      %get3A_661 = arith.constant 0 : index
      %get3A_662 = vector.load %arg8[%get3A_658, %get3A_659, %get3A_660, %get3A_661] : memref<1x2x256x64xf32, #tpu.memory_space<vmem>>, vector<1x1x256x64xf32>
      %get3A_663 = vector.shape_cast %get3A_662 : vector<1x1x256x64xf32> to vector<256x64xf32>
      %transpose3A_664 = tpu.transpose %get3A_663, [1, 0] : vector<256x64xf32> -> vector<64x256xf32>
      %swap3A_665 = arith.constant 0 : index
      %swap3A_666 = arith.constant 1 : index
      %swap3A_667 = arith.constant 0 : index
      %swap3A_668 = vector.load %arg18[%swap3A_665, %swap3A_666, %swap3A_667] : memref<64x4x1024xf32, #tpu.memory_space<vmem>>, vector<64x1x256xf32>
      %swap3A_669 = vector.shape_cast %swap3A_668 : vector<64x1x256xf32> to vector<64x256xf32>
      %swap3A_670 = vector.shape_cast %transpose3A_664 : vector<64x256xf32> to vector<64x1x256xf32>
      tpu.vector_store %arg18[%swap3A_665, %swap3A_666, %swap3A_667], %swap3A_670 {strides = array<i32>} : memref<64x4x1024xf32, #tpu.memory_space<vmem>>, vector<64x1x256xf32>,
      %get3A_671 = arith.constant 0 : index
      %get3A_672 = arith.constant 0 : index
      %get3A_673 = arith.constant 0 : index
      %get3A_674 = arith.constant 0 : index
      %get3A_675 = vector.load %arg9[%get3A_671, %get3A_672, %get3A_673, %get3A_674] : memref<1x2x256x64xf32, #tpu.memory_space<vmem>>, vector<1x1x256x64xf32>
      %get3A_676 = vector.shape_cast %get3A_675 : vector<1x1x256x64xf32> to vector<256x64xf32>
      %transpose3A_677 = tpu.transpose %get3A_676, [1, 0] : vector<256x64xf32> -> vector<64x256xf32>
      %swap3A_678 = arith.constant 0 : index
      %swap3A_679 = arith.constant 2 : index
      %swap3A_680 = arith.constant 0 : index
      %swap3A_681 = vector.load %arg18[%swap3A_678, %swap3A_679, %swap3A_680] : memref<64x4x1024xf32, #tpu.memory_space<vmem>>, vector<64x1x256xf32>
      %swap3A_682 = vector.shape_cast %swap3A_681 : vector<64x1x256xf32> to vector<64x256xf32>
      %swap3A_683 = vector.shape_cast %transpose3A_677 : vector<64x256xf32> to vector<64x1x256xf32>
      tpu.vector_store %arg18[%swap3A_678, %swap3A_679, %swap3A_680], %swap3A_683 {strides = array<i32>} : memref<64x4x1024xf32, #tpu.memory_space<vmem>>, vector<64x1x256xf32>,
      %get3A_684 = arith.constant 0 : index
      %get3A_685 = arith.constant 1 : index
      %get3A_686 = arith.constant 0 : index
      %get3A_687 = arith.constant 0 : index
      %get3A_688 = vector.load %arg9[%get3A_684, %get3A_685, %get3A_686, %get3A_687] : memref<1x2x256x64xf32, #tpu.memory_space<vmem>>, vector<1x1x256x64xf32>
      %get3A_689 = vector.shape_cast %get3A_688 : vector<1x1x256x64xf32> to vector<256x64xf32>
      %transpose3A_690 = tpu.transpose %get3A_689, [1, 0] : vector<256x64xf32> -> vector<64x256xf32>
      %swap3A_691 = arith.constant 0 : index
      %swap3A_692 = arith.constant 3 : index
      %swap3A_693 = arith.constant 0 : index
      %swap3A_694 = vector.load %arg18[%swap3A_691, %swap3A_692, %swap3A_693] : memref<64x4x1024xf32, #tpu.memory_space<vmem>>, vector<64x1x256xf32>
      %swap3A_695 = vector.shape_cast %swap3A_694 : vector<64x1x256xf32> to vector<64x256xf32>
      %swap3A_696 = vector.shape_cast %transpose3A_690 : vector<64x256xf32> to vector<64x1x256xf32>
      tpu.vector_store %arg18[%swap3A_691, %swap3A_692, %swap3A_693], %swap3A_696 {strides = array<i32>} : memref<64x4x1024xf32, #tpu.memory_space<vmem>>, vector<64x1x256xf32>,
      %get3A_697 = arith.constant 0 : index
      %get3A_698 = arith.constant 0 : index
      %get3A_699 = arith.constant 0 : index
      %get3A_700 = vector.load %arg18[%get3A_697, %get3A_698, %get3A_699] : memref<64x4x1024xf32, #tpu.memory_space<vmem>>, vector<64x4x256xf32>
      %swap3A_701 = arith.constant 0 : index
      %swap3A_702 = arith.constant 0 : index
      %swap3A_703 = arith.constant 256 : index
      %swap3A_704 = vector.load %arg18[%swap3A_701, %swap3A_702, %swap3A_703] : memref<64x4x1024xf32, #tpu.memory_space<vmem>>, vector<64x4x256xf32>
      tpu.vector_store %arg18[%swap3A_701, %swap3A_702, %swap3A_703], %get3A_700 {strides = array<i32>} : memref<64x4x1024xf32, #tpu.memory_space<vmem>>, vector<64x4x256xf32>,
      %get3A_705 = arith.constant 0 : index
      %get3A_706 = arith.constant 0 : index
      %get3A_707 = arith.constant 0 : index
      %get3A_708 = vector.load %arg18[%get3A_705, %get3A_706, %get3A_707] : memref<64x4x1024xf32, #tpu.memory_space<vmem>>, vector<64x4x256xf32>
      %swap3A_709 = arith.constant 0 : index
      %swap3A_710 = arith.constant 0 : index
      %swap3A_711 = arith.constant 512 : index
      %swap3A_712 = vector.load %arg18[%swap3A_709, %swap3A_710, %swap3A_711] : memref<64x4x1024xf32, #tpu.memory_space<vmem>>, vector<64x4x256xf32>
      tpu.vector_store %arg18[%swap3A_709, %swap3A_710, %swap3A_711], %get3A_708 {strides = array<i32>} : memref<64x4x1024xf32, #tpu.memory_space<vmem>>, vector<64x4x256xf32>,
      %get3A_713 = arith.constant 0 : index
      %get3A_714 = arith.constant 0 : index
      %get3A_715 = arith.constant 0 : index
      %get3A_716 = vector.load %arg18[%get3A_713, %get3A_714, %get3A_715] : memref<64x4x1024xf32, #tpu.memory_space<vmem>>, vector<64x4x256xf32>
      %swap3A_717 = arith.constant 0 : index
      %swap3A_718 = arith.constant 0 : index
      %swap3A_719 = arith.constant 768 : index
      %swap3A_720 = vector.load %arg18[%swap3A_717, %swap3A_718, %swap3A_719] : memref<64x4x1024xf32, #tpu.memory_space<vmem>>, vector<64x4x256xf32>
      tpu.vector_store %arg18[%swap3A_717, %swap3A_718, %swap3A_719], %get3A_716 {strides = array<i32>} : memref<64x4x1024xf32, #tpu.memory_space<vmem>>, vector<64x4x256xf32>,
    } else {
    }
    %get3A = arith.constant 0 : index
    %get3A_9 = arith.constant 0 : index
    %get3A_10 = arith.constant 0 : index
    %get3A_11 = vector.load %arg10[%get3A, %get3A_9, %get3A_10] : memref<1x117x1024xf32, #tpu.memory_space<vmem>>, vector<1x117x1024xf32>
    %get3A_12 = vector.shape_cast %get3A_11 : vector<1x117x1024xf32> to vector<117x1024xf32>
    %abs3A = math.absf %get3A_12 : vector<117x1024xf32>
    %neg3A = arith.constant 0.000000e+00 : f32
    %neg3A_13 = vector.broadcast %neg3A : f32 to vector<117x1024xf32>
    %neg3A_14 = arith.subf %neg3A_13, %abs3A : vector<117x1024xf32>
    %exp3A = math.exp %neg3A_14 : vector<117x1024xf32>
    %add3A = arith.constant 1.000000e+00 : f32
    %add3A_15 = vector.broadcast %add3A : f32 to vector<117x1024xf32>
    %add3A_16 = arith.addf %add3A_15, %exp3A : vector<117x1024xf32>
    %div3A = arith.constant 1.000000e+00 : f32
    %div3A_17 = vector.broadcast %div3A : f32 to vector<117x1024xf32>
    %div3A_18 = arith.divf %div3A_17, %add3A_16 : vector<117x1024xf32>
    %ge3A = arith.constant 0.000000e+00 : f32
    %ge3A_19 = vector.broadcast %ge3A : f32 to vector<117x1024xf32>
    %ge3A_20 = arith.cmpf oge, %get3A_12, %ge3A_19 : vector<117x1024xf32>
    %sub3A = arith.constant 1.000000e+00 : f32
    %sub3A_21 = vector.broadcast %sub3A : f32 to vector<117x1024xf32>
    %sub3A_22 = arith.subf %sub3A_21, %div3A_18 : vector<117x1024xf32>
    %select_n3A = arith.select %ge3A_20, %div3A_18, %sub3A_22 : vector<117x1024xi1>, vector<117x1024xf32>
    %mul3A = arith.constant 7.500000e-01 : f32
    %mul3A_23 = vector.broadcast %mul3A : f32 to vector<117x1024xf32>
    %mul3A_24 = arith.mulf %mul3A_23, %select_n3A : vector<117x1024xf32>
    %mul3A_25 = arith.mulf %mul3A_24, %select_n3A : vector<117x1024xf32>
    %max3A = arith.constant 0.000000e+00 : f32
    %max3A_26 = vector.broadcast %max3A : f32 to vector<117x1024xf32>
    %max3A_27 = arith.maximumf %get3A_12, %max3A_26 : vector<117x1024xf32>
    %log1p3A = math.log1p %exp3A : vector<117x1024xf32>
    %add3A_28 = arith.addf %max3A_27, %log1p3A : vector<117x1024xf32>
    %mul3A_29 = arith.mulf %mul3A_25, %add3A_28 : vector<117x1024xf32>
    %get3A_30 = arith.constant 0 : index
    %get3A_31 = arith.constant 0 : index
    %get3A_32 = arith.constant 0 : index
    %get3A_33 = vector.load %arg11[%get3A_30, %get3A_31, %get3A_32] : memref<1x80x1024xf32, #tpu.memory_space<vmem>>, vector<1x80x1024xf32>
    %get3A_34 = vector.shape_cast %get3A_33 : vector<1x80x1024xf32> to vector<80x1024xf32>
    %abs3A_35 = math.absf %get3A_34 : vector<80x1024xf32>
    %neg3A_36 = arith.constant 0.000000e+00 : f32
    %neg3A_37 = vector.broadcast %neg3A_36 : f32 to vector<80x1024xf32>
    %neg3A_38 = arith.subf %neg3A_37, %abs3A_35 : vector<80x1024xf32>
    %exp3A_39 = math.exp %neg3A_38 : vector<80x1024xf32>
    %add3A_40 = arith.constant 1.000000e+00 : f32
    %add3A_41 = vector.broadcast %add3A_40 : f32 to vector<80x1024xf32>
    %add3A_42 = arith.addf %add3A_41, %exp3A_39 : vector<80x1024xf32>
    %div3A_43 = arith.constant 1.000000e+00 : f32
    %div3A_44 = vector.broadcast %div3A_43 : f32 to vector<80x1024xf32>
    %div3A_45 = arith.divf %div3A_44, %add3A_42 : vector<80x1024xf32>
    %ge3A_46 = arith.constant 0.000000e+00 : f32
    %ge3A_47 = vector.broadcast %ge3A_46 : f32 to vector<80x1024xf32>
    %ge3A_48 = arith.cmpf oge, %get3A_34, %ge3A_47 : vector<80x1024xf32>
    %sub3A_49 = arith.constant 1.000000e+00 : f32
    %sub3A_50 = vector.broadcast %sub3A_49 : f32 to vector<80x1024xf32>
    %sub3A_51 = arith.subf %sub3A_50, %div3A_45 : vector<80x1024xf32>
    %select_n3A_52 = arith.select %ge3A_48, %div3A_45, %sub3A_51 : vector<80x1024xi1>, vector<80x1024xf32>
    %jit3A = arith.constant 9.99999974E-5 : f32
    %jit3A_53 = arith.constant 0.999899983 : f32
    %max3A_54 = vector.broadcast %jit3A : f32 to vector<80x1024xf32>
    %max3A_55 = arith.maximumf %max3A_54, %select_n3A_52 : vector<80x1024xf32>
    %min3A = vector.broadcast %jit3A_53 : f32 to vector<80x1024xf32>
    %min3A_56 = arith.minimumf %min3A, %max3A_55 : vector<80x1024xf32>
    %log1p3A_57 = math.log1p %exp3A_39 : vector<80x1024xf32>
    %min3A_58 = arith.constant 0.000000e+00 : f32
    %min3A_59 = vector.broadcast %min3A_58 : f32 to vector<80x1024xf32>
    %min3A_60 = arith.minimumf %get3A_34, %min3A_59 : vector<80x1024xf32>
    %sub3A_61 = arith.subf %min3A_60, %log1p3A_57 : vector<80x1024xf32>
    %jit3A_62 = arith.constant -9.21034049 : f32
    %jit3A_63 = arith.constant -1.000050e-04 : f32
    %max3A_64 = vector.broadcast %jit3A_62 : f32 to vector<80x1024xf32>
    %max3A_65 = arith.maximumf %max3A_64, %sub3A_61 : vector<80x1024xf32>
    %min3A_66 = vector.broadcast %jit3A_63 : f32 to vector<80x1024xf32>
    %min3A_67 = arith.minimumf %min3A_66, %max3A_65 : vector<80x1024xf32>
    %max3A_68 = arith.constant 0.000000e+00 : f32
    %max3A_69 = vector.broadcast %max3A_68 : f32 to vector<80x1024xf32>
    %max3A_70 = arith.maximumf %get3A_34, %max3A_69 : vector<80x1024xf32>
    %neg3A_71 = arith.constant 0.000000e+00 : f32
    %neg3A_72 = vector.broadcast %neg3A_71 : f32 to vector<80x1024xf32>
    %neg3A_73 = arith.subf %neg3A_72, %max3A_70 : vector<80x1024xf32>
    %sub3A_74 = arith.subf %neg3A_73, %log1p3A_57 : vector<80x1024xf32>
    %jit3A_75 = arith.constant -9.21034049 : f32
    %jit3A_76 = arith.constant -1.000050e-04 : f32
    %max3A_77 = vector.broadcast %jit3A_75 : f32 to vector<80x1024xf32>
    %max3A_78 = arith.maximumf %max3A_77, %sub3A_74 : vector<80x1024xf32>
    %min3A_79 = vector.broadcast %jit3A_76 : f32 to vector<80x1024xf32>
    %min3A_80 = arith.minimumf %min3A_79, %max3A_78 : vector<80x1024xf32>
    %get3A_81 = arith.constant 0 : index
    %get3A_82 = arith.constant 0 : index
    %get3A_83 = arith.constant 0 : index
    %get3A_84 = vector.load %arg12[%get3A_81, %get3A_82, %get3A_83] : memref<1x80x1024xf32, #tpu.memory_space<vmem>>, vector<1x80x1024xf32>
    %get3A_85 = vector.shape_cast %get3A_84 : vector<1x80x1024xf32> to vector<80x1024xf32>
    %eq3A_86 = arith.constant 1.000000e+00 : f32
    %eq3A_87 = vector.broadcast %eq3A_86 : f32 to vector<80x1024xf32>
    %eq3A_88 = arith.cmpf oeq, %get3A_85, %eq3A_87 : vector<80x1024xf32>
    %convert_element_type3A_89 = arith.extui %eq3A_88 : vector<80x1024xi1> to vector<80x1024xi32>
    %convert_element_type3A_90 = arith.sitofp %convert_element_type3A_89 : vector<80x1024xi32> to vector<80x1024xf32>
    %lt3A = arith.constant 1.000000e+00 : f32
    %lt3A_91 = vector.broadcast %lt3A : f32 to vector<80x1024xf32>
    %lt3A_92 = arith.cmpf olt, %get3A_85, %lt3A_91 : vector<80x1024xf32>
    %convert_element_type3A_93 = arith.extui %lt3A_92 : vector<80x1024xi1> to vector<80x1024xi32>
    %convert_element_type3A_94 = arith.sitofp %convert_element_type3A_93 : vector<80x1024xi32> to vector<80x1024xf32>
    %sub3A_95 = arith.constant 1.000000e+00 : f32
    %sub3A_96 = vector.broadcast %sub3A_95 : f32 to vector<80x1024xf32>
    %sub3A_97 = arith.subf %sub3A_96, %get3A_85 : vector<80x1024xf32>
    %mul3A_98 = arith.mulf %sub3A_97, %sub3A_97 : vector<80x1024xf32>
    %mul3A_99 = arith.mulf %sub3A_97, %sub3A_97 : vector<80x1024xf32>
    %mul3A_100 = arith.mulf %mul3A_98, %mul3A_99 : vector<80x1024xf32>
    %sub3A_101 = arith.constant 1.000000e+00 : f32
    %sub3A_102 = vector.broadcast %sub3A_101 : f32 to vector<80x1024xf32>
    %sub3A_103 = arith.subf %sub3A_102, %min3A_56 : vector<80x1024xf32>
    %mul3A_104 = arith.mulf %min3A_67, %sub3A_103 : vector<80x1024xf32>
    %sub3A_105 = arith.constant 1.000000e+00 : f32
    %sub3A_106 = vector.broadcast %sub3A_105 : f32 to vector<80x1024xf32>
    %sub3A_107 = arith.subf %sub3A_106, %min3A_56 : vector<80x1024xf32>
    %mul3A_108 = arith.mulf %mul3A_104, %sub3A_107 : vector<80x1024xf32>
    %mul3A_109 = arith.mulf %mul3A_108, %convert_element_type3A_90 : vector<80x1024xf32>
    %mul3A_110 = arith.mulf %min3A_80, %min3A_56 : vector<80x1024xf32>
    %mul3A_111 = arith.mulf %mul3A_110, %min3A_56 : vector<80x1024xf32>
    %mul3A_112 = arith.mulf %mul3A_111, %mul3A_100 : vector<80x1024xf32>
    %mul3A_113 = arith.mulf %mul3A_112, %convert_element_type3A_94 : vector<80x1024xf32>
    %get3A_114 = arith.constant 0 : index
    %get3A_115 = arith.constant 0 : index
    %get3A_116 = vector.load %arg19[%get3A_114, %get3A_115] : memref<8x1024xf32, #tpu.memory_space<vmem>>, vector<1x1024xf32>
    %reduce_sum3A = arith.constant dense<0.000000e+00> : vector<1024xf32>
    %reduce_sum3A_117 = vector.multi_reduction <add>, %mul3A_29, %reduce_sum3A [0] : vector<117x1024xf32> to vector<1024xf32>
    %broadcast_in_dim3A = vector.shape_cast %reduce_sum3A_117 : vector<1024xf32> to vector<1x1024xf32>
    %add3A_118 = arith.addf %get3A_116, %broadcast_in_dim3A : vector<1x1024xf32>
    %swap3A = arith.constant 0 : index
    %swap3A_119 = arith.constant 0 : index
    %swap3A_120 = vector.load %arg19[%swap3A, %swap3A_119] : memref<8x1024xf32, #tpu.memory_space<vmem>>, vector<1x1024xf32>
    tpu.vector_store %arg19[%swap3A, %swap3A_119], %add3A_118 {strides = array<i32>} : memref<8x1024xf32, #tpu.memory_space<vmem>>, vector<1x1024xf32>,
    %get3A_121 = arith.constant 1 : index
    %get3A_122 = arith.constant 0 : index
    %get3A_123 = vector.load %arg19[%get3A_121, %get3A_122] : memref<8x1024xf32, #tpu.memory_space<vmem>>, vector<1x1024xf32>
    %reduce_sum3A_124 = arith.constant dense<0.000000e+00> : vector<1024xf32>
    %reduce_sum3A_125 = vector.multi_reduction <add>, %mul3A_109, %reduce_sum3A_124 [0] : vector<80x1024xf32> to vector<1024xf32>
    %broadcast_in_dim3A_126 = vector.shape_cast %reduce_sum3A_125 : vector<1024xf32> to vector<1x1024xf32>
    %add3A_127 = arith.addf %get3A_123, %broadcast_in_dim3A_126 : vector<1x1024xf32>
    %swap3A_128 = arith.constant 1 : index
    %swap3A_129 = arith.constant 0 : index
    %swap3A_130 = vector.load %arg19[%swap3A_128, %swap3A_129] : memref<8x1024xf32, #tpu.memory_space<vmem>>, vector<1x1024xf32>
    tpu.vector_store %arg19[%swap3A_128, %swap3A_129], %add3A_127 {strides = array<i32>} : memref<8x1024xf32, #tpu.memory_space<vmem>>, vector<1x1024xf32>,
    %get3A_131 = arith.constant 2 : index
    %get3A_132 = arith.constant 0 : index
    %get3A_133 = vector.load %arg19[%get3A_131, %get3A_132] : memref<8x1024xf32, #tpu.memory_space<vmem>>, vector<1x1024xf32>
    %reduce_sum3A_134 = arith.constant dense<0.000000e+00> : vector<1024xf32>
    %reduce_sum3A_135 = vector.multi_reduction <add>, %mul3A_113, %reduce_sum3A_134 [0] : vector<80x1024xf32> to vector<1024xf32>
    %broadcast_in_dim3A_136 = vector.shape_cast %reduce_sum3A_135 : vector<1024xf32> to vector<1x1024xf32>
    %add3A_137 = arith.addf %get3A_133, %broadcast_in_dim3A_136 : vector<1x1024xf32>
    %swap3A_138 = arith.constant 2 : index
    %swap3A_139 = arith.constant 0 : index
    %swap3A_140 = vector.load %arg19[%swap3A_138, %swap3A_139] : memref<8x1024xf32, #tpu.memory_space<vmem>>, vector<1x1024xf32>
    tpu.vector_store %arg19[%swap3A_138, %swap3A_139], %add3A_137 {strides = array<i32>} : memref<8x1024xf32, #tpu.memory_space<vmem>>, vector<1x1024xf32>,
    %get3A_141 = arith.constant 3 : index
    %get3A_142 = arith.constant 0 : index
    %get3A_143 = vector.load %arg19[%get3A_141, %get3A_142] : memref<8x1024xf32, #tpu.memory_space<vmem>>, vector<1x1024xf32>
    %reduce_sum3A_144 = arith.constant dense<0.000000e+00> : vector<1024xf32>
    %reduce_sum3A_145 = vector.multi_reduction <add>, %convert_element_type3A_90, %reduce_sum3A_144 [0] : vector<80x1024xf32> to vector<1024xf32>
    %broadcast_in_dim3A_146 = vector.shape_cast %reduce_sum3A_145 : vector<1024xf32> to vector<1x1024xf32>
    %add3A_147 = arith.addf %get3A_143, %broadcast_in_dim3A_146 : vector<1x1024xf32>
    %swap3A_148 = arith.constant 3 : index
    %swap3A_149 = arith.constant 0 : index
    %swap3A_150 = vector.load %arg19[%swap3A_148, %swap3A_149] : memref<8x1024xf32, #tpu.memory_space<vmem>>, vector<1x1024xf32>
    tpu.vector_store %arg19[%swap3A_148, %swap3A_149], %add3A_147 {strides = array<i32>} : memref<8x1024xf32, #tpu.memory_space<vmem>>, vector<1x1024xf32>,
    %get3A_151 = arith.constant 0 : index
    %get3A_152 = arith.constant 0 : index
    %get3A_153 = arith.constant 0 : index
    %get3A_154 = arith.constant 0 : index
    %get3A_155 = vector.load %arg7[%get3A_151, %get3A_152, %get3A_153, %get3A_154] : memref<1x64x4x1024xf32, #tpu.memory_space<vmem>>, vector<1x64x4x1024xf32>
    %get3A_156 = vector.shape_cast %get3A_155 : vector<1x64x4x1024xf32> to vector<64x4x1024xf32>
    %get3A_157 = arith.constant 0 : index
    %get3A_158 = arith.constant 0 : index
    %get3A_159 = arith.constant 0 : index
    %get3A_160 = vector.load %arg18[%get3A_157, %get3A_158, %get3A_159] : memref<64x4x1024xf32, #tpu.memory_space<vmem>>, vector<64x4x1024xf32>
    %sub3A_161 = arith.subf %get3A_156, %get3A_160 : vector<64x4x1024xf32>
    %abs3A_162 = math.absf %sub3A_161 : vector<64x4x1024xf32>
    %reshape3A = vector.shape_cast %abs3A_162 : vector<64x4x1024xf32> to vector<256x1024xf32>
    %iota3A = tpu.iota {dimensions = array<i32: 1>} : vector<64x256xi32>
    %iota3A_163 = tpu.iota {dimensions = array<i32: 0>} : vector<64x256xi32>
    %shift_right_arithmetic3A = arith.constant 2 : i32
    %shift_right_arithmetic3A_164 = vector.broadcast %shift_right_arithmetic3A : i32 to vector<64x256xi32>
    %shift_right_arithmetic3A_165 = arith.shrsi %iota3A, %shift_right_arithmetic3A_164 : vector<64x256xi32>
    %eq3A_166 = arith.cmpi eq, %shift_right_arithmetic3A_165, %iota3A_163 : vector<64x256xi32>
    %convert_element_type3A_167 = arith.extui %eq3A_166 : vector<64x256xi1> to vector<64x256xi32>
    %convert_element_type3A_168 = arith.sitofp %convert_element_type3A_167 : vector<64x256xi32> to vector<64x256xf32>
    %dot_general3A = arith.constant dense<0.000000e+00> : vector<64x1024xf32>
    %dot_general3A_169 = tpu.matmul %convert_element_type3A_168, %reshape3A, %dot_general3A {dimension_numbers = #tpu.dot_dimension_numbers<[1], [0], [0], [1], [0, 0, 1, 1], [], []>, transpose_lhs_hint = false} : vector<64x256xf32>, vector<256x1024xf32>, vector<64x1024xf32> -> vector<64x1024xf32>
    %iota3A_170 = tpu.iota {dimensions = array<i32: 0>} : vector<64x256xi32>
    %iota3A_171 = tpu.iota {dimensions = array<i32: 1>} : vector<64x256xi32>
    %mul3A_172 = arith.constant 64 : i32
    %mul3A_173 = vector.broadcast %mul3A_172 : i32 to vector<64x256xi32>
    %mul3A_174 = arith.muli %iota3A_171, %mul3A_173 : vector<64x256xi32>
    %add3A_175 = arith.addi %mul3A_174, %iota3A_170 : vector<64x256xi32>
    %iota3A_176 = tpu.iota {dimensions = array<i32: 1>} : vector<1x128xi32>
    %mul3A_177 = arith.constant 4 : i32
    %mul3A_178 = arith.muli %mul3A_177, %arg1 : i32
    %add3A_179 = arith.constant 0 : i32
    %add3A_180 = arith.addi %mul3A_178, %add3A_179 : i32
    %get3A_181 = arith.constant 0 : index
    %get3A_182 = arith.constant 0 : index
    %get3A_183 = arith.constant 0 : index
    %get3A_184 = arith.constant 0 : index
    %get3A_185 = vector.load %arg3[%get3A_181, %get3A_182, %get3A_183, %get3A_184] : memref<1x1x256x64xf32, #tpu.memory_space<vmem>>, vector<1x1x256x64xf32>
    %get3A_186 = vector.shape_cast %get3A_185 : vector<1x1x256x64xf32> to vector<256x64xf32>
    %transpose3A = tpu.transpose %get3A_186, [1, 0] : vector<256x64xf32> -> vector<64x256xf32>
    %abs3A_187 = math.absf %transpose3A : vector<64x256xf32>
    %neg3A_188 = arith.constant 0.000000e+00 : f32
    %neg3A_189 = vector.broadcast %neg3A_188 : f32 to vector<64x256xf32>
    %neg3A_190 = arith.subf %neg3A_189, %abs3A_187 : vector<64x256xf32>
    %exp3A_191 = math.exp %neg3A_190 : vector<64x256xf32>
    %add3A_192 = arith.constant 1.000000e+00 : f32
    %add3A_193 = vector.broadcast %add3A_192 : f32 to vector<64x256xf32>
    %add3A_194 = arith.addf %add3A_193, %exp3A_191 : vector<64x256xf32>
    %div3A_195 = arith.constant 1.000000e+00 : f32
    %div3A_196 = vector.broadcast %div3A_195 : f32 to vector<64x256xf32>
    %div3A_197 = arith.divf %div3A_196, %add3A_194 : vector<64x256xf32>
    %ge3A_198 = arith.constant 0.000000e+00 : f32
    %ge3A_199 = vector.broadcast %ge3A_198 : f32 to vector<64x256xf32>
    %ge3A_200 = arith.cmpf oge, %transpose3A, %ge3A_199 : vector<64x256xf32>
    %sub3A_201 = arith.constant 1.000000e+00 : f32
    %sub3A_202 = vector.broadcast %sub3A_201 : f32 to vector<64x256xf32>
    %sub3A_203 = arith.subf %sub3A_202, %div3A_197 : vector<64x256xf32>
    %select_n3A_204 = arith.select %ge3A_200, %div3A_197, %sub3A_203 : vector<64x256xi1>, vector<64x256xf32>
    %log1p3A_205 = math.log1p %exp3A_191 : vector<64x256xf32>
    %sub3A_206 = arith.constant 1.000000e+00 : f32
    %sub3A_207 = vector.broadcast %sub3A_206 : f32 to vector<64x256xf32>
    %sub3A_208 = arith.subf %sub3A_207, %select_n3A_204 : vector<64x256xf32>
    %mul3A_209 = arith.constant 2.500000e-01 : f32
    %mul3A_210 = vector.broadcast %mul3A_209 : f32 to vector<64x256xf32>
    %mul3A_211 = arith.mulf %mul3A_210, %sub3A_208 : vector<64x256xf32>
    %sub3A_212 = arith.constant 1.000000e+00 : f32
    %sub3A_213 = vector.broadcast %sub3A_212 : f32 to vector<64x256xf32>
    %sub3A_214 = arith.subf %sub3A_213, %select_n3A_204 : vector<64x256xf32>
    %mul3A_215 = arith.mulf %mul3A_211, %sub3A_214 : vector<64x256xf32>
    %neg3A_216 = arith.constant 0.000000e+00 : f32
    %neg3A_217 = vector.broadcast %neg3A_216 : f32 to vector<64x256xf32>
    %neg3A_218 = arith.subf %neg3A_217, %transpose3A : vector<64x256xf32>
    %max3A_219 = arith.constant 0.000000e+00 : f32
    %max3A_220 = vector.broadcast %max3A_219 : f32 to vector<64x256xf32>
    %max3A_221 = arith.maximumf %neg3A_218, %max3A_220 : vector<64x256xf32>
    %add3A_222 = arith.addf %max3A_221, %log1p3A_205 : vector<64x256xf32>
    %mul3A_223 = arith.mulf %mul3A_215, %add3A_222 : vector<64x256xf32>
    %mul3A_224 = arith.constant 7.500000e-01 : f32
    %mul3A_225 = vector.broadcast %mul3A_224 : f32 to vector<64x256xf32>
    %mul3A_226 = arith.mulf %mul3A_225, %select_n3A_204 : vector<64x256xf32>
    %mul3A_227 = arith.mulf %mul3A_226, %select_n3A_204 : vector<64x256xf32>
    %max3A_228 = arith.constant 0.000000e+00 : f32
    %max3A_229 = vector.broadcast %max3A_228 : f32 to vector<64x256xf32>
    %max3A_230 = arith.maximumf %transpose3A, %max3A_229 : vector<64x256xf32>
    %add3A_231 = arith.addf %max3A_230, %log1p3A_205 : vector<64x256xf32>
    %mul3A_232 = arith.mulf %mul3A_227, %add3A_231 : vector<64x256xf32>
    %sub3A_233 = arith.subf %mul3A_223, %mul3A_232 : vector<64x256xf32>
    %slice3A = vector.extract_strided_slice %dot_general3A_169 {offsets = [0, 0], sizes = [64, 256], strides = [1, 1]} : vector<64x1024xf32> to vector<64x256xf32>
    %mul3A_234 = arith.constant 1.000000e-01 : f32
    %mul3A_235 = vector.broadcast %mul3A_234 : f32 to vector<64x256xf32>
    %mul3A_236 = arith.mulf %mul3A_235, %slice3A : vector<64x256xf32>
    %add3A_237 = arith.addf %mul3A_236, %sub3A_233 : vector<64x256xf32>
    %reduce_min3A = vector.shape_cast %add3A_237 : vector<64x256xf32> to vector<1x64x256xf32>
    %reduce_min3A_238 = arith.constant dense<0x7F800000> : vector<1xf32>
    %reduce_min3A_239 = vector.multi_reduction <minimumf>, %reduce_min3A, %reduce_min3A_238 [1, 2] : vector<1x64x256xf32> to vector<1xf32>
    %reduce_min3A_240 = vector.shape_cast %reduce_min3A_239 : vector<1xf32> to vector<1x1x1xf32>
    %reduce_min3A_241 = vector.extract %reduce_min3A_240[0, 0, 0] : f32 from vector<1x1x1xf32>
    %eq3A_242 = vector.broadcast %reduce_min3A_241 : f32 to vector<64x256xf32>
    %eq3A_243 = arith.cmpf oeq, %add3A_237, %eq3A_242 : vector<64x256xf32>
    %jit3A_244 = arith.constant 1073741824 : i32
    %broadcast_in_dim3A_245 = vector.broadcast %jit3A_244 : i32 to vector<64x256xi32>
    %select_n3A_246 = arith.select %eq3A_243, %add3A_175, %broadcast_in_dim3A_245 : vector<64x256xi1>, vector<64x256xi32>
    %reduce_min3A_247 = vector.shape_cast %select_n3A_246 : vector<64x256xi32> to vector<1x64x256xi32>
    %reduce_min3A_248 = arith.constant dense<2147483647> : vector<1xi32>
    %reduce_min3A_249 = vector.multi_reduction <minsi>, %reduce_min3A_247, %reduce_min3A_248 [1, 2] : vector<1x64x256xi32> to vector<1xi32>
    %reduce_min3A_250 = vector.shape_cast %reduce_min3A_249 : vector<1xi32> to vector<1x1x1xi32>
    %reduce_min3A_251 = vector.extract %reduce_min3A_250[0, 0, 0] : i32 from vector<1x1x1xi32>
    %eq3A_252 = vector.broadcast %reduce_min3A_251 : i32 to vector<64x256xi32>
    %eq3A_253 = arith.cmpi eq, %add3A_175, %eq3A_252 : vector<64x256xi32>
    %jit3A_254 = arith.constant 0.000000e+00 : f32
    %broadcast_in_dim3A_255 = vector.broadcast %jit3A_254 : f32 to vector<64x256xf32>
    %select_n3A_256 = arith.select %eq3A_253, %transpose3A, %broadcast_in_dim3A_255 : vector<64x256xi1>, vector<64x256xf32>
    %reduce_sum3A_257 = vector.shape_cast %select_n3A_256 : vector<64x256xf32> to vector<1x64x256xf32>
    %reduce_sum3A_258 = arith.constant dense<0.000000e+00> : vector<1xf32>
    %reduce_sum3A_259 = vector.multi_reduction <add>, %reduce_sum3A_257, %reduce_sum3A_258 [1, 2] : vector<1x64x256xf32> to vector<1xf32>
    %reduce_sum3A_260 = vector.shape_cast %reduce_sum3A_259 : vector<1xf32> to vector<1x1x1xf32>
    %reduce_sum3A_261 = vector.extract %reduce_sum3A_260[0, 0, 0] : f32 from vector<1x1x1xf32>
    %eq3A_262 = vector.broadcast %add3A_180 : i32 to vector<1x128xi32>
    %eq3A_263 = arith.cmpi eq, %iota3A_176, %eq3A_262 : vector<1x128xi32>
    %get3A_264 = arith.constant 0 : index
    %get3A_265 = arith.constant 0 : index
    %get3A_266 = vector.load %arg15[%get3A_264, %get3A_265] : memref<8x128xi32, #tpu.memory_space<vmem>>, vector<1x128xi32>
    %broadcast_in_dim3A_267 = vector.broadcast %reduce_min3A_251 : i32 to vector<1x128xi32>
    %select_n3A_268 = arith.select %eq3A_263, %broadcast_in_dim3A_267, %get3A_266 : vector<1x128xi1>, vector<1x128xi32>
    %swap3A_269 = arith.constant 0 : index
    %swap3A_270 = arith.constant 0 : index
    %swap3A_271 = vector.load %arg15[%swap3A_269, %swap3A_270] : memref<8x128xi32, #tpu.memory_space<vmem>>, vector<1x128xi32>
    tpu.vector_store %arg15[%swap3A_269, %swap3A_270], %select_n3A_268 {strides = array<i32>} : memref<8x128xi32, #tpu.memory_space<vmem>>, vector<1x128xi32>,
    %eq3A_272 = vector.broadcast %add3A_180 : i32 to vector<1x128xi32>
    %eq3A_273 = arith.cmpi eq, %iota3A_176, %eq3A_272 : vector<1x128xi32>
    %get3A_274 = arith.constant 0 : index
    %get3A_275 = arith.constant 0 : index
    %get3A_276 = vector.load %arg16[%get3A_274, %get3A_275] : memref<8x128xf32, #tpu.memory_space<vmem>>, vector<1x128xf32>
    %broadcast_in_dim3A_277 = vector.broadcast %reduce_sum3A_261 : f32 to vector<1x128xf32>
    %select_n3A_278 = arith.select %eq3A_273, %broadcast_in_dim3A_277, %get3A_276 : vector<1x128xi1>, vector<1x128xf32>
    %swap3A_279 = arith.constant 0 : index
    %swap3A_280 = arith.constant 0 : index
    %swap3A_281 = vector.load %arg16[%swap3A_279, %swap3A_280] : memref<8x128xf32, #tpu.memory_space<vmem>>, vector<1x128xf32>
    tpu.vector_store %arg16[%swap3A_279, %swap3A_280], %select_n3A_278 {strides = array<i32>} : memref<8x128xf32, #tpu.memory_space<vmem>>, vector<1x128xf32>,
    %broadcast_in_dim3A_282 = vector.broadcast %reduce_min3A_251 : i32 to vector<1x128xi32>
    %swap3A_283 = arith.index_cast %add3A_180 : i32 to index
    %swap3A_284 = arith.constant 0 : index
    %swap3A_285 = vector.load %arg17[%swap3A_283, %swap3A_284] : memref<128x128xi32, #tpu.memory_space<vmem>>, vector<1x128xi32>
    tpu.vector_store %arg17[%swap3A_283, %swap3A_284], %broadcast_in_dim3A_282 {strides = array<i32>} : memref<128x128xi32, #tpu.memory_space<vmem>>, vector<1x128xi32>,
    %mul3A_286 = arith.constant 4 : i32
    %mul3A_287 = arith.muli %mul3A_286, %arg1 : i32
    %add3A_288 = arith.constant 1 : i32
    %add3A_289 = arith.addi %mul3A_287, %add3A_288 : i32
    %get3A_290 = arith.constant 0 : index
    %get3A_291 = arith.constant 0 : index
    %get3A_292 = arith.constant 0 : index
    %get3A_293 = arith.constant 0 : index
    %get3A_294 = vector.load %arg4[%get3A_290, %get3A_291, %get3A_292, %get3A_293] : memref<1x1x256x64xf32, #tpu.memory_space<vmem>>, vector<1x1x256x64xf32>
    %get3A_295 = vector.shape_cast %get3A_294 : vector<1x1x256x64xf32> to vector<256x64xf32>
    %transpose3A_296 = tpu.transpose %get3A_295, [1, 0] : vector<256x64xf32> -> vector<64x256xf32>
    %abs3A_297 = math.absf %transpose3A_296 : vector<64x256xf32>
    %neg3A_298 = arith.constant 0.000000e+00 : f32
    %neg3A_299 = vector.broadcast %neg3A_298 : f32 to vector<64x256xf32>
    %neg3A_300 = arith.subf %neg3A_299, %abs3A_297 : vector<64x256xf32>
    %exp3A_301 = math.exp %neg3A_300 : vector<64x256xf32>
    %add3A_302 = arith.constant 1.000000e+00 : f32
    %add3A_303 = vector.broadcast %add3A_302 : f32 to vector<64x256xf32>
    %add3A_304 = arith.addf %add3A_303, %exp3A_301 : vector<64x256xf32>
    %div3A_305 = arith.constant 1.000000e+00 : f32
    %div3A_306 = vector.broadcast %div3A_305 : f32 to vector<64x256xf32>
    %div3A_307 = arith.divf %div3A_306, %add3A_304 : vector<64x256xf32>
    %ge3A_308 = arith.constant 0.000000e+00 : f32
    %ge3A_309 = vector.broadcast %ge3A_308 : f32 to vector<64x256xf32>
    %ge3A_310 = arith.cmpf oge, %transpose3A_296, %ge3A_309 : vector<64x256xf32>
    %sub3A_311 = arith.constant 1.000000e+00 : f32
    %sub3A_312 = vector.broadcast %sub3A_311 : f32 to vector<64x256xf32>
    %sub3A_313 = arith.subf %sub3A_312, %div3A_307 : vector<64x256xf32>
    %select_n3A_314 = arith.select %ge3A_310, %div3A_307, %sub3A_313 : vector<64x256xi1>, vector<64x256xf32>
    %log1p3A_315 = math.log1p %exp3A_301 : vector<64x256xf32>
    %sub3A_316 = arith.constant 1.000000e+00 : f32
    %sub3A_317 = vector.broadcast %sub3A_316 : f32 to vector<64x256xf32>
    %sub3A_318 = arith.subf %sub3A_317, %select_n3A_314 : vector<64x256xf32>
    %mul3A_319 = arith.constant 2.500000e-01 : f32
    %mul3A_320 = vector.broadcast %mul3A_319 : f32 to vector<64x256xf32>
    %mul3A_321 = arith.mulf %mul3A_320, %sub3A_318 : vector<64x256xf32>
    %sub3A_322 = arith.constant 1.000000e+00 : f32
    %sub3A_323 = vector.broadcast %sub3A_322 : f32 to vector<64x256xf32>
    %sub3A_324 = arith.subf %sub3A_323, %select_n3A_314 : vector<64x256xf32>
    %mul3A_325 = arith.mulf %mul3A_321, %sub3A_324 : vector<64x256xf32>
    %neg3A_326 = arith.constant 0.000000e+00 : f32
    %neg3A_327 = vector.broadcast %neg3A_326 : f32 to vector<64x256xf32>
    %neg3A_328 = arith.subf %neg3A_327, %transpose3A_296 : vector<64x256xf32>
    %max3A_329 = arith.constant 0.000000e+00 : f32
    %max3A_330 = vector.broadcast %max3A_329 : f32 to vector<64x256xf32>
    %max3A_331 = arith.maximumf %neg3A_328, %max3A_330 : vector<64x256xf32>
    %add3A_332 = arith.addf %max3A_331, %log1p3A_315 : vector<64x256xf32>
    %mul3A_333 = arith.mulf %mul3A_325, %add3A_332 : vector<64x256xf32>
    %mul3A_334 = arith.constant 7.500000e-01 : f32
    %mul3A_335 = vector.broadcast %mul3A_334 : f32 to vector<64x256xf32>
    %mul3A_336 = arith.mulf %mul3A_335, %select_n3A_314 : vector<64x256xf32>
    %mul3A_337 = arith.mulf %mul3A_336, %select_n3A_314 : vector<64x256xf32>
    %max3A_338 = arith.constant 0.000000e+00 : f32
    %max3A_339 = vector.broadcast %max3A_338 : f32 to vector<64x256xf32>
    %max3A_340 = arith.maximumf %transpose3A_296, %max3A_339 : vector<64x256xf32>
    %add3A_341 = arith.addf %max3A_340, %log1p3A_315 : vector<64x256xf32>
    %mul3A_342 = arith.mulf %mul3A_337, %add3A_341 : vector<64x256xf32>
    %sub3A_343 = arith.subf %mul3A_333, %mul3A_342 : vector<64x256xf32>
    %slice3A_344 = vector.extract_strided_slice %dot_general3A_169 {offsets = [0, 256], sizes = [64, 256], strides = [1, 1]} : vector<64x1024xf32> to vector<64x256xf32>
    %mul3A_345 = arith.constant 1.000000e-01 : f32
    %mul3A_346 = vector.broadcast %mul3A_345 : f32 to vector<64x256xf32>
    %mul3A_347 = arith.mulf %mul3A_346, %slice3A_344 : vector<64x256xf32>
    %add3A_348 = arith.addf %mul3A_347, %sub3A_343 : vector<64x256xf32>
    %reduce_min3A_349 = vector.shape_cast %add3A_348 : vector<64x256xf32> to vector<1x64x256xf32>
    %reduce_min3A_350 = arith.constant dense<0x7F800000> : vector<1xf32>
    %reduce_min3A_351 = vector.multi_reduction <minimumf>, %reduce_min3A_349, %reduce_min3A_350 [1, 2] : vector<1x64x256xf32> to vector<1xf32>
    %reduce_min3A_352 = vector.shape_cast %reduce_min3A_351 : vector<1xf32> to vector<1x1x1xf32>
    %reduce_min3A_353 = vector.extract %reduce_min3A_352[0, 0, 0] : f32 from vector<1x1x1xf32>
    %eq3A_354 = vector.broadcast %reduce_min3A_353 : f32 to vector<64x256xf32>
    %eq3A_355 = arith.cmpf oeq, %add3A_348, %eq3A_354 : vector<64x256xf32>
    %jit3A_356 = arith.constant 1073741824 : i32
    %broadcast_in_dim3A_357 = vector.broadcast %jit3A_356 : i32 to vector<64x256xi32>
    %select_n3A_358 = arith.select %eq3A_355, %add3A_175, %broadcast_in_dim3A_357 : vector<64x256xi1>, vector<64x256xi32>
    %reduce_min3A_359 = vector.shape_cast %select_n3A_358 : vector<64x256xi32> to vector<1x64x256xi32>
    %reduce_min3A_360 = arith.constant dense<2147483647> : vector<1xi32>
    %reduce_min3A_361 = vector.multi_reduction <minsi>, %reduce_min3A_359, %reduce_min3A_360 [1, 2] : vector<1x64x256xi32> to vector<1xi32>
    %reduce_min3A_362 = vector.shape_cast %reduce_min3A_361 : vector<1xi32> to vector<1x1x1xi32>
    %reduce_min3A_363 = vector.extract %reduce_min3A_362[0, 0, 0] : i32 from vector<1x1x1xi32>
    %eq3A_364 = vector.broadcast %reduce_min3A_363 : i32 to vector<64x256xi32>
    %eq3A_365 = arith.cmpi eq, %add3A_175, %eq3A_364 : vector<64x256xi32>
    %jit3A_366 = arith.constant 0.000000e+00 : f32
    %broadcast_in_dim3A_367 = vector.broadcast %jit3A_366 : f32 to vector<64x256xf32>
    %select_n3A_368 = arith.select %eq3A_365, %transpose3A_296, %broadcast_in_dim3A_367 : vector<64x256xi1>, vector<64x256xf32>
    %reduce_sum3A_369 = vector.shape_cast %select_n3A_368 : vector<64x256xf32> to vector<1x64x256xf32>
    %reduce_sum3A_370 = arith.constant dense<0.000000e+00> : vector<1xf32>
    %reduce_sum3A_371 = vector.multi_reduction <add>, %reduce_sum3A_369, %reduce_sum3A_370 [1, 2] : vector<1x64x256xf32> to vector<1xf32>
    %reduce_sum3A_372 = vector.shape_cast %reduce_sum3A_371 : vector<1xf32> to vector<1x1x1xf32>
    %reduce_sum3A_373 = vector.extract %reduce_sum3A_372[0, 0, 0] : f32 from vector<1x1x1xf32>
    %eq3A_374 = vector.broadcast %add3A_289 : i32 to vector<1x128xi32>
    %eq3A_375 = arith.cmpi eq, %iota3A_176, %eq3A_374 : vector<1x128xi32>
    %get3A_376 = arith.constant 0 : index
    %get3A_377 = arith.constant 0 : index
    %get3A_378 = vector.load %arg15[%get3A_376, %get3A_377] : memref<8x128xi32, #tpu.memory_space<vmem>>, vector<1x128xi32>
    %broadcast_in_dim3A_379 = vector.broadcast %reduce_min3A_363 : i32 to vector<1x128xi32>
    %select_n3A_380 = arith.select %eq3A_375, %broadcast_in_dim3A_379, %get3A_378 : vector<1x128xi1>, vector<1x128xi32>
    %swap3A_381 = arith.constant 0 : index
    %swap3A_382 = arith.constant 0 : index
    %swap3A_383 = vector.load %arg15[%swap3A_381, %swap3A_382] : memref<8x128xi32, #tpu.memory_space<vmem>>, vector<1x128xi32>
    tpu.vector_store %arg15[%swap3A_381, %swap3A_382], %select_n3A_380 {strides = array<i32>} : memref<8x128xi32, #tpu.memory_space<vmem>>, vector<1x128xi32>,
    %eq3A_384 = vector.broadcast %add3A_289 : i32 to vector<1x128xi32>
    %eq3A_385 = arith.cmpi eq, %iota3A_176, %eq3A_384 : vector<1x128xi32>
    %get3A_386 = arith.constant 0 : index
    %get3A_387 = arith.constant 0 : index
    %get3A_388 = vector.load %arg16[%get3A_386, %get3A_387] : memref<8x128xf32, #tpu.memory_space<vmem>>, vector<1x128xf32>
    %broadcast_in_dim3A_389 = vector.broadcast %reduce_sum3A_373 : f32 to vector<1x128xf32>
    %select_n3A_390 = arith.select %eq3A_385, %broadcast_in_dim3A_389, %get3A_388 : vector<1x128xi1>, vector<1x128xf32>
    %swap3A_391 = arith.constant 0 : index
    %swap3A_392 = arith.constant 0 : index
    %swap3A_393 = vector.load %arg16[%swap3A_391, %swap3A_392] : memref<8x128xf32, #tpu.memory_space<vmem>>, vector<1x128xf32>
    tpu.vector_store %arg16[%swap3A_391, %swap3A_392], %select_n3A_390 {strides = array<i32>} : memref<8x128xf32, #tpu.memory_space<vmem>>, vector<1x128xf32>,
    %broadcast_in_dim3A_394 = vector.broadcast %reduce_min3A_363 : i32 to vector<1x128xi32>
    %swap3A_395 = arith.index_cast %add3A_289 : i32 to index
    %swap3A_396 = arith.constant 0 : index
    %swap3A_397 = vector.load %arg17[%swap3A_395, %swap3A_396] : memref<128x128xi32, #tpu.memory_space<vmem>>, vector<1x128xi32>
    tpu.vector_store %arg17[%swap3A_395, %swap3A_396], %broadcast_in_dim3A_394 {strides = array<i32>} : memref<128x128xi32, #tpu.memory_space<vmem>>, vector<1x128xi32>,
    %mul3A_398 = arith.constant 4 : i32
    %mul3A_399 = arith.muli %mul3A_398, %arg1 : i32
    %add3A_400 = arith.constant 2 : i32
    %add3A_401 = arith.addi %mul3A_399, %add3A_400 : i32
    %get3A_402 = arith.constant 0 : index
    %get3A_403 = arith.constant 0 : index
    %get3A_404 = arith.constant 0 : index
    %get3A_405 = arith.constant 0 : index
    %get3A_406 = vector.load %arg5[%get3A_402, %get3A_403, %get3A_404, %get3A_405] : memref<1x1x256x64xf32, #tpu.memory_space<vmem>>, vector<1x1x256x64xf32>
    %get3A_407 = vector.shape_cast %get3A_406 : vector<1x1x256x64xf32> to vector<256x64xf32>
    %transpose3A_408 = tpu.transpose %get3A_407, [1, 0] : vector<256x64xf32> -> vector<64x256xf32>
    %abs3A_409 = math.absf %transpose3A_408 : vector<64x256xf32>
    %neg3A_410 = arith.constant 0.000000e+00 : f32
    %neg3A_411 = vector.broadcast %neg3A_410 : f32 to vector<64x256xf32>
    %neg3A_412 = arith.subf %neg3A_411, %abs3A_409 : vector<64x256xf32>
    %exp3A_413 = math.exp %neg3A_412 : vector<64x256xf32>
    %add3A_414 = arith.constant 1.000000e+00 : f32
    %add3A_415 = vector.broadcast %add3A_414 : f32 to vector<64x256xf32>
    %add3A_416 = arith.addf %add3A_415, %exp3A_413 : vector<64x256xf32>
    %div3A_417 = arith.constant 1.000000e+00 : f32
    %div3A_418 = vector.broadcast %div3A_417 : f32 to vector<64x256xf32>
    %div3A_419 = arith.divf %div3A_418, %add3A_416 : vector<64x256xf32>
    %ge3A_420 = arith.constant 0.000000e+00 : f32
    %ge3A_421 = vector.broadcast %ge3A_420 : f32 to vector<64x256xf32>
    %ge3A_422 = arith.cmpf oge, %transpose3A_408, %ge3A_421 : vector<64x256xf32>
    %sub3A_423 = arith.constant 1.000000e+00 : f32
    %sub3A_424 = vector.broadcast %sub3A_423 : f32 to vector<64x256xf32>
    %sub3A_425 = arith.subf %sub3A_424, %div3A_419 : vector<64x256xf32>
    %select_n3A_426 = arith.select %ge3A_422, %div3A_419, %sub3A_425 : vector<64x256xi1>, vector<64x256xf32>
    %log1p3A_427 = math.log1p %exp3A_413 : vector<64x256xf32>
    %sub3A_428 = arith.constant 1.000000e+00 : f32
    %sub3A_429 = vector.broadcast %sub3A_428 : f32 to vector<64x256xf32>
    %sub3A_430 = arith.subf %sub3A_429, %select_n3A_426 : vector<64x256xf32>
    %mul3A_431 = arith.constant 2.500000e-01 : f32
    %mul3A_432 = vector.broadcast %mul3A_431 : f32 to vector<64x256xf32>
    %mul3A_433 = arith.mulf %mul3A_432, %sub3A_430 : vector<64x256xf32>
    %sub3A_434 = arith.constant 1.000000e+00 : f32
    %sub3A_435 = vector.broadcast %sub3A_434 : f32 to vector<64x256xf32>
    %sub3A_436 = arith.subf %sub3A_435, %select_n3A_426 : vector<64x256xf32>
    %mul3A_437 = arith.mulf %mul3A_433, %sub3A_436 : vector<64x256xf32>
    %neg3A_438 = arith.constant 0.000000e+00 : f32
    %neg3A_439 = vector.broadcast %neg3A_438 : f32 to vector<64x256xf32>
    %neg3A_440 = arith.subf %neg3A_439, %transpose3A_408 : vector<64x256xf32>
    %max3A_441 = arith.constant 0.000000e+00 : f32
    %max3A_442 = vector.broadcast %max3A_441 : f32 to vector<64x256xf32>
    %max3A_443 = arith.maximumf %neg3A_440, %max3A_442 : vector<64x256xf32>
    %add3A_444 = arith.addf %max3A_443, %log1p3A_427 : vector<64x256xf32>
    %mul3A_445 = arith.mulf %mul3A_437, %add3A_444 : vector<64x256xf32>
    %mul3A_446 = arith.constant 7.500000e-01 : f32
    %mul3A_447 = vector.broadcast %mul3A_446 : f32 to vector<64x256xf32>
    %mul3A_448 = arith.mulf %mul3A_447, %select_n3A_426 : vector<64x256xf32>
    %mul3A_449 = arith.mulf %mul3A_448, %select_n3A_426 : vector<64x256xf32>
    %max3A_450 = arith.constant 0.000000e+00 : f32
    %max3A_451 = vector.broadcast %max3A_450 : f32 to vector<64x256xf32>
    %max3A_452 = arith.maximumf %transpose3A_408, %max3A_451 : vector<64x256xf32>
    %add3A_453 = arith.addf %max3A_452, %log1p3A_427 : vector<64x256xf32>
    %mul3A_454 = arith.mulf %mul3A_449, %add3A_453 : vector<64x256xf32>
    %sub3A_455 = arith.subf %mul3A_445, %mul3A_454 : vector<64x256xf32>
    %slice3A_456 = vector.extract_strided_slice %dot_general3A_169 {offsets = [0, 512], sizes = [64, 256], strides = [1, 1]} : vector<64x1024xf32> to vector<64x256xf32>
    %mul3A_457 = arith.constant 1.000000e-01 : f32
    %mul3A_458 = vector.broadcast %mul3A_457 : f32 to vector<64x256xf32>
    %mul3A_459 = arith.mulf %mul3A_458, %slice3A_456 : vector<64x256xf32>
    %add3A_460 = arith.addf %mul3A_459, %sub3A_455 : vector<64x256xf32>
    %reduce_min3A_461 = vector.shape_cast %add3A_460 : vector<64x256xf32> to vector<1x64x256xf32>
    %reduce_min3A_462 = arith.constant dense<0x7F800000> : vector<1xf32>
    %reduce_min3A_463 = vector.multi_reduction <minimumf>, %reduce_min3A_461, %reduce_min3A_462 [1, 2] : vector<1x64x256xf32> to vector<1xf32>
    %reduce_min3A_464 = vector.shape_cast %reduce_min3A_463 : vector<1xf32> to vector<1x1x1xf32>
    %reduce_min3A_465 = vector.extract %reduce_min3A_464[0, 0, 0] : f32 from vector<1x1x1xf32>
    %eq3A_466 = vector.broadcast %reduce_min3A_465 : f32 to vector<64x256xf32>
    %eq3A_467 = arith.cmpf oeq, %add3A_460, %eq3A_466 : vector<64x256xf32>
    %jit3A_468 = arith.constant 1073741824 : i32
    %broadcast_in_dim3A_469 = vector.broadcast %jit3A_468 : i32 to vector<64x256xi32>
    %select_n3A_470 = arith.select %eq3A_467, %add3A_175, %broadcast_in_dim3A_469 : vector<64x256xi1>, vector<64x256xi32>
    %reduce_min3A_471 = vector.shape_cast %select_n3A_470 : vector<64x256xi32> to vector<1x64x256xi32>
    %reduce_min3A_472 = arith.constant dense<2147483647> : vector<1xi32>
    %reduce_min3A_473 = vector.multi_reduction <minsi>, %reduce_min3A_471, %reduce_min3A_472 [1, 2] : vector<1x64x256xi32> to vector<1xi32>
    %reduce_min3A_474 = vector.shape_cast %reduce_min3A_473 : vector<1xi32> to vector<1x1x1xi32>
    %reduce_min3A_475 = vector.extract %reduce_min3A_474[0, 0, 0] : i32 from vector<1x1x1xi32>
    %eq3A_476 = vector.broadcast %reduce_min3A_475 : i32 to vector<64x256xi32>
    %eq3A_477 = arith.cmpi eq, %add3A_175, %eq3A_476 : vector<64x256xi32>
    %jit3A_478 = arith.constant 0.000000e+00 : f32
    %broadcast_in_dim3A_479 = vector.broadcast %jit3A_478 : f32 to vector<64x256xf32>
    %select_n3A_480 = arith.select %eq3A_477, %transpose3A_408, %broadcast_in_dim3A_479 : vector<64x256xi1>, vector<64x256xf32>
    %reduce_sum3A_481 = vector.shape_cast %select_n3A_480 : vector<64x256xf32> to vector<1x64x256xf32>
    %reduce_sum3A_482 = arith.constant dense<0.000000e+00> : vector<1xf32>
    %reduce_sum3A_483 = vector.multi_reduction <add>, %reduce_sum3A_481, %reduce_sum3A_482 [1, 2] : vector<1x64x256xf32> to vector<1xf32>
    %reduce_sum3A_484 = vector.shape_cast %reduce_sum3A_483 : vector<1xf32> to vector<1x1x1xf32>
    %reduce_sum3A_485 = vector.extract %reduce_sum3A_484[0, 0, 0] : f32 from vector<1x1x1xf32>
    %eq3A_486 = vector.broadcast %add3A_401 : i32 to vector<1x128xi32>
    %eq3A_487 = arith.cmpi eq, %iota3A_176, %eq3A_486 : vector<1x128xi32>
    %get3A_488 = arith.constant 0 : index
    %get3A_489 = arith.constant 0 : index
    %get3A_490 = vector.load %arg15[%get3A_488, %get3A_489] : memref<8x128xi32, #tpu.memory_space<vmem>>, vector<1x128xi32>
    %broadcast_in_dim3A_491 = vector.broadcast %reduce_min3A_475 : i32 to vector<1x128xi32>
    %select_n3A_492 = arith.select %eq3A_487, %broadcast_in_dim3A_491, %get3A_490 : vector<1x128xi1>, vector<1x128xi32>
    %swap3A_493 = arith.constant 0 : index
    %swap3A_494 = arith.constant 0 : index
    %swap3A_495 = vector.load %arg15[%swap3A_493, %swap3A_494] : memref<8x128xi32, #tpu.memory_space<vmem>>, vector<1x128xi32>
    tpu.vector_store %arg15[%swap3A_493, %swap3A_494], %select_n3A_492 {strides = array<i32>} : memref<8x128xi32, #tpu.memory_space<vmem>>, vector<1x128xi32>,
    %eq3A_496 = vector.broadcast %add3A_401 : i32 to vector<1x128xi32>
    %eq3A_497 = arith.cmpi eq, %iota3A_176, %eq3A_496 : vector<1x128xi32>
    %get3A_498 = arith.constant 0 : index
    %get3A_499 = arith.constant 0 : index
    %get3A_500 = vector.load %arg16[%get3A_498, %get3A_499] : memref<8x128xf32, #tpu.memory_space<vmem>>, vector<1x128xf32>
    %broadcast_in_dim3A_501 = vector.broadcast %reduce_sum3A_485 : f32 to vector<1x128xf32>
    %select_n3A_502 = arith.select %eq3A_497, %broadcast_in_dim3A_501, %get3A_500 : vector<1x128xi1>, vector<1x128xf32>
    %swap3A_503 = arith.constant 0 : index
    %swap3A_504 = arith.constant 0 : index
    %swap3A_505 = vector.load %arg16[%swap3A_503, %swap3A_504] : memref<8x128xf32, #tpu.memory_space<vmem>>, vector<1x128xf32>
    tpu.vector_store %arg16[%swap3A_503, %swap3A_504], %select_n3A_502 {strides = array<i32>} : memref<8x128xf32, #tpu.memory_space<vmem>>, vector<1x128xf32>,
    %broadcast_in_dim3A_506 = vector.broadcast %reduce_min3A_475 : i32 to vector<1x128xi32>
    %swap3A_507 = arith.index_cast %add3A_401 : i32 to index
    %swap3A_508 = arith.constant 0 : index
    %swap3A_509 = vector.load %arg17[%swap3A_507, %swap3A_508] : memref<128x128xi32, #tpu.memory_space<vmem>>, vector<1x128xi32>
    tpu.vector_store %arg17[%swap3A_507, %swap3A_508], %broadcast_in_dim3A_506 {strides = array<i32>} : memref<128x128xi32, #tpu.memory_space<vmem>>, vector<1x128xi32>,
    %mul3A_510 = arith.constant 4 : i32
    %mul3A_511 = arith.muli %mul3A_510, %arg1 : i32
    %add3A_512 = arith.constant 3 : i32
    %add3A_513 = arith.addi %mul3A_511, %add3A_512 : i32
    %get3A_514 = arith.constant 0 : index
    %get3A_515 = arith.constant 0 : index
    %get3A_516 = arith.constant 0 : index
    %get3A_517 = arith.constant 0 : index
    %get3A_518 = vector.load %arg6[%get3A_514, %get3A_515, %get3A_516, %get3A_517] : memref<1x1x256x64xf32, #tpu.memory_space<vmem>>, vector<1x1x256x64xf32>
    %get3A_519 = vector.shape_cast %get3A_518 : vector<1x1x256x64xf32> to vector<256x64xf32>
    %transpose3A_520 = tpu.transpose %get3A_519, [1, 0] : vector<256x64xf32> -> vector<64x256xf32>
    %abs3A_521 = math.absf %transpose3A_520 : vector<64x256xf32>
    %neg3A_522 = arith.constant 0.000000e+00 : f32
    %neg3A_523 = vector.broadcast %neg3A_522 : f32 to vector<64x256xf32>
    %neg3A_524 = arith.subf %neg3A_523, %abs3A_521 : vector<64x256xf32>
    %exp3A_525 = math.exp %neg3A_524 : vector<64x256xf32>
    %add3A_526 = arith.constant 1.000000e+00 : f32
    %add3A_527 = vector.broadcast %add3A_526 : f32 to vector<64x256xf32>
    %add3A_528 = arith.addf %add3A_527, %exp3A_525 : vector<64x256xf32>
    %div3A_529 = arith.constant 1.000000e+00 : f32
    %div3A_530 = vector.broadcast %div3A_529 : f32 to vector<64x256xf32>
    %div3A_531 = arith.divf %div3A_530, %add3A_528 : vector<64x256xf32>
    %ge3A_532 = arith.constant 0.000000e+00 : f32
    %ge3A_533 = vector.broadcast %ge3A_532 : f32 to vector<64x256xf32>
    %ge3A_534 = arith.cmpf oge, %transpose3A_520, %ge3A_533 : vector<64x256xf32>
    %sub3A_535 = arith.constant 1.000000e+00 : f32
    %sub3A_536 = vector.broadcast %sub3A_535 : f32 to vector<64x256xf32>
    %sub3A_537 = arith.subf %sub3A_536, %div3A_531 : vector<64x256xf32>
    %select_n3A_538 = arith.select %ge3A_534, %div3A_531, %sub3A_537 : vector<64x256xi1>, vector<64x256xf32>
    %log1p3A_539 = math.log1p %exp3A_525 : vector<64x256xf32>
    %sub3A_540 = arith.constant 1.000000e+00 : f32
    %sub3A_541 = vector.broadcast %sub3A_540 : f32 to vector<64x256xf32>
    %sub3A_542 = arith.subf %sub3A_541, %select_n3A_538 : vector<64x256xf32>
    %mul3A_543 = arith.constant 2.500000e-01 : f32
    %mul3A_544 = vector.broadcast %mul3A_543 : f32 to vector<64x256xf32>
    %mul3A_545 = arith.mulf %mul3A_544, %sub3A_542 : vector<64x256xf32>
    %sub3A_546 = arith.constant 1.000000e+00 : f32
    %sub3A_547 = vector.broadcast %sub3A_546 : f32 to vector<64x256xf32>
    %sub3A_548 = arith.subf %sub3A_547, %select_n3A_538 : vector<64x256xf32>
    %mul3A_549 = arith.mulf %mul3A_545, %sub3A_548 : vector<64x256xf32>
    %neg3A_550 = arith.constant 0.000000e+00 : f32
    %neg3A_551 = vector.broadcast %neg3A_550 : f32 to vector<64x256xf32>
    %neg3A_552 = arith.subf %neg3A_551, %transpose3A_520 : vector<64x256xf32>
    %max3A_553 = arith.constant 0.000000e+00 : f32
    %max3A_554 = vector.broadcast %max3A_553 : f32 to vector<64x256xf32>
    %max3A_555 = arith.maximumf %neg3A_552, %max3A_554 : vector<64x256xf32>
    %add3A_556 = arith.addf %max3A_555, %log1p3A_539 : vector<64x256xf32>
    %mul3A_557 = arith.mulf %mul3A_549, %add3A_556 : vector<64x256xf32>
    %mul3A_558 = arith.constant 7.500000e-01 : f32
    %mul3A_559 = vector.broadcast %mul3A_558 : f32 to vector<64x256xf32>
    %mul3A_560 = arith.mulf %mul3A_559, %select_n3A_538 : vector<64x256xf32>
    %mul3A_561 = arith.mulf %mul3A_560, %select_n3A_538 : vector<64x256xf32>
    %max3A_562 = arith.constant 0.000000e+00 : f32
    %max3A_563 = vector.broadcast %max3A_562 : f32 to vector<64x256xf32>
    %max3A_564 = arith.maximumf %transpose3A_520, %max3A_563 : vector<64x256xf32>
    %add3A_565 = arith.addf %max3A_564, %log1p3A_539 : vector<64x256xf32>
    %mul3A_566 = arith.mulf %mul3A_561, %add3A_565 : vector<64x256xf32>
    %sub3A_567 = arith.subf %mul3A_557, %mul3A_566 : vector<64x256xf32>
    %slice3A_568 = vector.extract_strided_slice %dot_general3A_169 {offsets = [0, 768], sizes = [64, 256], strides = [1, 1]} : vector<64x1024xf32> to vector<64x256xf32>
    %mul3A_569 = arith.constant 1.000000e-01 : f32
    %mul3A_570 = vector.broadcast %mul3A_569 : f32 to vector<64x256xf32>
    %mul3A_571 = arith.mulf %mul3A_570, %slice3A_568 : vector<64x256xf32>
    %add3A_572 = arith.addf %mul3A_571, %sub3A_567 : vector<64x256xf32>
    %reduce_min3A_573 = vector.shape_cast %add3A_572 : vector<64x256xf32> to vector<1x64x256xf32>
    %reduce_min3A_574 = arith.constant dense<0x7F800000> : vector<1xf32>
    %reduce_min3A_575 = vector.multi_reduction <minimumf>, %reduce_min3A_573, %reduce_min3A_574 [1, 2] : vector<1x64x256xf32> to vector<1xf32>
    %reduce_min3A_576 = vector.shape_cast %reduce_min3A_575 : vector<1xf32> to vector<1x1x1xf32>
    %reduce_min3A_577 = vector.extract %reduce_min3A_576[0, 0, 0] : f32 from vector<1x1x1xf32>
    %eq3A_578 = vector.broadcast %reduce_min3A_577 : f32 to vector<64x256xf32>
    %eq3A_579 = arith.cmpf oeq, %add3A_572, %eq3A_578 : vector<64x256xf32>
    %jit3A_580 = arith.constant 1073741824 : i32
    %broadcast_in_dim3A_581 = vector.broadcast %jit3A_580 : i32 to vector<64x256xi32>
    %select_n3A_582 = arith.select %eq3A_579, %add3A_175, %broadcast_in_dim3A_581 : vector<64x256xi1>, vector<64x256xi32>
    %reduce_min3A_583 = vector.shape_cast %select_n3A_582 : vector<64x256xi32> to vector<1x64x256xi32>
    %reduce_min3A_584 = arith.constant dense<2147483647> : vector<1xi32>
    %reduce_min3A_585 = vector.multi_reduction <minsi>, %reduce_min3A_583, %reduce_min3A_584 [1, 2] : vector<1x64x256xi32> to vector<1xi32>
    %reduce_min3A_586 = vector.shape_cast %reduce_min3A_585 : vector<1xi32> to vector<1x1x1xi32>
    %reduce_min3A_587 = vector.extract %reduce_min3A_586[0, 0, 0] : i32 from vector<1x1x1xi32>
    %eq3A_588 = vector.broadcast %reduce_min3A_587 : i32 to vector<64x256xi32>
    %eq3A_589 = arith.cmpi eq, %add3A_175, %eq3A_588 : vector<64x256xi32>
    %jit3A_590 = arith.constant 0.000000e+00 : f32
    %broadcast_in_dim3A_591 = vector.broadcast %jit3A_590 : f32 to vector<64x256xf32>
    %select_n3A_592 = arith.select %eq3A_589, %transpose3A_520, %broadcast_in_dim3A_591 : vector<64x256xi1>, vector<64x256xf32>
    %reduce_sum3A_593 = vector.shape_cast %select_n3A_592 : vector<64x256xf32> to vector<1x64x256xf32>
    %reduce_sum3A_594 = arith.constant dense<0.000000e+00> : vector<1xf32>
    %reduce_sum3A_595 = vector.multi_reduction <add>, %reduce_sum3A_593, %reduce_sum3A_594 [1, 2] : vector<1x64x256xf32> to vector<1xf32>
    %reduce_sum3A_596 = vector.shape_cast %reduce_sum3A_595 : vector<1xf32> to vector<1x1x1xf32>
    %reduce_sum3A_597 = vector.extract %reduce_sum3A_596[0, 0, 0] : f32 from vector<1x1x1xf32>
    %eq3A_598 = vector.broadcast %add3A_513 : i32 to vector<1x128xi32>
    %eq3A_599 = arith.cmpi eq, %iota3A_176, %eq3A_598 : vector<1x128xi32>
    %get3A_600 = arith.constant 0 : index
    %get3A_601 = arith.constant 0 : index
    %get3A_602 = vector.load %arg15[%get3A_600, %get3A_601] : memref<8x128xi32, #tpu.memory_space<vmem>>, vector<1x128xi32>
    %broadcast_in_dim3A_603 = vector.broadcast %reduce_min3A_587 : i32 to vector<1x128xi32>
    %select_n3A_604 = arith.select %eq3A_599, %broadcast_in_dim3A_603, %get3A_602 : vector<1x128xi1>, vector<1x128xi32>
    %swap3A_605 = arith.constant 0 : index
    %swap3A_606 = arith.constant 0 : index
    %swap3A_607 = vector.load %arg15[%swap3A_605, %swap3A_606] : memref<8x128xi32, #tpu.memory_space<vmem>>, vector<1x128xi32>
    tpu.vector_store %arg15[%swap3A_605, %swap3A_606], %select_n3A_604 {strides = array<i32>} : memref<8x128xi32, #tpu.memory_space<vmem>>, vector<1x128xi32>,
    %eq3A_608 = vector.broadcast %add3A_513 : i32 to vector<1x128xi32>
    %eq3A_609 = arith.cmpi eq, %iota3A_176, %eq3A_608 : vector<1x128xi32>
    %get3A_610 = arith.constant 0 : index
    %get3A_611 = arith.constant 0 : index
    %get3A_612 = vector.load %arg16[%get3A_610, %get3A_611] : memref<8x128xf32, #tpu.memory_space<vmem>>, vector<1x128xf32>
    %broadcast_in_dim3A_613 = vector.broadcast %reduce_sum3A_597 : f32 to vector<1x128xf32>
    %select_n3A_614 = arith.select %eq3A_609, %broadcast_in_dim3A_613, %get3A_612 : vector<1x128xi1>, vector<1x128xf32>
    %swap3A_615 = arith.constant 0 : index
    %swap3A_616 = arith.constant 0 : index
    %swap3A_617 = vector.load %arg16[%swap3A_615, %swap3A_616] : memref<8x128xf32, #tpu.memory_space<vmem>>, vector<1x128xf32>
    tpu.vector_store %arg16[%swap3A_615, %swap3A_616], %select_n3A_614 {strides = array<i32>} : memref<8x128xf32, #tpu.memory_space<vmem>>, vector<1x128xf32>,
    %broadcast_in_dim3A_618 = vector.broadcast %reduce_min3A_587 : i32 to vector<1x128xi32>
    %swap3A_619 = arith.index_cast %add3A_513 : i32 to index
    %swap3A_620 = arith.constant 0 : index
    %swap3A_621 = vector.load %arg17[%swap3A_619, %swap3A_620] : memref<128x128xi32, #tpu.memory_space<vmem>>, vector<1x128xi32>
    tpu.vector_store %arg17[%swap3A_619, %swap3A_620], %broadcast_in_dim3A_618 {strides = array<i32>} : memref<128x128xi32, #tpu.memory_space<vmem>>, vector<1x128xi32>,
    %eq3A_622 = arith.constant 15 : i32
    %eq3A_623 = arith.cmpi eq, %arg1, %eq3A_622 : i32
    %convert_element_type3A_624 = arith.extui %eq3A_623 : i1 to i32
    %cond3A_625 = arith.constant 0 : i32
    %cond3A_626 = arith.cmpi ne, %convert_element_type3A_624, %cond3A_625 : i32
    scf.if %cond3A_626 {
      %get3A_635 = arith.constant 0 : index
      %get3A_636 = arith.constant 0 : index
      %get3A_637 = vector.load %arg15[%get3A_635, %get3A_636] : memref<8x128xi32, #tpu.memory_space<vmem>>, vector<1x128xi32>
      %get3A_638 = arith.constant 0 : index
      %get3A_639 = arith.constant 0 : index
      %get3A_640 = vector.load %arg16[%get3A_638, %get3A_639] : memref<8x128xf32, #tpu.memory_space<vmem>>, vector<1x128xf32>
      %broadcast_in_dim3A_641 = vector.shape_cast %get3A_637 : vector<1x128xi32> to vector<1x128xi32>
      %broadcast_in_dim3A_642 = vector.broadcast %broadcast_in_dim3A_641 : vector<1x128xi32> to vector<128x128xi32>
      %get3A_643 = arith.constant 0 : index
      %get3A_644 = arith.constant 0 : index
      %get3A_645 = vector.load %arg17[%get3A_643, %get3A_644] : memref<128x128xi32, #tpu.memory_space<vmem>>, vector<128x128xi32>
      %iota3A_646 = tpu.iota {dimensions = array<i32: 0>} : vector<128x128xi32>
      %iota3A_647 = tpu.iota {dimensions = array<i32: 1>} : vector<128x128xi32>
      %eq3A_648 = arith.cmpi eq, %broadcast_in_dim3A_642, %get3A_645 : vector<128x128xi32>
      %gt3A = arith.cmpi sgt, %iota3A_646, %iota3A_647 : vector<128x128xi32>
      %and3A_649 = arith.andi %eq3A_648, %gt3A : vector<128x128xi1>
      %lt3A_650 = arith.constant 64 : i32
      %lt3A_651 = vector.broadcast %lt3A_650 : i32 to vector<128x128xi32>
      %lt3A_652 = arith.cmpi slt, %iota3A_646, %lt3A_651 : vector<128x128xi32>
      %and3A_653 = arith.andi %and3A_649, %lt3A_652 : vector<128x128xi1>
      %convert_element_type3A_654 = arith.extui %and3A_653 : vector<128x128xi1> to vector<128x128xi32>
      %reduce_max3A = arith.constant dense<-2147483648> : vector<128xi32>
      %reduce_max3A_655 = vector.multi_reduction <maxsi>, %convert_element_type3A_654, %reduce_max3A [0] : vector<128x128xi32> to vector<128xi32>
      %broadcast_in_dim3A_656 = vector.shape_cast %reduce_max3A_655 : vector<128xi32> to vector<1x128xi32>
      %eq3A_657 = arith.constant 0 : i32
      %eq3A_658 = vector.broadcast %eq3A_657 : i32 to vector<1x128xi32>
      %eq3A_659 = arith.cmpi eq, %broadcast_in_dim3A_656, %eq3A_658 : vector<1x128xi32>
      %lt3A_660 = arith.constant 64 : i32
      %lt3A_661 = vector.broadcast %lt3A_660 : i32 to vector<1x128xi32>
      %lt3A_662 = arith.cmpi slt, %iota3A_176, %lt3A_661 : vector<1x128xi32>
      %and3A_663 = arith.andi %eq3A_659, %lt3A_662 : vector<1x128xi1>
      %logistic3A = arith.negf %get3A_640 : vector<1x128xf32>
      %logistic3A_664 = math.exp %logistic3A : vector<1x128xf32>
      %logistic3A_665 = arith.constant 1.000000e+00 : f32
      %logistic3A_666 = vector.broadcast %logistic3A_665 : f32 to vector<1x128xf32>
      %logistic3A_667 = arith.addf %logistic3A_666, %logistic3A_664 : vector<1x128xf32>
      %logistic3A_668 = arith.divf %logistic3A_666, %logistic3A_667 : vector<1x128xf32>
      %max3A_669 = arith.constant 0.000000e+00 : f32
      %max3A_670 = vector.broadcast %max3A_669 : f32 to vector<1x128xf32>
      %max3A_671 = arith.maximumf %get3A_640, %max3A_670 : vector<1x128xf32>
      %abs3A_672 = math.absf %get3A_640 : vector<1x128xf32>
      %neg3A_673 = arith.constant 0.000000e+00 : f32
      %neg3A_674 = vector.broadcast %neg3A_673 : f32 to vector<1x128xf32>
      %neg3A_675 = arith.subf %neg3A_674, %abs3A_672 : vector<1x128xf32>
      %exp3A_676 = math.exp %neg3A_675 : vector<1x128xf32>
      %log1p3A_677 = math.log1p %exp3A_676 : vector<1x128xf32>
      %add3A_678 = arith.addf %max3A_671, %log1p3A_677 : vector<1x128xf32>
      %sub3A_679 = arith.subf %add3A_678, %get3A_640 : vector<1x128xf32>
      %sub3A_680 = arith.constant 1.000000e+00 : f32
      %sub3A_681 = vector.broadcast %sub3A_680 : f32 to vector<1x128xf32>
      %sub3A_682 = arith.subf %sub3A_681, %logistic3A_668 : vector<1x128xf32>
      %mul3A_683 = arith.constant 2.500000e-01 : f32
      %mul3A_684 = vector.broadcast %mul3A_683 : f32 to vector<1x128xf32>
      %mul3A_685 = arith.mulf %mul3A_684, %sub3A_682 : vector<1x128xf32>
      %sub3A_686 = arith.constant 1.000000e+00 : f32
      %sub3A_687 = vector.broadcast %sub3A_686 : f32 to vector<1x128xf32>
      %sub3A_688 = arith.subf %sub3A_687, %logistic3A_668 : vector<1x128xf32>
      %mul3A_689 = arith.mulf %mul3A_685, %sub3A_688 : vector<1x128xf32>
      %mul3A_690 = arith.mulf %mul3A_689, %sub3A_679 : vector<1x128xf32>
      %mul3A_691 = arith.constant 7.500000e-01 : f32
      %mul3A_692 = vector.broadcast %mul3A_691 : f32 to vector<1x128xf32>
      %mul3A_693 = arith.mulf %mul3A_692, %logistic3A_668 : vector<1x128xf32>
      %mul3A_694 = arith.mulf %mul3A_693, %logistic3A_668 : vector<1x128xf32>
      %mul3A_695 = arith.mulf %mul3A_694, %add3A_678 : vector<1x128xf32>
      %sub3A_696 = arith.subf %mul3A_690, %mul3A_695 : vector<1x128xf32>
      %get3A_697 = arith.constant 4 : index
      %get3A_698 = arith.constant 0 : index
      %get3A_699 = vector.load %arg19[%get3A_697, %get3A_698] : memref<8x1024xf32, #tpu.memory_space<vmem>>, vector<1x128xf32>
      %jit3A_700 = arith.constant 0.000000e+00 : f32
      %broadcast_in_dim3A_701 = vector.broadcast %jit3A_700 : f32 to vector<1x128xf32>
      %select_n3A_702 = arith.select %and3A_663, %sub3A_696, %broadcast_in_dim3A_701 : vector<1x128xi1>, vector<1x128xf32>
      %add3A_703 = arith.addf %get3A_699, %select_n3A_702 : vector<1x128xf32>
      %swap3A_704 = arith.constant 4 : index
      %swap3A_705 = arith.constant 0 : index
      %swap3A_706 = vector.load %arg19[%swap3A_704, %swap3A_705] : memref<8x1024xf32, #tpu.memory_space<vmem>>, vector<1x128xf32>
      tpu.vector_store %arg19[%swap3A_704, %swap3A_705], %add3A_703 {strides = array<i32>} : memref<8x1024xf32, #tpu.memory_space<vmem>>, vector<1x128xf32>,
      %lt3A_707 = arith.constant 64 : i32
      %lt3A_708 = vector.broadcast %lt3A_707 : i32 to vector<1x128xi32>
      %lt3A_709 = arith.cmpi slt, %iota3A_176, %lt3A_708 : vector<1x128xi32>
      %jit3A_710 = arith.constant 0 : i32
      %broadcast_in_dim3A_711 = vector.broadcast %jit3A_710 : i32 to vector<1x128xi32>
      %select_n3A_712 = arith.select %lt3A_709, %get3A_637, %broadcast_in_dim3A_711 : vector<1x128xi1>, vector<1x128xi32>
      %swap3A_713 = arith.constant 0 : index
      %swap3A_714 = arith.constant 0 : index
      %swap3A_715 = arith.constant 0 : index
      %swap3A_716 = vector.load %arg13[%swap3A_713, %swap3A_714, %swap3A_715] : memref<1x1x128xi32, #tpu.memory_space<vmem>>, vector<1x1x128xi32>
      %swap3A_717 = vector.shape_cast %swap3A_716 : vector<1x1x128xi32> to vector<1x128xi32>
      %swap3A_718 = vector.shape_cast %select_n3A_712 : vector<1x128xi32> to vector<1x1x128xi32>
      tpu.vector_store %arg13[%swap3A_713, %swap3A_714, %swap3A_715], %swap3A_718 {strides = array<i32>} : memref<1x1x128xi32, #tpu.memory_space<vmem>>, vector<1x1x128xi32>,
    } else {
    }
    %eq3A_627 = arith.constant 1 : i32
    %eq3A_628 = arith.cmpi eq, %arg0, %eq3A_627 : i32
    %eq3A_629 = arith.constant 15 : i32
    %eq3A_630 = arith.cmpi eq, %arg1, %eq3A_629 : i32
    %and3A_631 = arith.andi %eq3A_628, %eq3A_630 : i1
    %convert_element_type3A_632 = arith.extui %and3A_631 : i1 to i32
    %cond3A_633 = arith.constant 0 : i32
    %cond3A_634 = arith.cmpi ne, %convert_element_type3A_632, %cond3A_633 : i32
    scf.if %cond3A_634 {
      %get3A_635 = arith.constant 0 : index
      %get3A_636 = arith.constant 0 : index
      %get3A_637 = vector.load %arg19[%get3A_635, %get3A_636] : memref<8x1024xf32, #tpu.memory_space<vmem>>, vector<1x1024xf32>
      %reduce_sum3A_638 = vector.shape_cast %get3A_637 : vector<1x1024xf32> to vector<1x1x1024xf32>
      %reduce_sum3A_639 = arith.constant dense<0.000000e+00> : vector<1xf32>
      %reduce_sum3A_640 = vector.multi_reduction <add>, %reduce_sum3A_638, %reduce_sum3A_639 [1, 2] : vector<1x1x1024xf32> to vector<1xf32>
      %reduce_sum3A_641 = vector.shape_cast %reduce_sum3A_640 : vector<1xf32> to vector<1x1x1xf32>
      %reduce_sum3A_642 = vector.extract %reduce_sum3A_641[0, 0, 0] : f32 from vector<1x1x1xf32>
      %get3A_643 = arith.constant 4 : index
      %get3A_644 = arith.constant 0 : index
      %get3A_645 = vector.load %arg19[%get3A_643, %get3A_644] : memref<8x1024xf32, #tpu.memory_space<vmem>>, vector<1x1024xf32>
      %reduce_sum3A_646 = vector.shape_cast %get3A_645 : vector<1x1024xf32> to vector<1x1x1024xf32>
      %reduce_sum3A_647 = arith.constant dense<0.000000e+00> : vector<1xf32>
      %reduce_sum3A_648 = vector.multi_reduction <add>, %reduce_sum3A_646, %reduce_sum3A_647 [1, 2] : vector<1x1x1024xf32> to vector<1xf32>
      %reduce_sum3A_649 = vector.shape_cast %reduce_sum3A_648 : vector<1xf32> to vector<1x1x1xf32>
      %reduce_sum3A_650 = vector.extract %reduce_sum3A_649[0, 0, 0] : f32 from vector<1x1x1xf32>
      %add3A_651 = arith.addf %reduce_sum3A_642, %reduce_sum3A_650 : f32
      %get3A_652 = arith.constant 1 : index
      %get3A_653 = arith.constant 0 : index
      %get3A_654 = vector.load %arg19[%get3A_652, %get3A_653] : memref<8x1024xf32, #tpu.memory_space<vmem>>, vector<1x1024xf32>
      %reduce_sum3A_655 = vector.shape_cast %get3A_654 : vector<1x1024xf32> to vector<1x1x1024xf32>
      %reduce_sum3A_656 = arith.constant dense<0.000000e+00> : vector<1xf32>
      %reduce_sum3A_657 = vector.multi_reduction <add>, %reduce_sum3A_655, %reduce_sum3A_656 [1, 2] : vector<1x1x1024xf32> to vector<1xf32>
      %reduce_sum3A_658 = vector.shape_cast %reduce_sum3A_657 : vector<1xf32> to vector<1x1x1xf32>
      %reduce_sum3A_659 = vector.extract %reduce_sum3A_658[0, 0, 0] : f32 from vector<1x1x1xf32>
      %get3A_660 = arith.constant 2 : index
      %get3A_661 = arith.constant 0 : index
      %get3A_662 = vector.load %arg19[%get3A_660, %get3A_661] : memref<8x1024xf32, #tpu.memory_space<vmem>>, vector<1x1024xf32>
      %reduce_sum3A_663 = vector.shape_cast %get3A_662 : vector<1x1024xf32> to vector<1x1x1024xf32>
      %reduce_sum3A_664 = arith.constant dense<0.000000e+00> : vector<1xf32>
      %reduce_sum3A_665 = vector.multi_reduction <add>, %reduce_sum3A_663, %reduce_sum3A_664 [1, 2] : vector<1x1x1024xf32> to vector<1xf32>
      %reduce_sum3A_666 = vector.shape_cast %reduce_sum3A_665 : vector<1xf32> to vector<1x1x1xf32>
      %reduce_sum3A_667 = vector.extract %reduce_sum3A_666[0, 0, 0] : f32 from vector<1x1x1xf32>
      %get3A_668 = arith.constant 3 : index
      %get3A_669 = arith.constant 0 : index
      %get3A_670 = vector.load %arg19[%get3A_668, %get3A_669] : memref<8x1024xf32, #tpu.memory_space<vmem>>, vector<1x1024xf32>
      %reduce_sum3A_671 = vector.shape_cast %get3A_670 : vector<1x1024xf32> to vector<1x1x1024xf32>
      %reduce_sum3A_672 = arith.constant dense<0.000000e+00> : vector<1xf32>
      %reduce_sum3A_673 = vector.multi_reduction <add>, %reduce_sum3A_671, %reduce_sum3A_672 [1, 2] : vector<1x1x1024xf32> to vector<1xf32>
      %reduce_sum3A_674 = vector.shape_cast %reduce_sum3A_673 : vector<1xf32> to vector<1x1x1xf32>
      %reduce_sum3A_675 = vector.extract %reduce_sum3A_674[0, 0, 0] : f32 from vector<1x1x1xf32>
      %eq3A_676 = arith.constant 0 : i32
      %eq3A_677 = vector.broadcast %eq3A_676 : i32 to vector<1x128xi32>
      %eq3A_678 = arith.cmpi eq, %iota3A_176, %eq3A_677 : vector<1x128xi32>
      %jit3A_679 = arith.constant 0.000000e+00 : f32
      %broadcast_in_dim3A_680 = vector.broadcast %add3A_651 : f32 to vector<1x128xf32>
      %broadcast_in_dim3A_681 = vector.broadcast %jit3A_679 : f32 to vector<1x128xf32>
      %select_n3A_682 = arith.select %eq3A_678, %broadcast_in_dim3A_680, %broadcast_in_dim3A_681 : vector<1x128xi1>, vector<1x128xf32>
      %eq3A_683 = arith.constant 1 : i32
      %eq3A_684 = vector.broadcast %eq3A_683 : i32 to vector<1x128xi32>
      %eq3A_685 = arith.cmpi eq, %iota3A_176, %eq3A_684 : vector<1x128xi32>
      %jit3A_686 = arith.constant 0.000000e+00 : f32
      %broadcast_in_dim3A_687 = vector.broadcast %reduce_sum3A_659 : f32 to vector<1x128xf32>
      %broadcast_in_dim3A_688 = vector.broadcast %jit3A_686 : f32 to vector<1x128xf32>
      %select_n3A_689 = arith.select %eq3A_685, %broadcast_in_dim3A_687, %broadcast_in_dim3A_688 : vector<1x128xi1>, vector<1x128xf32>
      %add3A_690 = arith.addf %select_n3A_682, %select_n3A_689 : vector<1x128xf32>
      %eq3A_691 = arith.constant 2 : i32
      %eq3A_692 = vector.broadcast %eq3A_691 : i32 to vector<1x128xi32>
      %eq3A_693 = arith.cmpi eq, %iota3A_176, %eq3A_692 : vector<1x128xi32>
      %jit3A_694 = arith.constant 0.000000e+00 : f32
      %broadcast_in_dim3A_695 = vector.broadcast %reduce_sum3A_667 : f32 to vector<1x128xf32>
      %broadcast_in_dim3A_696 = vector.broadcast %jit3A_694 : f32 to vector<1x128xf32>
      %select_n3A_697 = arith.select %eq3A_693, %broadcast_in_dim3A_695, %broadcast_in_dim3A_696 : vector<1x128xi1>, vector<1x128xf32>
      %add3A_698 = arith.addf %add3A_690, %select_n3A_697 : vector<1x128xf32>
      %eq3A_699 = arith.constant 3 : i32
      %eq3A_700 = vector.broadcast %eq3A_699 : i32 to vector<1x128xi32>
      %eq3A_701 = arith.cmpi eq, %iota3A_176, %eq3A_700 : vector<1x128xi32>
      %jit3A_702 = arith.constant 0.000000e+00 : f32
      %broadcast_in_dim3A_703 = vector.broadcast %reduce_sum3A_675 : f32 to vector<1x128xf32>
      %broadcast_in_dim3A_704 = vector.broadcast %jit3A_702 : f32 to vector<1x128xf32>
      %select_n3A_705 = arith.select %eq3A_701, %broadcast_in_dim3A_703, %broadcast_in_dim3A_704 : vector<1x128xi1>, vector<1x128xf32>
      %add3A_706 = arith.addf %add3A_698, %select_n3A_705 : vector<1x128xf32>
      %swap3A_707 = arith.constant 0 : index
      %swap3A_708 = arith.constant 0 : index
      %swap3A_709 = vector.load %arg14[%swap3A_707, %swap3A_708] : memref<1x128xf32, #tpu.memory_space<vmem>>, vector<1x128xf32>
      tpu.vector_store %arg14[%swap3A_707, %swap3A_708], %add3A_706 {strides = array<i32>} : memref<1x128xf32, #tpu.memory_space<vmem>>, vector<1x128xf32>,
    } else {
    }
    return
  }
  func.func @transform_0(%arg0: i32, %arg1: i32, %arg2: memref<2x64xi32, #tpu.memory_space<smem>>) -> (i32, i32, i32, i32) {
    %mul3A = arith.constant 4 : i32
    %mul3A_0 = arith.muli %mul3A, %arg1 : i32
    %add3A = arith.constant 0 : i32
    %add3A_1 = arith.addi %mul3A_0, %add3A : i32
    %get3A = arith.index_cast %arg0 : i32 to index
    %get3A_2 = arith.index_cast %add3A_1 : i32 to index
    %get3A_3 = memref.load %arg2[%get3A, %get3A_2] : memref<2x64xi32, #tpu.memory_space<smem>>
    %c0_i32 = arith.constant 0 : i32
    %c0_i32_4 = arith.constant 0 : i32
    %c0_i32_5 = arith.constant 0 : i32
    return %arg0, %get3A_3, %c0_i32, %c0_i32_4 : i32, i32, i32, i32
  }
  func.func @transform_1(%arg0: i32, %arg1: i32, %arg2: memref<2x64xi32, #tpu.memory_space<smem>>) -> (i32, i32, i32, i32) {
    %mul3A = arith.constant 4 : i32
    %mul3A_0 = arith.muli %mul3A, %arg1 : i32
    %add3A = arith.constant 1 : i32
    %add3A_1 = arith.addi %mul3A_0, %add3A : i32
    %get3A = arith.index_cast %arg0 : i32 to index
    %get3A_2 = arith.index_cast %add3A_1 : i32 to index
    %get3A_3 = memref.load %arg2[%get3A, %get3A_2] : memref<2x64xi32, #tpu.memory_space<smem>>
    %c0_i32 = arith.constant 0 : i32
    %c0_i32_4 = arith.constant 0 : i32
    %c0_i32_5 = arith.constant 0 : i32
    return %arg0, %get3A_3, %c0_i32, %c0_i32_4 : i32, i32, i32, i32
  }
  func.func @transform_2(%arg0: i32, %arg1: i32, %arg2: memref<2x64xi32, #tpu.memory_space<smem>>) -> (i32, i32, i32, i32) {
    %mul3A = arith.constant 4 : i32
    %mul3A_0 = arith.muli %mul3A, %arg1 : i32
    %add3A = arith.constant 2 : i32
    %add3A_1 = arith.addi %mul3A_0, %add3A : i32
    %get3A = arith.index_cast %arg0 : i32 to index
    %get3A_2 = arith.index_cast %add3A_1 : i32 to index
    %get3A_3 = memref.load %arg2[%get3A, %get3A_2] : memref<2x64xi32, #tpu.memory_space<smem>>
    %c0_i32 = arith.constant 0 : i32
    %c0_i32_4 = arith.constant 0 : i32
    %c0_i32_5 = arith.constant 0 : i32
    return %arg0, %get3A_3, %c0_i32, %c0_i32_4 : i32, i32, i32, i32
  }
  func.func @transform_3(%arg0: i32, %arg1: i32, %arg2: memref<2x64xi32, #tpu.memory_space<smem>>) -> (i32, i32, i32, i32) {
    %mul3A = arith.constant 4 : i32
    %mul3A_0 = arith.muli %mul3A, %arg1 : i32
    %add3A = arith.constant 3 : i32
    %add3A_1 = arith.addi %mul3A_0, %add3A : i32
    %get3A = arith.index_cast %arg0 : i32 to index
    %get3A_2 = arith.index_cast %add3A_1 : i32 to index
    %get3A_3 = memref.load %arg2[%get3A, %get3A_2] : memref<2x64xi32, #tpu.memory_space<smem>>
    %c0_i32 = arith.constant 0 : i32
    %c0_i32_4 = arith.constant 0 : i32
    %c0_i32_5 = arith.constant 0 : i32
    return %arg0, %get3A_3, %c0_i32, %c0_i32_4 : i32, i32, i32, i32
  }
  func.func @transform_4(%arg0: i32, %arg1: i32, %arg2: memref<2x64xi32, #tpu.memory_space<smem>>) -> (i32, i32, i32, i32) {
    %c0_i32 = arith.constant 0 : i32
    %c0_i32_0 = arith.constant 0 : i32
    %c0_i32_1 = arith.constant 0 : i32
    return %arg0, %c0_i32, %c0_i32_0, %arg1 : i32, i32, i32, i32
  }
  func.func @transform_5(%arg0: i32, %arg1: i32, %arg2: memref<2x64xi32, #tpu.memory_space<smem>>) -> (i32, i32, i32, i32) {
    %c0_i32 = arith.constant 0 : i32
    %c0_i32_0 = arith.constant 0 : i32
    %c0_i32_1 = arith.constant 0 : i32
    %c0_i32_2 = arith.constant 0 : i32
    return %arg0, %c0_i32, %c0_i32_0, %c0_i32_1 : i32, i32, i32, i32
  }
  func.func @transform_6(%arg0: i32, %arg1: i32, %arg2: memref<2x64xi32, #tpu.memory_space<smem>>) -> (i32, i32, i32, i32) {
    %c0_i32 = arith.constant 0 : i32
    %c0_i32_0 = arith.constant 0 : i32
    %c0_i32_1 = arith.constant 0 : i32
    %c0_i32_2 = arith.constant 0 : i32
    return %arg0, %c0_i32, %c0_i32_0, %c0_i32_1 : i32, i32, i32, i32
  }
  func.func @transform_7(%arg0: i32, %arg1: i32, %arg2: memref<2x64xi32, #tpu.memory_space<smem>>) -> (i32, i32, i32) {
    %c0_i32 = arith.constant 0 : i32
    %c0_i32_0 = arith.constant 0 : i32
    return %arg0, %c0_i32, %arg1 : i32, i32, i32
  }
  func.func @transform_8(%arg0: i32, %arg1: i32, %arg2: memref<2x64xi32, #tpu.memory_space<smem>>) -> (i32, i32, i32) {
    %c0_i32 = arith.constant 0 : i32
    %c0_i32_0 = arith.constant 0 : i32
    return %arg0, %c0_i32, %arg1 : i32, i32, i32
  }
  func.func @transform_9(%arg0: i32, %arg1: i32, %arg2: memref<2x64xi32, #tpu.memory_space<smem>>) -> (i32, i32, i32) {
    %c0_i32 = arith.constant 0 : i32
    %c0_i32_0 = arith.constant 0 : i32
    return %arg0, %c0_i32, %arg1 : i32, i32, i32
  }
  func.func @transform_10(%arg0: i32, %arg1: i32, %arg2: memref<2x64xi32, #tpu.memory_space<smem>>) -> (i32, i32, i32) {
    %c0_i32 = arith.constant 0 : i32
    %c0_i32_0 = arith.constant 0 : i32
    %c0_i32_1 = arith.constant 0 : i32
    return %arg0, %c0_i32, %c0_i32_0 : i32, i32, i32
  }
  func.func @transform_11(%arg0: i32, %arg1: i32, %arg2: memref<2x64xi32, #tpu.memory_space<smem>>) -> (i32, i32) {
    %c0_i32 = arith.constant 0 : i32
    %c0_i32_0 = arith.constant 0 : i32
    %c0_i32_1 = arith.constant 0 : i32
    return %c0_i32, %c0_i32_0 : i32, i32
  }
}

</mosaic_0001>

<sc_bundles>
// kernel: kernel.5.cloned.1.call-start
scs
__scs_entry_jumppad:
0x0: {  	(pc) =	sbr.rel $0x88, $3  }
0x1: {  	(tag) =	ssettag $0x0;
	lr =	simm.s32 $0x1  }
0x2: {  	[smem:$0x3F94] =	sst lr;
	_ =	strace $0xD0000000  }
0x3: {  	_ = 	snop  }
0x4: {  	_ = 	snop  }
0x5: {  	_ = 	snop  }
0x6: {  	_ = 	snop  }
0x7: {  	_ = 	snop  }
__scs_overlays_trampoline_lowered:
0x8: {  	[smem:$0x3FA3] =	sst s0  }
0x9: {  	[smem:$0x3FA4] =	sst s1  }
0xa: {  	[smem:$0x3FA5] =	sst s2  }
0xb: {  	[smem:$0x3FA6] =	sst s3  }
0xc: {  	[smem:$0x3FA7] =	sst s4  }
0xd: {  	[smem:$0x3FA8] =	sst s5  }
0xe: {  	[smem:$0x3FA9] =	sst s6  }
0xf: {  	[smem:$0x3FAA] =	sst s7  }
0x10: {  	[smem:$0x3FAB] =	sst s8  }
0x11: {  	[smem:$0x3FAC] =	sst s9;
	s0 =	simm.s32 @!p0 $0x0  }
0x12: {  	s1 =	sld [smem:$0x3F92];
	s0 =	simm.s32 @p0 $0x1  }
0x13: {  	[smem:$0x3FAD] =	sst s0;
	s0 =	simm.s32 @!p1 $0x0  }
0x14: {  	s2 =	sld [smem:$0x3F91];
	s0 =	simm.s32 @p1 $0x1  }
0x15: {  	[smem:$0x3FAE] =	sst s0;
	s0 =	simm.s32 @!p2 $0x0  }
0x16: {  	s3 =	sld [smem:$0x3FDB];
	s0 =	simm.s32 @p2 $0x1  }
0x17: {  	s4 =	simm.s32 $0x1BF5;
	[smem:$0x3FB0] =	sst s0  }
0x18: {  	s0 =	sld [smem:$0x3F93];
	_ =	swait.ge [sflag:s4], $0x0  }
0x19: {  	s7 =	sld [smem:$0x3F94]  }
0x1a: {  	s8 =	sadd.s32 $0xFFFFE003, lr  }
0x1b: {  	s9 =	sadd.s32 $0xFFFFFEF7, lr;
	s5 =	simm.s32 $0xFFFFFFFF;
	p2 =	slt.u32 s8, $0xFFFFF086  }
0x1c: {  	p1 =	slt.u32 s9, $0xF7A;
	s5 =	simm.s32 @!p2 $0x0  }
0x1d: {  	s5 =	simm.s32 @p1 $0x1;
	p0 =	seq.s32 s7, s2  }
0x1e: {  	s7 =	smul.u32 @!p0 $0xF7A, s2;
	p2 =	seq.s32 @!p0 s5, $0x0  }
0x1f: {  	s9 =	smul.u32 $0xF7A, s1;
	s8 =	simm.s32 @!p0 $0x1BF5;
	p2 =	por !p2, p0  }
0x20: {  	[sflag:s8] =	ssyncset.s32 @!p0 $0xFFFFF086;
	s6 =	sadd.s32 @!p0 s3, s7;
	s7 =	simm.s32 @!p0 $0x108  }
0x21: {  	s3 =	sadd.s32 s3, s9;
	s6 =	sadd.s32 @!p0 $0x88, s6;
	s7 =	simm.s32 @p2 $0x1082  }
0x22: {  	[simem:s7], [sflag:s8] =	dma.local @!p0 [hbm:s6], $0xF7A  }
0x23: {  	s9 =	sor.u32 $0xD0000000, s2;
	s6 =	simm.s32 $0x108;
	_ =	swait.ge @!p0 [sflag:s8], $0x0  }
0x24: {  	s3 =	sadd.s32 $0x88, s3;
	s6 =	simm.s32 @!p1 $0x1082;
	[sflag:s4] =	ssyncset.s32 $0xFFFFF086  }
0x25: {  	[simem:s6], [sflag:s4] =	dma.local [hbm:s3], $0xF7A  }
0x26: {  	[smem:$0x3F94] =	sst s1;
	(tag) =	ssettag s2;
	_ =	strace s9  }
0x27: {  	s1 =	sld [smem:$0x3FA4]  }
0x28: {  	s2 =	sld [smem:$0x3FA5]  }
0x29: {  	s4 =	sld [smem:$0x3FA7]  }
0x2a: {  	p0 =	seq.s32 s5, $0x0;
	s5 =	sld [smem:$0x3FA8]  }
0x2b: {  	s6 =	sld [smem:$0x3FA9]  }
0x2c: {  	s7 =	sld [smem:$0x3FAA]  }
0x2d: {  	s3 =	simm.s32 $0x108;
	s8 =	sld [smem:$0x3FAB]  }
0x2e: {  	s3 =	simm.s32 @!p0 $0x1082;
	s9 =	sld [smem:$0x3FAC]  }
0x2f: {  	lr =	sadd.s32 s0, s3;
	s0 =	sld [smem:$0x3FA3]  }
0x30: {  	s3 =	sld [smem:$0x3FA6]  }
0x31: {  	[smem:$0x3FAF] =	sst s10  }
0x32: {  	s10 =	sld [smem:$0x3FAD];
	_ =	sdelay $0x3  }
0x33: {  	p0 =	seq.s32 s10, $0x1;
	s10 =	sld [smem:$0x3FAF];
	_ =	sdelay $0x3  }
0x34: {  	[smem:$0x3FAF] =	sst s10  }
0x35: {  	s10 =	sld [smem:$0x3FAE];
	_ =	sdelay $0x3  }
0x36: {  	p1 =	seq.s32 s10, $0x1;
	s10 =	sld [smem:$0x3FAF];
	_ =	sdelay $0x3  }
0x37: {  	[smem:$0x3FAF] =	sst s10  }
0x38: {  	s10 =	sld [smem:$0x3FB0]  }
0x39: {  	_ = 	snop;
	(pc) =	sbr.ind lr, $3  }
0x3a: {  	_ = 	snop  }
0x3b: {  	_ = 	snop  }
0x3c: {  	p2 =	seq.s32 s10, $0x1;
	s10 =	sld [smem:$0x3FAF]  }
0x3d: {  	_ =	shalt  }
0x3e: {  	_ =	shalt  }
0x3f: {  	_ =	shalt  }
0x40: {  	_ =	shalt  }
0x41: {  	_ =	shalt  }
0x42: {  	_ =	shalt  }
0x43: {  	_ =	shalt  }
0x44: {  	_ =	shalt  }
0x45: {  	_ =	shalt  }
0x46: {  	_ =	shalt  }
0x47: {  	_ =	shalt  }
0x48: {  	_ =	shalt  }
0x49: {  	_ =	shalt  }
0x4a: {  	_ =	shalt  }
0x4b: {  	_ =	shalt  }
0x4c: {  	_ =	shalt  }
0x4d: {  	_ =	shalt  }
0x4e: {  	_ =	shalt  }
0x4f: {  	_ =	shalt  }
0x50: {  	_ =	shalt  }
0x51: {  	_ =	shalt  }
0x52: {  	_ =	shalt  }
0x53: {  	_ =	shalt  }
0x54: {  	_ =	shalt  }
0x55: {  	_ =	shalt  }
0x56: {  	_ =	shalt  }
0x57: {  	_ =	shalt  }
0x58: {  	_ =	shalt  }
0x59: {  	_ =	shalt  }
0x5a: {  	_ =	shalt  }
0x5b: {  	_ =	shalt  }
0x5c: {  	_ =	shalt  }
0x5d: {  	_ =	shalt  }
0x5e: {  	_ =	shalt  }
0x5f: {  	_ =	shalt  }
0x60: {  	_ =	shalt  }
0x61: {  	_ =	shalt  }
0x62: {  	_ =	shalt  }
0x63: {  	_ =	shalt  }
0x64: {  	_ =	shalt  }
0x65: {  	_ =	shalt  }
0x66: {  	_ =	shalt  }
0x67: {  	_ =	shalt  }
0x68: {  	_ =	shalt  }
0x69: {  	_ =	shalt  }
0x6a: {  	_ =	shalt  }
0x6b: {  	_ =	shalt  }
0x6c: {  	_ =	shalt  }
0x6d: {  	_ =	shalt  }
0x6e: {  	_ =	shalt  }
0x6f: {  	_ =	shalt  }
0x70: {  	_ =	shalt  }
0x71: {  	_ =	shalt  }
0x72: {  	_ =	shalt  }
0x73: {  	_ =	shalt  }
0x74: {  	_ =	shalt  }
0x75: {  	_ =	shalt  }
0x76: {  	_ =	shalt  }
0x77: {  	_ =	shalt  }
0x78: {  	_ =	shalt  }
0x79: {  	_ =	shalt  }
0x7a: {  	_ =	shalt  }
0x7b: {  	_ =	shalt  }
0x7c: {  	_ =	shalt  }
0x7d: {  	_ =	shalt  }
0x7e: {  	_ =	shalt  }
0x7f: {  	_ =	shalt  }
0x80: {  	_ =	shalt  }
0x81: {  	_ =	shalt  }
0x82: {  	_ =	shalt  }
0x83: {  	_ =	shalt  }
0x84: {  	_ =	shalt  }
0x85: {  	_ =	shalt  }
0x86: {  	_ =	shalt  }
0x87: {  	_ =	shalt  }
.Lfunc_end0:
.L_simem_size_0:
called_computation_lowered:
.L_overlay_start_0:
0x88: {  	s2 =	sld [smem:$0x3FD9]  }
0x89: {  	s3 =	sld [smem:$0x3FFE];
	_ =	sdelay $0x1  }
0x8a: {  	s1 =	srdreg.scid  }
0x8b: {  	s0 =	sand.u32 $0x1, s1  }
0x8c: {  	s17 =	sshll.u32 s0, $0xA;
	s2 =	sadd.s32 s3, s2  }
0x8d: {  	s2 =	sadd.s32 s2, s17  }
0x8e: {  	[smem:$0x3FBB] =	sst s2  }
0x8f: {  	_ = 	snop  }
0x90: {  	s2 =	sld [smem:$0x3FC5]  }
0x91: {  	s18 =	sld [smem:$0x3FC4];
	(tm) =	ssettm $0x1  }
0x92: {  	s4 =	sld [smem:$0x3FFB];
	_ =	sdelay $0x3  }
0x93: {  	_ =	strace s4  }
0x94: {  	s4 =	sld [smem:$0x3FFC];
	_ =	sdelay $0x3  }
0x95: {  	_ =	strace s4  }
0x96: {  	s4 =	sld [smem:$0x3FFD];
	_ =	sdelay $0x3  }
0x97: {  	_ =	strace s4  }
0x98: {  	_ =	strace $0x8FFFFFFF  }
0x99: {  	s19 =	sld [smem:$0x3FDB];
	_ =	sdelay $0x1  }
0x9a: {  	s5 =	simm.s32 $_scs_section_size  }
0x9b: {  	s6 =	simm.s32 $_size__tile_overlayer_lowered;
	s7 =	simm.s32 $_tile_overlayer_lowered  }
0x9c: {  	s22 =	simm.s32 $0x1BFF;
	s21 =	sshll.u32 s7, $0x1;
	s4 =	sadd.s32 s5, s19  }
0x9d: {  	s8 =	simm.s32 $0x0;
	s20 =	sshll.u32 s6, $0x1;
	s6 =	sadd.s32 s21, s4  }
0x9e: {  	[timem:s8], [sflag:s22] =	dma.local [hbm:s6], s20  }
0x9f: {  	_ =	swait.ge [sflag:s22], s20  }
0xa0: {  	s5 =	ssub.s32 $0x0, s20;
	[sflag:s22] =	ssyncset.done $0x0  }
0xa1: {  	[sflag:s22] =	ssyncadd.s32 s5;
	_ =	sdelay $0x1  }
0xa2: {  	s23 =	simm.s32 $0x1B8B  }
0xa3: {  	_ =	swait.ge [sflag:s23], $0x1  }
0xa4: {  	[sflag:s23] =	ssyncset.done $0x0  }
0xa5: {  	s25 =	simm.s32 $0x1B8E;
	s24 =	sld [smem:$0x3FFE];
	[sflag:s23] =	ssyncadd.s32 $0xFFFFFFFF  }
0xa6: {  	s26 =	simm.s32 $execute0_lowered;
	[smem:$0x3FD2] =	sst s25  }
0xa7: {  	s6 =	sshll.u32 s26, $0x1;
	_ =	strace $0x80000046;
	[dreg:$0x1] =	wrdreg $0xFFFFFFFF  }
0xa8: {  	s28 =	simm.s32 $_size_execute0_lowered;
	s4 =	sadd.s32 s4, s6;
	[dreg:$0x0] =	wrdreg $0x0  }
0xa9: {  	s6 =	sshll.u32 s28, $0x1;
	[dreg:$0x2] =	wrdreg s4  }
0xaa: {  	[dreg:$0x3] =	wrdreg s6  }
0xab: {  	[dreg:$0x4] =	wrdreg $0xC0  }
0xac: {  	_ =	task [dreg:s8], $0x5FFFF  }
0xad: {  	[dreg:$0x1] =	wrdreg $0xFFFFFFFF  }
0xae: {  	[dreg:$0x0] =	wrdreg $0x60  }
0xaf: {  	[dreg:$0x2] =	wrdreg s2  }
0xb0: {  	[dreg:$0x3] =	wrdreg s18  }
0xb1: {  	[dreg:$0x4] =	wrdreg s24  }
0xb2: {  	[dreg:$0x5] =	wrdreg $0x9  }
0xb3: {  	_ =	task.clear_ibuf [dreg:s8], $0x6FFFF;
	_ =	strace $0x90000046  }
0xb4: {  	s29 =	simm.s32 $0x9;
	_ =	strace $0x80000048  }
0xb5: {  	_ =	swait.ge [sflag:s29], $0x1  }
0xb6: {  	[sflag:s29] =	ssyncadd.s32 $0xFFFFFFFF  }
0xb7: {  	_ =	strace $0x90000048  }
0xb8: {  	_ =	sfence  }
0xb9: {  	s30 =	sld [smem:$0x0];
	_ =	sdelay $0x2  }
0xba: {  	s31 =	sshll.u32 s1, $0xD;
	s1 =	sshrl.u32 s1, $0x2  }
0xbb: {  	s3 =	sand.u32 $0x4000, s31;
	s1 =	sadd.s32 s1, s30  }
0xbc: {  	s0 =	sor.u32 s3, s0;
	s1 =	sshll.u32 s1, $0x11  }
0xbd: {  	s0 =	sor.u32 s1, s0  }
0xbe: {  	s0 =	sadd.s32 $0x8F2B, s0  }
0xbf: {  	[sflag:s0] =	ssyncadd.remote.s32 $0x1  }
0xc0: {  	_ =	sfence.sel $0xFFFF  }
0xc1: {  	[dreg:$0x0] =	wrdreg $0xFFFFFFFF;
	(pc) =	sbr.abs _section_cstart, $3  }
0xc2: {  	[dreg:$0x1] =	wrdreg $0xFFFFFFFF  }
0xc3: {  	_ =	task.clear_ibuf [dreg:s8], $0x2FFFF;
	_ =	strace $0x9FFFFFFF  }
0xc4: {  	(tm) =	ssettm $0x7FFFFFFF  }
0xc5: {  	_ =	shalt  }
tec
execute0_lowered:
.L_overlay_start_1:
0x0: {  	(tag) =	ssettag $0x1  }
0x1: {  	s0 =	srdreg.scid  }
0x2: {  	s4 =	sand.u32 $0x1, s0;
	s0 =	stileid.u32  }
0x3: {  	s5 =	sshll.u32 s0, $0x1;
	s6 =	ssub.s32 $0x0, s4  }
0x4: {  	p0 =	sne.s32 s5, s6  }
.Ltmp0:
0x5: {  	_ = 	snop;
	(pc) =	sbr.rel @p0 .LBB2_3-.Ltmp0, $4  }
0x6: {  	_ = 	snop  }
0x7: {  	s1 =	rddreg [dreg:$0x0]  }
0x8: {  	s3 =	rddreg [dreg:$0x1]  }
0x9: {  	s7 =	rddreg [dreg:$0x2];
	_ =	strace $0x80000047  }
0xa: {  	s5 =	sadd.s32 $0x1E00, s7;
	s8 =	ssub.s32 $0x2, s4  }
0xb: {  	s4 =	sadd.s32 $0x1C00, s7;
	s6 =	sadd.s32 $0x2200, s7;
	s10 =	simm.s32 $0x2  }
0xc: {  	s11 =	simm.s32 $0x200;
	s12 =	simm.s32 $0x800;
	s13 =	simm.s32 $0xA00  }
0xd: {  	s14 =	simm.s32 $0xC00;
	s15 =	simm.s32 $0x80;
	s16 =	simm.s32 $0x400  }
0xe: {  	s17 =	simm.s32 $0x600;
	s18 =	simm.s32 $0x480;
	s19 =	simm.s32 $0x280  }
0xf: {  	s20 =	simm.s32 $0x680;
	s21 =	simm.s32 $0x100;
	s22 =	simm.s32 $0x500  }
0x10: {  	s23 =	simm.s32 $0x300;
	s24 =	simm.s32 $0x700;
	s25 =	simm.s32 $0x180  }
0x11: {  	s26 =	simm.s32 $0x580;
	s28 =	simm.s32 $0x380;
	s29 =	simm.s32 $0x780  }
0x12: {  	s30 =	simm.s32 $0x1;
	s31 =	simm.s32 $0xE00;
	s9 =	sshrl.u32 s8, $0x1  }
0x13: {  	[dreg:$0x4] =	wrdreg s5;
	s5 =	sadd.s32 $0x2000, s7;
	s8 =	ssub.s32 s8, s9  }
0x14: {  	v0 =	vimm.f32 $0.0e+00;
	s7 =	sadd.s32 $0x2400, s7;
	s9 =	simm.s32 $0x0;
	s8 =	smax.u32 s8, $0x1  }
.LBB2_2:
0x15: {  	[tilespmem:s9], [sflag:$0x2] =	stream.linear.gather [hbm4b:s4+s9], $0x200, $0x38;
	[tilespmem:$0x1200] =	vst v63  }
0x16: {  	_ =	swait.ge [sflag:s10], $0x200  }
0x17: {  	[sflag:s10] =	ssyncset.done $0x0  }
0x18: {  	[sflag:s10] =	ssyncadd.s32 $0xFFFFFE00  }
0x19: {  	[tilespmem:s11], [sflag:$0x2] =	stream.linear.gather [hbm4b:s4+s9], $0x200, $0x38;
	[tilespmem:$0x1200] =	vst v63  }
0x1a: {  	_ =	swait.ge [sflag:s10], $0x200  }
0x1b: {  	[sflag:s10] =	ssyncset.done $0x0  }
0x1c: {  	s2 =	rddreg [dreg:$0x4];
	[sflag:s10] =	ssyncadd.s32 $0xFFFFFE00  }
0x1d: {  	[tilespmem:s12], [sflag:$0x2] =	stream.linear.gather [hbm4b:s2+s9], $0x200, $0x38;
	[tilespmem:$0x1200] =	vst v63  }
0x1e: {  	_ =	swait.ge [sflag:s10], $0x200  }
0x1f: {  	[sflag:s10] =	ssyncset.done $0x0  }
0x20: {  	[sflag:s10] =	ssyncadd.s32 $0xFFFFFE00  }
0x21: {  	[tilespmem:s13], [sflag:$0x2] =	stream.linear.gather [hbm4b:s5+s9], $0x200, $0x38;
	[tilespmem:$0x1200] =	vst v63  }
0x22: {  	_ =	swait.ge [sflag:s10], $0x200  }
0x23: {  	[sflag:s10] =	ssyncset.done $0x0  }
0x24: {  	[sflag:s10] =	ssyncadd.s32 $0xFFFFFE00  }
0x25: {  	[tilespmem:s14], [sflag:$0x2] =	stream.linear.gather [hbm4b:s6+s9], $0x200, $0x38;
	[tilespmem:$0x1200] =	vst v63  }
0x26: {  	_ =	swait.ge [sflag:s10], $0x200  }
0x27: {  	[sflag:s10] =	ssyncset.done $0x0  }
0x28: {  	[sflag:s10] =	ssyncadd.s32 $0xFFFFFE00  }
0x29: {  	[tilespmem:s16], [sflag:$0x1] =	stream.indirect.gather [hbm4b:s1+s15], $0x1, s9, s15, $0xb8;
	[tilespmem:$0x1200] =	vst v63  }
0x2a: {  	_ = 	snop  }
0x2b: {  	[tilespmem:s17], [sflag:$0x1] =	stream.indirect.gather [hbm4b:s3+s15], $0x1, s11, s15, $0xb8;
	[tilespmem:$0x1200] =	vst v63  }
0x2c: {  	_ = 	snop  }
0x2d: {  	[tilespmem:s18], [sflag:$0x1] =	stream.indirect.gather [hbm4b:s1+s15], $0x1, s15, s15, $0xb8;
	[tilespmem:$0x1200] =	vst v63  }
0x2e: {  	_ = 	snop  }
0x2f: {  	[tilespmem:s20], [sflag:$0x1] =	stream.indirect.gather [hbm4b:s3+s15], $0x1, s19, s15, $0xb8;
	[tilespmem:$0x1200] =	vst v63  }
0x30: {  	_ = 	snop  }
0x31: {  	[tilespmem:s22], [sflag:$0x1] =	stream.indirect.gather [hbm4b:s1+s15], $0x1, s21, s15, $0xb8;
	[tilespmem:$0x1200] =	vst v63  }
0x32: {  	_ = 	snop  }
0x33: {  	[tilespmem:s24], [sflag:$0x1] =	stream.indirect.gather [hbm4b:s3+s15], $0x1, s23, s15, $0xb8;
	[tilespmem:$0x1200] =	vst v63  }
0x34: {  	_ = 	snop  }
0x35: {  	[tilespmem:s26], [sflag:$0x1] =	stream.indirect.gather [hbm4b:s1+s15], $0x1, s25, s15, $0xb8;
	[tilespmem:$0x1200] =	vst v63  }
0x36: {  	_ = 	snop  }
0x37: {  	[tilespmem:s29], [sflag:$0x1] =	stream.indirect.gather [hbm4b:s3+s15], $0x1, s28, s15, $0xb8;
	[tilespmem:$0x1200] =	vst v63  }
0x38: {  	_ =	swait.ge [sflag:s30], $0x80  }
0x39: {  	[sflag:s30] =	ssyncset.done $0x0  }
0x3a: {  	[sflag:s30] =	ssyncadd.s32 $0xFFFFFF80  }
0x3b: {  	_ =	swait.ge [sflag:s30], $0x80  }
0x3c: {  	[sflag:s30] =	ssyncset.done $0x0  }
0x3d: {  	[sflag:s30] =	ssyncadd.s32 $0xFFFFFF80  }
0x3e: {  	_ =	swait.ge [sflag:s30], $0x80  }
0x3f: {  	[sflag:s30] =	ssyncset.done $0x0  }
0x40: {  	[sflag:s30] =	ssyncadd.s32 $0xFFFFFF80  }
0x41: {  	_ =	swait.ge [sflag:s30], $0x80  }
0x42: {  	[sflag:s30] =	ssyncset.done $0x0  }
0x43: {  	[sflag:s30] =	ssyncadd.s32 $0xFFFFFF80  }
0x44: {  	_ =	swait.ge [sflag:s30], $0x80  }
0x45: {  	[sflag:s30] =	ssyncset.done $0x0  }
0x46: {  	[sflag:s30] =	ssyncadd.s32 $0xFFFFFF80  }
0x47: {  	_ =	swait.ge [sflag:s30], $0x80  }
0x48: {  	[sflag:s30] =	ssyncset.done $0x0  }
0x49: {  	[sflag:s30] =	ssyncadd.s32 $0xFFFFFF80  }
0x4a: {  	_ =	swait.ge [sflag:s30], $0x80  }
0x4b: {  	[sflag:s30] =	ssyncset.done $0x0  }
0x4c: {  	[sflag:s30] =	ssyncadd.s32 $0xFFFFFF80  }
0x4d: {  	_ =	swait.ge [sflag:s30], $0x80  }
0x4e: {  	[sflag:s30] =	ssyncset.done $0x0  }
0x4f: {  	[sflag:s30] =	ssyncadd.s32 $0xFFFFFF80  }
0x50: {  	v1 =	vld [tilespmem:$0xC00]  }
0x51: {  	v2 =	vld [tilespmem:$0x400]  }
0x52: {  	v3 =	vld [tilespmem:$0x600]  }
0x53: {  	v4 =	vld [tilespmem:$0x800]  }
0x54: {  	v5 =	vld [tilespmem:$0xA00]  }
0x55: {  	v6 =	vld [tilespmem:$0xC10]  }
0x56: {  	v7 =	vld [tilespmem:$0x410]  }
0x57: {  	v8 =	vld [tilespmem:$0x610]  }
0x58: {  	v9 =	vld [tilespmem:$0x810]  }
0x59: {  	v10 =	vld [tilespmem:$0xA10]  }
0x5a: {  	v11 =	vld [tilespmem:$0xC20]  }
0x5b: {  	v12 =	vld [tilespmem:$0x420]  }
0x5c: {  	v14 =	vld [tilespmem:$0x620]  }
0x5d: {  	v16 =	vld [tilespmem:$0x820]  }
0x5e: {  	v17 =	vld [tilespmem:$0xA20]  }
0x5f: {  	v18 =	vld [tilespmem:$0xC30]  }
0x60: {  	v41 =	vld [tilespmem:$0x430]  }
0x61: {  	v42 =	vld [tilespmem:$0x630]  }
0x62: {  	v19 =	vld [tilespmem:$0x830]  }
0x63: {  	v44 =	vld [tilespmem:$0xA30]  }
0x64: {  	v46 =	vld [tilespmem:$0xC40]  }
0x65: {  	v49 =	vld [tilespmem:$0x440]  }
0x66: {  	v50 =	vld [tilespmem:$0x640]  }
0x67: {  	v54 =	vld [tilespmem:$0x840]  }
0x68: {  	v20 =	vld [tilespmem:$0xA40]  }
0x69: {  	v57 =	vld [tilespmem:$0xC50]  }
0x6a: {  	v58 =	vld [tilespmem:$0x450];
	v13 =	vmul.f32 v2, v1  }
0x6b: {  	v61 =	vld [tilespmem:$0x650];
	v4 =	vmul.f32 v4, v1;
	v15 =	vmul.f32 v3, v1  }
0x6c: {  	v62 =	vld [tilespmem:$0x850];
	v5 =	vmul.f32 v5, v1;
	v39 =	vmul.f32 v7, v6  }
0x6d: {  	v22 =	vld [tilespmem:$0xA50];
	v9 =	vmul.f32 v9, v6;
	v40 =	vmul.f32 v8, v6  }
0x6e: {  	v25 =	vld [tilespmem:$0xC60];
	v10 =	vmul.f32 v10, v6;
	v43 =	vmul.f32 v12, v11  }
0x6f: {  	v26 =	vld [tilespmem:$0x460];
	v16 =	vmul.f32 v16, v11;
	v47 =	vmul.f32 v14, v11  }
0x70: {  	v27 =	vld [tilespmem:$0x660];
	v48 =	vmul.f32 v17, v11;
	v52 =	vmul.f32 v41, v18  }
0x71: {  	v29 =	vld [tilespmem:$0x860];
	v1 =	vadd.f32 $0.0e+00, v1;
	v53 =	vmul.f32 v19, v18;
	v55 =	vmul.f32 v42, v18  }
0x72: {  	v30 =	vld [tilespmem:$0xA60];
	v7 =	vsub.f32 v7, v8;
	v8 =	vmul.f32 v44, v18;
	v63 =	vmul.f32 v49, v46  }
0x73: {  	v32 =	vld [tilespmem:$0xC70];
	v2 =	vsub.f32 v2, v3;
	v21 =	vmul.f32 v54, v46;
	v23 =	vmul.f32 v50, v46  }
0x74: {  	v34 =	vld [tilespmem:$0x470];
	v12 =	vsub.f32 v12, v14;
	v24 =	vmul.f32 v20, v46;
	v28 =	vmul.f32 v58, v57  }
0x75: {  	v35 =	vld [tilespmem:$0x670];
	v33 =	vmul.f32 v61, v57;
	v14 =	vmul.f32 v22, v57;
	v4 =	vsub.f32 v13, v4  }
0x76: {  	v37 =	vmul.f32 v26, v25;
	v44 =	vld [tilespmem:$0x480];
	v5 =	vsub.f32 v15, v5;
	v9 =	vsub.f32 v39, v9  }
0x77: {  	v38 =	vmul.f32 v29, v25;
	v54 =	vld [tilespmem:$0x490];
	v3 =	vsub.f32 v40, v10;
	v45 =	vsub.f32 v43, v16  }
0x78: {  	v29 =	vld [tilespmem:$0xAA0];
	v2 =	vand.u32 $0x7FFFFFFF, v2;
	v1 =	vadd.f32 v6, v1;
	v51 =	vsub.f32 v47, v48  }
0x79: {  	v7 =	vand.u32 $0x7FFFFFFF, v7;
	v56 =	vsub.f32 v52, v53;
	v10 =	vsub.f32 v41, v42;
	v39 =	vld [tilespmem:$0x870]  }
0x7a: {  	v59 =	vand.u32 $0x7FFFFFFF, v12;
	v6 =	vsub.f32 v49, v50;
	v36 =	vsub.f32 v33, v14;
	v41 =	vld [tilespmem:$0xA70]  }
0x7b: {  	v40 =	vmul.f32 v27, v25;
	v42 =	vsub.f32 v37, v38;
	v43 =	vld [tilespmem:$0xC80];
	v48 =	vmul.f32 v34, v32  }
0x7c: {  	v47 =	vld [tilespmem:$0x880];
	v2 =	vadd.f32 v7, v2;
	v4 =	vand.u32 $0x7FFFFFFF, v4;
	v5 =	vand.u32 $0x7FFFFFFF, v5  }
0x7d: {  	v50 =	vld [tilespmem:$0xA80];
	v9 =	vand.u32 $0x7FFFFFFF, v9;
	v3 =	vand.u32 $0x7FFFFFFF, v3;
	v7 =	vand.u32 $0x7FFFFFFF, v51  }
0x7e: {  	v53 =	vld [tilespmem:$0xC90];
	v1 =	vadd.f32 v11, v1;
	v60 =	vand.u32 $0x7FFFFFFF, v56;
	v10 =	vand.u32 $0x7FFFFFFF, v10  }
0x7f: {  	v38 =	vld [tilespmem:$0xAB0];
	v11 =	vsub.f32 v63, v21;
	v6 =	vand.u32 $0x7FFFFFFF, v6;
	v51 =	vmul.f32 v35, v32  }
0x80: {  	v63 =	vld [tilespmem:$0x6A0];
	v4 =	vadd.f32 v9, v4;
	v3 =	vadd.f32 v3, v5;
	v5 =	vand.u32 $0x7FFFFFFF, v45  }
0x81: {  	v2 =	vadd.f32 v59, v2;
	v45 =	vand.u32 $0x7FFFFFFF, v42;
	v42 =	vld [tilespmem:$0x4C0];
	v1 =	vadd.f32 v18, v1  }
0x82: {  	v9 =	vand.u32 $0x7FFFFFFF, v36;
	v4 =	vadd.f32 v5, v4;
	v5 =	vsub.f32 v55, v8;
	v55 =	vld [tilespmem:$0x690]  }
0x83: {  	v11 =	vand.u32 $0x7FFFFFFF, v11;
	v3 =	vadd.f32 v7, v3;
	v7 =	vsub.f32 v58, v61;
	v58 =	vld [tilespmem:$0xA90]  }
0x84: {  	v2 =	vadd.f32 v10, v2;
	v8 =	vmul.f32 v62, v57;
	v49 =	vmul.f32 v39, v32;
	v62 =	vld [tilespmem:$0x4A0]  }
0x85: {  	v10 =	vsub.f32 v26, v27;
	v52 =	vmul.f32 v41, v32;
	v56 =	vmul.f32 v44, v43;
	v27 =	vld [tilespmem:$0x8A0]  }
0x86: {  	v15 =	vmul.f32 v50, v43;
	v41 =	vld [tilespmem:$0xCC0];
	v1 =	vadd.f32 v46, v1;
	v4 =	vadd.f32 v60, v4  }
0x87: {  	v50 =	vld [tilespmem:$0x4D0];
	v5 =	vand.u32 $0x7FFFFFFF, v5;
	v31 =	vsub.f32 v28, v8;
	v2 =	vadd.f32 v6, v2  }
0x88: {  	v46 =	vld [tilespmem:$0x680];
	v7 =	vand.u32 $0x7FFFFFFF, v7;
	v6 =	vsub.f32 v34, v35;
	v3 =	vadd.f32 v5, v3  }
0x89: {  	v10 =	vand.u32 $0x7FFFFFFF, v10;
	v60 =	vld [tilespmem:$0xCA0];
	v5 =	vsub.f32 v23, v24;
	v1 =	vadd.f32 v57, v1  }
0x8a: {  	v34 =	vld [tilespmem:$0x6B0];
	v4 =	vadd.f32 v11, v4;
	v11 =	vmul.f32 v30, v25;
	v2 =	vadd.f32 v7, v2  }
0x8b: {  	v35 =	vld [tilespmem:$0x8B0];
	v7 =	vmul.f32 v47, v43;
	v6 =	vand.u32 $0x7FFFFFFF, v6;
	v5 =	vand.u32 $0x7FFFFFFF, v5  }
0x8c: {  	v57 =	vld [tilespmem:$0x890];
	v1 =	vadd.f32 v25, v1;
	v25 =	vmul.f32 v54, v53;
	v3 =	vadd.f32 v5, v3  }
0x8d: {  	v23 =	vld [tilespmem:$0xAE0];
	v5 =	vand.u32 $0x7FFFFFFF, v31;
	v2 =	vadd.f32 v10, v2;
	v59 =	vsub.f32 v56, v7  }
0x8e: {  	v28 =	vmul.f32 v55, v53;
	v31 =	vld [tilespmem:$0xCB0];
	v10 =	vsub.f32 v54, v55;
	v4 =	vadd.f32 v5, v4  }
0x8f: {  	v61 =	vmul.f32 v46, v43;
	v55 =	vld [tilespmem:$0x8D0];
	v5 =	vsub.f32 v40, v11;
	v11 =	vsub.f32 v48, v49  }
0x90: {  	v1 =	vadd.f32 v32, v1;
	v32 =	vld [tilespmem:$0x4B0];
	v36 =	vmul.f32 v62, v60;
	v37 =	vmul.f32 v27, v60  }
0x91: {  	v39 =	vmul.f32 v63, v60;
	v40 =	vmul.f32 v29, v60;
	v48 =	vld [tilespmem:$0xCD0];
	v3 =	vadd.f32 v9, v3  }
0x92: {  	v27 =	vld [tilespmem:$0x4F0];
	v2 =	vadd.f32 v6, v2;
	v24 =	vsub.f32 v61, v15;
	v26 =	vmul.f32 v57, v53  }
0x93: {  	v9 =	vsub.f32 v44, v46;
	v10 =	vand.u32 $0x7FFFFFFF, v10;
	v6 =	vsub.f32 v62, v63;
	v46 =	vld [tilespmem:$0xAC0]  }
0x94: {  	v57 =	vld [tilespmem:$0xAD0];
	v4 =	vadd.f32 v45, v4;
	v5 =	vand.u32 $0x7FFFFFFF, v5;
	v1 =	vadd.f32 v43, v1  }
0x95: {  	v62 =	vld [tilespmem:$0x6E0];
	v11 =	vand.u32 $0x7FFFFFFF, v11;
	v3 =	vadd.f32 v5, v3;
	v5 =	vsub.f32 v51, v52  }
0x96: {  	v63 =	vld [tilespmem:$0x8E0];
	v8 =	vand.u32 $0x7FFFFFFF, v24;
	v30 =	vsub.f32 v25, v26;
	v9 =	vand.u32 $0x7FFFFFFF, v9  }
0x97: {  	v43 =	vld [tilespmem:$0x6C0];
	v6 =	vand.u32 $0x7FFFFFFF, v6;
	v4 =	vadd.f32 v11, v4;
	v11 =	vmul.f32 v58, v53  }
0x98: {  	v45 =	vld [tilespmem:$0x8C0];
	v2 =	vadd.f32 v9, v2;
	v9 =	vmul.f32 v35, v31;
	v49 =	vmul.f32 v34, v31  }
0x99: {  	v51 =	vld [tilespmem:$0x6D0];
	v1 =	vadd.f32 v53, v1;
	v14 =	vmul.f32 v38, v31;
	v53 =	vmul.f32 v42, v41  }
0x9a: {  	v26 =	vld [tilespmem:$0xCF0];
	v5 =	vand.u32 $0x7FFFFFFF, v5;
	v33 =	vand.u32 $0x7FFFFFFF, v30;
	v44 =	vmul.f32 v32, v31  }
0x9b: {  	v35 =	vld [tilespmem:$0x500];
	v21 =	vmul.f32 v50, v48;
	v3 =	vadd.f32 v5, v3;
	v2 =	vadd.f32 v10, v2  }
0x9c: {  	v30 =	vld [tilespmem:$0x8F0];
	v5 =	vand.u32 $0x7FFFFFFF, v59;
	v1 =	vadd.f32 v60, v1;
	v52 =	vsub.f32 v49, v14  }
0x9d: {  	v22 =	vmul.f32 v55, v48;
	v55 =	vld [tilespmem:$0x520];
	v4 =	vadd.f32 v5, v4;
	v5 =	vsub.f32 v28, v11  }
0x9e: {  	v59 =	vld [tilespmem:$0xCE0];
	v25 =	vmul.f32 v57, v48;
	v11 =	vsub.f32 v36, v37;
	v47 =	vsub.f32 v44, v9  }
0x9f: {  	v60 =	vld [tilespmem:$0x4E0];
	v54 =	vmul.f32 v45, v41;
	v56 =	vmul.f32 v43, v41;
	v10 =	vsub.f32 v42, v43  }
0xa0: {  	v28 =	vld [tilespmem:$0x6F0];
	v3 =	vadd.f32 v8, v3;
	v2 =	vadd.f32 v6, v2;
	v7 =	vand.u32 $0x7FFFFFFF, v52  }
0xa1: {  	v36 =	vld [tilespmem:$0x700];
	v8 =	vsub.f32 v32, v34;
	v1 =	vadd.f32 v31, v1;
	v24 =	vmul.f32 v51, v48  }
0xa2: {  	v42 =	vld [tilespmem:$0xB00];
	v6 =	vsub.f32 v50, v51;
	v38 =	vmul.f32 v27, v26;
	v4 =	vadd.f32 v33, v4  }
0xa3: {  	v44 =	vld [tilespmem:$0xD10];
	v5 =	vand.u32 $0x7FFFFFFF, v5;
	v11 =	vand.u32 $0x7FFFFFFF, v11;
	v58 =	vsub.f32 v53, v54  }
0xa4: {  	v45 =	vld [tilespmem:$0x510];
	v10 =	vand.u32 $0x7FFFFFFF, v10;
	v3 =	vadd.f32 v5, v3;
	v5 =	vsub.f32 v39, v40  }
0xa5: {  	v31 =	vld [tilespmem:$0xAF0];
	v8 =	vand.u32 $0x7FFFFFFF, v8;
	v1 =	vadd.f32 v41, v1;
	v6 =	vand.u32 $0x7FFFFFFF, v6  }
0xa6: {  	v51 =	vld [tilespmem:$0xB10];
	v39 =	vmul.f32 v30, v26;
	v4 =	vadd.f32 v11, v4;
	v11 =	vmul.f32 v46, v41  }
0xa7: {  	v33 =	vld [tilespmem:$0xD00];
	v2 =	vadd.f32 v8, v2;
	v29 =	vmul.f32 v60, v59;
	v8 =	vmul.f32 v63, v59  }
0xa8: {  	v54 =	vld [tilespmem:$0xD20];
	v61 =	vand.u32 $0x7FFFFFFF, v58;
	v34 =	vmul.f32 v62, v59;
	v15 =	vmul.f32 v23, v59  }
0xa9: {  	v40 =	vld [tilespmem:$0x900];
	v5 =	vand.u32 $0x7FFFFFFF, v5;
	v1 =	vadd.f32 v48, v1;
	v43 =	vsub.f32 v38, v39  }
0xaa: {  	v30 =	vld [tilespmem:$0xB30];
	v41 =	vmul.f32 v28, v26;
	v3 =	vadd.f32 v5, v3;
	v2 =	vadd.f32 v10, v2  }
0xab: {  	v58 =	vld [tilespmem:$0x920];
	v5 =	vand.u32 $0x7FFFFFFF, v47;
	v32 =	vsub.f32 v29, v8;
	v37 =	vsub.f32 v34, v15  }
0xac: {  	v63 =	vld [tilespmem:$0x530];
	v57 =	vmul.f32 v45, v44;
	v10 =	vsub.f32 v27, v28;
	v4 =	vadd.f32 v5, v4  }
0xad: {  	v23 =	vld [tilespmem:$0x970];
	v14 =	vmul.f32 v51, v44;
	v5 =	vsub.f32 v56, v11;
	v11 =	vsub.f32 v21, v22  }
0xae: {  	v48 =	vld [tilespmem:$0x910];
	v1 =	vadd.f32 v59, v1;
	v46 =	vand.u32 $0x7FFFFFFF, v43;
	v49 =	vmul.f32 v35, v33  }
0xaf: {  	v39 =	vld [tilespmem:$0xB40];
	v52 =	vmul.f32 v36, v33;
	v53 =	vmul.f32 v42, v33;
	v3 =	vadd.f32 v7, v3  }
0xb0: {  	v47 =	vld [tilespmem:$0x710];
	v2 =	vadd.f32 v6, v2;
	v9 =	vand.u32 $0x7FFFFFFF, v37;
	v7 =	vsub.f32 v60, v62  }
0xb1: {  	v28 =	vld [tilespmem:$0x930];
	v50 =	vmul.f32 v40, v33;
	v10 =	vand.u32 $0x7FFFFFFF, v10;
	v6 =	vsub.f32 v35, v36  }
0xb2: {  	v51 =	vld [tilespmem:$0x560];
	v4 =	vadd.f32 v61, v4;
	v5 =	vand.u32 $0x7FFFFFFF, v5;
	v11 =	vand.u32 $0x7FFFFFFF, v11  }
0xb3: {  	v56 =	vld [tilespmem:$0x720];
	v1 =	vadd.f32 v26, v1;
	v27 =	vmul.f32 v58, v54;
	v3 =	vadd.f32 v5, v3  }
0xb4: {  	v59 =	vld [tilespmem:$0xB20];
	v5 =	vsub.f32 v24, v25;
	v7 =	vand.u32 $0x7FFFFFFF, v7;
	v4 =	vadd.f32 v11, v4  }
0xb5: {  	v42 =	vld [tilespmem:$0xD50];
	v11 =	vmul.f32 v31, v26;
	v2 =	vadd.f32 v7, v2;
	v7 =	vmul.f32 v48, v44  }
0xb6: {  	v61 =	vld [tilespmem:$0xD30];
	v62 =	vmul.f32 v47, v44;
	v1 =	vadd.f32 v33, v1;
	v5 =	vand.u32 $0x7FFFFFFF, v5  }
0xb7: {  	v43 =	vld [tilespmem:$0x550];
	v26 =	vmul.f32 v55, v54;
	v3 =	vadd.f32 v5, v3;
	v2 =	vadd.f32 v10, v2  }
0xb8: {  	v21 =	vld [tilespmem:$0xDC0];
	v6 =	vand.u32 $0x7FFFFFFF, v6;
	v60 =	vsub.f32 v57, v7;
	v25 =	vsub.f32 v62, v14  }
0xb9: {  	v24 =	vld [tilespmem:$0x730];
	v5 =	vand.u32 $0x7FFFFFFF, v32;
	v31 =	vsub.f32 v26, v27;
	v1 =	vadd.f32 v44, v1  }
0xba: {  	v22 =	vld [tilespmem:$0x5C0];
	v29 =	vmul.f32 v56, v54;
	v10 =	vsub.f32 v55, v56;
	v4 =	vadd.f32 v5, v4  }
0xbb: {  	v35 =	vld [tilespmem:$0x740];
	v5 =	vsub.f32 v41, v11;
	v11 =	vsub.f32 v49, v50;
	v37 =	vmul.f32 v63, v61  }
0xbc: {  	v33 =	vld [tilespmem:$0x540];
	v38 =	vmul.f32 v28, v61;
	v41 =	vmul.f32 v30, v61;
	v3 =	vadd.f32 v9, v3  }
0xbd: {  	v32 =	vld [tilespmem:$0xD40];
	v2 =	vadd.f32 v6, v2;
	v8 =	vand.u32 $0x7FFFFFFF, v25;
	v9 =	vsub.f32 v45, v47  }
0xbe: {  	v36 =	vld [tilespmem:$0x940];
	v34 =	vand.u32 $0x7FFFFFFF, v31;
	v40 =	vmul.f32 v24, v61;
	v1 =	vadd.f32 v54, v1  }
0xbf: {  	v58 =	vld [tilespmem:$0xB60];
	v10 =	vand.u32 $0x7FFFFFFF, v10;
	v6 =	vsub.f32 v63, v24;
	v5 =	vand.u32 $0x7FFFFFFF, v5  }
0xc0: {  	v44 =	vld [tilespmem:$0x750];
	v4 =	vadd.f32 v46, v4;
	v11 =	vand.u32 $0x7FFFFFFF, v11;
	v3 =	vadd.f32 v5, v3  }
0xc1: {  	v49 =	vld [tilespmem:$0xD60];
	v5 =	vsub.f32 v52, v53;
	v9 =	vand.u32 $0x7FFFFFFF, v9;
	v1 =	vadd.f32 v61, v1  }
0xc2: {  	v56 =	vld [tilespmem:$0x960];
	v4 =	vadd.f32 v11, v4;
	v11 =	vmul.f32 v59, v54;
	v45 =	vmul.f32 v33, v32  }
0xc3: {  	v26 =	vld [tilespmem:$0xB70];
	v2 =	vadd.f32 v9, v2;
	v9 =	vmul.f32 v36, v32;
	v50 =	vmul.f32 v35, v32  }
0xc4: {  	v30 =	vld [tilespmem:$0x580];
	v6 =	vand.u32 $0x7FFFFFFF, v6;
	v15 =	vmul.f32 v39, v32;
	v54 =	vmul.f32 v43, v42  }
0xc5: {  	v46 =	vld [tilespmem:$0x950];
	v57 =	vmul.f32 v44, v42;
	v5 =	vand.u32 $0x7FFFFFFF, v5;
	v1 =	vadd.f32 v32, v1  }
0xc6: {  	v47 =	vld [tilespmem:$0xB50];
	v24 =	vmul.f32 v51, v49;
	v3 =	vadd.f32 v5, v3;
	v2 =	vadd.f32 v10, v2  }
0xc7: {  	v52 =	vld [tilespmem:$0x760];
	v5 =	vand.u32 $0x7FFFFFFF, v60;
	v48 =	vsub.f32 v45, v9;
	v53 =	vsub.f32 v50, v15  }
0xc8: {  	v36 =	vld [tilespmem:$0xD90];
	v25 =	vmul.f32 v56, v49;
	v10 =	vsub.f32 v43, v44;
	v4 =	vadd.f32 v5, v4  }
0xc9: {  	v39 =	vld [tilespmem:$0x790];
	v28 =	vmul.f32 v58, v49;
	v5 =	vsub.f32 v29, v11;
	v11 =	vsub.f32 v37, v38  }
0xca: {  	v63 =	vld [tilespmem:$0x770];
	v55 =	vmul.f32 v46, v42;
	v1 =	vadd.f32 v42, v1;
	v3 =	vadd.f32 v8, v3  }
0xcb: {  	v61 =	vld [tilespmem:$0x570];
	v2 =	vadd.f32 v6, v2;
	v7 =	vand.u32 $0x7FFFFFFF, v53;
	v8 =	vsub.f32 v33, v35  }
0xcc: {  	v60 =	vld [tilespmem:$0xD70];
	v27 =	vmul.f32 v52, v49;
	v10 =	vand.u32 $0x7FFFFFFF, v10;
	v6 =	vsub.f32 v51, v52  }
0xcd: {  	v43 =	vld [tilespmem:$0x990];
	v4 =	vadd.f32 v34, v4;
	v5 =	vand.u32 $0x7FFFFFFF, v5;
	v11 =	vand.u32 $0x7FFFFFFF, v11  }
0xce: {  	v45 =	vld [tilespmem:$0xB90];
	v59 =	vsub.f32 v54, v55;
	v1 =	vadd.f32 v49, v1;
	v55 =	vmul.f32 v39, v36  }
0xcf: {  	v29 =	vld [tilespmem:$0xD80];
	v3 =	vadd.f32 v5, v3;
	v5 =	vsub.f32 v40, v41;
	v8 =	vand.u32 $0x7FFFFFFF, v8  }
0xd0: {  	v31 =	vld [tilespmem:$0x780];
	v6 =	vand.u32 $0x7FFFFFFF, v6;
	v4 =	vadd.f32 v11, v4;
	v11 =	vmul.f32 v47, v42  }
0xd1: {  	v58 =	vld [tilespmem:$0x5B0];
	v2 =	vadd.f32 v8, v2;
	v32 =	vmul.f32 v61, v60;
	v8 =	vmul.f32 v23, v60  }
0xd2: {  	v38 =	vld [tilespmem:$0x590];
	v62 =	vand.u32 $0x7FFFFFFF, v59;
	v37 =	vmul.f32 v63, v60;
	v14 =	vmul.f32 v26, v60  }
0xd3: {  	v33 =	vld [tilespmem:$0x980];
	v1 =	vadd.f32 v60, v1;
	v53 =	vmul.f32 v43, v36;
	v5 =	vand.u32 $0x7FFFFFFF, v5  }
0xd4: {  	v50 =	vld [tilespmem:$0x7A0];
	v56 =	vmul.f32 v45, v36;
	v41 =	vmul.f32 v30, v29;
	v3 =	vadd.f32 v5, v3  }
0xd5: {  	v51 =	vld [tilespmem:$0x9A0];
	v44 =	vmul.f32 v31, v29;
	v2 =	vadd.f32 v10, v2;
	v35 =	vsub.f32 v32, v8  }
0xd6: {  	v54 =	vld [tilespmem:$0xBA0];
	v5 =	vand.u32 $0x7FFFFFFF, v48;
	v40 =	vsub.f32 v37, v14;
	v10 =	vsub.f32 v30, v31  }
0xd7: {  	v47 =	vld [tilespmem:$0xDA0];
	v52 =	vmul.f32 v38, v36;
	v1 =	vadd.f32 v29, v1;
	v4 =	vadd.f32 v5, v4  }
0xd8: {  	v59 =	vld [tilespmem:$0x7B0];
	v42 =	vmul.f32 v33, v29;
	v5 =	vsub.f32 v57, v11;
	v11 =	vsub.f32 v24, v25  }
0xd9: {  	v34 =	vld [tilespmem:$0xB80];
	v33 =	vmul.f32 v22, v21;
	v3 =	vadd.f32 v7, v3;
	v2 =	vadd.f32 v6, v2  }
0xda: {  	v45 =	vld [tilespmem:$0xDF0];
	v7 =	vsub.f32 v61, v63;
	v9 =	vand.u32 $0x7FFFFFFF, v40;
	v46 =	vsub.f32 v41, v42  }
0xdb: {  	v48 =	vld [tilespmem:$0x5A0];
	v10 =	vand.u32 $0x7FFFFFFF, v10;
	v6 =	vsub.f32 v38, v39;
	v1 =	vadd.f32 v36, v1  }
0xdc: {  	v30 =	vld [tilespmem:$0x5D0];
	v4 =	vadd.f32 v62, v4;
	v5 =	vand.u32 $0x7FFFFFFF, v5;
	v11 =	vand.u32 $0x7FFFFFFF, v11  }
0xdd: {  	v57 =	vld [tilespmem:$0xDB0];
	v20 =	vmul.f32 v50, v47;
	v15 =	vmul.f32 v54, v47;
	v32 =	vsub.f32 v58, v59  }
0xde: {  	v39 =	vld [tilespmem:$0x5E0];
	v3 =	vadd.f32 v5, v3;
	v5 =	vsub.f32 v27, v28;
	v7 =	vand.u32 $0x7FFFFFFF, v7  }
0xdf: {  	v41 =	vld [tilespmem:$0x7E0];
	v49 =	vand.u32 $0x7FFFFFFF, v46;
	v6 =	vand.u32 $0x7FFFFFFF, v6;
	v1 =	vadd.f32 v47, v1  }
0xe0: {  	v25 =	vld [tilespmem:$0x7C0];
	v4 =	vadd.f32 v11, v4;
	v11 =	vmul.f32 v34, v29;
	v2 =	vadd.f32 v7, v2  }
0xe1: {  	v61 =	vld [tilespmem:$0x9B0];
	v60 =	vmul.f32 v48, v47;
	v7 =	vmul.f32 v51, v47;
	v5 =	vand.u32 $0x7FFFFFFF, v5  }
0xe2: {  	v38 =	vld [tilespmem:$0xDE0];
	v23 =	vmul.f32 v58, v57;
	v1 =	vadd.f32 v57, v1;
	v3 =	vadd.f32 v5, v3  }
0xe3: {  	v27 =	vld [tilespmem:$0x9C0];
	v26 =	vmul.f32 v59, v57;
	v2 =	vadd.f32 v10, v2;
	v63 =	vsub.f32 v60, v7  }
0xe4: {  	v28 =	vld [tilespmem:$0xBC0];
	v5 =	vand.u32 $0x7FFFFFFF, v35;
	v7 =	vsub.f32 v20, v15;
	v58 =	vsub.f32 v39, v41  }
0xe5: {  	v46 =	vld [tilespmem:$0x5F0];
	v36 =	vmul.f32 v25, v21;
	v4 =	vadd.f32 v5, v4;
	v5 =	vsub.f32 v44, v11  }
0xe6: {  	v29 =	vld [tilespmem:$0xDD0];
	v24 =	vmul.f32 v61, v57;
	v11 =	vsub.f32 v52, v53;
	v1 =	vadd.f32 v21, v1  }
0xe7: {  	v37 =	vld [tilespmem:$0xBD0];
	v51 =	vmul.f32 v41, v38;
	v3 =	vadd.f32 v9, v3;
	v2 =	vadd.f32 v6, v2  }
0xe8: {  	v7 =	vand.u32 $0x7FFFFFFF, v7;
	v9 =	vsub.f32 v48, v50;
	v8 =	vsub.f32 v23, v24  }
0xe9: {  	v34 =	vmul.f32 v27, v21;
	v12 =	vmul.f32 v28, v21;
	v6 =	vsub.f32 v22, v25  }
0xea: {  	v62 =	vld [tilespmem:$0xBB0];
	v54 =	vmul.f32 v46, v45;
	v60 =	vand.u32 $0x7FFFFFFF, v58;
	v4 =	vadd.f32 v49, v4  }
0xeb: {  	v35 =	vld [tilespmem:$0x7D0];
	v5 =	vand.u32 $0x7FFFFFFF, v5;
	v11 =	vand.u32 $0x7FFFFFFF, v11;
	v40 =	vmul.f32 v30, v29  }
0xec: {  	v15 =	vmul.f32 v37, v29;
	v49 =	vmul.f32 v39, v38;
	v1 =	vadd.f32 v29, v1  }
0xed: {  	v52 =	vld [tilespmem:$0xBF0];
	v3 =	vadd.f32 v5, v3;
	v5 =	vsub.f32 v55, v56;
	v9 =	vand.u32 $0x7FFFFFFF, v9  }
0xee: {  	v50 =	vld [tilespmem:$0x7F0];
	v8 =	vand.u32 $0x7FFFFFFF, v8;
	v10 =	vsub.f32 v33, v34;
	v6 =	vand.u32 $0x7FFFFFFF, v6  }
0xef: {  	v4 =	vadd.f32 v11, v4;
	v11 =	vmul.f32 v62, v57;
	v2 =	vadd.f32 v9, v2  }
0xf0: {  	v44 =	vld [tilespmem:$0xBE0];
	v9 =	vand.u32 $0x7FFFFFFF, v32;
	v43 =	vmul.f32 v35, v29;
	v53 =	vsub.f32 v30, v35  }
0xf1: {  	v1 =	vadd.f32 v38, v1;
	v5 =	vand.u32 $0x7FFFFFFF, v5;
	v10 =	vand.u32 $0x7FFFFFFF, v10  }
0xf2: {  	v31 =	vld [tilespmem:$0x9D0];
	v57 =	vmul.f32 v52, v45;
	v3 =	vadd.f32 v5, v3;
	v2 =	vadd.f32 v9, v2  }
0xf3: {  	v47 =	vld [tilespmem:$0x9F0];
	v5 =	vand.u32 $0x7FFFFFFF, v63;
	v62 =	vsub.f32 v46, v50;
	v1 =	vadd.f32 v45, v1  }
0xf4: {  	v42 =	vld [tilespmem:$0x9E0];
	v56 =	vmul.f32 v50, v45;
	v4 =	vadd.f32 v5, v4;
	v5 =	vsub.f32 v26, v11  }
0xf5: {  	v17 =	vmul.f32 v44, v38;
	v3 =	vadd.f32 v7, v3;
	v2 =	vadd.f32 v6, v2  }
0xf6: {  	v7 =	vand.u32 $0x7FFFFFFF, v53;
	v59 =	vsub.f32 v56, v57;
	v5 =	vand.u32 $0x7FFFFFFF, v5  }
0xf7: {  	v4 =	vadd.f32 v8, v4;
	v8 =	vmul.f32 v31, v29;
	v3 =	vadd.f32 v5, v3  }
0xf8: {  	v6 =	vmul.f32 v47, v45;
	v5 =	vsub.f32 v36, v12;
	v12 =	vsub.f32 v43, v15  }
0xf9: {  	v4 =	vadd.f32 v10, v4;
	v8 =	vsub.f32 v40, v8;
	v10 =	vmul.f32 v42, v38  }
0xfa: {  	v2 =	vadd.f32 v7, v2;
	v6 =	vsub.f32 v54, v6;
	v5 =	vand.u32 $0x7FFFFFFF, v5  }
0xfb: {  	v3 =	vadd.f32 v5, v3;
	v8 =	vand.u32 $0x7FFFFFFF, v8;
	v10 =	vsub.f32 v49, v10  }
0xfc: {  	[tilespmem:$0x1000] =	vst v0;
	v48 =	vand.u32 $0x7FFFFFFF, v12;
	v4 =	vadd.f32 v8, v4;
	v8 =	vsub.f32 v51, v17  }
0xfd: {  	[tilespmem:$0x1080] =	vst v0;
	v2 =	vadd.f32 v60, v2;
	v3 =	vadd.f32 v48, v3;
	v55 =	vand.u32 $0x7FFFFFFF, v10  }
0xfe: {  	[tilespmem:$0x1100] =	vst v0;
	v63 =	vand.u32 $0x7FFFFFFF, v62;
	v8 =	vand.u32 $0x7FFFFFFF, v8;
	v4 =	vadd.f32 v55, v4  }
0xff: {  	[tilespmem:$0x1180] =	vst v0;
	v6 =	vand.u32 $0x7FFFFFFF, v6;
	v2 =	vadd.f32 v63, v2;
	v3 =	vadd.f32 v8, v3  }
0x100: {  	[tilespmem:$0xF00] =	vst v1;
	v61 =	vand.u32 $0x7FFFFFFF, v59;
	v4 =	vadd.f32 v6, v4  }
0x101: {  	[tilespmem:$0xF80] =	vst v2;
	v3 =	vadd.f32 v61, v3  }
0x102: {  	p0 =	sne.s32 s8, $0x1;
	[tilespmem:$0xE00] =	vst v4  }
.Ltmp1:
0x103: {  	[tilespmem:$0xE80] =	vst v3;
	(pc) =	sbr.rel @p0 .LBB2_2-.Ltmp1, $4  }
0x104: {  	[hbm4b:s7+s9] =	stream.linear.scatter [tilespmem:s31], [sflag:$0x2], $0x400, $0x38;
	[tilespmem:$0x1200] =	vst v63  }
0x105: {  	_ =	swait.ge [sflag:s10], $0x400  }
0x106: {  	[sflag:s10] =	ssyncset.done $0x0  }
0x107: {  	s8 =	sadd.s32 $0xFFFFFFFF, s8;
	[sflag:s10] =	ssyncadd.s32 $0xFFFFFC00  }
.LBB2_3:
0x108: {  	_ =	sfence.sel $0x180000  }
0x109: {  	[bflag:$0x0] =	sbarrier.arrive $0xFFFF  }
0x10a: {  	_ =	strace $0x90000047  }
0x10b: {  	[bflag:$0x2] =	sbarrier.arrive $0xFFFF  }
0x10c: {  	p0 =	sne.s32 s0, $0x0;
	s0 =	rddreg [dreg:$0x3]  }
0x10d: {  	s0 =	sadd.s32 @!p0 $0x100000, s0  }
0x10e: {  	[sflag:s0] =	ssyncadd.tile.s32 @!p0 $0x1;
	_ =	shalt  }
.Lfunc_end2:
_tile_overlayer_lowered:
.L_overlay_start_2:
0x10f: {  	(tag) =	ssettag $0x2  }
0x110: {  	s0 =	rddreg [dreg:$0x0];
	s2 =	stileid.u32  }
0x111: {  	s1 =	rddreg [dreg:$0x1];
	p0 =	sne.s32 s2, $0x0  }
0x112: {  	s3 =	rddreg [dreg:$0x2];
	[bflag:$0x3] =	sbarrier.arrive $0xFFFF;
	s2 =	simm.s32 @!p0 $0x1C02  }
0x113: {  	[timem:s3], [sflag:s2] =	dma.local @!p0 [hbm:s0], s1  }
0x114: {  	s0 =	simm.s32 @!p0 $0x2  }
0x115: {  	_ =	swait.ge @!p0 [sflag:s0], s1  }
0x116: {  	s1 =	ssub.s32 @!p0 $0x0, s1;
	[sflag:s0] =	ssyncset.done @!p0 $0x0  }
0x117: {  	[sflag:s0] =	ssyncadd.s32 @!p0 s1  }
0x118: {  	[bflag:$0x3] =	sbarrier.arrive $0xFFFF  }
0x119: {  	_ =	shalt  }

// kernel: kernel.8.cloned.1.call-start
scs
__scs_entry_jumppad:
0x0: {  	(pc) =	sbr.rel $0x88, $3  }
0x1: {  	(tag) =	ssettag $0x0;
	lr =	simm.s32 $0x1  }
0x2: {  	[smem:$0x3F94] =	sst lr;
	_ =	strace $0xD0000000  }
0x3: {  	_ = 	snop  }
0x4: {  	_ = 	snop  }
0x5: {  	_ = 	snop  }
0x6: {  	_ = 	snop  }
0x7: {  	_ = 	snop  }
__scs_overlays_trampoline_lowered:
0x8: {  	[smem:$0x3FA3] =	sst s0  }
0x9: {  	[smem:$0x3FA4] =	sst s1  }
0xa: {  	[smem:$0x3FA5] =	sst s2  }
0xb: {  	[smem:$0x3FA6] =	sst s3  }
0xc: {  	[smem:$0x3FA7] =	sst s4  }
0xd: {  	[smem:$0x3FA8] =	sst s5  }
0xe: {  	[smem:$0x3FA9] =	sst s6  }
0xf: {  	[smem:$0x3FAA] =	sst s7  }
0x10: {  	[smem:$0x3FAB] =	sst s8  }
0x11: {  	[smem:$0x3FAC] =	sst s9;
	s0 =	simm.s32 @!p0 $0x0  }
0x12: {  	s1 =	sld [smem:$0x3F92];
	s0 =	simm.s32 @p0 $0x1  }
0x13: {  	[smem:$0x3FAD] =	sst s0;
	s0 =	simm.s32 @!p1 $0x0  }
0x14: {  	s2 =	sld [smem:$0x3F91];
	s0 =	simm.s32 @p1 $0x1  }
0x15: {  	[smem:$0x3FAE] =	sst s0;
	s0 =	simm.s32 @!p2 $0x0  }
0x16: {  	s3 =	sld [smem:$0x3FDB];
	s0 =	simm.s32 @p2 $0x1  }
0x17: {  	s4 =	simm.s32 $0x1BF5;
	[smem:$0x3FB0] =	sst s0  }
0x18: {  	s0 =	sld [smem:$0x3F93];
	_ =	swait.ge [sflag:s4], $0x0  }
0x19: {  	s7 =	sld [smem:$0x3F94]  }
0x1a: {  	s8 =	sadd.s32 $0xFFFFE003, lr  }
0x1b: {  	s9 =	sadd.s32 $0xFFFFFEF7, lr;
	s5 =	simm.s32 $0xFFFFFFFF;
	p2 =	slt.u32 s8, $0xFFFFF086  }
0x1c: {  	p1 =	slt.u32 s9, $0xF7A;
	s5 =	simm.s32 @!p2 $0x0  }
0x1d: {  	s5 =	simm.s32 @p1 $0x1;
	p0 =	seq.s32 s7, s2  }
0x1e: {  	s7 =	smul.u32 @!p0 $0xF7A, s2;
	p2 =	seq.s32 @!p0 s5, $0x0  }
0x1f: {  	s9 =	smul.u32 $0xF7A, s1;
	s8 =	simm.s32 @!p0 $0x1BF5;
	p2 =	por !p2, p0  }
0x20: {  	[sflag:s8] =	ssyncset.s32 @!p0 $0xFFFFF086;
	s6 =	sadd.s32 @!p0 s3, s7;
	s7 =	simm.s32 @!p0 $0x108  }
0x21: {  	s3 =	sadd.s32 s3, s9;
	s6 =	sadd.s32 @!p0 $0x88, s6;
	s7 =	simm.s32 @p2 $0x1082  }
0x22: {  	[simem:s7], [sflag:s8] =	dma.local @!p0 [hbm:s6], $0xF7A  }
0x23: {  	s9 =	sor.u32 $0xD0000000, s2;
	s6 =	simm.s32 $0x108;
	_ =	swait.ge @!p0 [sflag:s8], $0x0  }
0x24: {  	s3 =	sadd.s32 $0x88, s3;
	s6 =	simm.s32 @!p1 $0x1082;
	[sflag:s4] =	ssyncset.s32 $0xFFFFF086  }
0x25: {  	[simem:s6], [sflag:s4] =	dma.local [hbm:s3], $0xF7A  }
0x26: {  	[smem:$0x3F94] =	sst s1;
	(tag) =	ssettag s2;
	_ =	strace s9  }
0x27: {  	s1 =	sld [smem:$0x3FA4]  }
0x28: {  	s2 =	sld [smem:$0x3FA5]  }
0x29: {  	s4 =	sld [smem:$0x3FA7]  }
0x2a: {  	p0 =	seq.s32 s5, $0x0;
	s5 =	sld [smem:$0x3FA8]  }
0x2b: {  	s6 =	sld [smem:$0x3FA9]  }
0x2c: {  	s7 =	sld [smem:$0x3FAA]  }
0x2d: {  	s3 =	simm.s32 $0x108;
	s8 =	sld [smem:$0x3FAB]  }
0x2e: {  	s3 =	simm.s32 @!p0 $0x1082;
	s9 =	sld [smem:$0x3FAC]  }
0x2f: {  	lr =	sadd.s32 s0, s3;
	s0 =	sld [smem:$0x3FA3]  }
0x30: {  	s3 =	sld [smem:$0x3FA6]  }
0x31: {  	[smem:$0x3FAF] =	sst s10  }
0x32: {  	s10 =	sld [smem:$0x3FAD];
	_ =	sdelay $0x3  }
0x33: {  	p0 =	seq.s32 s10, $0x1;
	s10 =	sld [smem:$0x3FAF];
	_ =	sdelay $0x3  }
0x34: {  	[smem:$0x3FAF] =	sst s10  }
0x35: {  	s10 =	sld [smem:$0x3FAE];
	_ =	sdelay $0x3  }
0x36: {  	p1 =	seq.s32 s10, $0x1;
	s10 =	sld [smem:$0x3FAF];
	_ =	sdelay $0x3  }
0x37: {  	[smem:$0x3FAF] =	sst s10  }
0x38: {  	s10 =	sld [smem:$0x3FB0]  }
0x39: {  	_ = 	snop;
	(pc) =	sbr.ind lr, $3  }
0x3a: {  	_ = 	snop  }
0x3b: {  	_ = 	snop  }
0x3c: {  	p2 =	seq.s32 s10, $0x1;
	s10 =	sld [smem:$0x3FAF]  }
0x3d: {  	_ =	shalt  }
0x3e: {  	_ =	shalt  }
0x3f: {  	_ =	shalt  }
0x40: {  	_ =	shalt  }
0x41: {  	_ =	shalt  }
0x42: {  	_ =	shalt  }
0x43: {  	_ =	shalt  }
0x44: {  	_ =	shalt  }
0x45: {  	_ =	shalt  }
0x46: {  	_ =	shalt  }
0x47: {  	_ =	shalt  }
0x48: {  	_ =	shalt  }
0x49: {  	_ =	shalt  }
0x4a: {  	_ =	shalt  }
0x4b: {  	_ =	shalt  }
0x4c: {  	_ =	shalt  }
0x4d: {  	_ =	shalt  }
0x4e: {  	_ =	shalt  }
0x4f: {  	_ =	shalt  }
0x50: {  	_ =	shalt  }
0x51: {  	_ =	shalt  }
0x52: {  	_ =	shalt  }
0x53: {  	_ =	shalt  }
0x54: {  	_ =	shalt  }
0x55: {  	_ =	shalt  }
0x56: {  	_ =	shalt  }
0x57: {  	_ =	shalt  }
0x58: {  	_ =	shalt  }
0x59: {  	_ =	shalt  }
0x5a: {  	_ =	shalt  }
0x5b: {  	_ =	shalt  }
0x5c: {  	_ =	shalt  }
0x5d: {  	_ =	shalt  }
0x5e: {  	_ =	shalt  }
0x5f: {  	_ =	shalt  }
0x60: {  	_ =	shalt  }
0x61: {  	_ =	shalt  }
0x62: {  	_ =	shalt  }
0x63: {  	_ =	shalt  }
0x64: {  	_ =	shalt  }
0x65: {  	_ =	shalt  }
0x66: {  	_ =	shalt  }
0x67: {  	_ =	shalt  }
0x68: {  	_ =	shalt  }
0x69: {  	_ =	shalt  }
0x6a: {  	_ =	shalt  }
0x6b: {  	_ =	shalt  }
0x6c: {  	_ =	shalt  }
0x6d: {  	_ =	shalt  }
0x6e: {  	_ =	shalt  }
0x6f: {  	_ =	shalt  }
0x70: {  	_ =	shalt  }
0x71: {  	_ =	shalt  }
0x72: {  	_ =	shalt  }
0x73: {  	_ =	shalt  }
0x74: {  	_ =	shalt  }
0x75: {  	_ =	shalt  }
0x76: {  	_ =	shalt  }
0x77: {  	_ =	shalt  }
0x78: {  	_ =	shalt  }
0x79: {  	_ =	shalt  }
0x7a: {  	_ =	shalt  }
0x7b: {  	_ =	shalt  }
0x7c: {  	_ =	shalt  }
0x7d: {  	_ =	shalt  }
0x7e: {  	_ =	shalt  }
0x7f: {  	_ =	shalt  }
0x80: {  	_ =	shalt  }
0x81: {  	_ =	shalt  }
0x82: {  	_ =	shalt  }
0x83: {  	_ =	shalt  }
0x84: {  	_ =	shalt  }
0x85: {  	_ =	shalt  }
0x86: {  	_ =	shalt  }
0x87: {  	_ =	shalt  }
.Lfunc_end0:
.L_simem_size_0:
called_computation.1_lowered:
.L_overlay_start_0:
0x88: {  	s2 =	sld [smem:$0x3FD9]  }
0x89: {  	s3 =	sld [smem:$0x3FFE];
	_ =	sdelay $0x1  }
0x8a: {  	s1 =	srdreg.scid  }
0x8b: {  	s0 =	sand.u32 $0x1, s1  }
0x8c: {  	s17 =	sshll.u32 s0, $0xA;
	s2 =	sadd.s32 s3, s2  }
0x8d: {  	s2 =	sadd.s32 s2, s17  }
0x8e: {  	[smem:$0x3FBB] =	sst s2  }
0x8f: {  	_ = 	snop  }
0x90: {  	s18 =	sld [smem:$0x3FC8]  }
0x91: {  	s4 =	sld [smem:$0x3FC7]  }
0x92: {  	s5 =	sld [smem:$0x3FC2];
	(tm) =	ssettm $0x1  }
0x93: {  	s19 =	sld [smem:$0x3FFB];
	_ =	sdelay $0x3  }
0x94: {  	_ =	strace s19  }
0x95: {  	s2 =	sld [smem:$0x3FFC];
	_ =	sdelay $0x3  }
0x96: {  	_ =	strace s2  }
0x97: {  	s2 =	sld [smem:$0x3FFD];
	_ =	sdelay $0x3  }
0x98: {  	_ =	strace s2  }
0x99: {  	_ =	strace $0x8FFFFFFF  }
0x9a: {  	s20 =	sld [smem:$0x3FDB];
	_ =	sdelay $0x1  }
0x9b: {  	s6 =	simm.s32 $_scs_section_size  }
0x9c: {  	s7 =	simm.s32 $_size__tile_overlayer_lowered;
	s8 =	simm.s32 $_tile_overlayer_lowered  }
0x9d: {  	s9 =	simm.s32 $0x1BFF;
	s21 =	sshll.u32 s8, $0x1;
	s6 =	sadd.s32 s6, s20  }
0x9e: {  	s22 =	simm.s32 $0x0;
	s7 =	sshll.u32 s7, $0x1;
	s8 =	sadd.s32 s21, s6  }
0x9f: {  	[timem:s22], [sflag:s9] =	dma.local [hbm:s8], s7  }
0xa0: {  	_ =	swait.ge [sflag:s9], s7  }
0xa1: {  	s7 =	ssub.s32 $0x0, s7;
	[sflag:s9] =	ssyncset.done $0x0  }
0xa2: {  	[sflag:s9] =	ssyncadd.s32 s7;
	_ =	sdelay $0x1  }
0xa3: {  	s23 =	simm.s32 $0x1B8B  }
0xa4: {  	_ =	swait.ge [sflag:s23], $0x1  }
0xa5: {  	[sflag:s23] =	ssyncset.done $0x0  }
0xa6: {  	[sflag:s23] =	ssyncadd.s32 $0xFFFFFFFF  }
0xa7: {  	s7 =	sld [smem:$0x0]  }
0xa8: {  	s8 =	sand.u32 $0xFFFFFFFE, s1  }
0xa9: {  	p0 =	sne.s32 s1, s8  }
0xaa: {  	s8 =	sshll.u32 @p0 s8, $0xE  }
0xab: {  	s8 =	sadd.s32 @p0 $0x11B8D, s8;
	s9 =	sshll.u32 @p0 s7, $0x11  }
0xac: {  	s8 =	sor.u32 @p0 s9, s8  }
0xad: {  	[sflag:s8] =	ssyncadd.remote.s32 @p0 $0x1;
	_ =	sdelay $0x1  }
0xae: {  	s8 =	simm.s32 @p0 $0x1B8D  }
0xaf: {  	_ =	swait.eq @p0 [sflag:s8], $0x1  }
0xb0: {  	[sflag:s8] =	ssyncadd.s32 @p0 $0xFFFFFFFF  }
0xb1: {  	s9 =	sshll.u32 @!p0 s1, $0xE  }
0xb2: {  	s9 =	sor.u32 @!p0 $0x4000, s9;
	s8 =	simm.s32 @!p0 $0x1B8D  }
0xb3: {  	s7 =	sshll.u32 @!p0 s7, $0x11;
	s9 =	sadd.s32 @!p0 $0x11B8D, s9;
	_ =	swait.eq @!p0 [sflag:s8], $0x1  }
0xb4: {  	s7 =	sor.u32 @!p0 s7, s9;
	[sflag:s8] =	ssyncadd.s32 @!p0 $0xFFFFFFFF  }
0xb5: {  	s25 =	simm.s32 $0x1B8E;
	s24 =	sld [smem:$0x3FFE];
	[sflag:s7] =	ssyncadd.remote.s32 @!p0 $0x1  }
0xb6: {  	s26 =	simm.s32 $execute0_lowered;
	[smem:$0x3FD2] =	sst s25  }
0xb7: {  	s8 =	sshll.u32 s26, $0x1;
	_ =	strace $0x80000049;
	[dreg:$0x1] =	wrdreg $0xFFFFFFFF  }
0xb8: {  	s28 =	simm.s32 $_size_execute0_lowered;
	s6 =	sadd.s32 s6, s8;
	[dreg:$0x0] =	wrdreg $0x0  }
0xb9: {  	s8 =	sshll.u32 s28, $0x1;
	[dreg:$0x2] =	wrdreg s6  }
0xba: {  	[dreg:$0x3] =	wrdreg s8  }
0xbb: {  	[dreg:$0x4] =	wrdreg $0xC0  }
0xbc: {  	_ =	task [dreg:s22], $0x5FFFF  }
0xbd: {  	[dreg:$0x1] =	wrdreg $0xFFFFFFFF  }
0xbe: {  	[dreg:$0x0] =	wrdreg $0x60  }
0xbf: {  	[dreg:$0x2] =	wrdreg s18  }
0xc0: {  	[dreg:$0x3] =	wrdreg s4  }
0xc1: {  	[dreg:$0x4] =	wrdreg s5  }
0xc2: {  	[dreg:$0x5] =	wrdreg s24  }
0xc3: {  	[dreg:$0x6] =	wrdreg $0xA  }
0xc4: {  	_ =	task.clear_ibuf [dreg:s22], $0x7FFFF;
	_ =	strace $0x90000049  }
0xc5: {  	s29 =	simm.s32 $0xA;
	_ =	strace $0x8000004B  }
0xc6: {  	_ =	swait.ge [sflag:s29], $0x1  }
0xc7: {  	[sflag:s29] =	ssyncadd.s32 $0xFFFFFFFF  }
0xc8: {  	_ =	strace $0x9000004B  }
0xc9: {  	_ =	sfence  }
0xca: {  	s30 =	sld [smem:$0x0];
	_ =	sdelay $0x2  }
0xcb: {  	s31 =	sshll.u32 s1, $0xD;
	s1 =	sshrl.u32 s1, $0x2  }
0xcc: {  	s4 =	sand.u32 $0x4000, s31;
	s1 =	sadd.s32 s1, s30  }
0xcd: {  	s0 =	sor.u32 s4, s0;
	s1 =	sshll.u32 s1, $0x11  }
0xce: {  	s0 =	sor.u32 s1, s0  }
0xcf: {  	s0 =	sadd.s32 $0x8F2B, s0  }
0xd0: {  	[sflag:s0] =	ssyncadd.remote.s32 $0x1  }
0xd1: {  	_ =	sfence.sel $0xFFFF  }
0xd2: {  	[dreg:$0x0] =	wrdreg $0xFFFFFFFF;
	(pc) =	sbr.abs _section_cstart, $3  }
0xd3: {  	[dreg:$0x1] =	wrdreg $0xFFFFFFFF  }
0xd4: {  	_ =	task.clear_ibuf [dreg:s22], $0x2FFFF;
	_ =	strace $0x9FFFFFFF  }
0xd5: {  	(tm) =	ssettm $0x7FFFFFFF  }
tec
execute0_lowered:
.L_overlay_start_1:
0x0: {  	(tag) =	ssettag $0x1  }
0x1: {  	s0 =	srdreg.scid  }
0x2: {  	s5 =	sand.u32 $0x1, s0;
	s0 =	stileid.u32  }
0x3: {  	s2 =	sshll.u32 s0, $0x1;
	s3 =	ssub.s32 $0x0, s5  }
0x4: {  	p0 =	sne.s32 s2, s3  }
.Ltmp0:
0x5: {  	s6 =	rddreg [dreg:$0x0];
	(pc) =	sbr.rel @p0 .LBB2_4-.Ltmp0, $4  }
0x6: {  	s7 =	rddreg [dreg:$0x1]  }
0x7: {  	s8 =	rddreg [dreg:$0x2]  }
0x8: {  	s4 =	rddreg [dreg:$0x3]  }
0x9: {  	s1 =	rddreg [dreg:$0x4];
	_ =	strace $0x8000004A  }
0xa: {  	s9 =	sadd.s32 $0x2A00, s4;
	s3 =	simm.s32 $0x0;
	s2 =	simm.s32 $0x2  }
0xb: {  	[tilespmem:s3], [sflag:$0x2] =	stream.linear.gather [hbm4b:s9+s3], $0x100, $0x38;
	[tilespmem:$0xB00] =	vst v63  }
0xc: {  	_ =	swait.ge [sflag:s2], $0x100  }
0xd: {  	[sflag:s2] =	ssyncset.done $0x0  }
0xe: {  	s10 =	sadd.s32 $0x2800, s4;
	s11 =	simm.s32 $0x100;
	[sflag:s2] =	ssyncadd.s32 $0xFFFFFF00  }
0xf: {  	[tilespmem:s11], [sflag:$0x2] =	stream.linear.gather [hbm4b:s10+s3], $0x100, $0x38;
	[tilespmem:$0xB00] =	vst v63  }
0x10: {  	_ =	swait.ge [sflag:s2], $0x100  }
0x11: {  	[sflag:s2] =	ssyncset.done $0x0  }
0x12: {  	s12 =	sadd.s32 $0x2600, s4;
	s13 =	simm.s32 $0x200;
	[sflag:s2] =	ssyncadd.s32 $0xFFFFFF00  }
0x13: {  	[tilespmem:s13], [sflag:$0x2] =	stream.linear.gather [hbm4b:s12+s3], $0x100, $0x38;
	[tilespmem:$0xB00] =	vst v63  }
0x14: {  	_ =	swait.ge [sflag:s2], $0x100  }
0x15: {  	[sflag:s2] =	ssyncset.done $0x0  }
0x16: {  	s14 =	simm.s32 $0x80;
	s15 =	simm.s32 $0x300;
	[sflag:s2] =	ssyncadd.s32 $0xFFFFFF00  }
0x17: {  	[tilespmem:s15], [sflag:$0x1] =	stream.indirect.gather [hbm4b:s6+s14], $0x1, s3, s14, $0xb8;
	[tilespmem:$0xB00] =	vst v63  }
0x18: {  	s16 =	simm.s32 $0x400  }
0x19: {  	[tilespmem:s16], [sflag:$0x1] =	stream.indirect.gather [hbm4b:s7+s14], $0x1, s3, s14, $0xb8;
	[tilespmem:$0xB00] =	vst v63  }
0x1a: {  	s17 =	simm.s32 $0x500  }
0x1b: {  	[tilespmem:s17], [sflag:$0x1] =	stream.indirect.gather [hbm4b:s8+s14], $0x1, s11, s14, $0xb8;
	[tilespmem:$0xB00] =	vst v63  }
0x1c: {  	s18 =	simm.s32 $0x600  }
0x1d: {  	[tilespmem:s18], [sflag:$0x1] =	stream.indirect.gather [hbm4b:s8+s14], $0x1, s13, s14, $0xb8;
	[tilespmem:$0xB00] =	vst v63  }
0x1e: {  	s19 =	simm.s32 $0x380  }
0x1f: {  	[tilespmem:s19], [sflag:$0x1] =	stream.indirect.gather [hbm4b:s6+s14], $0x1, s14, s14, $0xb8;
	[tilespmem:$0xB00] =	vst v63  }
0x20: {  	s20 =	simm.s32 $0x480  }
0x21: {  	[tilespmem:s20], [sflag:$0x1] =	stream.indirect.gather [hbm4b:s7+s14], $0x1, s14, s14, $0xb8;
	[tilespmem:$0xB00] =	vst v63  }
0x22: {  	s21 =	simm.s32 $0x180;
	s22 =	simm.s32 $0x580  }
0x23: {  	[tilespmem:s22], [sflag:$0x1] =	stream.indirect.gather [hbm4b:s8+s14], $0x1, s21, s14, $0xb8;
	[tilespmem:$0xB00] =	vst v63  }
0x24: {  	s23 =	simm.s32 $0x280;
	s24 =	simm.s32 $0x680;
	s25 =	simm.s32 $0x1  }
0x25: {  	[tilespmem:s24], [sflag:$0x1] =	stream.indirect.gather [hbm4b:s8+s14], $0x1, s23, s14, $0xb8;
	[tilespmem:$0xB00] =	vst v63  }
0x26: {  	_ =	swait.ge [sflag:s25], $0x80  }
0x27: {  	[sflag:s25] =	ssyncset.done $0x0  }
0x28: {  	[sflag:s25] =	ssyncadd.s32 $0xFFFFFF80  }
0x29: {  	_ =	swait.ge [sflag:s25], $0x80  }
0x2a: {  	[sflag:s25] =	ssyncset.done $0x0  }
0x2b: {  	[sflag:s25] =	ssyncadd.s32 $0xFFFFFF80  }
0x2c: {  	_ =	swait.ge [sflag:s25], $0x80  }
0x2d: {  	[sflag:s25] =	ssyncset.done $0x0  }
0x2e: {  	[sflag:s25] =	ssyncadd.s32 $0xFFFFFF80  }
0x2f: {  	_ =	swait.ge [sflag:s25], $0x80  }
0x30: {  	[sflag:s25] =	ssyncset.done $0x0  }
0x31: {  	[sflag:s25] =	ssyncadd.s32 $0xFFFFFF80  }
0x32: {  	_ =	swait.ge [sflag:s25], $0x80  }
0x33: {  	[sflag:s25] =	ssyncset.done $0x0  }
0x34: {  	s5 =	ssub.s32 $0x2, s5;
	[sflag:s25] =	ssyncadd.s32 $0xFFFFFF80  }
0x35: {  	s26 =	sshrl.u32 s5, $0x1;
	_ =	swait.ge [sflag:s25], $0x80  }
0x36: {  	s5 =	ssub.s32 s5, s26;
	[sflag:s25] =	ssyncset.done $0x0  }
0x37: {  	s26 =	smax.u32 s5, $0x1;
	[sflag:s25] =	ssyncadd.s32 $0xFFFFFF80  }
0x38: {  	p0 =	sne.s32 s26, $0x1;
	_ =	swait.ge [sflag:s25], $0x80  }
.Ltmp1:
0x39: {  	[sflag:s25] =	ssyncset.done $0x0;
	(pc) =	sbr.rel @!p0 .LBB2_3-.Ltmp1, $4  }
0x3a: {  	[sflag:s25] =	ssyncadd.s32 $0xFFFFFF80  }
0x3b: {  	_ =	swait.ge [sflag:s25], $0x80  }
0x3c: {  	s4 =	sadd.s32 $0x2C00, s4;
	[sflag:s25] =	ssyncset.done $0x0  }
0x3d: {  	v0 =	vimm.f32 $0.0e+00;
	s5 =	simm.s32 $0x700;
	s26 =	sadd.s32 $0xFFFFFFFF, s26;
	[sflag:s25] =	ssyncadd.s32 $0xFFFFFF80  }
.LBB2_2:
0x3e: {  	p0 =	sne.s32 s26, $0x1;
	s26 =	sadd.s32 $0xFFFFFFFF, s26;
	v1 =	vld [tilespmem:$0x310]  }
0x3f: {  	v2 =	vld [tilespmem:$0x600]  }
0x40: {  	v3 =	vld [tilespmem:$0x300]  }
0x41: {  	v4 =	vld [tilespmem:$0x400]  }
0x42: {  	v5 =	vld [tilespmem:$0x500]  }
0x43: {  	v6 =	vld [tilespmem:$0x510]  }
0x44: {  	v7 =	vld [tilespmem:$0x610]  }
0x45: {  	v8 =	vld [tilespmem:$0x410]  }
0x46: {  	v2 =	vsub.f32 v4, v2;
	v4 =	vld [tilespmem:$0x520]  }
0x47: {  	v3 =	vsub.f32 v3, v5;
	v5 =	vld [tilespmem:$0x320]  }
0x48: {  	v2 =	vand.u32 $0x7FFFFFFF, v2;
	v1 =	vsub.f32 v1, v6;
	v6 =	vld [tilespmem:$0x620]  }
0x49: {  	v3 =	vand.u32 $0x7FFFFFFF, v3;
	v9 =	vld [tilespmem:$0x420]  }
0x4a: {  	v2 =	vadd.f32 v2, v3;
	v1 =	vand.u32 $0x7FFFFFFF, v1;
	v3 =	vsub.f32 v8, v7;
	v7 =	vld [tilespmem:$0x530]  }
0x4b: {  	v8 =	vld [tilespmem:$0x330]  }
0x4c: {  	v1 =	vadd.f32 v1, v2;
	v2 =	vand.u32 $0x7FFFFFFF, v3;
	v3 =	vsub.f32 v5, v4;
	v4 =	vld [tilespmem:$0x630]  }
0x4d: {  	v5 =	vld [tilespmem:$0x430]  }
0x4e: {  	v1 =	vadd.f32 v2, v1;
	v2 =	vand.u32 $0x7FFFFFFF, v3;
	v3 =	vsub.f32 v9, v6;
	v6 =	vld [tilespmem:$0x540]  }
0x4f: {  	v9 =	vld [tilespmem:$0x340]  }
0x50: {  	v1 =	vadd.f32 v2, v1;
	v2 =	vand.u32 $0x7FFFFFFF, v3;
	v3 =	vsub.f32 v8, v7;
	v7 =	vld [tilespmem:$0x640]  }
0x51: {  	v8 =	vld [tilespmem:$0x440]  }
0x52: {  	v1 =	vadd.f32 v2, v1;
	v2 =	vand.u32 $0x7FFFFFFF, v3;
	v3 =	vsub.f32 v5, v4;
	v4 =	vld [tilespmem:$0x550]  }
0x53: {  	v5 =	vld [tilespmem:$0x350]  }
0x54: {  	v1 =	vadd.f32 v2, v1;
	v2 =	vand.u32 $0x7FFFFFFF, v3;
	v3 =	vsub.f32 v9, v6;
	v6 =	vld [tilespmem:$0x650]  }
0x55: {  	v9 =	vld [tilespmem:$0x450]  }
0x56: {  	v1 =	vadd.f32 v2, v1;
	v2 =	vand.u32 $0x7FFFFFFF, v3;
	v3 =	vsub.f32 v8, v7;
	v7 =	vld [tilespmem:$0x560]  }
0x57: {  	v8 =	vld [tilespmem:$0x360]  }
0x58: {  	v1 =	vadd.f32 v2, v1;
	v2 =	vand.u32 $0x7FFFFFFF, v3;
	v3 =	vsub.f32 v5, v4;
	v4 =	vld [tilespmem:$0x660]  }
0x59: {  	v5 =	vld [tilespmem:$0x460]  }
0x5a: {  	v1 =	vadd.f32 v2, v1;
	v2 =	vand.u32 $0x7FFFFFFF, v3;
	v3 =	vsub.f32 v9, v6;
	v6 =	vld [tilespmem:$0x570]  }
0x5b: {  	v9 =	vld [tilespmem:$0x370]  }
0x5c: {  	v1 =	vadd.f32 v2, v1;
	v2 =	vand.u32 $0x7FFFFFFF, v3;
	v3 =	vsub.f32 v8, v7;
	v7 =	vld [tilespmem:$0x670]  }
0x5d: {  	v8 =	vld [tilespmem:$0x470]  }
0x5e: {  	v1 =	vadd.f32 v2, v1;
	v2 =	vand.u32 $0x7FFFFFFF, v3;
	v3 =	vsub.f32 v5, v4;
	v4 =	vld [tilespmem:$0x580]  }
0x5f: {  	v5 =	vld [tilespmem:$0x380]  }
0x60: {  	v1 =	vadd.f32 v2, v1;
	v2 =	vand.u32 $0x7FFFFFFF, v3;
	v3 =	vsub.f32 v9, v6;
	v6 =	vld [tilespmem:$0x680]  }
0x61: {  	v9 =	vld [tilespmem:$0x480]  }
0x62: {  	v1 =	vadd.f32 v2, v1;
	v2 =	vand.u32 $0x7FFFFFFF, v3;
	v3 =	vsub.f32 v8, v7;
	v7 =	vld [tilespmem:$0x590]  }
0x63: {  	v8 =	vld [tilespmem:$0x390]  }
0x64: {  	v1 =	vadd.f32 v2, v1;
	v2 =	vand.u32 $0x7FFFFFFF, v3;
	v3 =	vsub.f32 v5, v4;
	v4 =	vld [tilespmem:$0x690]  }
0x65: {  	v5 =	vld [tilespmem:$0x490]  }
0x66: {  	v1 =	vadd.f32 v2, v1;
	v2 =	vand.u32 $0x7FFFFFFF, v3;
	v3 =	vsub.f32 v9, v6;
	v6 =	vld [tilespmem:$0x5A0]  }
0x67: {  	v9 =	vld [tilespmem:$0x3A0]  }
0x68: {  	v1 =	vadd.f32 v2, v1;
	v2 =	vand.u32 $0x7FFFFFFF, v3;
	v3 =	vsub.f32 v8, v7;
	v7 =	vld [tilespmem:$0x6A0]  }
0x69: {  	v8 =	vld [tilespmem:$0x4A0]  }
0x6a: {  	v1 =	vadd.f32 v2, v1;
	v2 =	vand.u32 $0x7FFFFFFF, v3;
	v3 =	vsub.f32 v5, v4;
	v4 =	vld [tilespmem:$0x5B0]  }
0x6b: {  	v5 =	vld [tilespmem:$0x3B0]  }
0x6c: {  	v1 =	vadd.f32 v2, v1;
	v2 =	vand.u32 $0x7FFFFFFF, v3;
	v3 =	vsub.f32 v9, v6;
	v6 =	vld [tilespmem:$0x6B0]  }
0x6d: {  	v9 =	vld [tilespmem:$0x4B0]  }
0x6e: {  	v1 =	vadd.f32 v2, v1;
	v2 =	vand.u32 $0x7FFFFFFF, v3;
	v3 =	vsub.f32 v8, v7;
	v7 =	vld [tilespmem:$0x5C0]  }
0x6f: {  	v8 =	vld [tilespmem:$0x3C0]  }
0x70: {  	v1 =	vadd.f32 v2, v1;
	v2 =	vand.u32 $0x7FFFFFFF, v3;
	v3 =	vsub.f32 v5, v4;
	v4 =	vld [tilespmem:$0x6C0]  }
0x71: {  	v5 =	vld [tilespmem:$0x4C0]  }
0x72: {  	v1 =	vadd.f32 v2, v1;
	v2 =	vand.u32 $0x7FFFFFFF, v3;
	v3 =	vsub.f32 v9, v6;
	v6 =	vld [tilespmem:$0x5D0]  }
0x73: {  	v9 =	vld [tilespmem:$0x3D0]  }
0x74: {  	v1 =	vadd.f32 v2, v1;
	v2 =	vand.u32 $0x7FFFFFFF, v3;
	v3 =	vsub.f32 v8, v7;
	v7 =	vld [tilespmem:$0x6D0]  }
0x75: {  	v8 =	vld [tilespmem:$0x4D0]  }
0x76: {  	v1 =	vadd.f32 v2, v1;
	v2 =	vand.u32 $0x7FFFFFFF, v3;
	v3 =	vsub.f32 v5, v4;
	v4 =	vld [tilespmem:$0x5E0]  }
0x77: {  	v5 =	vld [tilespmem:$0x3E0]  }
0x78: {  	v1 =	vadd.f32 v2, v1;
	v2 =	vand.u32 $0x7FFFFFFF, v3;
	v3 =	vsub.f32 v9, v6;
	v6 =	vld [tilespmem:$0x6E0]  }
0x79: {  	v9 =	vld [tilespmem:$0x4E0]  }
0x7a: {  	v1 =	vadd.f32 v2, v1;
	v2 =	vand.u32 $0x7FFFFFFF, v3;
	v3 =	vsub.f32 v8, v7;
	v7 =	vld [tilespmem:$0x5F0]  }
0x7b: {  	v8 =	vld [tilespmem:$0x3F0]  }
0x7c: {  	v1 =	vadd.f32 v2, v1;
	v2 =	vand.u32 $0x7FFFFFFF, v3;
	v3 =	vsub.f32 v5, v4;
	v4 =	vld [tilespmem:$0x6F0]  }
0x7d: {  	v5 =	vld [tilespmem:$0x4F0]  }
0x7e: {  	v1 =	vadd.f32 v2, v1;
	v2 =	vand.u32 $0x7FFFFFFF, v3;
	v3 =	vsub.f32 v9, v6;
	_ =	sdelay $0x1  }
0x7f: {  	v1 =	vadd.f32 v2, v1;
	v2 =	vand.u32 $0x7FFFFFFF, v3;
	v3 =	vsub.f32 v8, v7  }
0x80: {  	[tilespmem:$0xA80] =	vst v0  }
0x81: {  	v1 =	vadd.f32 v2, v1;
	v2 =	vand.u32 $0x7FFFFFFF, v3;
	v3 =	vsub.f32 v5, v4;
	[tilespmem:$0xA00] =	vst v0  }
0x82: {  	[tilespmem:$0x980] =	vst v0  }
0x83: {  	v1 =	vadd.f32 v2, v1;
	v2 =	vand.u32 $0x7FFFFFFF, v3;
	[tilespmem:$0x900] =	vst v0  }
0x84: {  	[tilespmem:$0x880] =	vst v0  }
0x85: {  	v1 =	vadd.f32 v2, v1;
	[tilespmem:$0x800] =	vst v0  }
0x86: {  	[tilespmem:$0x780] =	vst v0  }
0x87: {  	[tilespmem:$0x700] =	vst v1  }
0x88: {  	[hbm4b:s4+s3] =	stream.linear.scatter [tilespmem:s5], [sflag:$0x2], $0x400, $0x38;
	[tilespmem:$0xB00] =	vst v63  }
0x89: {  	_ =	swait.ge [sflag:s2], $0x400  }
0x8a: {  	[sflag:s2] =	ssyncset.done $0x0  }
0x8b: {  	[sflag:s2] =	ssyncadd.s32 $0xFFFFFC00  }
0x8c: {  	[tilespmem:s3], [sflag:$0x2] =	stream.linear.gather [hbm4b:s9+s3], $0x100, $0x38;
	[tilespmem:$0xB00] =	vst v63  }
0x8d: {  	_ =	swait.ge [sflag:s2], $0x100  }
0x8e: {  	[sflag:s2] =	ssyncset.done $0x0  }
0x8f: {  	[sflag:s2] =	ssyncadd.s32 $0xFFFFFF00  }
0x90: {  	[tilespmem:s11], [sflag:$0x2] =	stream.linear.gather [hbm4b:s10+s3], $0x100, $0x38;
	[tilespmem:$0xB00] =	vst v63  }
0x91: {  	_ =	swait.ge [sflag:s2], $0x100  }
0x92: {  	[sflag:s2] =	ssyncset.done $0x0  }
0x93: {  	[sflag:s2] =	ssyncadd.s32 $0xFFFFFF00  }
0x94: {  	[tilespmem:s13], [sflag:$0x2] =	stream.linear.gather [hbm4b:s12+s3], $0x100, $0x38;
	[tilespmem:$0xB00] =	vst v63  }
0x95: {  	_ =	swait.ge [sflag:s2], $0x100  }
0x96: {  	[sflag:s2] =	ssyncset.done $0x0  }
0x97: {  	[sflag:s2] =	ssyncadd.s32 $0xFFFFFF00  }
0x98: {  	[tilespmem:s15], [sflag:$0x1] =	stream.indirect.gather [hbm4b:s6+s14], $0x1, s3, s14, $0xb8;
	[tilespmem:$0xB00] =	vst v63  }
0x99: {  	_ = 	snop  }
0x9a: {  	[tilespmem:s16], [sflag:$0x1] =	stream.indirect.gather [hbm4b:s7+s14], $0x1, s3, s14, $0xb8;
	[tilespmem:$0xB00] =	vst v63  }
0x9b: {  	_ = 	snop  }
0x9c: {  	[tilespmem:s17], [sflag:$0x1] =	stream.indirect.gather [hbm4b:s8+s14], $0x1, s11, s14, $0xb8;
	[tilespmem:$0xB00] =	vst v63  }
0x9d: {  	_ = 	snop  }
0x9e: {  	[tilespmem:s18], [sflag:$0x1] =	stream.indirect.gather [hbm4b:s8+s14], $0x1, s13, s14, $0xb8;
	[tilespmem:$0xB00] =	vst v63  }
0x9f: {  	_ = 	snop  }
0xa0: {  	[tilespmem:s19], [sflag:$0x1] =	stream.indirect.gather [hbm4b:s6+s14], $0x1, s14, s14, $0xb8;
	[tilespmem:$0xB00] =	vst v63  }
0xa1: {  	_ = 	snop  }
0xa2: {  	[tilespmem:s20], [sflag:$0x1] =	stream.indirect.gather [hbm4b:s7+s14], $0x1, s14, s14, $0xb8;
	[tilespmem:$0xB00] =	vst v63  }
0xa3: {  	_ = 	snop  }
0xa4: {  	[tilespmem:s22], [sflag:$0x1] =	stream.indirect.gather [hbm4b:s8+s14], $0x1, s21, s14, $0xb8;
	[tilespmem:$0xB00] =	vst v63  }
0xa5: {  	_ = 	snop  }
0xa6: {  	[tilespmem:s24], [sflag:$0x1] =	stream.indirect.gather [hbm4b:s8+s14], $0x1, s23, s14, $0xb8;
	[tilespmem:$0xB00] =	vst v63  }
0xa7: {  	_ =	swait.ge [sflag:s25], $0x80  }
0xa8: {  	[sflag:s25] =	ssyncset.done $0x0  }
0xa9: {  	[sflag:s25] =	ssyncadd.s32 $0xFFFFFF80  }
0xaa: {  	_ =	swait.ge [sflag:s25], $0x80  }
0xab: {  	[sflag:s25] =	ssyncset.done $0x0  }
0xac: {  	[sflag:s25] =	ssyncadd.s32 $0xFFFFFF80  }
0xad: {  	_ =	swait.ge [sflag:s25], $0x80  }
0xae: {  	[sflag:s25] =	ssyncset.done $0x0  }
0xaf: {  	[sflag:s25] =	ssyncadd.s32 $0xFFFFFF80  }
0xb0: {  	_ =	swait.ge [sflag:s25], $0x80  }
0xb1: {  	[sflag:s25] =	ssyncset.done $0x0  }
0xb2: {  	[sflag:s25] =	ssyncadd.s32 $0xFFFFFF80  }
0xb3: {  	_ =	swait.ge [sflag:s25], $0x80  }
0xb4: {  	[sflag:s25] =	ssyncset.done $0x0  }
0xb5: {  	[sflag:s25] =	ssyncadd.s32 $0xFFFFFF80  }
0xb6: {  	_ =	swait.ge [sflag:s25], $0x80  }
0xb7: {  	[sflag:s25] =	ssyncset.done $0x0  }
0xb8: {  	[sflag:s25] =	ssyncadd.s32 $0xFFFFFF80  }
0xb9: {  	_ =	swait.ge [sflag:s25], $0x80  }
.Ltmp2:
0xba: {  	[sflag:s25] =	ssyncset.done $0x0;
	(pc) =	sbr.rel @p0 .LBB2_2-.Ltmp2, $4  }
0xbb: {  	[sflag:s25] =	ssyncadd.s32 $0xFFFFFF80  }
0xbc: {  	_ =	swait.ge [sflag:s25], $0x80  }
0xbd: {  	[sflag:s25] =	ssyncset.done $0x0  }
0xbe: {  	[sflag:s25] =	ssyncadd.s32 $0xFFFFFF80  }
.LBB2_3:
0xbf: {  	v1 =	vld [tilespmem:$0x600]  }
0xc0: {  	v2 =	vld [tilespmem:$0x300]  }
0xc1: {  	v3 =	vld [tilespmem:$0x400]  }
0xc2: {  	v4 =	vld [tilespmem:$0x500]  }
0xc3: {  	v5 =	vld [tilespmem:$0x310]  }
0xc4: {  	v6 =	vld [tilespmem:$0x510]  }
0xc5: {  	v7 =	vld [tilespmem:$0x610]  }
0xc6: {  	v8 =	vld [tilespmem:$0x410]  }
0xc7: {  	v55 =	vld [tilespmem:$0x520];
	v1 =	vsub.f32 v3, v1;
	v2 =	vsub.f32 v2, v4  }
0xc8: {  	v56 =	vld [tilespmem:$0x320]  }
0xc9: {  	v57 =	vld [tilespmem:$0x620];
	v5 =	vsub.f32 v5, v6;
	v1 =	vand.u32 $0x7FFFFFFF, v1;
	v2 =	vand.u32 $0x7FFFFFFF, v2  }
0xca: {  	v9 =	vld [tilespmem:$0x420];
	v1 =	vadd.f32 v1, v2  }
0xcb: {  	v60 =	vld [tilespmem:$0x530];
	v59 =	vsub.f32 v8, v7;
	v58 =	vand.u32 $0x7FFFFFFF, v5  }
0xcc: {  	v61 =	vld [tilespmem:$0x330];
	v1 =	vadd.f32 v58, v1  }
0xcd: {  	v63 =	vld [tilespmem:$0x630];
	v3 =	vsub.f32 v56, v55;
	v62 =	vand.u32 $0x7FFFFFFF, v59  }
0xce: {  	v12 =	vld [tilespmem:$0x430];
	v1 =	vadd.f32 v62, v1  }
0xcf: {  	v15 =	vld [tilespmem:$0x540];
	v14 =	vsub.f32 v9, v57;
	v13 =	vand.u32 $0x7FFFFFFF, v3  }
0xd0: {  	v16 =	vld [tilespmem:$0x340];
	v1 =	vadd.f32 v13, v1  }
0xd1: {  	v19 =	vld [tilespmem:$0x640];
	v18 =	vsub.f32 v61, v60;
	v17 =	vand.u32 $0x7FFFFFFF, v14  }
0xd2: {  	v20 =	vld [tilespmem:$0x440];
	v1 =	vadd.f32 v17, v1  }
0xd3: {  	v23 =	vld [tilespmem:$0x550];
	v22 =	vsub.f32 v12, v63;
	v21 =	vand.u32 $0x7FFFFFFF, v18  }
0xd4: {  	v24 =	vld [tilespmem:$0x350];
	v1 =	vadd.f32 v21, v1  }
0xd5: {  	v27 =	vld [tilespmem:$0x650];
	v26 =	vsub.f32 v16, v15;
	v25 =	vand.u32 $0x7FFFFFFF, v22  }
0xd6: {  	v28 =	vld [tilespmem:$0x450];
	v1 =	vadd.f32 v25, v1  }
0xd7: {  	v31 =	vld [tilespmem:$0x560];
	v30 =	vsub.f32 v20, v19;
	v29 =	vand.u32 $0x7FFFFFFF, v26  }
0xd8: {  	v32 =	vld [tilespmem:$0x360];
	v1 =	vadd.f32 v29, v1  }
0xd9: {  	v35 =	vld [tilespmem:$0x660];
	v34 =	vsub.f32 v24, v23;
	v33 =	vand.u32 $0x7FFFFFFF, v30  }
0xda: {  	v36 =	vld [tilespmem:$0x460];
	v1 =	vadd.f32 v33, v1  }
0xdb: {  	v39 =	vld [tilespmem:$0x570];
	v38 =	vsub.f32 v28, v27;
	v37 =	vand.u32 $0x7FFFFFFF, v34  }
0xdc: {  	v40 =	vld [tilespmem:$0x370];
	v1 =	vadd.f32 v37, v1  }
0xdd: {  	v43 =	vld [tilespmem:$0x670];
	v42 =	vsub.f32 v32, v31;
	v41 =	vand.u32 $0x7FFFFFFF, v38  }
0xde: {  	v44 =	vld [tilespmem:$0x470];
	v1 =	vadd.f32 v41, v1  }
0xdf: {  	v47 =	vld [tilespmem:$0x580];
	v46 =	vsub.f32 v36, v35;
	v45 =	vand.u32 $0x7FFFFFFF, v42  }
0xe0: {  	v48 =	vld [tilespmem:$0x380];
	v1 =	vadd.f32 v45, v1  }
0xe1: {  	v51 =	vld [tilespmem:$0x680];
	v50 =	vsub.f32 v40, v39;
	v49 =	vand.u32 $0x7FFFFFFF, v46  }
0xe2: {  	v52 =	vld [tilespmem:$0x480];
	v1 =	vadd.f32 v49, v1  }
0xe3: {  	v54 =	vsub.f32 v44, v43;
	v55 =	vld [tilespmem:$0x590];
	v53 =	vand.u32 $0x7FFFFFFF, v50  }
0xe4: {  	v56 =	vld [tilespmem:$0x390];
	v1 =	vadd.f32 v53, v1  }
0xe5: {  	v60 =	vld [tilespmem:$0x490];
	v57 =	vand.u32 $0x7FFFFFFF, v54;
	v58 =	vsub.f32 v48, v47  }
0xe6: {  	v59 =	vld [tilespmem:$0x690];
	v1 =	vadd.f32 v57, v1  }
0xe7: {  	v63 =	vld [tilespmem:$0x5A0];
	v61 =	vand.u32 $0x7FFFFFFF, v58;
	v62 =	vsub.f32 v52, v51  }
0xe8: {  	v12 =	vld [tilespmem:$0x3A0];
	v1 =	vadd.f32 v61, v1  }
0xe9: {  	v15 =	vld [tilespmem:$0x6A0];
	v14 =	vsub.f32 v56, v55;
	v13 =	vand.u32 $0x7FFFFFFF, v62  }
0xea: {  	v16 =	vld [tilespmem:$0x4A0];
	v1 =	vadd.f32 v13, v1  }
0xeb: {  	v19 =	vld [tilespmem:$0x5B0];
	v18 =	vsub.f32 v60, v59;
	v17 =	vand.u32 $0x7FFFFFFF, v14  }
0xec: {  	v20 =	vld [tilespmem:$0x3B0];
	v1 =	vadd.f32 v17, v1  }
0xed: {  	v23 =	vld [tilespmem:$0x6B0];
	v22 =	vsub.f32 v12, v63;
	v21 =	vand.u32 $0x7FFFFFFF, v18  }
0xee: {  	v24 =	vld [tilespmem:$0x4B0];
	v1 =	vadd.f32 v21, v1  }
0xef: {  	v27 =	vld [tilespmem:$0x5C0];
	v26 =	vsub.f32 v16, v15;
	v25 =	vand.u32 $0x7FFFFFFF, v22  }
0xf0: {  	v28 =	vld [tilespmem:$0x3C0];
	v1 =	vadd.f32 v25, v1  }
0xf1: {  	v31 =	vld [tilespmem:$0x6C0];
	v30 =	vsub.f32 v20, v19;
	v29 =	vand.u32 $0x7FFFFFFF, v26  }
0xf2: {  	v32 =	vld [tilespmem:$0x4C0];
	v1 =	vadd.f32 v29, v1  }
0xf3: {  	v35 =	vld [tilespmem:$0x5D0];
	v34 =	vsub.f32 v24, v23;
	v33 =	vand.u32 $0x7FFFFFFF, v30  }
0xf4: {  	v36 =	vld [tilespmem:$0x3D0];
	v1 =	vadd.f32 v33, v1  }
0xf5: {  	v39 =	vld [tilespmem:$0x6D0];
	v38 =	vsub.f32 v28, v27;
	v37 =	vand.u32 $0x7FFFFFFF, v34  }
0xf6: {  	v40 =	vld [tilespmem:$0x4D0];
	v1 =	vadd.f32 v37, v1  }
0xf7: {  	v43 =	vld [tilespmem:$0x5E0];
	v42 =	vsub.f32 v32, v31;
	v41 =	vand.u32 $0x7FFFFFFF, v38  }
0xf8: {  	v44 =	vld [tilespmem:$0x3E0];
	v1 =	vadd.f32 v41, v1  }
0xf9: {  	v46 =	vsub.f32 v36, v35;
	v47 =	vld [tilespmem:$0x6E0];
	v45 =	vand.u32 $0x7FFFFFFF, v42  }
0xfa: {  	v48 =	vld [tilespmem:$0x4E0];
	v1 =	vadd.f32 v45, v1  }
0xfb: {  	v50 =	vsub.f32 v40, v39;
	v51 =	vld [tilespmem:$0x5F0];
	v49 =	vand.u32 $0x7FFFFFFF, v46  }
0xfc: {  	v52 =	vld [tilespmem:$0x3F0];
	v1 =	vadd.f32 v49, v1  }
0xfd: {  	v54 =	vsub.f32 v44, v43;
	v55 =	vld [tilespmem:$0x6F0];
	v53 =	vand.u32 $0x7FFFFFFF, v50  }
0xfe: {  	v56 =	vld [tilespmem:$0x4F0];
	v1 =	vadd.f32 v53, v1  }
0xff: {  	v58 =	vsub.f32 v48, v47;
	v57 =	vand.u32 $0x7FFFFFFF, v54  }
0x100: {  	v1 =	vadd.f32 v57, v1  }
0x101: {  	[tilespmem:$0xA80] =	vst v0;
	v59 =	vand.u32 $0x7FFFFFFF, v58;
	v60 =	vsub.f32 v52, v51  }
0x102: {  	[tilespmem:$0xA00] =	vst v0;
	v1 =	vadd.f32 v59, v1  }
0x103: {  	[tilespmem:$0x980] =	vst v0;
	v62 =	vsub.f32 v56, v55;
	v61 =	vand.u32 $0x7FFFFFFF, v60  }
0x104: {  	[tilespmem:$0x900] =	vst v0;
	v1 =	vadd.f32 v61, v1  }
0x105: {  	[tilespmem:$0x880] =	vst v0;
	v63 =	vand.u32 $0x7FFFFFFF, v62  }
0x106: {  	[tilespmem:$0x800] =	vst v0;
	v1 =	vadd.f32 v63, v1  }
0x107: {  	[tilespmem:$0x780] =	vst v0  }
0x108: {  	[tilespmem:$0x700] =	vst v1  }
0x109: {  	[hbm4b:s4+s3] =	stream.linear.scatter [tilespmem:s5], [sflag:$0x2], $0x400, $0x38;
	[tilespmem:$0xB00] =	vst v63  }
0x10a: {  	_ =	swait.ge [sflag:s2], $0x400  }
0x10b: {  	[sflag:s2] =	ssyncset.done $0x0  }
0x10c: {  	[sflag:s2] =	ssyncadd.s32 $0xFFFFFC00  }
.LBB2_4:
0x10d: {  	_ =	sfence.sel $0x180000  }
0x10e: {  	[bflag:$0x0] =	sbarrier.arrive $0xFFFF  }
0x10f: {  	p0 =	sne.s32 s0, $0x0;
	_ =	strace $0x9000004A  }
0x110: {  	s0 =	sadd.s32 @!p0 $0x100000, s1;
	[bflag:$0x2] =	sbarrier.arrive $0xFFFF  }
0x111: {  	[sflag:s0] =	ssyncadd.tile.s32 @!p0 $0x1;
	_ =	shalt  }
.Lfunc_end2:
_tile_overlayer_lowered:
.L_overlay_start_2:
0x112: {  	(tag) =	ssettag $0x2  }
0x113: {  	s0 =	rddreg [dreg:$0x0];
	s2 =	stileid.u32  }
0x114: {  	s1 =	rddreg [dreg:$0x1];
	p0 =	sne.s32 s2, $0x0  }
0x115: {  	s3 =	rddreg [dreg:$0x2];
	[bflag:$0x3] =	sbarrier.arrive $0xFFFF;
	s2 =	simm.s32 @!p0 $0x1C02  }
0x116: {  	[timem:s3], [sflag:s2] =	dma.local @!p0 [hbm:s0], s1  }
0x117: {  	s0 =	simm.s32 @!p0 $0x2  }
0x118: {  	_ =	swait.ge @!p0 [sflag:s0], s1  }
0x119: {  	s1 =	ssub.s32 @!p0 $0x0, s1;
	[sflag:s0] =	ssyncset.done @!p0 $0x0  }
0x11a: {  	[sflag:s0] =	ssyncadd.s32 @!p0 s1  }
0x11b: {  	[bflag:$0x3] =	sbarrier.arrive $0xFFFF  }
0x11c: {  	_ =	shalt  }

</sc_bundles>
